<compile_context>
chip_gen: v7x
topology: tpu7x:2x2x1
jax: 0.10.2.dev20260603
libtpu: 0.0.44.dev20260713+nightly
codegen_flags: <defaults>
</compile_context>

<pallas_src>
import jax
import jax.numpy as jnp
from jax import lax
from jax.experimental import pallas as pl
from jax.experimental.pallas import tpu as pltpu
from jax.experimental.pallas import tpu_sc as plsc

_N = 10000
_E = 320000
_D = 128
_NW = 32
_EPW = 10080
_EPAD = _EPW * _NW
_NT = 10080
_R = 1680
_C = 48
_NPAD = 10240



def _proj0_body(x_ref, wk, wq, wv, ws, b, ko, qo, vo, so):
    h = x_ref[...]
    ko[...] = jnp.dot(h, wk[...], preferred_element_type=jnp.float32,
                    precision=lax.Precision.HIGHEST)
    qo[...] = jnp.dot(h, wq[...], preferred_element_type=jnp.float32,
                    precision=lax.Precision.HIGHEST)
    vo[...] = jnp.dot(h, wv[...], preferred_element_type=jnp.float32,
                    precision=lax.Precision.HIGHEST)
    so[...] = jnp.dot(h, ws[...], preferred_element_type=jnp.float32,
                    precision=lax.Precision.HIGHEST) + b[...]


def _proj_mid_body(parts, sprev, wk, wq, wv, ws, b, ko, qo, vo, so):
    h = jnp.maximum(parts[0] + parts[1] + sprev[...], 0.0)
    ko[...] = jnp.dot(h, wk[...], preferred_element_type=jnp.float32,
                    precision=lax.Precision.HIGHEST)
    qo[...] = jnp.dot(h, wq[...], preferred_element_type=jnp.float32,
                    precision=lax.Precision.HIGHEST)
    vo[...] = jnp.dot(h, wv[...], preferred_element_type=jnp.float32,
                    precision=lax.Precision.HIGHEST)
    so[...] = jnp.dot(h, ws[...], preferred_element_type=jnp.float32,
                    precision=lax.Precision.HIGHEST) + b[...]


def _proj_last_body(parts, sprev, wk, wq, wv, ws, ko, qo, vo, so):
    h = jnp.maximum(parts[0] + parts[1] + sprev[...], 0.0)
    ko[...] = jnp.sum(h * wk[...], axis=1, keepdims=True)
    qo[...] = jnp.sum(h * wq[...], axis=1, keepdims=True)
    vo[...] = jnp.sum(h * wv[...], axis=1, keepdims=True)
    so[...] = jnp.sum(h * ws[...], axis=1, keepdims=True)


def _full(shape):
    return pl.BlockSpec(shape, lambda i: tuple(0 for _ in shape))


def _proj0(x, wk, wq, wv, ws, b):
    grid = (_NT // _R,)
    row = pl.BlockSpec((_R, _D), lambda i: (i, 0))
    return pl.pallas_call(
        _proj0_body,
        grid=grid,
        in_specs=[row, _full((_D, _D)), _full((_D, _D)), _full((_D, _D)),
                  _full((_D, _D)), _full((1, _D))],
        out_specs=[row, row, row, row],
        out_shape=[jax.ShapeDtypeStruct((_NT, _D), jnp.float32)] * 4,
    )(x, wk, wq, wv, ws, b.reshape(1, _D))


def _proj_mid(parts, sprev, wk, wq, wv, ws, b):
    grid = (_NT // _R,)
    row = pl.BlockSpec((_R, _D), lambda i: (i, 0))
    prow = pl.BlockSpec((2, _R, _D), lambda i: (0, i, 0))
    return pl.pallas_call(
        _proj_mid_body,
        grid=grid,
        in_specs=[prow, row, _full((_D, _D)), _full((_D, _D)), _full((_D, _D)),
                  _full((_D, _D)), _full((1, _D))],
        out_specs=[row, row, row, row],
        out_shape=[jax.ShapeDtypeStruct((_NT, _D), jnp.float32)] * 4,
    )(parts, sprev, wk, wq, wv, ws, b.reshape(1, _D))


def _proj_last(parts, sprev, wk, wq, wv, ws):
    grid = (_NT // _R,)
    row = pl.BlockSpec((_R, _D), lambda i: (i, 0))
    prow = pl.BlockSpec((2, _R, _D), lambda i: (0, i, 0))
    orow = pl.BlockSpec((_R, 1), lambda i: (i, 0))
    return pl.pallas_call(
        _proj_last_body,
        grid=grid,
        in_specs=[prow, row, _full((1, _D)), _full((1, _D)), _full((1, _D)),
                  _full((1, _D))],
        out_specs=[orow, orow, orow, orow],
        out_shape=[jax.ShapeDtypeStruct((_NT, 1), jnp.float32)] * 4,
    )(parts, sprev, wk.reshape(1, _D), wq.reshape(1, _D),
      wv.reshape(1, _D), ws.reshape(1, _D))



def _edge_pipeline(nchunks, fire, finish):
    fire(0, 0)

    def pair(i, carry):
        for b in (0, 1):
            gg = 2 * i + b
            fire(gg + 1, 1 - b)
            finish(b)
        return carry

    lax.fori_loop(0, (nchunks - 1) // 2, pair, 0)
    for gg in range(2 * ((nchunks - 1) // 2), nchunks - 1):
        fire(gg + 1, (gg + 1) % 2)
        finish(gg % 2)
    finish((nchunks - 1) % 2)


def _edge_aggr(k, q, v, src, dst):
    rows_pt = _NPAD // 16
    nb = _D // 16
    nchunks = _EPW // _C
    mesh = plsc.VectorSubcoreMesh(core_axis_name="c", subcore_axis_name="s",
                                  num_cores=2, num_subcores=16)
    zeros = jnp.zeros((_NPAD, _D), jnp.float32)

    def body(k_hbm, q_hbm, v_hbm, src_hbm, dst_hbm, z_hbm, out_hbm,
             si0, si1, di0, di1, kb0, kb1, qb0, qb1, vb0, vb1, shared,
             s00, s01, s02, s10, s11, s12):
        si = (si0, si1)
        di = (di0, di1)
        kb = (kb0, kb1)
        qb = (qb0, qb1)
        vb = (vb0, vb1)
        sg = ((s00, s01, s02), (s10, s11, s12))
        cid = lax.axis_index("c")
        sid = lax.axis_index("s")
        wid = sid * 2 + cid
        r0 = pl.multiple_of(sid * rows_pt, 8)
        pltpu.sync_copy(z_hbm.at[pl.ds(r0, rows_pt)],
                        shared.at[pl.ds(r0, rows_pt)])
        plsc.subcore_barrier()
        base_w = wid * _EPW

        gd = [
            (pltpu.make_async_copy(k_hbm.at[di[p]], kb[p], sg[p][0]),
             pltpu.make_async_copy(q_hbm.at[si[p]], qb[p], sg[p][1]),
             pltpu.make_async_copy(v_hbm.at[si[p]], vb[p], sg[p][2]))
            for p in (0, 1)
        ]

        def fire(g, p):
            base = base_w + g * _C
            pltpu.sync_copy(src_hbm.at[pl.ds(base, _C)], si[p])
            pltpu.sync_copy(dst_hbm.at[pl.ds(base, _C)], di[p])
            for dsc in gd[p]:
                dsc.start()

        def finish(p):
            for dsc in gd[p]:
                dsc.wait()

            def edge(e, inner):
                for j in range(nb):
                    sl = pl.ds(j * 16, 16)
                    g = 1.0 / (1.0 + jnp.exp(-(kb[p][e, sl] + qb[p][e, sl])))
                    kb[p][e, sl] = g * vb[p][e, sl]
                return inner

            lax.fori_loop(0, _C, edge, 0)
            pltpu.sync_copy(kb[p], shared.at[di[p]], add=True)

        _edge_pipeline(nchunks, fire, finish)

        plsc.subcore_barrier()
        pltpu.sync_copy(shared.at[pl.ds(r0, rows_pt)],
                        out_hbm.at[cid, pl.ds(r0, rows_pt)])

    fn = pl.kernel(
        body,
        out_type=jax.ShapeDtypeStruct((2, _NPAD, _D), jnp.float32),
        mesh=mesh,
        scratch_types=[
            pltpu.VMEM((_C,), jnp.int32),
            pltpu.VMEM((_C,), jnp.int32),
            pltpu.VMEM((_C,), jnp.int32),
            pltpu.VMEM((_C,), jnp.int32),
            pltpu.VMEM((_C, _D), jnp.float32),
            pltpu.VMEM((_C, _D), jnp.float32),
            pltpu.VMEM((_C, _D), jnp.float32),
            pltpu.VMEM((_C, _D), jnp.float32),
            pltpu.VMEM((_C, _D), jnp.float32),
            pltpu.VMEM((_C, _D), jnp.float32),
            pltpu.VMEM_SHARED((_NPAD, _D), jnp.float32),
            pltpu.SemaphoreType.DMA,
            pltpu.SemaphoreType.DMA,
            pltpu.SemaphoreType.DMA,
            pltpu.SemaphoreType.DMA,
            pltpu.SemaphoreType.DMA,
            pltpu.SemaphoreType.DMA,
        ],
    )
    return fn(k, q, v, src, dst, zeros)


def _edge_aggr_1d(k, q, v, src, dst):
    rows_pt = _NPAD // 16
    nchunks = _EPW // _C
    mesh = plsc.VectorSubcoreMesh(core_axis_name="c", subcore_axis_name="s",
                                  num_cores=2, num_subcores=16)
    zeros = jnp.zeros((_NPAD,), jnp.float32)

    def body(k_hbm, q_hbm, v_hbm, src_hbm, dst_hbm, z_hbm, out_hbm,
             si0, si1, di0, di1, kb0, kb1, qb0, qb1, vb0, vb1, shared,
             s00, s01, s02, s10, s11, s12):
        si = (si0, si1)
        di = (di0, di1)
        kb = (kb0, kb1)
        qb = (qb0, qb1)
        vb = (vb0, vb1)
        sg = ((s00, s01, s02), (s10, s11, s12))
        cid = lax.axis_index("c")
        sid = lax.axis_index("s")
        wid = sid * 2 + cid
        r0 = pl.multiple_of(sid * rows_pt, 8)
        pltpu.sync_copy(z_hbm.at[pl.ds(r0, rows_pt)],
                        shared.at[pl.ds(r0, rows_pt)])
        plsc.subcore_barrier()
        base_w = wid * _EPW

        gd = [
            (pltpu.make_async_copy(k_hbm.at[di[p]], kb[p], sg[p][0]),
             pltpu.make_async_copy(q_hbm.at[si[p]], qb[p], sg[p][1]),
             pltpu.make_async_copy(v_hbm.at[si[p]], vb[p], sg[p][2]))
            for p in (0, 1)
        ]

        def fire(g, p):
            base = base_w + g * _C
            pltpu.sync_copy(src_hbm.at[pl.ds(base, _C)], si[p])
            pltpu.sync_copy(dst_hbm.at[pl.ds(base, _C)], di[p])
            for dsc in gd[p]:
                dsc.start()

        def finish(p):
            for dsc in gd[p]:
                dsc.wait()

            def vec(i, inner):
                sl = pl.ds(i * 16, 16)
                g = 1.0 / (1.0 + jnp.exp(-(kb[p][sl] + qb[p][sl])))
                kb[p][sl] = g * vb[p][sl]
                return inner

            lax.fori_loop(0, _C // 16, vec, 0)
            pltpu.sync_copy(kb[p], shared.at[di[p]], add=True)

        _edge_pipeline(nchunks, fire, finish)

        plsc.subcore_barrier()
        pltpu.sync_copy(shared.at[pl.ds(r0, rows_pt)],
                        out_hbm.at[cid, pl.ds(r0, rows_pt)])

    fn = pl.kernel(
        body,
        out_type=jax.ShapeDtypeStruct((2, _NPAD), jnp.float32),
        mesh=mesh,
        scratch_types=[
            pltpu.VMEM((_C,), jnp.int32),
            pltpu.VMEM((_C,), jnp.int32),
            pltpu.VMEM((_C,), jnp.int32),
            pltpu.VMEM((_C,), jnp.int32),
            pltpu.VMEM((_C,), jnp.float32),
            pltpu.VMEM((_C,), jnp.float32),
            pltpu.VMEM((_C,), jnp.float32),
            pltpu.VMEM((_C,), jnp.float32),
            pltpu.VMEM((_C,), jnp.float32),
            pltpu.VMEM((_C,), jnp.float32),
            pltpu.VMEM_SHARED((_NPAD,), jnp.float32),
            pltpu.SemaphoreType.DMA,
            pltpu.SemaphoreType.DMA,
            pltpu.SemaphoreType.DMA,
            pltpu.SemaphoreType.DMA,
            pltpu.SemaphoreType.DMA,
            pltpu.SemaphoreType.DMA,
        ],
    )
    return fn(k, q, v, src, dst, zeros)



def kernel(x, edge_index, W0k, W0q, W0v, W0s, b0,
           W1k, W1q, W1v, W1s, b1, W2k, W2q, W2v, W2s, b2):
    pad = jnp.full((_EPAD - _E,), _N, dtype=jnp.int32)
    src = jnp.concatenate([edge_index[0], pad])
    dst = jnp.concatenate([edge_index[1], pad])
    xp = jnp.pad(x, ((0, _NT - _N), (0, 0)))

    k0, q0, v0, s0 = _proj0(xp, W0k, W0q, W0v, W0s, b0)
    p0 = _edge_aggr(k0, q0, v0, src, dst)

    k1, q1, v1, s1 = _proj_mid(p0, s0, W1k, W1q, W1v, W1s, b1)
    p1 = _edge_aggr(k1, q1, v1, src, dst)

    k2, q2, v2, s2 = _proj_last(p1, s1, W2k, W2q, W2v, W2s)
    p2 = _edge_aggr_1d(k2.reshape(_NT), q2.reshape(_NT), v2.reshape(_NT),
                       src, dst)

    return (p2[0, :_N] + p2[1, :_N])[:, None] + s2[:_N] + b2

# --- scband reference (transcript-rebuilt; emitter-appended) ---
"""Pipeline reference for scband-gatskip-90512140796493 (READ-ONLY COPY).

The authoritative reference and input builder live on the scoring server;
editing this copy changes nothing except your own understanding.
"""

import jax, jax.numpy as jnp
import numpy as np

N = 10000
E = 320000
D = 128

def _init_w(key, fan_in, fan_out):
    return jax.random.uniform(key, (fan_in, fan_out), dtype=jnp.float32, minval=-1.0, maxval=1.0) / np.sqrt(fan_in)

def setup_inputs(seed: int = 0):
    key = jax.random.key(seed)
    ks = jax.random.split(key, 32)
    x = jax.random.normal(ks[0], (N, D), dtype=jnp.float32)
    edge_index = jax.random.randint(ks[1], (2, E), 0, N, dtype=jnp.int32)
    inp = {"x": x, "edge_index": edge_index}
    dims = [(D, D), (D, D), (D, 1)]
    i = 2
    for l, (fi, fo) in enumerate(dims):
        for name in ["k", "q", "v", "s"]:
            inp["W%d%s" % (l, name)] = _init_w(ks[i], fi, fo)
            i += 1
        inp["b%d" % l] = jnp.zeros((fo,), dtype=jnp.float32)
    return inp

def _conv(x, Wk, Wq, Wv, Ws, b, src, dst):
    # PyG ResGatedGraphConv: out_i = Ws x_i + b + sum_{j in N(i)} sigmoid(Wk x_i + Wq x_j) * (Wv x_j)
    k = x @ Wk
    q = x @ Wq
    v = x @ Wv
    gate = jax.nn.sigmoid(k[dst] + q[src])
    msg = gate * v[src]
    aggr = jax.ops.segment_sum(msg, dst, num_segments=x.shape[0])
    return aggr + x @ Ws + b

def reference(x, edge_index, W0k, W0q, W0v, W0s, b0, W1k, W1q, W1v, W1s, b1, W2k, W2q, W2v, W2s, b2):
    src = edge_index[0]
    dst = edge_index[1]
    h = jax.nn.relu(_conv(x, W0k, W0q, W0v, W0s, b0, src, dst))
    h = jax.nn.relu(_conv(h, W1k, W1q, W1v, W1s, b1, src, dst))
    out = _conv(h, W2k, W2q, W2v, W2s, b2, src, dst)
    return out

if __name__ == "__main__":
    import jax
    _d = setup_inputs()
    print(jax.jit(kernel)(*tuple(_d.values())))

</pallas_src>

<mosaic_0001>
#map = affine_map<(d0, d1) -> (0)>
#map1 = affine_map<(d0, d1) -> (0, 0)>
module attributes {stable_mosaic.version = 14 : i64} {
  func.func @body(%arg0: i32, %arg1: i32, %arg2: memref<10080xf32, #tpu.memory_space<hbm>>, %arg3: memref<10080xf32, #tpu.memory_space<hbm>>, %arg4: memref<10080xf32, #tpu.memory_space<hbm>>, %arg5: memref<322560xi32, #tpu.memory_space<hbm>>, %arg6: memref<322560xi32, #tpu.memory_space<hbm>>, %arg7: memref<10240xf32, #tpu.memory_space<hbm>>, %arg8: memref<2x10240xf32, #tpu.memory_space<hbm>>, %arg9: memref<48xi32, #tpu.memory_space<vmem>>, %arg10: memref<48xi32, #tpu.memory_space<vmem>>, %arg11: memref<48xi32, #tpu.memory_space<vmem>>, %arg12: memref<48xi32, #tpu.memory_space<vmem>>, %arg13: memref<48xf32, #tpu.memory_space<vmem>>, %arg14: memref<48xf32, #tpu.memory_space<vmem>>, %arg15: memref<48xf32, #tpu.memory_space<vmem>>, %arg16: memref<48xf32, #tpu.memory_space<vmem>>, %arg17: memref<48xf32, #tpu.memory_space<vmem>>, %arg18: memref<48xf32, #tpu.memory_space<vmem>>, %arg19: memref<10240xf32, #tpu.memory_space<vmem_shared>>, %arg20: memref<!tpu.dma_semaphore, #tpu.memory_space<semaphore_mem>>, %arg21: memref<!tpu.dma_semaphore, #tpu.memory_space<semaphore_mem>>, %arg22: memref<!tpu.dma_semaphore, #tpu.memory_space<semaphore_mem>>, %arg23: memref<!tpu.dma_semaphore, #tpu.memory_space<semaphore_mem>>, %arg24: memref<!tpu.dma_semaphore, #tpu.memory_space<semaphore_mem>>, %arg25: memref<!tpu.dma_semaphore, #tpu.memory_space<semaphore_mem>>) attributes {dimension_semantics = [#tpu.dimension_semantics<core_parallel>, #tpu.dimension_semantics<subcore_parallel>], iteration_bounds = array<i64: 2, 16>, scalar_prefetch = 0 : i64, scratch_operands = 17 : i64, tpu.core_type = #tpu.core_type<sc_vector_subcore>, window_params = [{transform_indices = #map}, {transform_indices = #map}, {transform_indices = #map}, {transform_indices = #map}, {transform_indices = #map}, {transform_indices = #map}, {transform_indices = #map1}]} {
    %mul3A = arith.constant 2 : i32
    %mul3A_0 = arith.muli %arg1, %mul3A : i32
    %add3A = arith.addi %mul3A_0, %arg0 : i32
    %mul3A_1 = arith.constant 640 : i32
    %mul3A_2 = arith.muli %arg1, %mul3A_1 : i32
    %multiple_of3A = tpu.assume_multiple %mul3A_2, 8 : i32
    "tpu.region"() ({
      %run_scoped3A = tpu.sem_alloc : memref<!tpu.dma_semaphore, #tpu.memory_space<semaphore_mem>>
      %dma_start3A_49 = tpu.memref_slice %arg19[%multiple_of3A] : memref<10240xf32, #tpu.memory_space<vmem_shared>> -> memref<640xf32, #tpu.memory_space<vmem_shared>>
      %dma_start3A_50 = tpu.memref_slice %arg7[%multiple_of3A] : memref<10240xf32, #tpu.memory_space<hbm>> -> memref<640xf32, #tpu.memory_space<hbm>>
      tpu.enqueue_dma source(%dma_start3A_50 : memref<640xf32, #tpu.memory_space<hbm>>) target(%dma_start3A_49 : memref<640xf32, #tpu.memory_space<vmem_shared>>) target_semaphore(%run_scoped3A : memref<!tpu.dma_semaphore, #tpu.memory_space<semaphore_mem>>)
      %dma_wait3A_51 = tpu.memref_slice %arg19[%multiple_of3A] : memref<10240xf32, #tpu.memory_space<vmem_shared>> -> memref<640xf32, #tpu.memory_space<vmem_shared>>
      %dma_wait3A_52 = tpu.memref_slice %arg7[%multiple_of3A] : memref<10240xf32, #tpu.memory_space<hbm>> -> memref<640xf32, #tpu.memory_space<hbm>>
      tpu.wait_dma2 semaphore(%run_scoped3A : memref<!tpu.dma_semaphore, #tpu.memory_space<semaphore_mem>>) src(%dma_wait3A_52 : memref<640xf32, #tpu.memory_space<hbm>>) dst(%dma_wait3A_51 : memref<640xf32, #tpu.memory_space<vmem_shared>>)
      tpu.yield
    }) : () -> ()
    %barrier3A = arith.constant 0 : index
    tpu.barrier barrier_id(%barrier3A)
    %mul3A_3 = arith.constant 10080 : i32
    %mul3A_4 = arith.muli %add3A, %mul3A_3 : i32
    %add3A_5 = arith.constant 0 : i32
    %add3A_6 = arith.addi %mul3A_4, %add3A_5 : i32
    "tpu.region"() ({
      %run_scoped3A = tpu.sem_alloc : memref<!tpu.dma_semaphore, #tpu.memory_space<semaphore_mem>>
      %dma_start3A_49 = tpu.memref_slice %arg5[%add3A_6] : memref<322560xi32, #tpu.memory_space<hbm>> -> memref<48xi32, #tpu.memory_space<hbm>>
      %dma_start3A_50 = tpu.memref_slice %arg5[%add3A_6] : memref<322560xi32, #tpu.memory_space<hbm>> -> memref<48xi32, #tpu.memory_space<hbm>>
      tpu.enqueue_dma source(%dma_start3A_50 : memref<48xi32, #tpu.memory_space<hbm>>) target(%arg9 : memref<48xi32, #tpu.memory_space<vmem>>) target_semaphore(%run_scoped3A : memref<!tpu.dma_semaphore, #tpu.memory_space<semaphore_mem>>)
      %dma_wait3A_51 = tpu.memref_slice %arg5[%add3A_6] : memref<322560xi32, #tpu.memory_space<hbm>> -> memref<48xi32, #tpu.memory_space<hbm>>
      %dma_wait3A_52 = tpu.memref_slice %arg5[%add3A_6] : memref<322560xi32, #tpu.memory_space<hbm>> -> memref<48xi32, #tpu.memory_space<hbm>>
      tpu.wait_dma2 semaphore(%run_scoped3A : memref<!tpu.dma_semaphore, #tpu.memory_space<semaphore_mem>>) src(%dma_wait3A_52 : memref<48xi32, #tpu.memory_space<hbm>>) dst(%arg9 : memref<48xi32, #tpu.memory_space<vmem>>)
      tpu.yield
    }) : () -> ()
    "tpu.region"() ({
      %run_scoped3A = tpu.sem_alloc : memref<!tpu.dma_semaphore, #tpu.memory_space<semaphore_mem>>
      %dma_start3A_49 = tpu.memref_slice %arg6[%add3A_6] : memref<322560xi32, #tpu.memory_space<hbm>> -> memref<48xi32, #tpu.memory_space<hbm>>
      %dma_start3A_50 = tpu.memref_slice %arg6[%add3A_6] : memref<322560xi32, #tpu.memory_space<hbm>> -> memref<48xi32, #tpu.memory_space<hbm>>
      tpu.enqueue_dma source(%dma_start3A_50 : memref<48xi32, #tpu.memory_space<hbm>>) target(%arg11 : memref<48xi32, #tpu.memory_space<vmem>>) target_semaphore(%run_scoped3A : memref<!tpu.dma_semaphore, #tpu.memory_space<semaphore_mem>>)
      %dma_wait3A_51 = tpu.memref_slice %arg6[%add3A_6] : memref<322560xi32, #tpu.memory_space<hbm>> -> memref<48xi32, #tpu.memory_space<hbm>>
      %dma_wait3A_52 = tpu.memref_slice %arg6[%add3A_6] : memref<322560xi32, #tpu.memory_space<hbm>> -> memref<48xi32, #tpu.memory_space<hbm>>
      tpu.wait_dma2 semaphore(%run_scoped3A : memref<!tpu.dma_semaphore, #tpu.memory_space<semaphore_mem>>) src(%dma_wait3A_52 : memref<48xi32, #tpu.memory_space<hbm>>) dst(%arg11 : memref<48xi32, #tpu.memory_space<vmem>>)
      tpu.yield
    }) : () -> ()
    %dma_start3A = arith.constant 0 : i32
    %dma_start3A_7 = tpu.memref_slice %arg2[%dma_start3A] : memref<10080xf32, #tpu.memory_space<hbm>> -> memref<10080xf32, #tpu.memory_space<hbm>>
    tpu.enqueue_indirect_dma source(%dma_start3A_7 : memref<10080xf32, #tpu.memory_space<hbm>>) target(%arg13 : memref<48xf32, #tpu.memory_space<vmem>>) offsets(%arg11 : memref<48xi32, #tpu.memory_space<vmem>>) semaphore(%arg20 : memref<!tpu.dma_semaphore, #tpu.memory_space<semaphore_mem>>)
    %dma_start3A_8 = arith.constant 0 : i32
    %dma_start3A_9 = tpu.memref_slice %arg3[%dma_start3A_8] : memref<10080xf32, #tpu.memory_space<hbm>> -> memref<10080xf32, #tpu.memory_space<hbm>>
    tpu.enqueue_indirect_dma source(%dma_start3A_9 : memref<10080xf32, #tpu.memory_space<hbm>>) target(%arg15 : memref<48xf32, #tpu.memory_space<vmem>>) offsets(%arg9 : memref<48xi32, #tpu.memory_space<vmem>>) semaphore(%arg21 : memref<!tpu.dma_semaphore, #tpu.memory_space<semaphore_mem>>)
    %dma_start3A_10 = arith.constant 0 : i32
    %dma_start3A_11 = tpu.memref_slice %arg4[%dma_start3A_10] : memref<10080xf32, #tpu.memory_space<hbm>> -> memref<10080xf32, #tpu.memory_space<hbm>>
    tpu.enqueue_indirect_dma source(%dma_start3A_11 : memref<10080xf32, #tpu.memory_space<hbm>>) target(%arg17 : memref<48xf32, #tpu.memory_space<vmem>>) offsets(%arg9 : memref<48xi32, #tpu.memory_space<vmem>>) semaphore(%arg22 : memref<!tpu.dma_semaphore, #tpu.memory_space<semaphore_mem>>)
    %scan3A = arith.constant 0 : i32
    %scan3A_12 = arith.constant 0 : i32
    %scan3A_13 = arith.constant 104 : i32
    %scan3A_14 = arith.addi %scan3A_12, %scan3A_13 : i32
    %scan3A_15 = arith.constant 1 : i32
    scf.for %scan3A_49 = %scan3A_12 to %scan3A_14 step %scan3A_15  : i32 {
      %mul3A_50 = arith.constant 2 : i32
      %mul3A_51 = arith.muli %mul3A_50, %scan3A_49 : i32
      %add3A_52 = arith.constant 0 : i32
      %add3A_53 = arith.addi %mul3A_51, %add3A_52 : i32
      %add3A_54 = arith.constant 1 : i32
      %add3A_55 = arith.addi %add3A_53, %add3A_54 : i32
      %mul3A_56 = arith.constant 48 : i32
      %mul3A_57 = arith.muli %add3A_55, %mul3A_56 : i32
      %add3A_58 = arith.addi %mul3A_4, %mul3A_57 : i32
      "tpu.region"() ({
        %run_scoped3A = tpu.sem_alloc : memref<!tpu.dma_semaphore, #tpu.memory_space<semaphore_mem>>
        %dma_start3A_104 = tpu.memref_slice %arg5[%add3A_58] : memref<322560xi32, #tpu.memory_space<hbm>> -> memref<48xi32, #tpu.memory_space<hbm>>
        %dma_start3A_105 = tpu.memref_slice %arg5[%add3A_58] : memref<322560xi32, #tpu.memory_space<hbm>> -> memref<48xi32, #tpu.memory_space<hbm>>
        tpu.enqueue_dma source(%dma_start3A_105 : memref<48xi32, #tpu.memory_space<hbm>>) target(%arg10 : memref<48xi32, #tpu.memory_space<vmem>>) target_semaphore(%run_scoped3A : memref<!tpu.dma_semaphore, #tpu.memory_space<semaphore_mem>>)
        %dma_wait3A_106 = tpu.memref_slice %arg5[%add3A_58] : memref<322560xi32, #tpu.memory_space<hbm>> -> memref<48xi32, #tpu.memory_space<hbm>>
        %dma_wait3A_107 = tpu.memref_slice %arg5[%add3A_58] : memref<322560xi32, #tpu.memory_space<hbm>> -> memref<48xi32, #tpu.memory_space<hbm>>
        tpu.wait_dma2 semaphore(%run_scoped3A : memref<!tpu.dma_semaphore, #tpu.memory_space<semaphore_mem>>) src(%dma_wait3A_107 : memref<48xi32, #tpu.memory_space<hbm>>) dst(%arg10 : memref<48xi32, #tpu.memory_space<vmem>>)
        tpu.yield
      }) : () -> ()
      "tpu.region"() ({
        %run_scoped3A = tpu.sem_alloc : memref<!tpu.dma_semaphore, #tpu.memory_space<semaphore_mem>>
        %dma_start3A_104 = tpu.memref_slice %arg6[%add3A_58] : memref<322560xi32, #tpu.memory_space<hbm>> -> memref<48xi32, #tpu.memory_space<hbm>>
        %dma_start3A_105 = tpu.memref_slice %arg6[%add3A_58] : memref<322560xi32, #tpu.memory_space<hbm>> -> memref<48xi32, #tpu.memory_space<hbm>>
        tpu.enqueue_dma source(%dma_start3A_105 : memref<48xi32, #tpu.memory_space<hbm>>) target(%arg12 : memref<48xi32, #tpu.memory_space<vmem>>) target_semaphore(%run_scoped3A : memref<!tpu.dma_semaphore, #tpu.memory_space<semaphore_mem>>)
        %dma_wait3A_106 = tpu.memref_slice %arg6[%add3A_58] : memref<322560xi32, #tpu.memory_space<hbm>> -> memref<48xi32, #tpu.memory_space<hbm>>
        %dma_wait3A_107 = tpu.memref_slice %arg6[%add3A_58] : memref<322560xi32, #tpu.memory_space<hbm>> -> memref<48xi32, #tpu.memory_space<hbm>>
        tpu.wait_dma2 semaphore(%run_scoped3A : memref<!tpu.dma_semaphore, #tpu.memory_space<semaphore_mem>>) src(%dma_wait3A_107 : memref<48xi32, #tpu.memory_space<hbm>>) dst(%arg12 : memref<48xi32, #tpu.memory_space<vmem>>)
        tpu.yield
      }) : () -> ()
      %dma_start3A_59 = arith.constant 0 : i32
      %dma_start3A_60 = tpu.memref_slice %arg2[%dma_start3A_59] : memref<10080xf32, #tpu.memory_space<hbm>> -> memref<10080xf32, #tpu.memory_space<hbm>>
      tpu.enqueue_indirect_dma source(%dma_start3A_60 : memref<10080xf32, #tpu.memory_space<hbm>>) target(%arg14 : memref<48xf32, #tpu.memory_space<vmem>>) offsets(%arg12 : memref<48xi32, #tpu.memory_space<vmem>>) semaphore(%arg23 : memref<!tpu.dma_semaphore, #tpu.memory_space<semaphore_mem>>)
      %dma_start3A_61 = arith.constant 0 : i32
      %dma_start3A_62 = tpu.memref_slice %arg3[%dma_start3A_61] : memref<10080xf32, #tpu.memory_space<hbm>> -> memref<10080xf32, #tpu.memory_space<hbm>>
      tpu.enqueue_indirect_dma source(%dma_start3A_62 : memref<10080xf32, #tpu.memory_space<hbm>>) target(%arg16 : memref<48xf32, #tpu.memory_space<vmem>>) offsets(%arg10 : memref<48xi32, #tpu.memory_space<vmem>>) semaphore(%arg24 : memref<!tpu.dma_semaphore, #tpu.memory_space<semaphore_mem>>)
      %dma_start3A_63 = arith.constant 0 : i32
      %dma_start3A_64 = tpu.memref_slice %arg4[%dma_start3A_63] : memref<10080xf32, #tpu.memory_space<hbm>> -> memref<10080xf32, #tpu.memory_space<hbm>>
      tpu.enqueue_indirect_dma source(%dma_start3A_64 : memref<10080xf32, #tpu.memory_space<hbm>>) target(%arg18 : memref<48xf32, #tpu.memory_space<vmem>>) offsets(%arg10 : memref<48xi32, #tpu.memory_space<vmem>>) semaphore(%arg25 : memref<!tpu.dma_semaphore, #tpu.memory_space<semaphore_mem>>)
      %dma_wait3A_65 = arith.constant 0 : i32
      %dma_wait3A_66 = tpu.memref_slice %arg2[%dma_wait3A_65] : memref<10080xf32, #tpu.memory_space<hbm>> -> memref<10080xf32, #tpu.memory_space<hbm>>
      tpu.wait_indirect_dma semaphore(%arg20 : memref<!tpu.dma_semaphore, #tpu.memory_space<semaphore_mem>>) src(%dma_wait3A_66 : memref<10080xf32, #tpu.memory_space<hbm>>) dst(%arg13 : memref<48xf32, #tpu.memory_space<vmem>>)
      %dma_wait3A_67 = arith.constant 0 : i32
      %dma_wait3A_68 = tpu.memref_slice %arg3[%dma_wait3A_67] : memref<10080xf32, #tpu.memory_space<hbm>> -> memref<10080xf32, #tpu.memory_space<hbm>>
      tpu.wait_indirect_dma semaphore(%arg21 : memref<!tpu.dma_semaphore, #tpu.memory_space<semaphore_mem>>) src(%dma_wait3A_68 : memref<10080xf32, #tpu.memory_space<hbm>>) dst(%arg15 : memref<48xf32, #tpu.memory_space<vmem>>)
      %dma_wait3A_69 = arith.constant 0 : i32
      %dma_wait3A_70 = tpu.memref_slice %arg4[%dma_wait3A_69] : memref<10080xf32, #tpu.memory_space<hbm>> -> memref<10080xf32, #tpu.memory_space<hbm>>
      tpu.wait_indirect_dma semaphore(%arg22 : memref<!tpu.dma_semaphore, #tpu.memory_space<semaphore_mem>>) src(%dma_wait3A_70 : memref<10080xf32, #tpu.memory_space<hbm>>) dst(%arg17 : memref<48xf32, #tpu.memory_space<vmem>>)
      %scan3A_71 = arith.constant 0 : i32
      %scan3A_72 = arith.constant 0 : i32
      %scan3A_73 = arith.constant 3 : i32
      %scan3A_74 = arith.addi %scan3A_72, %scan3A_73 : i32
      %scan3A_75 = arith.constant 1 : i32
      scf.for %scan3A_104 = %scan3A_72 to %scan3A_74 step %scan3A_75  : i32 {
        %mul3A_105 = arith.constant 16 : i32
        %mul3A_106 = arith.muli %scan3A_104, %mul3A_105 : i32
        %get3A = arith.index_cast %mul3A_106 : i32 to index
        %get3A_107 = tpu.vector_load %arg13[%get3A] {strides = array<i32>} : memref<48xf32, #tpu.memory_space<vmem>>, vector<16xf32>,
        %get3A_108 = vector.shape_cast %get3A_107 : vector<16xf32> to vector<16xf32>
        %get3A_109 = arith.index_cast %mul3A_106 : i32 to index
        %get3A_110 = tpu.vector_load %arg15[%get3A_109] {strides = array<i32>} : memref<48xf32, #tpu.memory_space<vmem>>, vector<16xf32>,
        %get3A_111 = vector.shape_cast %get3A_110 : vector<16xf32> to vector<16xf32>
        %add3A_112 = arith.addf %get3A_108, %get3A_111 : vector<16xf32>
        %neg3A = arith.constant 0.000000e+00 : f32
        %neg3A_113 = vector.broadcast %neg3A : f32 to vector<16xf32>
        %neg3A_114 = arith.subf %neg3A_113, %add3A_112 : vector<16xf32>
        %exp3A = math.exp %neg3A_114 : vector<16xf32>
        %add3A_115 = arith.constant 1.000000e+00 : f32
        %add3A_116 = vector.broadcast %add3A_115 : f32 to vector<16xf32>
        %add3A_117 = arith.addf %add3A_116, %exp3A : vector<16xf32>
        %div3A = arith.constant 1.000000e+00 : f32
        %div3A_118 = vector.broadcast %div3A : f32 to vector<16xf32>
        %div3A_119 = arith.divf %div3A_118, %add3A_117 : vector<16xf32>
        %get3A_120 = arith.index_cast %mul3A_106 : i32 to index
        %get3A_121 = tpu.vector_load %arg17[%get3A_120] {strides = array<i32>} : memref<48xf32, #tpu.memory_space<vmem>>, vector<16xf32>,
        %get3A_122 = vector.shape_cast %get3A_121 : vector<16xf32> to vector<16xf32>
        %mul3A_123 = arith.mulf %div3A_119, %get3A_122 : vector<16xf32>
        %swap3A = arith.index_cast %mul3A_106 : i32 to index
        %swap3A_124 = tpu.vector_load %arg13[%swap3A] {strides = array<i32>} : memref<48xf32, #tpu.memory_space<vmem>>, vector<16xf32>,
        %swap3A_125 = vector.shape_cast %swap3A_124 : vector<16xf32> to vector<16xf32>
        %swap3A_126 = vector.shape_cast %mul3A_123 : vector<16xf32> to vector<16xf32>
        tpu.vector_store %arg13[%swap3A], %swap3A_126 {strides = array<i32>} : memref<48xf32, #tpu.memory_space<vmem>>, vector<16xf32>,
      }
      %scan3A_76 = arith.constant 3 : i32
      "tpu.region"() ({
        %run_scoped3A = tpu.sem_alloc : memref<!tpu.dma_semaphore, #tpu.memory_space<semaphore_mem>>
        %dma_start3A_104 = arith.constant 0 : i32
        %dma_start3A_105 = tpu.memref_slice %arg19[%dma_start3A_104] : memref<10240xf32, #tpu.memory_space<vmem_shared>> -> memref<10240xf32, #tpu.memory_space<vmem_shared>>
        tpu.enqueue_indirect_dma source(%arg13 : memref<48xf32, #tpu.memory_space<vmem>>) target(%dma_start3A_105 : memref<10240xf32, #tpu.memory_space<vmem_shared>>) offsets(%arg11 : memref<48xi32, #tpu.memory_space<vmem>>) semaphore(%run_scoped3A : memref<!tpu.dma_semaphore, #tpu.memory_space<semaphore_mem>>) {add = true}
        %dma_wait3A_106 = arith.constant 0 : i32
        %dma_wait3A_107 = tpu.memref_slice %arg19[%dma_wait3A_106] : memref<10240xf32, #tpu.memory_space<vmem_shared>> -> memref<10240xf32, #tpu.memory_space<vmem_shared>>
        tpu.wait_indirect_dma semaphore(%run_scoped3A : memref<!tpu.dma_semaphore, #tpu.memory_space<semaphore_mem>>) src(%arg13 : memref<48xf32, #tpu.memory_space<vmem>>) dst(%dma_wait3A_107 : memref<10240xf32, #tpu.memory_space<vmem_shared>>)
        tpu.yield
      }) : () -> ()
      %mul3A_77 = arith.constant 2 : i32
      %mul3A_78 = arith.muli %mul3A_77, %scan3A_49 : i32
      %add3A_79 = arith.constant 1 : i32
      %add3A_80 = arith.addi %mul3A_78, %add3A_79 : i32
      %add3A_81 = arith.constant 1 : i32
      %add3A_82 = arith.addi %add3A_80, %add3A_81 : i32
      %mul3A_83 = arith.constant 48 : i32
      %mul3A_84 = arith.muli %add3A_82, %mul3A_83 : i32
      %add3A_85 = arith.addi %mul3A_4, %mul3A_84 : i32
      "tpu.region"() ({
        %run_scoped3A = tpu.sem_alloc : memref<!tpu.dma_semaphore, #tpu.memory_space<semaphore_mem>>
        %dma_start3A_104 = tpu.memref_slice %arg5[%add3A_85] : memref<322560xi32, #tpu.memory_space<hbm>> -> memref<48xi32, #tpu.memory_space<hbm>>
        %dma_start3A_105 = tpu.memref_slice %arg5[%add3A_85] : memref<322560xi32, #tpu.memory_space<hbm>> -> memref<48xi32, #tpu.memory_space<hbm>>
        tpu.enqueue_dma source(%dma_start3A_105 : memref<48xi32, #tpu.memory_space<hbm>>) target(%arg9 : memref<48xi32, #tpu.memory_space<vmem>>) target_semaphore(%run_scoped3A : memref<!tpu.dma_semaphore, #tpu.memory_space<semaphore_mem>>)
        %dma_wait3A_106 = tpu.memref_slice %arg5[%add3A_85] : memref<322560xi32, #tpu.memory_space<hbm>> -> memref<48xi32, #tpu.memory_space<hbm>>
        %dma_wait3A_107 = tpu.memref_slice %arg5[%add3A_85] : memref<322560xi32, #tpu.memory_space<hbm>> -> memref<48xi32, #tpu.memory_space<hbm>>
        tpu.wait_dma2 semaphore(%run_scoped3A : memref<!tpu.dma_semaphore, #tpu.memory_space<semaphore_mem>>) src(%dma_wait3A_107 : memref<48xi32, #tpu.memory_space<hbm>>) dst(%arg9 : memref<48xi32, #tpu.memory_space<vmem>>)
        tpu.yield
      }) : () -> ()
      "tpu.region"() ({
        %run_scoped3A = tpu.sem_alloc : memref<!tpu.dma_semaphore, #tpu.memory_space<semaphore_mem>>
        %dma_start3A_104 = tpu.memref_slice %arg6[%add3A_85] : memref<322560xi32, #tpu.memory_space<hbm>> -> memref<48xi32, #tpu.memory_space<hbm>>
        %dma_start3A_105 = tpu.memref_slice %arg6[%add3A_85] : memref<322560xi32, #tpu.memory_space<hbm>> -> memref<48xi32, #tpu.memory_space<hbm>>
        tpu.enqueue_dma source(%dma_start3A_105 : memref<48xi32, #tpu.memory_space<hbm>>) target(%arg11 : memref<48xi32, #tpu.memory_space<vmem>>) target_semaphore(%run_scoped3A : memref<!tpu.dma_semaphore, #tpu.memory_space<semaphore_mem>>)
        %dma_wait3A_106 = tpu.memref_slice %arg6[%add3A_85] : memref<322560xi32, #tpu.memory_space<hbm>> -> memref<48xi32, #tpu.memory_space<hbm>>
        %dma_wait3A_107 = tpu.memref_slice %arg6[%add3A_85] : memref<322560xi32, #tpu.memory_space<hbm>> -> memref<48xi32, #tpu.memory_space<hbm>>
        tpu.wait_dma2 semaphore(%run_scoped3A : memref<!tpu.dma_semaphore, #tpu.memory_space<semaphore_mem>>) src(%dma_wait3A_107 : memref<48xi32, #tpu.memory_space<hbm>>) dst(%arg11 : memref<48xi32, #tpu.memory_space<vmem>>)
        tpu.yield
      }) : () -> ()
      %dma_start3A_86 = arith.constant 0 : i32
      %dma_start3A_87 = tpu.memref_slice %arg2[%dma_start3A_86] : memref<10080xf32, #tpu.memory_space<hbm>> -> memref<10080xf32, #tpu.memory_space<hbm>>
      tpu.enqueue_indirect_dma source(%dma_start3A_87 : memref<10080xf32, #tpu.memory_space<hbm>>) target(%arg13 : memref<48xf32, #tpu.memory_space<vmem>>) offsets(%arg11 : memref<48xi32, #tpu.memory_space<vmem>>) semaphore(%arg20 : memref<!tpu.dma_semaphore, #tpu.memory_space<semaphore_mem>>)
      %dma_start3A_88 = arith.constant 0 : i32
      %dma_start3A_89 = tpu.memref_slice %arg3[%dma_start3A_88] : memref<10080xf32, #tpu.memory_space<hbm>> -> memref<10080xf32, #tpu.memory_space<hbm>>
      tpu.enqueue_indirect_dma source(%dma_start3A_89 : memref<10080xf32, #tpu.memory_space<hbm>>) target(%arg15 : memref<48xf32, #tpu.memory_space<vmem>>) offsets(%arg9 : memref<48xi32, #tpu.memory_space<vmem>>) semaphore(%arg21 : memref<!tpu.dma_semaphore, #tpu.memory_space<semaphore_mem>>)
      %dma_start3A_90 = arith.constant 0 : i32
      %dma_start3A_91 = tpu.memref_slice %arg4[%dma_start3A_90] : memref<10080xf32, #tpu.memory_space<hbm>> -> memref<10080xf32, #tpu.memory_space<hbm>>
      tpu.enqueue_indirect_dma source(%dma_start3A_91 : memref<10080xf32, #tpu.memory_space<hbm>>) target(%arg17 : memref<48xf32, #tpu.memory_space<vmem>>) offsets(%arg9 : memref<48xi32, #tpu.memory_space<vmem>>) semaphore(%arg22 : memref<!tpu.dma_semaphore, #tpu.memory_space<semaphore_mem>>)
      %dma_wait3A_92 = arith.constant 0 : i32
      %dma_wait3A_93 = tpu.memref_slice %arg2[%dma_wait3A_92] : memref<10080xf32, #tpu.memory_space<hbm>> -> memref<10080xf32, #tpu.memory_space<hbm>>
      tpu.wait_indirect_dma semaphore(%arg23 : memref<!tpu.dma_semaphore, #tpu.memory_space<semaphore_mem>>) src(%dma_wait3A_93 : memref<10080xf32, #tpu.memory_space<hbm>>) dst(%arg14 : memref<48xf32, #tpu.memory_space<vmem>>)
      %dma_wait3A_94 = arith.constant 0 : i32
      %dma_wait3A_95 = tpu.memref_slice %arg3[%dma_wait3A_94] : memref<10080xf32, #tpu.memory_space<hbm>> -> memref<10080xf32, #tpu.memory_space<hbm>>
      tpu.wait_indirect_dma semaphore(%arg24 : memref<!tpu.dma_semaphore, #tpu.memory_space<semaphore_mem>>) src(%dma_wait3A_95 : memref<10080xf32, #tpu.memory_space<hbm>>) dst(%arg16 : memref<48xf32, #tpu.memory_space<vmem>>)
      %dma_wait3A_96 = arith.constant 0 : i32
      %dma_wait3A_97 = tpu.memref_slice %arg4[%dma_wait3A_96] : memref<10080xf32, #tpu.memory_space<hbm>> -> memref<10080xf32, #tpu.memory_space<hbm>>
      tpu.wait_indirect_dma semaphore(%arg25 : memref<!tpu.dma_semaphore, #tpu.memory_space<semaphore_mem>>) src(%dma_wait3A_97 : memref<10080xf32, #tpu.memory_space<hbm>>) dst(%arg18 : memref<48xf32, #tpu.memory_space<vmem>>)
      %scan3A_98 = arith.constant 0 : i32
      %scan3A_99 = arith.constant 0 : i32
      %scan3A_100 = arith.constant 3 : i32
      %scan3A_101 = arith.addi %scan3A_99, %scan3A_100 : i32
      %scan3A_102 = arith.constant 1 : i32
      scf.for %scan3A_104 = %scan3A_99 to %scan3A_101 step %scan3A_102  : i32 {
        %mul3A_105 = arith.constant 16 : i32
        %mul3A_106 = arith.muli %scan3A_104, %mul3A_105 : i32
        %get3A = arith.index_cast %mul3A_106 : i32 to index
        %get3A_107 = tpu.vector_load %arg14[%get3A] {strides = array<i32>} : memref<48xf32, #tpu.memory_space<vmem>>, vector<16xf32>,
        %get3A_108 = vector.shape_cast %get3A_107 : vector<16xf32> to vector<16xf32>
        %get3A_109 = arith.index_cast %mul3A_106 : i32 to index
        %get3A_110 = tpu.vector_load %arg16[%get3A_109] {strides = array<i32>} : memref<48xf32, #tpu.memory_space<vmem>>, vector<16xf32>,
        %get3A_111 = vector.shape_cast %get3A_110 : vector<16xf32> to vector<16xf32>
        %add3A_112 = arith.addf %get3A_108, %get3A_111 : vector<16xf32>
        %neg3A = arith.constant 0.000000e+00 : f32
        %neg3A_113 = vector.broadcast %neg3A : f32 to vector<16xf32>
        %neg3A_114 = arith.subf %neg3A_113, %add3A_112 : vector<16xf32>
        %exp3A = math.exp %neg3A_114 : vector<16xf32>
        %add3A_115 = arith.constant 1.000000e+00 : f32
        %add3A_116 = vector.broadcast %add3A_115 : f32 to vector<16xf32>
        %add3A_117 = arith.addf %add3A_116, %exp3A : vector<16xf32>
        %div3A = arith.constant 1.000000e+00 : f32
        %div3A_118 = vector.broadcast %div3A : f32 to vector<16xf32>
        %div3A_119 = arith.divf %div3A_118, %add3A_117 : vector<16xf32>
        %get3A_120 = arith.index_cast %mul3A_106 : i32 to index
        %get3A_121 = tpu.vector_load %arg18[%get3A_120] {strides = array<i32>} : memref<48xf32, #tpu.memory_space<vmem>>, vector<16xf32>,
        %get3A_122 = vector.shape_cast %get3A_121 : vector<16xf32> to vector<16xf32>
        %mul3A_123 = arith.mulf %div3A_119, %get3A_122 : vector<16xf32>
        %swap3A = arith.index_cast %mul3A_106 : i32 to index
        %swap3A_124 = tpu.vector_load %arg14[%swap3A] {strides = array<i32>} : memref<48xf32, #tpu.memory_space<vmem>>, vector<16xf32>,
        %swap3A_125 = vector.shape_cast %swap3A_124 : vector<16xf32> to vector<16xf32>
        %swap3A_126 = vector.shape_cast %mul3A_123 : vector<16xf32> to vector<16xf32>
        tpu.vector_store %arg14[%swap3A], %swap3A_126 {strides = array<i32>} : memref<48xf32, #tpu.memory_space<vmem>>, vector<16xf32>,
      }
      %scan3A_103 = arith.constant 3 : i32
      "tpu.region"() ({
        %run_scoped3A = tpu.sem_alloc : memref<!tpu.dma_semaphore, #tpu.memory_space<semaphore_mem>>
        %dma_start3A_104 = arith.constant 0 : i32
        %dma_start3A_105 = tpu.memref_slice %arg19[%dma_start3A_104] : memref<10240xf32, #tpu.memory_space<vmem_shared>> -> memref<10240xf32, #tpu.memory_space<vmem_shared>>
        tpu.enqueue_indirect_dma source(%arg14 : memref<48xf32, #tpu.memory_space<vmem>>) target(%dma_start3A_105 : memref<10240xf32, #tpu.memory_space<vmem_shared>>) offsets(%arg12 : memref<48xi32, #tpu.memory_space<vmem>>) semaphore(%run_scoped3A : memref<!tpu.dma_semaphore, #tpu.memory_space<semaphore_mem>>) {add = true}
        %dma_wait3A_106 = arith.constant 0 : i32
        %dma_wait3A_107 = tpu.memref_slice %arg19[%dma_wait3A_106] : memref<10240xf32, #tpu.memory_space<vmem_shared>> -> memref<10240xf32, #tpu.memory_space<vmem_shared>>
        tpu.wait_indirect_dma semaphore(%run_scoped3A : memref<!tpu.dma_semaphore, #tpu.memory_space<semaphore_mem>>) src(%arg14 : memref<48xf32, #tpu.memory_space<vmem>>) dst(%dma_wait3A_107 : memref<10240xf32, #tpu.memory_space<vmem_shared>>)
        tpu.yield
      }) : () -> ()
    }
    %scan3A_16 = arith.constant 104 : i32
    %add3A_17 = arith.constant 10032 : i32
    %add3A_18 = arith.addi %mul3A_4, %add3A_17 : i32
    "tpu.region"() ({
      %run_scoped3A = tpu.sem_alloc : memref<!tpu.dma_semaphore, #tpu.memory_space<semaphore_mem>>
      %dma_start3A_49 = tpu.memref_slice %arg5[%add3A_18] : memref<322560xi32, #tpu.memory_space<hbm>> -> memref<48xi32, #tpu.memory_space<hbm>>
      %dma_start3A_50 = tpu.memref_slice %arg5[%add3A_18] : memref<322560xi32, #tpu.memory_space<hbm>> -> memref<48xi32, #tpu.memory_space<hbm>>
      tpu.enqueue_dma source(%dma_start3A_50 : memref<48xi32, #tpu.memory_space<hbm>>) target(%arg10 : memref<48xi32, #tpu.memory_space<vmem>>) target_semaphore(%run_scoped3A : memref<!tpu.dma_semaphore, #tpu.memory_space<semaphore_mem>>)
      %dma_wait3A_51 = tpu.memref_slice %arg5[%add3A_18] : memref<322560xi32, #tpu.memory_space<hbm>> -> memref<48xi32, #tpu.memory_space<hbm>>
      %dma_wait3A_52 = tpu.memref_slice %arg5[%add3A_18] : memref<322560xi32, #tpu.memory_space<hbm>> -> memref<48xi32, #tpu.memory_space<hbm>>
      tpu.wait_dma2 semaphore(%run_scoped3A : memref<!tpu.dma_semaphore, #tpu.memory_space<semaphore_mem>>) src(%dma_wait3A_52 : memref<48xi32, #tpu.memory_space<hbm>>) dst(%arg10 : memref<48xi32, #tpu.memory_space<vmem>>)
      tpu.yield
    }) : () -> ()
    "tpu.region"() ({
      %run_scoped3A = tpu.sem_alloc : memref<!tpu.dma_semaphore, #tpu.memory_space<semaphore_mem>>
      %dma_start3A_49 = tpu.memref_slice %arg6[%add3A_18] : memref<322560xi32, #tpu.memory_space<hbm>> -> memref<48xi32, #tpu.memory_space<hbm>>
      %dma_start3A_50 = tpu.memref_slice %arg6[%add3A_18] : memref<322560xi32, #tpu.memory_space<hbm>> -> memref<48xi32, #tpu.memory_space<hbm>>
      tpu.enqueue_dma source(%dma_start3A_50 : memref<48xi32, #tpu.memory_space<hbm>>) target(%arg12 : memref<48xi32, #tpu.memory_space<vmem>>) target_semaphore(%run_scoped3A : memref<!tpu.dma_semaphore, #tpu.memory_space<semaphore_mem>>)
      %dma_wait3A_51 = tpu.memref_slice %arg6[%add3A_18] : memref<322560xi32, #tpu.memory_space<hbm>> -> memref<48xi32, #tpu.memory_space<hbm>>
      %dma_wait3A_52 = tpu.memref_slice %arg6[%add3A_18] : memref<322560xi32, #tpu.memory_space<hbm>> -> memref<48xi32, #tpu.memory_space<hbm>>
      tpu.wait_dma2 semaphore(%run_scoped3A : memref<!tpu.dma_semaphore, #tpu.memory_space<semaphore_mem>>) src(%dma_wait3A_52 : memref<48xi32, #tpu.memory_space<hbm>>) dst(%arg12 : memref<48xi32, #tpu.memory_space<vmem>>)
      tpu.yield
    }) : () -> ()
    %dma_start3A_19 = arith.constant 0 : i32
    %dma_start3A_20 = tpu.memref_slice %arg2[%dma_start3A_19] : memref<10080xf32, #tpu.memory_space<hbm>> -> memref<10080xf32, #tpu.memory_space<hbm>>
    tpu.enqueue_indirect_dma source(%dma_start3A_20 : memref<10080xf32, #tpu.memory_space<hbm>>) target(%arg14 : memref<48xf32, #tpu.memory_space<vmem>>) offsets(%arg12 : memref<48xi32, #tpu.memory_space<vmem>>) semaphore(%arg23 : memref<!tpu.dma_semaphore, #tpu.memory_space<semaphore_mem>>)
    %dma_start3A_21 = arith.constant 0 : i32
    %dma_start3A_22 = tpu.memref_slice %arg3[%dma_start3A_21] : memref<10080xf32, #tpu.memory_space<hbm>> -> memref<10080xf32, #tpu.memory_space<hbm>>
    tpu.enqueue_indirect_dma source(%dma_start3A_22 : memref<10080xf32, #tpu.memory_space<hbm>>) target(%arg16 : memref<48xf32, #tpu.memory_space<vmem>>) offsets(%arg10 : memref<48xi32, #tpu.memory_space<vmem>>) semaphore(%arg24 : memref<!tpu.dma_semaphore, #tpu.memory_space<semaphore_mem>>)
    %dma_start3A_23 = arith.constant 0 : i32
    %dma_start3A_24 = tpu.memref_slice %arg4[%dma_start3A_23] : memref<10080xf32, #tpu.memory_space<hbm>> -> memref<10080xf32, #tpu.memory_space<hbm>>
    tpu.enqueue_indirect_dma source(%dma_start3A_24 : memref<10080xf32, #tpu.memory_space<hbm>>) target(%arg18 : memref<48xf32, #tpu.memory_space<vmem>>) offsets(%arg10 : memref<48xi32, #tpu.memory_space<vmem>>) semaphore(%arg25 : memref<!tpu.dma_semaphore, #tpu.memory_space<semaphore_mem>>)
    %dma_wait3A = arith.constant 0 : i32
    %dma_wait3A_25 = tpu.memref_slice %arg2[%dma_wait3A] : memref<10080xf32, #tpu.memory_space<hbm>> -> memref<10080xf32, #tpu.memory_space<hbm>>
    tpu.wait_indirect_dma semaphore(%arg20 : memref<!tpu.dma_semaphore, #tpu.memory_space<semaphore_mem>>) src(%dma_wait3A_25 : memref<10080xf32, #tpu.memory_space<hbm>>) dst(%arg13 : memref<48xf32, #tpu.memory_space<vmem>>)
    %dma_wait3A_26 = arith.constant 0 : i32
    %dma_wait3A_27 = tpu.memref_slice %arg3[%dma_wait3A_26] : memref<10080xf32, #tpu.memory_space<hbm>> -> memref<10080xf32, #tpu.memory_space<hbm>>
    tpu.wait_indirect_dma semaphore(%arg21 : memref<!tpu.dma_semaphore, #tpu.memory_space<semaphore_mem>>) src(%dma_wait3A_27 : memref<10080xf32, #tpu.memory_space<hbm>>) dst(%arg15 : memref<48xf32, #tpu.memory_space<vmem>>)
    %dma_wait3A_28 = arith.constant 0 : i32
    %dma_wait3A_29 = tpu.memref_slice %arg4[%dma_wait3A_28] : memref<10080xf32, #tpu.memory_space<hbm>> -> memref<10080xf32, #tpu.memory_space<hbm>>
    tpu.wait_indirect_dma semaphore(%arg22 : memref<!tpu.dma_semaphore, #tpu.memory_space<semaphore_mem>>) src(%dma_wait3A_29 : memref<10080xf32, #tpu.memory_space<hbm>>) dst(%arg17 : memref<48xf32, #tpu.memory_space<vmem>>)
    %scan3A_30 = arith.constant 0 : i32
    %scan3A_31 = arith.constant 0 : i32
    %scan3A_32 = arith.constant 3 : i32
    %scan3A_33 = arith.addi %scan3A_31, %scan3A_32 : i32
    %scan3A_34 = arith.constant 1 : i32
    scf.for %scan3A_49 = %scan3A_31 to %scan3A_33 step %scan3A_34  : i32 {
      %mul3A_50 = arith.constant 16 : i32
      %mul3A_51 = arith.muli %scan3A_49, %mul3A_50 : i32
      %get3A = arith.index_cast %mul3A_51 : i32 to index
      %get3A_52 = tpu.vector_load %arg13[%get3A] {strides = array<i32>} : memref<48xf32, #tpu.memory_space<vmem>>, vector<16xf32>,
      %get3A_53 = vector.shape_cast %get3A_52 : vector<16xf32> to vector<16xf32>
      %get3A_54 = arith.index_cast %mul3A_51 : i32 to index
      %get3A_55 = tpu.vector_load %arg15[%get3A_54] {strides = array<i32>} : memref<48xf32, #tpu.memory_space<vmem>>, vector<16xf32>,
      %get3A_56 = vector.shape_cast %get3A_55 : vector<16xf32> to vector<16xf32>
      %add3A_57 = arith.addf %get3A_53, %get3A_56 : vector<16xf32>
      %neg3A = arith.constant 0.000000e+00 : f32
      %neg3A_58 = vector.broadcast %neg3A : f32 to vector<16xf32>
      %neg3A_59 = arith.subf %neg3A_58, %add3A_57 : vector<16xf32>
      %exp3A = math.exp %neg3A_59 : vector<16xf32>
      %add3A_60 = arith.constant 1.000000e+00 : f32
      %add3A_61 = vector.broadcast %add3A_60 : f32 to vector<16xf32>
      %add3A_62 = arith.addf %add3A_61, %exp3A : vector<16xf32>
      %div3A = arith.constant 1.000000e+00 : f32
      %div3A_63 = vector.broadcast %div3A : f32 to vector<16xf32>
      %div3A_64 = arith.divf %div3A_63, %add3A_62 : vector<16xf32>
      %get3A_65 = arith.index_cast %mul3A_51 : i32 to index
      %get3A_66 = tpu.vector_load %arg17[%get3A_65] {strides = array<i32>} : memref<48xf32, #tpu.memory_space<vmem>>, vector<16xf32>,
      %get3A_67 = vector.shape_cast %get3A_66 : vector<16xf32> to vector<16xf32>
      %mul3A_68 = arith.mulf %div3A_64, %get3A_67 : vector<16xf32>
      %swap3A = arith.index_cast %mul3A_51 : i32 to index
      %swap3A_69 = tpu.vector_load %arg13[%swap3A] {strides = array<i32>} : memref<48xf32, #tpu.memory_space<vmem>>, vector<16xf32>,
      %swap3A_70 = vector.shape_cast %swap3A_69 : vector<16xf32> to vector<16xf32>
      %swap3A_71 = vector.shape_cast %mul3A_68 : vector<16xf32> to vector<16xf32>
      tpu.vector_store %arg13[%swap3A], %swap3A_71 {strides = array<i32>} : memref<48xf32, #tpu.memory_space<vmem>>, vector<16xf32>,
    }
    %scan3A_35 = arith.constant 3 : i32
    "tpu.region"() ({
      %run_scoped3A = tpu.sem_alloc : memref<!tpu.dma_semaphore, #tpu.memory_space<semaphore_mem>>
      %dma_start3A_49 = arith.constant 0 : i32
      %dma_start3A_50 = tpu.memref_slice %arg19[%dma_start3A_49] : memref<10240xf32, #tpu.memory_space<vmem_shared>> -> memref<10240xf32, #tpu.memory_space<vmem_shared>>
      tpu.enqueue_indirect_dma source(%arg13 : memref<48xf32, #tpu.memory_space<vmem>>) target(%dma_start3A_50 : memref<10240xf32, #tpu.memory_space<vmem_shared>>) offsets(%arg11 : memref<48xi32, #tpu.memory_space<vmem>>) semaphore(%run_scoped3A : memref<!tpu.dma_semaphore, #tpu.memory_space<semaphore_mem>>) {add = true}
      %dma_wait3A_51 = arith.constant 0 : i32
      %dma_wait3A_52 = tpu.memref_slice %arg19[%dma_wait3A_51] : memref<10240xf32, #tpu.memory_space<vmem_shared>> -> memref<10240xf32, #tpu.memory_space<vmem_shared>>
      tpu.wait_indirect_dma semaphore(%run_scoped3A : memref<!tpu.dma_semaphore, #tpu.memory_space<semaphore_mem>>) src(%arg13 : memref<48xf32, #tpu.memory_space<vmem>>) dst(%dma_wait3A_52 : memref<10240xf32, #tpu.memory_space<vmem_shared>>)
      tpu.yield
    }) : () -> ()
    %dma_wait3A_36 = arith.constant 0 : i32
    %dma_wait3A_37 = tpu.memref_slice %arg2[%dma_wait3A_36] : memref<10080xf32, #tpu.memory_space<hbm>> -> memref<10080xf32, #tpu.memory_space<hbm>>
    tpu.wait_indirect_dma semaphore(%arg23 : memref<!tpu.dma_semaphore, #tpu.memory_space<semaphore_mem>>) src(%dma_wait3A_37 : memref<10080xf32, #tpu.memory_space<hbm>>) dst(%arg14 : memref<48xf32, #tpu.memory_space<vmem>>)
    %dma_wait3A_38 = arith.constant 0 : i32
    %dma_wait3A_39 = tpu.memref_slice %arg3[%dma_wait3A_38] : memref<10080xf32, #tpu.memory_space<hbm>> -> memref<10080xf32, #tpu.memory_space<hbm>>
    tpu.wait_indirect_dma semaphore(%arg24 : memref<!tpu.dma_semaphore, #tpu.memory_space<semaphore_mem>>) src(%dma_wait3A_39 : memref<10080xf32, #tpu.memory_space<hbm>>) dst(%arg16 : memref<48xf32, #tpu.memory_space<vmem>>)
    %dma_wait3A_40 = arith.constant 0 : i32
    %dma_wait3A_41 = tpu.memref_slice %arg4[%dma_wait3A_40] : memref<10080xf32, #tpu.memory_space<hbm>> -> memref<10080xf32, #tpu.memory_space<hbm>>
    tpu.wait_indirect_dma semaphore(%arg25 : memref<!tpu.dma_semaphore, #tpu.memory_space<semaphore_mem>>) src(%dma_wait3A_41 : memref<10080xf32, #tpu.memory_space<hbm>>) dst(%arg18 : memref<48xf32, #tpu.memory_space<vmem>>)
    %scan3A_42 = arith.constant 0 : i32
    %scan3A_43 = arith.constant 0 : i32
    %scan3A_44 = arith.constant 3 : i32
    %scan3A_45 = arith.addi %scan3A_43, %scan3A_44 : i32
    %scan3A_46 = arith.constant 1 : i32
    scf.for %scan3A_49 = %scan3A_43 to %scan3A_45 step %scan3A_46  : i32 {
      %mul3A_50 = arith.constant 16 : i32
      %mul3A_51 = arith.muli %scan3A_49, %mul3A_50 : i32
      %get3A = arith.index_cast %mul3A_51 : i32 to index
      %get3A_52 = tpu.vector_load %arg14[%get3A] {strides = array<i32>} : memref<48xf32, #tpu.memory_space<vmem>>, vector<16xf32>,
      %get3A_53 = vector.shape_cast %get3A_52 : vector<16xf32> to vector<16xf32>
      %get3A_54 = arith.index_cast %mul3A_51 : i32 to index
      %get3A_55 = tpu.vector_load %arg16[%get3A_54] {strides = array<i32>} : memref<48xf32, #tpu.memory_space<vmem>>, vector<16xf32>,
      %get3A_56 = vector.shape_cast %get3A_55 : vector<16xf32> to vector<16xf32>
      %add3A_57 = arith.addf %get3A_53, %get3A_56 : vector<16xf32>
      %neg3A = arith.constant 0.000000e+00 : f32
      %neg3A_58 = vector.broadcast %neg3A : f32 to vector<16xf32>
      %neg3A_59 = arith.subf %neg3A_58, %add3A_57 : vector<16xf32>
      %exp3A = math.exp %neg3A_59 : vector<16xf32>
      %add3A_60 = arith.constant 1.000000e+00 : f32
      %add3A_61 = vector.broadcast %add3A_60 : f32 to vector<16xf32>
      %add3A_62 = arith.addf %add3A_61, %exp3A : vector<16xf32>
      %div3A = arith.constant 1.000000e+00 : f32
      %div3A_63 = vector.broadcast %div3A : f32 to vector<16xf32>
      %div3A_64 = arith.divf %div3A_63, %add3A_62 : vector<16xf32>
      %get3A_65 = arith.index_cast %mul3A_51 : i32 to index
      %get3A_66 = tpu.vector_load %arg18[%get3A_65] {strides = array<i32>} : memref<48xf32, #tpu.memory_space<vmem>>, vector<16xf32>,
      %get3A_67 = vector.shape_cast %get3A_66 : vector<16xf32> to vector<16xf32>
      %mul3A_68 = arith.mulf %div3A_64, %get3A_67 : vector<16xf32>
      %swap3A = arith.index_cast %mul3A_51 : i32 to index
      %swap3A_69 = tpu.vector_load %arg14[%swap3A] {strides = array<i32>} : memref<48xf32, #tpu.memory_space<vmem>>, vector<16xf32>,
      %swap3A_70 = vector.shape_cast %swap3A_69 : vector<16xf32> to vector<16xf32>
      %swap3A_71 = vector.shape_cast %mul3A_68 : vector<16xf32> to vector<16xf32>
      tpu.vector_store %arg14[%swap3A], %swap3A_71 {strides = array<i32>} : memref<48xf32, #tpu.memory_space<vmem>>, vector<16xf32>,
    }
    %scan3A_47 = arith.constant 3 : i32
    "tpu.region"() ({
      %run_scoped3A = tpu.sem_alloc : memref<!tpu.dma_semaphore, #tpu.memory_space<semaphore_mem>>
      %dma_start3A_49 = arith.constant 0 : i32
      %dma_start3A_50 = tpu.memref_slice %arg19[%dma_start3A_49] : memref<10240xf32, #tpu.memory_space<vmem_shared>> -> memref<10240xf32, #tpu.memory_space<vmem_shared>>
      tpu.enqueue_indirect_dma source(%arg14 : memref<48xf32, #tpu.memory_space<vmem>>) target(%dma_start3A_50 : memref<10240xf32, #tpu.memory_space<vmem_shared>>) offsets(%arg12 : memref<48xi32, #tpu.memory_space<vmem>>) semaphore(%run_scoped3A : memref<!tpu.dma_semaphore, #tpu.memory_space<semaphore_mem>>) {add = true}
      %dma_wait3A_51 = arith.constant 0 : i32
      %dma_wait3A_52 = tpu.memref_slice %arg19[%dma_wait3A_51] : memref<10240xf32, #tpu.memory_space<vmem_shared>> -> memref<10240xf32, #tpu.memory_space<vmem_shared>>
      tpu.wait_indirect_dma semaphore(%run_scoped3A : memref<!tpu.dma_semaphore, #tpu.memory_space<semaphore_mem>>) src(%arg14 : memref<48xf32, #tpu.memory_space<vmem>>) dst(%dma_wait3A_52 : memref<10240xf32, #tpu.memory_space<vmem_shared>>)
      tpu.yield
    }) : () -> ()
    %barrier3A_48 = arith.constant 0 : index
    tpu.barrier barrier_id(%barrier3A_48)
    "tpu.region"() ({
      %run_scoped3A = tpu.sem_alloc : memref<!tpu.dma_semaphore, #tpu.memory_space<semaphore_mem>>
      %dma_start3A_49 = tpu.memref_slice %arg8[%arg0, %multiple_of3A] : memref<2x10240xf32, #tpu.memory_space<hbm>> -> memref<1x640xf32, #tpu.memory_space<hbm>>
      %dma_start3A_50 = tpu.memref_squeeze %dma_start3A_49 : memref<1x640xf32, #tpu.memory_space<hbm>> -> memref<640xf32, #tpu.memory_space<hbm>>
      %dma_start3A_51 = tpu.memref_slice %arg19[%multiple_of3A] : memref<10240xf32, #tpu.memory_space<vmem_shared>> -> memref<640xf32, #tpu.memory_space<vmem_shared>>
      tpu.enqueue_dma source(%dma_start3A_51 : memref<640xf32, #tpu.memory_space<vmem_shared>>) target(%dma_start3A_50 : memref<640xf32, #tpu.memory_space<hbm>>) target_semaphore(%run_scoped3A : memref<!tpu.dma_semaphore, #tpu.memory_space<semaphore_mem>>)
      %dma_wait3A_52 = tpu.memref_slice %arg8[%arg0, %multiple_of3A] : memref<2x10240xf32, #tpu.memory_space<hbm>> -> memref<1x640xf32, #tpu.memory_space<hbm>>
      %dma_wait3A_53 = tpu.memref_squeeze %dma_wait3A_52 : memref<1x640xf32, #tpu.memory_space<hbm>> -> memref<640xf32, #tpu.memory_space<hbm>>
      %dma_wait3A_54 = tpu.memref_slice %arg19[%multiple_of3A] : memref<10240xf32, #tpu.memory_space<vmem_shared>> -> memref<640xf32, #tpu.memory_space<vmem_shared>>
      tpu.wait_dma2 semaphore(%run_scoped3A : memref<!tpu.dma_semaphore, #tpu.memory_space<semaphore_mem>>) src(%dma_wait3A_54 : memref<640xf32, #tpu.memory_space<vmem_shared>>) dst(%dma_wait3A_53 : memref<640xf32, #tpu.memory_space<hbm>>)
      tpu.yield
    }) : () -> ()
    return
  }
}

#map = affine_map<(d0, d1) -> (0, 0)>
#map1 = affine_map<(d0, d1) -> (0)>
#map2 = affine_map<(d0, d1) -> (0, 0, 0)>
module attributes {stable_mosaic.version = 14 : i64} {
  func.func @body(%arg0: i32, %arg1: i32, %arg2: memref<10080x128xf32, #tpu.memory_space<hbm>>, %arg3: memref<10080x128xf32, #tpu.memory_space<hbm>>, %arg4: memref<10080x128xf32, #tpu.memory_space<hbm>>, %arg5: memref<322560xi32, #tpu.memory_space<hbm>>, %arg6: memref<322560xi32, #tpu.memory_space<hbm>>, %arg7: memref<10240x128xf32, #tpu.memory_space<hbm>>, %arg8: memref<2x10240x128xf32, #tpu.memory_space<hbm>>, %arg9: memref<48xi32, #tpu.memory_space<vmem>>, %arg10: memref<48xi32, #tpu.memory_space<vmem>>, %arg11: memref<48xi32, #tpu.memory_space<vmem>>, %arg12: memref<48xi32, #tpu.memory_space<vmem>>, %arg13: memref<48x128xf32, #tpu.memory_space<vmem>>, %arg14: memref<48x128xf32, #tpu.memory_space<vmem>>, %arg15: memref<48x128xf32, #tpu.memory_space<vmem>>, %arg16: memref<48x128xf32, #tpu.memory_space<vmem>>, %arg17: memref<48x128xf32, #tpu.memory_space<vmem>>, %arg18: memref<48x128xf32, #tpu.memory_space<vmem>>, %arg19: memref<10240x128xf32, #tpu.memory_space<vmem_shared>>, %arg20: memref<!tpu.dma_semaphore, #tpu.memory_space<semaphore_mem>>, %arg21: memref<!tpu.dma_semaphore, #tpu.memory_space<semaphore_mem>>, %arg22: memref<!tpu.dma_semaphore, #tpu.memory_space<semaphore_mem>>, %arg23: memref<!tpu.dma_semaphore, #tpu.memory_space<semaphore_mem>>, %arg24: memref<!tpu.dma_semaphore, #tpu.memory_space<semaphore_mem>>, %arg25: memref<!tpu.dma_semaphore, #tpu.memory_space<semaphore_mem>>) attributes {dimension_semantics = [#tpu.dimension_semantics<core_parallel>, #tpu.dimension_semantics<subcore_parallel>], iteration_bounds = array<i64: 2, 16>, scalar_prefetch = 0 : i64, scratch_operands = 17 : i64, tpu.core_type = #tpu.core_type<sc_vector_subcore>, window_params = [{transform_indices = #map}, {transform_indices = #map}, {transform_indices = #map}, {transform_indices = #map1}, {transform_indices = #map1}, {transform_indices = #map}, {transform_indices = #map2}]} {
    %mul3A = arith.constant 2 : i32
    %mul3A_0 = arith.muli %arg1, %mul3A : i32
    %add3A = arith.addi %mul3A_0, %arg0 : i32
    %mul3A_1 = arith.constant 640 : i32
    %mul3A_2 = arith.muli %arg1, %mul3A_1 : i32
    %multiple_of3A = tpu.assume_multiple %mul3A_2, 8 : i32
    "tpu.region"() ({
      %run_scoped3A = tpu.sem_alloc : memref<!tpu.dma_semaphore, #tpu.memory_space<semaphore_mem>>
      %dma_start3A_61 = arith.constant 0 : i32
      %dma_start3A_62 = tpu.memref_slice %arg19[%multiple_of3A, %dma_start3A_61] : memref<10240x128xf32, #tpu.memory_space<vmem_shared>> -> memref<640x128xf32, #tpu.memory_space<vmem_shared>>
      %dma_start3A_63 = arith.constant 0 : i32
      %dma_start3A_64 = tpu.memref_slice %arg7[%multiple_of3A, %dma_start3A_63] : memref<10240x128xf32, #tpu.memory_space<hbm>> -> memref<640x128xf32, #tpu.memory_space<hbm>>
      tpu.enqueue_dma source(%dma_start3A_64 : memref<640x128xf32, #tpu.memory_space<hbm>>) target(%dma_start3A_62 : memref<640x128xf32, #tpu.memory_space<vmem_shared>>) target_semaphore(%run_scoped3A : memref<!tpu.dma_semaphore, #tpu.memory_space<semaphore_mem>>)
      %dma_wait3A_65 = arith.constant 0 : i32
      %dma_wait3A_66 = tpu.memref_slice %arg19[%multiple_of3A, %dma_wait3A_65] : memref<10240x128xf32, #tpu.memory_space<vmem_shared>> -> memref<640x128xf32, #tpu.memory_space<vmem_shared>>
      %dma_wait3A_67 = arith.constant 0 : i32
      %dma_wait3A_68 = tpu.memref_slice %arg7[%multiple_of3A, %dma_wait3A_67] : memref<10240x128xf32, #tpu.memory_space<hbm>> -> memref<640x128xf32, #tpu.memory_space<hbm>>
      tpu.wait_dma2 semaphore(%run_scoped3A : memref<!tpu.dma_semaphore, #tpu.memory_space<semaphore_mem>>) src(%dma_wait3A_68 : memref<640x128xf32, #tpu.memory_space<hbm>>) dst(%dma_wait3A_66 : memref<640x128xf32, #tpu.memory_space<vmem_shared>>)
      tpu.yield
    }) : () -> ()
    %barrier3A = arith.constant 0 : index
    tpu.barrier barrier_id(%barrier3A)
    %mul3A_3 = arith.constant 10080 : i32
    %mul3A_4 = arith.muli %add3A, %mul3A_3 : i32
    %add3A_5 = arith.constant 0 : i32
    %add3A_6 = arith.addi %mul3A_4, %add3A_5 : i32
    "tpu.region"() ({
      %run_scoped3A = tpu.sem_alloc : memref<!tpu.dma_semaphore, #tpu.memory_space<semaphore_mem>>
      %dma_start3A_61 = tpu.memref_slice %arg5[%add3A_6] : memref<322560xi32, #tpu.memory_space<hbm>> -> memref<48xi32, #tpu.memory_space<hbm>>
      %dma_start3A_62 = tpu.memref_slice %arg5[%add3A_6] : memref<322560xi32, #tpu.memory_space<hbm>> -> memref<48xi32, #tpu.memory_space<hbm>>
      tpu.enqueue_dma source(%dma_start3A_62 : memref<48xi32, #tpu.memory_space<hbm>>) target(%arg9 : memref<48xi32, #tpu.memory_space<vmem>>) target_semaphore(%run_scoped3A : memref<!tpu.dma_semaphore, #tpu.memory_space<semaphore_mem>>)
      %dma_wait3A_63 = tpu.memref_slice %arg5[%add3A_6] : memref<322560xi32, #tpu.memory_space<hbm>> -> memref<48xi32, #tpu.memory_space<hbm>>
      %dma_wait3A_64 = tpu.memref_slice %arg5[%add3A_6] : memref<322560xi32, #tpu.memory_space<hbm>> -> memref<48xi32, #tpu.memory_space<hbm>>
      tpu.wait_dma2 semaphore(%run_scoped3A : memref<!tpu.dma_semaphore, #tpu.memory_space<semaphore_mem>>) src(%dma_wait3A_64 : memref<48xi32, #tpu.memory_space<hbm>>) dst(%arg9 : memref<48xi32, #tpu.memory_space<vmem>>)
      tpu.yield
    }) : () -> ()
    "tpu.region"() ({
      %run_scoped3A = tpu.sem_alloc : memref<!tpu.dma_semaphore, #tpu.memory_space<semaphore_mem>>
      %dma_start3A_61 = tpu.memref_slice %arg6[%add3A_6] : memref<322560xi32, #tpu.memory_space<hbm>> -> memref<48xi32, #tpu.memory_space<hbm>>
      %dma_start3A_62 = tpu.memref_slice %arg6[%add3A_6] : memref<322560xi32, #tpu.memory_space<hbm>> -> memref<48xi32, #tpu.memory_space<hbm>>
      tpu.enqueue_dma source(%dma_start3A_62 : memref<48xi32, #tpu.memory_space<hbm>>) target(%arg11 : memref<48xi32, #tpu.memory_space<vmem>>) target_semaphore(%run_scoped3A : memref<!tpu.dma_semaphore, #tpu.memory_space<semaphore_mem>>)
      %dma_wait3A_63 = tpu.memref_slice %arg6[%add3A_6] : memref<322560xi32, #tpu.memory_space<hbm>> -> memref<48xi32, #tpu.memory_space<hbm>>
      %dma_wait3A_64 = tpu.memref_slice %arg6[%add3A_6] : memref<322560xi32, #tpu.memory_space<hbm>> -> memref<48xi32, #tpu.memory_space<hbm>>
      tpu.wait_dma2 semaphore(%run_scoped3A : memref<!tpu.dma_semaphore, #tpu.memory_space<semaphore_mem>>) src(%dma_wait3A_64 : memref<48xi32, #tpu.memory_space<hbm>>) dst(%arg11 : memref<48xi32, #tpu.memory_space<vmem>>)
      tpu.yield
    }) : () -> ()
    %dma_start3A = arith.constant 0 : i32
    %dma_start3A_7 = arith.constant 0 : i32
    %dma_start3A_8 = tpu.memref_slice %arg2[%dma_start3A, %dma_start3A_7] : memref<10080x128xf32, #tpu.memory_space<hbm>> -> memref<10080x128xf32, #tpu.memory_space<hbm>>
    tpu.enqueue_indirect_dma source(%dma_start3A_8 : memref<10080x128xf32, #tpu.memory_space<hbm>>) target(%arg13 : memref<48x128xf32, #tpu.memory_space<vmem>>) offsets(%arg11 : memref<48xi32, #tpu.memory_space<vmem>>) semaphore(%arg20 : memref<!tpu.dma_semaphore, #tpu.memory_space<semaphore_mem>>)
    %dma_start3A_9 = arith.constant 0 : i32
    %dma_start3A_10 = arith.constant 0 : i32
    %dma_start3A_11 = tpu.memref_slice %arg3[%dma_start3A_9, %dma_start3A_10] : memref<10080x128xf32, #tpu.memory_space<hbm>> -> memref<10080x128xf32, #tpu.memory_space<hbm>>
    tpu.enqueue_indirect_dma source(%dma_start3A_11 : memref<10080x128xf32, #tpu.memory_space<hbm>>) target(%arg15 : memref<48x128xf32, #tpu.memory_space<vmem>>) offsets(%arg9 : memref<48xi32, #tpu.memory_space<vmem>>) semaphore(%arg21 : memref<!tpu.dma_semaphore, #tpu.memory_space<semaphore_mem>>)
    %dma_start3A_12 = arith.constant 0 : i32
    %dma_start3A_13 = arith.constant 0 : i32
    %dma_start3A_14 = tpu.memref_slice %arg4[%dma_start3A_12, %dma_start3A_13] : memref<10080x128xf32, #tpu.memory_space<hbm>> -> memref<10080x128xf32, #tpu.memory_space<hbm>>
    tpu.enqueue_indirect_dma source(%dma_start3A_14 : memref<10080x128xf32, #tpu.memory_space<hbm>>) target(%arg17 : memref<48x128xf32, #tpu.memory_space<vmem>>) offsets(%arg9 : memref<48xi32, #tpu.memory_space<vmem>>) semaphore(%arg22 : memref<!tpu.dma_semaphore, #tpu.memory_space<semaphore_mem>>)
    %scan3A = arith.constant 0 : i32
    %scan3A_15 = arith.constant 0 : i32
    %scan3A_16 = arith.constant 104 : i32
    %scan3A_17 = arith.addi %scan3A_15, %scan3A_16 : i32
    %scan3A_18 = arith.constant 1 : i32
    scf.for %scan3A_61 = %scan3A_15 to %scan3A_17 step %scan3A_18  : i32 {
      %mul3A_62 = arith.constant 2 : i32
      %mul3A_63 = arith.muli %mul3A_62, %scan3A_61 : i32
      %add3A_64 = arith.constant 0 : i32
      %add3A_65 = arith.addi %mul3A_63, %add3A_64 : i32
      %add3A_66 = arith.constant 1 : i32
      %add3A_67 = arith.addi %add3A_65, %add3A_66 : i32
      %mul3A_68 = arith.constant 48 : i32
      %mul3A_69 = arith.muli %add3A_67, %mul3A_68 : i32
      %add3A_70 = arith.addi %mul3A_4, %mul3A_69 : i32
      "tpu.region"() ({
        %run_scoped3A = tpu.sem_alloc : memref<!tpu.dma_semaphore, #tpu.memory_space<semaphore_mem>>
        %dma_start3A_128 = tpu.memref_slice %arg5[%add3A_70] : memref<322560xi32, #tpu.memory_space<hbm>> -> memref<48xi32, #tpu.memory_space<hbm>>
        %dma_start3A_129 = tpu.memref_slice %arg5[%add3A_70] : memref<322560xi32, #tpu.memory_space<hbm>> -> memref<48xi32, #tpu.memory_space<hbm>>
        tpu.enqueue_dma source(%dma_start3A_129 : memref<48xi32, #tpu.memory_space<hbm>>) target(%arg10 : memref<48xi32, #tpu.memory_space<vmem>>) target_semaphore(%run_scoped3A : memref<!tpu.dma_semaphore, #tpu.memory_space<semaphore_mem>>)
        %dma_wait3A_130 = tpu.memref_slice %arg5[%add3A_70] : memref<322560xi32, #tpu.memory_space<hbm>> -> memref<48xi32, #tpu.memory_space<hbm>>
        %dma_wait3A_131 = tpu.memref_slice %arg5[%add3A_70] : memref<322560xi32, #tpu.memory_space<hbm>> -> memref<48xi32, #tpu.memory_space<hbm>>
        tpu.wait_dma2 semaphore(%run_scoped3A : memref<!tpu.dma_semaphore, #tpu.memory_space<semaphore_mem>>) src(%dma_wait3A_131 : memref<48xi32, #tpu.memory_space<hbm>>) dst(%arg10 : memref<48xi32, #tpu.memory_space<vmem>>)
        tpu.yield
      }) : () -> ()
      "tpu.region"() ({
        %run_scoped3A = tpu.sem_alloc : memref<!tpu.dma_semaphore, #tpu.memory_space<semaphore_mem>>
        %dma_start3A_128 = tpu.memref_slice %arg6[%add3A_70] : memref<322560xi32, #tpu.memory_space<hbm>> -> memref<48xi32, #tpu.memory_space<hbm>>
        %dma_start3A_129 = tpu.memref_slice %arg6[%add3A_70] : memref<322560xi32, #tpu.memory_space<hbm>> -> memref<48xi32, #tpu.memory_space<hbm>>
        tpu.enqueue_dma source(%dma_start3A_129 : memref<48xi32, #tpu.memory_space<hbm>>) target(%arg12 : memref<48xi32, #tpu.memory_space<vmem>>) target_semaphore(%run_scoped3A : memref<!tpu.dma_semaphore, #tpu.memory_space<semaphore_mem>>)
        %dma_wait3A_130 = tpu.memref_slice %arg6[%add3A_70] : memref<322560xi32, #tpu.memory_space<hbm>> -> memref<48xi32, #tpu.memory_space<hbm>>
        %dma_wait3A_131 = tpu.memref_slice %arg6[%add3A_70] : memref<322560xi32, #tpu.memory_space<hbm>> -> memref<48xi32, #tpu.memory_space<hbm>>
        tpu.wait_dma2 semaphore(%run_scoped3A : memref<!tpu.dma_semaphore, #tpu.memory_space<semaphore_mem>>) src(%dma_wait3A_131 : memref<48xi32, #tpu.memory_space<hbm>>) dst(%arg12 : memref<48xi32, #tpu.memory_space<vmem>>)
        tpu.yield
      }) : () -> ()
      %dma_start3A_71 = arith.constant 0 : i32
      %dma_start3A_72 = arith.constant 0 : i32
      %dma_start3A_73 = tpu.memref_slice %arg2[%dma_start3A_71, %dma_start3A_72] : memref<10080x128xf32, #tpu.memory_space<hbm>> -> memref<10080x128xf32, #tpu.memory_space<hbm>>
      tpu.enqueue_indirect_dma source(%dma_start3A_73 : memref<10080x128xf32, #tpu.memory_space<hbm>>) target(%arg14 : memref<48x128xf32, #tpu.memory_space<vmem>>) offsets(%arg12 : memref<48xi32, #tpu.memory_space<vmem>>) semaphore(%arg23 : memref<!tpu.dma_semaphore, #tpu.memory_space<semaphore_mem>>)
      %dma_start3A_74 = arith.constant 0 : i32
      %dma_start3A_75 = arith.constant 0 : i32
      %dma_start3A_76 = tpu.memref_slice %arg3[%dma_start3A_74, %dma_start3A_75] : memref<10080x128xf32, #tpu.memory_space<hbm>> -> memref<10080x128xf32, #tpu.memory_space<hbm>>
      tpu.enqueue_indirect_dma source(%dma_start3A_76 : memref<10080x128xf32, #tpu.memory_space<hbm>>) target(%arg16 : memref<48x128xf32, #tpu.memory_space<vmem>>) offsets(%arg10 : memref<48xi32, #tpu.memory_space<vmem>>) semaphore(%arg24 : memref<!tpu.dma_semaphore, #tpu.memory_space<semaphore_mem>>)
      %dma_start3A_77 = arith.constant 0 : i32
      %dma_start3A_78 = arith.constant 0 : i32
      %dma_start3A_79 = tpu.memref_slice %arg4[%dma_start3A_77, %dma_start3A_78] : memref<10080x128xf32, #tpu.memory_space<hbm>> -> memref<10080x128xf32, #tpu.memory_space<hbm>>
      tpu.enqueue_indirect_dma source(%dma_start3A_79 : memref<10080x128xf32, #tpu.memory_space<hbm>>) target(%arg18 : memref<48x128xf32, #tpu.memory_space<vmem>>) offsets(%arg10 : memref<48xi32, #tpu.memory_space<vmem>>) semaphore(%arg25 : memref<!tpu.dma_semaphore, #tpu.memory_space<semaphore_mem>>)
      %dma_wait3A_80 = arith.constant 0 : i32
      %dma_wait3A_81 = arith.constant 0 : i32
      %dma_wait3A_82 = tpu.memref_slice %arg2[%dma_wait3A_80, %dma_wait3A_81] : memref<10080x128xf32, #tpu.memory_space<hbm>> -> memref<10080x128xf32, #tpu.memory_space<hbm>>
      tpu.wait_indirect_dma semaphore(%arg20 : memref<!tpu.dma_semaphore, #tpu.memory_space<semaphore_mem>>) src(%dma_wait3A_82 : memref<10080x128xf32, #tpu.memory_space<hbm>>) dst(%arg13 : memref<48x128xf32, #tpu.memory_space<vmem>>)
      %dma_wait3A_83 = arith.constant 0 : i32
      %dma_wait3A_84 = arith.constant 0 : i32
      %dma_wait3A_85 = tpu.memref_slice %arg3[%dma_wait3A_83, %dma_wait3A_84] : memref<10080x128xf32, #tpu.memory_space<hbm>> -> memref<10080x128xf32, #tpu.memory_space<hbm>>
      tpu.wait_indirect_dma semaphore(%arg21 : memref<!tpu.dma_semaphore, #tpu.memory_space<semaphore_mem>>) src(%dma_wait3A_85 : memref<10080x128xf32, #tpu.memory_space<hbm>>) dst(%arg15 : memref<48x128xf32, #tpu.memory_space<vmem>>)
      %dma_wait3A_86 = arith.constant 0 : i32
      %dma_wait3A_87 = arith.constant 0 : i32
      %dma_wait3A_88 = tpu.memref_slice %arg4[%dma_wait3A_86, %dma_wait3A_87] : memref<10080x128xf32, #tpu.memory_space<hbm>> -> memref<10080x128xf32, #tpu.memory_space<hbm>>
      tpu.wait_indirect_dma semaphore(%arg22 : memref<!tpu.dma_semaphore, #tpu.memory_space<semaphore_mem>>) src(%dma_wait3A_88 : memref<10080x128xf32, #tpu.memory_space<hbm>>) dst(%arg17 : memref<48x128xf32, #tpu.memory_space<vmem>>)
      %scan3A_89 = arith.constant 0 : i32
      %scan3A_90 = arith.constant 0 : i32
      %scan3A_91 = arith.constant 48 : i32
      %scan3A_92 = arith.addi %scan3A_90, %scan3A_91 : i32
      %scan3A_93 = arith.constant 1 : i32
      scf.for %scan3A_128 = %scan3A_90 to %scan3A_92 step %scan3A_93  : i32 {
        %get3A = arith.index_cast %scan3A_128 : i32 to index
        %get3A_129 = arith.constant 0 : index
        %get3A_130 = tpu.vector_load %arg13[%get3A, %get3A_129] {strides = array<i32>} : memref<48x128xf32, #tpu.memory_space<vmem>>, vector<1x16xf32>,
        %get3A_131 = vector.shape_cast %get3A_130 : vector<1x16xf32> to vector<16xf32>
        %get3A_132 = arith.index_cast %scan3A_128 : i32 to index
        %get3A_133 = arith.constant 0 : index
        %get3A_134 = tpu.vector_load %arg15[%get3A_132, %get3A_133] {strides = array<i32>} : memref<48x128xf32, #tpu.memory_space<vmem>>, vector<1x16xf32>,
        %get3A_135 = vector.shape_cast %get3A_134 : vector<1x16xf32> to vector<16xf32>
        %add3A_136 = arith.addf %get3A_131, %get3A_135 : vector<16xf32>
        %neg3A = arith.constant 0.000000e+00 : f32
        %neg3A_137 = vector.broadcast %neg3A : f32 to vector<16xf32>
        %neg3A_138 = arith.subf %neg3A_137, %add3A_136 : vector<16xf32>
        %exp3A = math.exp %neg3A_138 : vector<16xf32>
        %add3A_139 = arith.constant 1.000000e+00 : f32
        %add3A_140 = vector.broadcast %add3A_139 : f32 to vector<16xf32>
        %add3A_141 = arith.addf %add3A_140, %exp3A : vector<16xf32>
        %div3A = arith.constant 1.000000e+00 : f32
        %div3A_142 = vector.broadcast %div3A : f32 to vector<16xf32>
        %div3A_143 = arith.divf %div3A_142, %add3A_141 : vector<16xf32>
        %get3A_144 = arith.index_cast %scan3A_128 : i32 to index
        %get3A_145 = arith.constant 0 : index
        %get3A_146 = tpu.vector_load %arg17[%get3A_144, %get3A_145] {strides = array<i32>} : memref<48x128xf32, #tpu.memory_space<vmem>>, vector<1x16xf32>,
        %get3A_147 = vector.shape_cast %get3A_146 : vector<1x16xf32> to vector<16xf32>
        %mul3A_148 = arith.mulf %div3A_143, %get3A_147 : vector<16xf32>
        %swap3A = arith.index_cast %scan3A_128 : i32 to index
        %swap3A_149 = arith.constant 0 : index
        %swap3A_150 = tpu.vector_load %arg13[%swap3A, %swap3A_149] {strides = array<i32>} : memref<48x128xf32, #tpu.memory_space<vmem>>, vector<1x16xf32>,
        %swap3A_151 = vector.shape_cast %swap3A_150 : vector<1x16xf32> to vector<16xf32>
        %swap3A_152 = vector.shape_cast %mul3A_148 : vector<16xf32> to vector<1x16xf32>
        tpu.vector_store %arg13[%swap3A, %swap3A_149], %swap3A_152 {strides = array<i32>} : memref<48x128xf32, #tpu.memory_space<vmem>>, vector<1x16xf32>,
        %get3A_153 = arith.index_cast %scan3A_128 : i32 to index
        %get3A_154 = arith.constant 16 : index
        %get3A_155 = tpu.vector_load %arg13[%get3A_153, %get3A_154] {strides = array<i32>} : memref<48x128xf32, #tpu.memory_space<vmem>>, vector<1x16xf32>,
        %get3A_156 = vector.shape_cast %get3A_155 : vector<1x16xf32> to vector<16xf32>
        %get3A_157 = arith.index_cast %scan3A_128 : i32 to index
        %get3A_158 = arith.constant 16 : index
        %get3A_159 = tpu.vector_load %arg15[%get3A_157, %get3A_158] {strides = array<i32>} : memref<48x128xf32, #tpu.memory_space<vmem>>, vector<1x16xf32>,
        %get3A_160 = vector.shape_cast %get3A_159 : vector<1x16xf32> to vector<16xf32>
        %add3A_161 = arith.addf %get3A_156, %get3A_160 : vector<16xf32>
        %neg3A_162 = arith.constant 0.000000e+00 : f32
        %neg3A_163 = vector.broadcast %neg3A_162 : f32 to vector<16xf32>
        %neg3A_164 = arith.subf %neg3A_163, %add3A_161 : vector<16xf32>
        %exp3A_165 = math.exp %neg3A_164 : vector<16xf32>
        %add3A_166 = arith.constant 1.000000e+00 : f32
        %add3A_167 = vector.broadcast %add3A_166 : f32 to vector<16xf32>
        %add3A_168 = arith.addf %add3A_167, %exp3A_165 : vector<16xf32>
        %div3A_169 = arith.constant 1.000000e+00 : f32
        %div3A_170 = vector.broadcast %div3A_169 : f32 to vector<16xf32>
        %div3A_171 = arith.divf %div3A_170, %add3A_168 : vector<16xf32>
        %get3A_172 = arith.index_cast %scan3A_128 : i32 to index
        %get3A_173 = arith.constant 16 : index
        %get3A_174 = tpu.vector_load %arg17[%get3A_172, %get3A_173] {strides = array<i32>} : memref<48x128xf32, #tpu.memory_space<vmem>>, vector<1x16xf32>,
        %get3A_175 = vector.shape_cast %get3A_174 : vector<1x16xf32> to vector<16xf32>
        %mul3A_176 = arith.mulf %div3A_171, %get3A_175 : vector<16xf32>
        %swap3A_177 = arith.index_cast %scan3A_128 : i32 to index
        %swap3A_178 = arith.constant 16 : index
        %swap3A_179 = tpu.vector_load %arg13[%swap3A_177, %swap3A_178] {strides = array<i32>} : memref<48x128xf32, #tpu.memory_space<vmem>>, vector<1x16xf32>,
        %swap3A_180 = vector.shape_cast %swap3A_179 : vector<1x16xf32> to vector<16xf32>
        %swap3A_181 = vector.shape_cast %mul3A_176 : vector<16xf32> to vector<1x16xf32>
        tpu.vector_store %arg13[%swap3A_177, %swap3A_178], %swap3A_181 {strides = array<i32>} : memref<48x128xf32, #tpu.memory_space<vmem>>, vector<1x16xf32>,
        %get3A_182 = arith.index_cast %scan3A_128 : i32 to index
        %get3A_183 = arith.constant 32 : index
        %get3A_184 = tpu.vector_load %arg13[%get3A_182, %get3A_183] {strides = array<i32>} : memref<48x128xf32, #tpu.memory_space<vmem>>, vector<1x16xf32>,
        %get3A_185 = vector.shape_cast %get3A_184 : vector<1x16xf32> to vector<16xf32>
        %get3A_186 = arith.index_cast %scan3A_128 : i32 to index
        %get3A_187 = arith.constant 32 : index
        %get3A_188 = tpu.vector_load %arg15[%get3A_186, %get3A_187] {strides = array<i32>} : memref<48x128xf32, #tpu.memory_space<vmem>>, vector<1x16xf32>,
        %get3A_189 = vector.shape_cast %get3A_188 : vector<1x16xf32> to vector<16xf32>
        %add3A_190 = arith.addf %get3A_185, %get3A_189 : vector<16xf32>
        %neg3A_191 = arith.constant 0.000000e+00 : f32
        %neg3A_192 = vector.broadcast %neg3A_191 : f32 to vector<16xf32>
        %neg3A_193 = arith.subf %neg3A_192, %add3A_190 : vector<16xf32>
        %exp3A_194 = math.exp %neg3A_193 : vector<16xf32>
        %add3A_195 = arith.constant 1.000000e+00 : f32
        %add3A_196 = vector.broadcast %add3A_195 : f32 to vector<16xf32>
        %add3A_197 = arith.addf %add3A_196, %exp3A_194 : vector<16xf32>
        %div3A_198 = arith.constant 1.000000e+00 : f32
        %div3A_199 = vector.broadcast %div3A_198 : f32 to vector<16xf32>
        %div3A_200 = arith.divf %div3A_199, %add3A_197 : vector<16xf32>
        %get3A_201 = arith.index_cast %scan3A_128 : i32 to index
        %get3A_202 = arith.constant 32 : index
        %get3A_203 = tpu.vector_load %arg17[%get3A_201, %get3A_202] {strides = array<i32>} : memref<48x128xf32, #tpu.memory_space<vmem>>, vector<1x16xf32>,
        %get3A_204 = vector.shape_cast %get3A_203 : vector<1x16xf32> to vector<16xf32>
        %mul3A_205 = arith.mulf %div3A_200, %get3A_204 : vector<16xf32>
        %swap3A_206 = arith.index_cast %scan3A_128 : i32 to index
        %swap3A_207 = arith.constant 32 : index
        %swap3A_208 = tpu.vector_load %arg13[%swap3A_206, %swap3A_207] {strides = array<i32>} : memref<48x128xf32, #tpu.memory_space<vmem>>, vector<1x16xf32>,
        %swap3A_209 = vector.shape_cast %swap3A_208 : vector<1x16xf32> to vector<16xf32>
        %swap3A_210 = vector.shape_cast %mul3A_205 : vector<16xf32> to vector<1x16xf32>
        tpu.vector_store %arg13[%swap3A_206, %swap3A_207], %swap3A_210 {strides = array<i32>} : memref<48x128xf32, #tpu.memory_space<vmem>>, vector<1x16xf32>,
        %get3A_211 = arith.index_cast %scan3A_128 : i32 to index
        %get3A_212 = arith.constant 48 : index
        %get3A_213 = tpu.vector_load %arg13[%get3A_211, %get3A_212] {strides = array<i32>} : memref<48x128xf32, #tpu.memory_space<vmem>>, vector<1x16xf32>,
        %get3A_214 = vector.shape_cast %get3A_213 : vector<1x16xf32> to vector<16xf32>
        %get3A_215 = arith.index_cast %scan3A_128 : i32 to index
        %get3A_216 = arith.constant 48 : index
        %get3A_217 = tpu.vector_load %arg15[%get3A_215, %get3A_216] {strides = array<i32>} : memref<48x128xf32, #tpu.memory_space<vmem>>, vector<1x16xf32>,
        %get3A_218 = vector.shape_cast %get3A_217 : vector<1x16xf32> to vector<16xf32>
        %add3A_219 = arith.addf %get3A_214, %get3A_218 : vector<16xf32>
        %neg3A_220 = arith.constant 0.000000e+00 : f32
        %neg3A_221 = vector.broadcast %neg3A_220 : f32 to vector<16xf32>
        %neg3A_222 = arith.subf %neg3A_221, %add3A_219 : vector<16xf32>
        %exp3A_223 = math.exp %neg3A_222 : vector<16xf32>
        %add3A_224 = arith.constant 1.000000e+00 : f32
        %add3A_225 = vector.broadcast %add3A_224 : f32 to vector<16xf32>
        %add3A_226 = arith.addf %add3A_225, %exp3A_223 : vector<16xf32>
        %div3A_227 = arith.constant 1.000000e+00 : f32
        %div3A_228 = vector.broadcast %div3A_227 : f32 to vector<16xf32>
        %div3A_229 = arith.divf %div3A_228, %add3A_226 : vector<16xf32>
        %get3A_230 = arith.index_cast %scan3A_128 : i32 to index
        %get3A_231 = arith.constant 48 : index
        %get3A_232 = tpu.vector_load %arg17[%get3A_230, %get3A_231] {strides = array<i32>} : memref<48x128xf32, #tpu.memory_space<vmem>>, vector<1x16xf32>,
        %get3A_233 = vector.shape_cast %get3A_232 : vector<1x16xf32> to vector<16xf32>
        %mul3A_234 = arith.mulf %div3A_229, %get3A_233 : vector<16xf32>
        %swap3A_235 = arith.index_cast %scan3A_128 : i32 to index
        %swap3A_236 = arith.constant 48 : index
        %swap3A_237 = tpu.vector_load %arg13[%swap3A_235, %swap3A_236] {strides = array<i32>} : memref<48x128xf32, #tpu.memory_space<vmem>>, vector<1x16xf32>,
        %swap3A_238 = vector.shape_cast %swap3A_237 : vector<1x16xf32> to vector<16xf32>
        %swap3A_239 = vector.shape_cast %mul3A_234 : vector<16xf32> to vector<1x16xf32>
        tpu.vector_store %arg13[%swap3A_235, %swap3A_236], %swap3A_239 {strides = array<i32>} : memref<48x128xf32, #tpu.memory_space<vmem>>, vector<1x16xf32>,
        %get3A_240 = arith.index_cast %scan3A_128 : i32 to index
        %get3A_241 = arith.constant 64 : index
        %get3A_242 = tpu.vector_load %arg13[%get3A_240, %get3A_241] {strides = array<i32>} : memref<48x128xf32, #tpu.memory_space<vmem>>, vector<1x16xf32>,
        %get3A_243 = vector.shape_cast %get3A_242 : vector<1x16xf32> to vector<16xf32>
        %get3A_244 = arith.index_cast %scan3A_128 : i32 to index
        %get3A_245 = arith.constant 64 : index
        %get3A_246 = tpu.vector_load %arg15[%get3A_244, %get3A_245] {strides = array<i32>} : memref<48x128xf32, #tpu.memory_space<vmem>>, vector<1x16xf32>,
        %get3A_247 = vector.shape_cast %get3A_246 : vector<1x16xf32> to vector<16xf32>
        %add3A_248 = arith.addf %get3A_243, %get3A_247 : vector<16xf32>
        %neg3A_249 = arith.constant 0.000000e+00 : f32
        %neg3A_250 = vector.broadcast %neg3A_249 : f32 to vector<16xf32>
        %neg3A_251 = arith.subf %neg3A_250, %add3A_248 : vector<16xf32>
        %exp3A_252 = math.exp %neg3A_251 : vector<16xf32>
        %add3A_253 = arith.constant 1.000000e+00 : f32
        %add3A_254 = vector.broadcast %add3A_253 : f32 to vector<16xf32>
        %add3A_255 = arith.addf %add3A_254, %exp3A_252 : vector<16xf32>
        %div3A_256 = arith.constant 1.000000e+00 : f32
        %div3A_257 = vector.broadcast %div3A_256 : f32 to vector<16xf32>
        %div3A_258 = arith.divf %div3A_257, %add3A_255 : vector<16xf32>
        %get3A_259 = arith.index_cast %scan3A_128 : i32 to index
        %get3A_260 = arith.constant 64 : index
        %get3A_261 = tpu.vector_load %arg17[%get3A_259, %get3A_260] {strides = array<i32>} : memref<48x128xf32, #tpu.memory_space<vmem>>, vector<1x16xf32>,
        %get3A_262 = vector.shape_cast %get3A_261 : vector<1x16xf32> to vector<16xf32>
        %mul3A_263 = arith.mulf %div3A_258, %get3A_262 : vector<16xf32>
        %swap3A_264 = arith.index_cast %scan3A_128 : i32 to index
        %swap3A_265 = arith.constant 64 : index
        %swap3A_266 = tpu.vector_load %arg13[%swap3A_264, %swap3A_265] {strides = array<i32>} : memref<48x128xf32, #tpu.memory_space<vmem>>, vector<1x16xf32>,
        %swap3A_267 = vector.shape_cast %swap3A_266 : vector<1x16xf32> to vector<16xf32>
        %swap3A_268 = vector.shape_cast %mul3A_263 : vector<16xf32> to vector<1x16xf32>
        tpu.vector_store %arg13[%swap3A_264, %swap3A_265], %swap3A_268 {strides = array<i32>} : memref<48x128xf32, #tpu.memory_space<vmem>>, vector<1x16xf32>,
        %get3A_269 = arith.index_cast %scan3A_128 : i32 to index
        %get3A_270 = arith.constant 80 : index
        %get3A_271 = tpu.vector_load %arg13[%get3A_269, %get3A_270] {strides = array<i32>} : memref<48x128xf32, #tpu.memory_space<vmem>>, vector<1x16xf32>,
        %get3A_272 = vector.shape_cast %get3A_271 : vector<1x16xf32> to vector<16xf32>
        %get3A_273 = arith.index_cast %scan3A_128 : i32 to index
        %get3A_274 = arith.constant 80 : index
        %get3A_275 = tpu.vector_load %arg15[%get3A_273, %get3A_274] {strides = array<i32>} : memref<48x128xf32, #tpu.memory_space<vmem>>, vector<1x16xf32>,
        %get3A_276 = vector.shape_cast %get3A_275 : vector<1x16xf32> to vector<16xf32>
        %add3A_277 = arith.addf %get3A_272, %get3A_276 : vector<16xf32>
        %neg3A_278 = arith.constant 0.000000e+00 : f32
        %neg3A_279 = vector.broadcast %neg3A_278 : f32 to vector<16xf32>
        %neg3A_280 = arith.subf %neg3A_279, %add3A_277 : vector<16xf32>
        %exp3A_281 = math.exp %neg3A_280 : vector<16xf32>
        %add3A_282 = arith.constant 1.000000e+00 : f32
        %add3A_283 = vector.broadcast %add3A_282 : f32 to vector<16xf32>
        %add3A_284 = arith.addf %add3A_283, %exp3A_281 : vector<16xf32>
        %div3A_285 = arith.constant 1.000000e+00 : f32
        %div3A_286 = vector.broadcast %div3A_285 : f32 to vector<16xf32>
        %div3A_287 = arith.divf %div3A_286, %add3A_284 : vector<16xf32>
        %get3A_288 = arith.index_cast %scan3A_128 : i32 to index
        %get3A_289 = arith.constant 80 : index
        %get3A_290 = tpu.vector_load %arg17[%get3A_288, %get3A_289] {strides = array<i32>} : memref<48x128xf32, #tpu.memory_space<vmem>>, vector<1x16xf32>,
        %get3A_291 = vector.shape_cast %get3A_290 : vector<1x16xf32> to vector<16xf32>
        %mul3A_292 = arith.mulf %div3A_287, %get3A_291 : vector<16xf32>
        %swap3A_293 = arith.index_cast %scan3A_128 : i32 to index
        %swap3A_294 = arith.constant 80 : index
        %swap3A_295 = tpu.vector_load %arg13[%swap3A_293, %swap3A_294] {strides = array<i32>} : memref<48x128xf32, #tpu.memory_space<vmem>>, vector<1x16xf32>,
        %swap3A_296 = vector.shape_cast %swap3A_295 : vector<1x16xf32> to vector<16xf32>
        %swap3A_297 = vector.shape_cast %mul3A_292 : vector<16xf32> to vector<1x16xf32>
        tpu.vector_store %arg13[%swap3A_293, %swap3A_294], %swap3A_297 {strides = array<i32>} : memref<48x128xf32, #tpu.memory_space<vmem>>, vector<1x16xf32>,
        %get3A_298 = arith.index_cast %scan3A_128 : i32 to index
        %get3A_299 = arith.constant 96 : index
        %get3A_300 = tpu.vector_load %arg13[%get3A_298, %get3A_299] {strides = array<i32>} : memref<48x128xf32, #tpu.memory_space<vmem>>, vector<1x16xf32>,
        %get3A_301 = vector.shape_cast %get3A_300 : vector<1x16xf32> to vector<16xf32>
        %get3A_302 = arith.index_cast %scan3A_128 : i32 to index
        %get3A_303 = arith.constant 96 : index
        %get3A_304 = tpu.vector_load %arg15[%get3A_302, %get3A_303] {strides = array<i32>} : memref<48x128xf32, #tpu.memory_space<vmem>>, vector<1x16xf32>,
        %get3A_305 = vector.shape_cast %get3A_304 : vector<1x16xf32> to vector<16xf32>
        %add3A_306 = arith.addf %get3A_301, %get3A_305 : vector<16xf32>
        %neg3A_307 = arith.constant 0.000000e+00 : f32
        %neg3A_308 = vector.broadcast %neg3A_307 : f32 to vector<16xf32>
        %neg3A_309 = arith.subf %neg3A_308, %add3A_306 : vector<16xf32>
        %exp3A_310 = math.exp %neg3A_309 : vector<16xf32>
        %add3A_311 = arith.constant 1.000000e+00 : f32
        %add3A_312 = vector.broadcast %add3A_311 : f32 to vector<16xf32>
        %add3A_313 = arith.addf %add3A_312, %exp3A_310 : vector<16xf32>
        %div3A_314 = arith.constant 1.000000e+00 : f32
        %div3A_315 = vector.broadcast %div3A_314 : f32 to vector<16xf32>
        %div3A_316 = arith.divf %div3A_315, %add3A_313 : vector<16xf32>
        %get3A_317 = arith.index_cast %scan3A_128 : i32 to index
        %get3A_318 = arith.constant 96 : index
        %get3A_319 = tpu.vector_load %arg17[%get3A_317, %get3A_318] {strides = array<i32>} : memref<48x128xf32, #tpu.memory_space<vmem>>, vector<1x16xf32>,
        %get3A_320 = vector.shape_cast %get3A_319 : vector<1x16xf32> to vector<16xf32>
        %mul3A_321 = arith.mulf %div3A_316, %get3A_320 : vector<16xf32>
        %swap3A_322 = arith.index_cast %scan3A_128 : i32 to index
        %swap3A_323 = arith.constant 96 : index
        %swap3A_324 = tpu.vector_load %arg13[%swap3A_322, %swap3A_323] {strides = array<i32>} : memref<48x128xf32, #tpu.memory_space<vmem>>, vector<1x16xf32>,
        %swap3A_325 = vector.shape_cast %swap3A_324 : vector<1x16xf32> to vector<16xf32>
        %swap3A_326 = vector.shape_cast %mul3A_321 : vector<16xf32> to vector<1x16xf32>
        tpu.vector_store %arg13[%swap3A_322, %swap3A_323], %swap3A_326 {strides = array<i32>} : memref<48x128xf32, #tpu.memory_space<vmem>>, vector<1x16xf32>,
        %get3A_327 = arith.index_cast %scan3A_128 : i32 to index
        %get3A_328 = arith.constant 112 : index
        %get3A_329 = tpu.vector_load %arg13[%get3A_327, %get3A_328] {strides = array<i32>} : memref<48x128xf32, #tpu.memory_space<vmem>>, vector<1x16xf32>,
        %get3A_330 = vector.shape_cast %get3A_329 : vector<1x16xf32> to vector<16xf32>
        %get3A_331 = arith.index_cast %scan3A_128 : i32 to index
        %get3A_332 = arith.constant 112 : index
        %get3A_333 = tpu.vector_load %arg15[%get3A_331, %get3A_332] {strides = array<i32>} : memref<48x128xf32, #tpu.memory_space<vmem>>, vector<1x16xf32>,
        %get3A_334 = vector.shape_cast %get3A_333 : vector<1x16xf32> to vector<16xf32>
        %add3A_335 = arith.addf %get3A_330, %get3A_334 : vector<16xf32>
        %neg3A_336 = arith.constant 0.000000e+00 : f32
        %neg3A_337 = vector.broadcast %neg3A_336 : f32 to vector<16xf32>
        %neg3A_338 = arith.subf %neg3A_337, %add3A_335 : vector<16xf32>
        %exp3A_339 = math.exp %neg3A_338 : vector<16xf32>
        %add3A_340 = arith.constant 1.000000e+00 : f32
        %add3A_341 = vector.broadcast %add3A_340 : f32 to vector<16xf32>
        %add3A_342 = arith.addf %add3A_341, %exp3A_339 : vector<16xf32>
        %div3A_343 = arith.constant 1.000000e+00 : f32
        %div3A_344 = vector.broadcast %div3A_343 : f32 to vector<16xf32>
        %div3A_345 = arith.divf %div3A_344, %add3A_342 : vector<16xf32>
        %get3A_346 = arith.index_cast %scan3A_128 : i32 to index
        %get3A_347 = arith.constant 112 : index
        %get3A_348 = tpu.vector_load %arg17[%get3A_346, %get3A_347] {strides = array<i32>} : memref<48x128xf32, #tpu.memory_space<vmem>>, vector<1x16xf32>,
        %get3A_349 = vector.shape_cast %get3A_348 : vector<1x16xf32> to vector<16xf32>
        %mul3A_350 = arith.mulf %div3A_345, %get3A_349 : vector<16xf32>
        %swap3A_351 = arith.index_cast %scan3A_128 : i32 to index
        %swap3A_352 = arith.constant 112 : index
        %swap3A_353 = tpu.vector_load %arg13[%swap3A_351, %swap3A_352] {strides = array<i32>} : memref<48x128xf32, #tpu.memory_space<vmem>>, vector<1x16xf32>,
        %swap3A_354 = vector.shape_cast %swap3A_353 : vector<1x16xf32> to vector<16xf32>
        %swap3A_355 = vector.shape_cast %mul3A_350 : vector<16xf32> to vector<1x16xf32>
        tpu.vector_store %arg13[%swap3A_351, %swap3A_352], %swap3A_355 {strides = array<i32>} : memref<48x128xf32, #tpu.memory_space<vmem>>, vector<1x16xf32>,
      }
      %scan3A_94 = arith.constant 48 : i32
      "tpu.region"() ({
        %run_scoped3A = tpu.sem_alloc : memref<!tpu.dma_semaphore, #tpu.memory_space<semaphore_mem>>
        %dma_start3A_128 = arith.constant 0 : i32
        %dma_start3A_129 = arith.constant 0 : i32
        %dma_start3A_130 = tpu.memref_slice %arg19[%dma_start3A_128, %dma_start3A_129] : memref<10240x128xf32, #tpu.memory_space<vmem_shared>> -> memref<10240x128xf32, #tpu.memory_space<vmem_shared>>
        tpu.enqueue_indirect_dma source(%arg13 : memref<48x128xf32, #tpu.memory_space<vmem>>) target(%dma_start3A_130 : memref<10240x128xf32, #tpu.memory_space<vmem_shared>>) offsets(%arg11 : memref<48xi32, #tpu.memory_space<vmem>>) semaphore(%run_scoped3A : memref<!tpu.dma_semaphore, #tpu.memory_space<semaphore_mem>>) {add = true}
        %dma_wait3A_131 = arith.constant 0 : i32
        %dma_wait3A_132 = arith.constant 0 : i32
        %dma_wait3A_133 = tpu.memref_slice %arg19[%dma_wait3A_131, %dma_wait3A_132] : memref<10240x128xf32, #tpu.memory_space<vmem_shared>> -> memref<10240x128xf32, #tpu.memory_space<vmem_shared>>
        tpu.wait_indirect_dma semaphore(%run_scoped3A : memref<!tpu.dma_semaphore, #tpu.memory_space<semaphore_mem>>) src(%arg13 : memref<48x128xf32, #tpu.memory_space<vmem>>) dst(%dma_wait3A_133 : memref<10240x128xf32, #tpu.memory_space<vmem_shared>>)
        tpu.yield
      }) : () -> ()
      %mul3A_95 = arith.constant 2 : i32
      %mul3A_96 = arith.muli %mul3A_95, %scan3A_61 : i32
      %add3A_97 = arith.constant 1 : i32
      %add3A_98 = arith.addi %mul3A_96, %add3A_97 : i32
      %add3A_99 = arith.constant 1 : i32
      %add3A_100 = arith.addi %add3A_98, %add3A_99 : i32
      %mul3A_101 = arith.constant 48 : i32
      %mul3A_102 = arith.muli %add3A_100, %mul3A_101 : i32
      %add3A_103 = arith.addi %mul3A_4, %mul3A_102 : i32
      "tpu.region"() ({
        %run_scoped3A = tpu.sem_alloc : memref<!tpu.dma_semaphore, #tpu.memory_space<semaphore_mem>>
        %dma_start3A_128 = tpu.memref_slice %arg5[%add3A_103] : memref<322560xi32, #tpu.memory_space<hbm>> -> memref<48xi32, #tpu.memory_space<hbm>>
        %dma_start3A_129 = tpu.memref_slice %arg5[%add3A_103] : memref<322560xi32, #tpu.memory_space<hbm>> -> memref<48xi32, #tpu.memory_space<hbm>>
        tpu.enqueue_dma source(%dma_start3A_129 : memref<48xi32, #tpu.memory_space<hbm>>) target(%arg9 : memref<48xi32, #tpu.memory_space<vmem>>) target_semaphore(%run_scoped3A : memref<!tpu.dma_semaphore, #tpu.memory_space<semaphore_mem>>)
        %dma_wait3A_130 = tpu.memref_slice %arg5[%add3A_103] : memref<322560xi32, #tpu.memory_space<hbm>> -> memref<48xi32, #tpu.memory_space<hbm>>
        %dma_wait3A_131 = tpu.memref_slice %arg5[%add3A_103] : memref<322560xi32, #tpu.memory_space<hbm>> -> memref<48xi32, #tpu.memory_space<hbm>>
        tpu.wait_dma2 semaphore(%run_scoped3A : memref<!tpu.dma_semaphore, #tpu.memory_space<semaphore_mem>>) src(%dma_wait3A_131 : memref<48xi32, #tpu.memory_space<hbm>>) dst(%arg9 : memref<48xi32, #tpu.memory_space<vmem>>)
        tpu.yield
      }) : () -> ()
      "tpu.region"() ({
        %run_scoped3A = tpu.sem_alloc : memref<!tpu.dma_semaphore, #tpu.memory_space<semaphore_mem>>
        %dma_start3A_128 = tpu.memref_slice %arg6[%add3A_103] : memref<322560xi32, #tpu.memory_space<hbm>> -> memref<48xi32, #tpu.memory_space<hbm>>
        %dma_start3A_129 = tpu.memref_slice %arg6[%add3A_103] : memref<322560xi32, #tpu.memory_space<hbm>> -> memref<48xi32, #tpu.memory_space<hbm>>
        tpu.enqueue_dma source(%dma_start3A_129 : memref<48xi32, #tpu.memory_space<hbm>>) target(%arg11 : memref<48xi32, #tpu.memory_space<vmem>>) target_semaphore(%run_scoped3A : memref<!tpu.dma_semaphore, #tpu.memory_space<semaphore_mem>>)
        %dma_wait3A_130 = tpu.memref_slice %arg6[%add3A_103] : memref<322560xi32, #tpu.memory_space<hbm>> -> memref<48xi32, #tpu.memory_space<hbm>>
        %dma_wait3A_131 = tpu.memref_slice %arg6[%add3A_103] : memref<322560xi32, #tpu.memory_space<hbm>> -> memref<48xi32, #tpu.memory_space<hbm>>
        tpu.wait_dma2 semaphore(%run_scoped3A : memref<!tpu.dma_semaphore, #tpu.memory_space<semaphore_mem>>) src(%dma_wait3A_131 : memref<48xi32, #tpu.memory_space<hbm>>) dst(%arg11 : memref<48xi32, #tpu.memory_space<vmem>>)
        tpu.yield
      }) : () -> ()
      %dma_start3A_104 = arith.constant 0 : i32
      %dma_start3A_105 = arith.constant 0 : i32
      %dma_start3A_106 = tpu.memref_slice %arg2[%dma_start3A_104, %dma_start3A_105] : memref<10080x128xf32, #tpu.memory_space<hbm>> -> memref<10080x128xf32, #tpu.memory_space<hbm>>
      tpu.enqueue_indirect_dma source(%dma_start3A_106 : memref<10080x128xf32, #tpu.memory_space<hbm>>) target(%arg13 : memref<48x128xf32, #tpu.memory_space<vmem>>) offsets(%arg11 : memref<48xi32, #tpu.memory_space<vmem>>) semaphore(%arg20 : memref<!tpu.dma_semaphore, #tpu.memory_space<semaphore_mem>>)
      %dma_start3A_107 = arith.constant 0 : i32
      %dma_start3A_108 = arith.constant 0 : i32
      %dma_start3A_109 = tpu.memref_slice %arg3[%dma_start3A_107, %dma_start3A_108] : memref<10080x128xf32, #tpu.memory_space<hbm>> -> memref<10080x128xf32, #tpu.memory_space<hbm>>
      tpu.enqueue_indirect_dma source(%dma_start3A_109 : memref<10080x128xf32, #tpu.memory_space<hbm>>) target(%arg15 : memref<48x128xf32, #tpu.memory_space<vmem>>) offsets(%arg9 : memref<48xi32, #tpu.memory_space<vmem>>) semaphore(%arg21 : memref<!tpu.dma_semaphore, #tpu.memory_space<semaphore_mem>>)
      %dma_start3A_110 = arith.constant 0 : i32
      %dma_start3A_111 = arith.constant 0 : i32
      %dma_start3A_112 = tpu.memref_slice %arg4[%dma_start3A_110, %dma_start3A_111] : memref<10080x128xf32, #tpu.memory_space<hbm>> -> memref<10080x128xf32, #tpu.memory_space<hbm>>
      tpu.enqueue_indirect_dma source(%dma_start3A_112 : memref<10080x128xf32, #tpu.memory_space<hbm>>) target(%arg17 : memref<48x128xf32, #tpu.memory_space<vmem>>) offsets(%arg9 : memref<48xi32, #tpu.memory_space<vmem>>) semaphore(%arg22 : memref<!tpu.dma_semaphore, #tpu.memory_space<semaphore_mem>>)
      %dma_wait3A_113 = arith.constant 0 : i32
      %dma_wait3A_114 = arith.constant 0 : i32
      %dma_wait3A_115 = tpu.memref_slice %arg2[%dma_wait3A_113, %dma_wait3A_114] : memref<10080x128xf32, #tpu.memory_space<hbm>> -> memref<10080x128xf32, #tpu.memory_space<hbm>>
      tpu.wait_indirect_dma semaphore(%arg23 : memref<!tpu.dma_semaphore, #tpu.memory_space<semaphore_mem>>) src(%dma_wait3A_115 : memref<10080x128xf32, #tpu.memory_space<hbm>>) dst(%arg14 : memref<48x128xf32, #tpu.memory_space<vmem>>)
      %dma_wait3A_116 = arith.constant 0 : i32
      %dma_wait3A_117 = arith.constant 0 : i32
      %dma_wait3A_118 = tpu.memref_slice %arg3[%dma_wait3A_116, %dma_wait3A_117] : memref<10080x128xf32, #tpu.memory_space<hbm>> -> memref<10080x128xf32, #tpu.memory_space<hbm>>
      tpu.wait_indirect_dma semaphore(%arg24 : memref<!tpu.dma_semaphore, #tpu.memory_space<semaphore_mem>>) src(%dma_wait3A_118 : memref<10080x128xf32, #tpu.memory_space<hbm>>) dst(%arg16 : memref<48x128xf32, #tpu.memory_space<vmem>>)
      %dma_wait3A_119 = arith.constant 0 : i32
      %dma_wait3A_120 = arith.constant 0 : i32
      %dma_wait3A_121 = tpu.memref_slice %arg4[%dma_wait3A_119, %dma_wait3A_120] : memref<10080x128xf32, #tpu.memory_space<hbm>> -> memref<10080x128xf32, #tpu.memory_space<hbm>>
      tpu.wait_indirect_dma semaphore(%arg25 : memref<!tpu.dma_semaphore, #tpu.memory_space<semaphore_mem>>) src(%dma_wait3A_121 : memref<10080x128xf32, #tpu.memory_space<hbm>>) dst(%arg18 : memref<48x128xf32, #tpu.memory_space<vmem>>)
      %scan3A_122 = arith.constant 0 : i32
      %scan3A_123 = arith.constant 0 : i32
      %scan3A_124 = arith.constant 48 : i32
      %scan3A_125 = arith.addi %scan3A_123, %scan3A_124 : i32
      %scan3A_126 = arith.constant 1 : i32
      scf.for %scan3A_128 = %scan3A_123 to %scan3A_125 step %scan3A_126  : i32 {
        %get3A = arith.index_cast %scan3A_128 : i32 to index
        %get3A_129 = arith.constant 0 : index
        %get3A_130 = tpu.vector_load %arg14[%get3A, %get3A_129] {strides = array<i32>} : memref<48x128xf32, #tpu.memory_space<vmem>>, vector<1x16xf32>,
        %get3A_131 = vector.shape_cast %get3A_130 : vector<1x16xf32> to vector<16xf32>
        %get3A_132 = arith.index_cast %scan3A_128 : i32 to index
        %get3A_133 = arith.constant 0 : index
        %get3A_134 = tpu.vector_load %arg16[%get3A_132, %get3A_133] {strides = array<i32>} : memref<48x128xf32, #tpu.memory_space<vmem>>, vector<1x16xf32>,
        %get3A_135 = vector.shape_cast %get3A_134 : vector<1x16xf32> to vector<16xf32>
        %add3A_136 = arith.addf %get3A_131, %get3A_135 : vector<16xf32>
        %neg3A = arith.constant 0.000000e+00 : f32
        %neg3A_137 = vector.broadcast %neg3A : f32 to vector<16xf32>
        %neg3A_138 = arith.subf %neg3A_137, %add3A_136 : vector<16xf32>
        %exp3A = math.exp %neg3A_138 : vector<16xf32>
        %add3A_139 = arith.constant 1.000000e+00 : f32
        %add3A_140 = vector.broadcast %add3A_139 : f32 to vector<16xf32>
        %add3A_141 = arith.addf %add3A_140, %exp3A : vector<16xf32>
        %div3A = arith.constant 1.000000e+00 : f32
        %div3A_142 = vector.broadcast %div3A : f32 to vector<16xf32>
        %div3A_143 = arith.divf %div3A_142, %add3A_141 : vector<16xf32>
        %get3A_144 = arith.index_cast %scan3A_128 : i32 to index
        %get3A_145 = arith.constant 0 : index
        %get3A_146 = tpu.vector_load %arg18[%get3A_144, %get3A_145] {strides = array<i32>} : memref<48x128xf32, #tpu.memory_space<vmem>>, vector<1x16xf32>,
        %get3A_147 = vector.shape_cast %get3A_146 : vector<1x16xf32> to vector<16xf32>
        %mul3A_148 = arith.mulf %div3A_143, %get3A_147 : vector<16xf32>
        %swap3A = arith.index_cast %scan3A_128 : i32 to index
        %swap3A_149 = arith.constant 0 : index
        %swap3A_150 = tpu.vector_load %arg14[%swap3A, %swap3A_149] {strides = array<i32>} : memref<48x128xf32, #tpu.memory_space<vmem>>, vector<1x16xf32>,
        %swap3A_151 = vector.shape_cast %swap3A_150 : vector<1x16xf32> to vector<16xf32>
        %swap3A_152 = vector.shape_cast %mul3A_148 : vector<16xf32> to vector<1x16xf32>
        tpu.vector_store %arg14[%swap3A, %swap3A_149], %swap3A_152 {strides = array<i32>} : memref<48x128xf32, #tpu.memory_space<vmem>>, vector<1x16xf32>,
        %get3A_153 = arith.index_cast %scan3A_128 : i32 to index
        %get3A_154 = arith.constant 16 : index
        %get3A_155 = tpu.vector_load %arg14[%get3A_153, %get3A_154] {strides = array<i32>} : memref<48x128xf32, #tpu.memory_space<vmem>>, vector<1x16xf32>,
        %get3A_156 = vector.shape_cast %get3A_155 : vector<1x16xf32> to vector<16xf32>
        %get3A_157 = arith.index_cast %scan3A_128 : i32 to index
        %get3A_158 = arith.constant 16 : index
        %get3A_159 = tpu.vector_load %arg16[%get3A_157, %get3A_158] {strides = array<i32>} : memref<48x128xf32, #tpu.memory_space<vmem>>, vector<1x16xf32>,
        %get3A_160 = vector.shape_cast %get3A_159 : vector<1x16xf32> to vector<16xf32>
        %add3A_161 = arith.addf %get3A_156, %get3A_160 : vector<16xf32>
        %neg3A_162 = arith.constant 0.000000e+00 : f32
        %neg3A_163 = vector.broadcast %neg3A_162 : f32 to vector<16xf32>
        %neg3A_164 = arith.subf %neg3A_163, %add3A_161 : vector<16xf32>
        %exp3A_165 = math.exp %neg3A_164 : vector<16xf32>
        %add3A_166 = arith.constant 1.000000e+00 : f32
        %add3A_167 = vector.broadcast %add3A_166 : f32 to vector<16xf32>
        %add3A_168 = arith.addf %add3A_167, %exp3A_165 : vector<16xf32>
        %div3A_169 = arith.constant 1.000000e+00 : f32
        %div3A_170 = vector.broadcast %div3A_169 : f32 to vector<16xf32>
        %div3A_171 = arith.divf %div3A_170, %add3A_168 : vector<16xf32>
        %get3A_172 = arith.index_cast %scan3A_128 : i32 to index
        %get3A_173 = arith.constant 16 : index
        %get3A_174 = tpu.vector_load %arg18[%get3A_172, %get3A_173] {strides = array<i32>} : memref<48x128xf32, #tpu.memory_space<vmem>>, vector<1x16xf32>,
        %get3A_175 = vector.shape_cast %get3A_174 : vector<1x16xf32> to vector<16xf32>
        %mul3A_176 = arith.mulf %div3A_171, %get3A_175 : vector<16xf32>
        %swap3A_177 = arith.index_cast %scan3A_128 : i32 to index
        %swap3A_178 = arith.constant 16 : index
        %swap3A_179 = tpu.vector_load %arg14[%swap3A_177, %swap3A_178] {strides = array<i32>} : memref<48x128xf32, #tpu.memory_space<vmem>>, vector<1x16xf32>,
        %swap3A_180 = vector.shape_cast %swap3A_179 : vector<1x16xf32> to vector<16xf32>
        %swap3A_181 = vector.shape_cast %mul3A_176 : vector<16xf32> to vector<1x16xf32>
        tpu.vector_store %arg14[%swap3A_177, %swap3A_178], %swap3A_181 {strides = array<i32>} : memref<48x128xf32, #tpu.memory_space<vmem>>, vector<1x16xf32>,
        %get3A_182 = arith.index_cast %scan3A_128 : i32 to index
        %get3A_183 = arith.constant 32 : index
        %get3A_184 = tpu.vector_load %arg14[%get3A_182, %get3A_183] {strides = array<i32>} : memref<48x128xf32, #tpu.memory_space<vmem>>, vector<1x16xf32>,
        %get3A_185 = vector.shape_cast %get3A_184 : vector<1x16xf32> to vector<16xf32>
        %get3A_186 = arith.index_cast %scan3A_128 : i32 to index
        %get3A_187 = arith.constant 32 : index
        %get3A_188 = tpu.vector_load %arg16[%get3A_186, %get3A_187] {strides = array<i32>} : memref<48x128xf32, #tpu.memory_space<vmem>>, vector<1x16xf32>,
        %get3A_189 = vector.shape_cast %get3A_188 : vector<1x16xf32> to vector<16xf32>
        %add3A_190 = arith.addf %get3A_185, %get3A_189 : vector<16xf32>
        %neg3A_191 = arith.constant 0.000000e+00 : f32
        %neg3A_192 = vector.broadcast %neg3A_191 : f32 to vector<16xf32>
        %neg3A_193 = arith.subf %neg3A_192, %add3A_190 : vector<16xf32>
        %exp3A_194 = math.exp %neg3A_193 : vector<16xf32>
        %add3A_195 = arith.constant 1.000000e+00 : f32
        %add3A_196 = vector.broadcast %add3A_195 : f32 to vector<16xf32>
        %add3A_197 = arith.addf %add3A_196, %exp3A_194 : vector<16xf32>
        %div3A_198 = arith.constant 1.000000e+00 : f32
        %div3A_199 = vector.broadcast %div3A_198 : f32 to vector<16xf32>
        %div3A_200 = arith.divf %div3A_199, %add3A_197 : vector<16xf32>
        %get3A_201 = arith.index_cast %scan3A_128 : i32 to index
        %get3A_202 = arith.constant 32 : index
        %get3A_203 = tpu.vector_load %arg18[%get3A_201, %get3A_202] {strides = array<i32>} : memref<48x128xf32, #tpu.memory_space<vmem>>, vector<1x16xf32>,
        %get3A_204 = vector.shape_cast %get3A_203 : vector<1x16xf32> to vector<16xf32>
        %mul3A_205 = arith.mulf %div3A_200, %get3A_204 : vector<16xf32>
        %swap3A_206 = arith.index_cast %scan3A_128 : i32 to index
        %swap3A_207 = arith.constant 32 : index
        %swap3A_208 = tpu.vector_load %arg14[%swap3A_206, %swap3A_207] {strides = array<i32>} : memref<48x128xf32, #tpu.memory_space<vmem>>, vector<1x16xf32>,
        %swap3A_209 = vector.shape_cast %swap3A_208 : vector<1x16xf32> to vector<16xf32>
        %swap3A_210 = vector.shape_cast %mul3A_205 : vector<16xf32> to vector<1x16xf32>
        tpu.vector_store %arg14[%swap3A_206, %swap3A_207], %swap3A_210 {strides = array<i32>} : memref<48x128xf32, #tpu.memory_space<vmem>>, vector<1x16xf32>,
        %get3A_211 = arith.index_cast %scan3A_128 : i32 to index
        %get3A_212 = arith.constant 48 : index
        %get3A_213 = tpu.vector_load %arg14[%get3A_211, %get3A_212] {strides = array<i32>} : memref<48x128xf32, #tpu.memory_space<vmem>>, vector<1x16xf32>,
        %get3A_214 = vector.shape_cast %get3A_213 : vector<1x16xf32> to vector<16xf32>
        %get3A_215 = arith.index_cast %scan3A_128 : i32 to index
        %get3A_216 = arith.constant 48 : index
        %get3A_217 = tpu.vector_load %arg16[%get3A_215, %get3A_216] {strides = array<i32>} : memref<48x128xf32, #tpu.memory_space<vmem>>, vector<1x16xf32>,
        %get3A_218 = vector.shape_cast %get3A_217 : vector<1x16xf32> to vector<16xf32>
        %add3A_219 = arith.addf %get3A_214, %get3A_218 : vector<16xf32>
        %neg3A_220 = arith.constant 0.000000e+00 : f32
        %neg3A_221 = vector.broadcast %neg3A_220 : f32 to vector<16xf32>
        %neg3A_222 = arith.subf %neg3A_221, %add3A_219 : vector<16xf32>
        %exp3A_223 = math.exp %neg3A_222 : vector<16xf32>
        %add3A_224 = arith.constant 1.000000e+00 : f32
        %add3A_225 = vector.broadcast %add3A_224 : f32 to vector<16xf32>
        %add3A_226 = arith.addf %add3A_225, %exp3A_223 : vector<16xf32>
        %div3A_227 = arith.constant 1.000000e+00 : f32
        %div3A_228 = vector.broadcast %div3A_227 : f32 to vector<16xf32>
        %div3A_229 = arith.divf %div3A_228, %add3A_226 : vector<16xf32>
        %get3A_230 = arith.index_cast %scan3A_128 : i32 to index
        %get3A_231 = arith.constant 48 : index
        %get3A_232 = tpu.vector_load %arg18[%get3A_230, %get3A_231] {strides = array<i32>} : memref<48x128xf32, #tpu.memory_space<vmem>>, vector<1x16xf32>,
        %get3A_233 = vector.shape_cast %get3A_232 : vector<1x16xf32> to vector<16xf32>
        %mul3A_234 = arith.mulf %div3A_229, %get3A_233 : vector<16xf32>
        %swap3A_235 = arith.index_cast %scan3A_128 : i32 to index
        %swap3A_236 = arith.constant 48 : index
        %swap3A_237 = tpu.vector_load %arg14[%swap3A_235, %swap3A_236] {strides = array<i32>} : memref<48x128xf32, #tpu.memory_space<vmem>>, vector<1x16xf32>,
        %swap3A_238 = vector.shape_cast %swap3A_237 : vector<1x16xf32> to vector<16xf32>
        %swap3A_239 = vector.shape_cast %mul3A_234 : vector<16xf32> to vector<1x16xf32>
        tpu.vector_store %arg14[%swap3A_235, %swap3A_236], %swap3A_239 {strides = array<i32>} : memref<48x128xf32, #tpu.memory_space<vmem>>, vector<1x16xf32>,
        %get3A_240 = arith.index_cast %scan3A_128 : i32 to index
        %get3A_241 = arith.constant 64 : index
        %get3A_242 = tpu.vector_load %arg14[%get3A_240, %get3A_241] {strides = array<i32>} : memref<48x128xf32, #tpu.memory_space<vmem>>, vector<1x16xf32>,
        %get3A_243 = vector.shape_cast %get3A_242 : vector<1x16xf32> to vector<16xf32>
        %get3A_244 = arith.index_cast %scan3A_128 : i32 to index
        %get3A_245 = arith.constant 64 : index
        %get3A_246 = tpu.vector_load %arg16[%get3A_244, %get3A_245] {strides = array<i32>} : memref<48x128xf32, #tpu.memory_space<vmem>>, vector<1x16xf32>,
        %get3A_247 = vector.shape_cast %get3A_246 : vector<1x16xf32> to vector<16xf32>
        %add3A_248 = arith.addf %get3A_243, %get3A_247 : vector<16xf32>
        %neg3A_249 = arith.constant 0.000000e+00 : f32
        %neg3A_250 = vector.broadcast %neg3A_249 : f32 to vector<16xf32>
        %neg3A_251 = arith.subf %neg3A_250, %add3A_248 : vector<16xf32>
        %exp3A_252 = math.exp %neg3A_251 : vector<16xf32>
        %add3A_253 = arith.constant 1.000000e+00 : f32
        %add3A_254 = vector.broadcast %add3A_253 : f32 to vector<16xf32>
        %add3A_255 = arith.addf %add3A_254, %exp3A_252 : vector<16xf32>
        %div3A_256 = arith.constant 1.000000e+00 : f32
        %div3A_257 = vector.broadcast %div3A_256 : f32 to vector<16xf32>
        %div3A_258 = arith.divf %div3A_257, %add3A_255 : vector<16xf32>
        %get3A_259 = arith.index_cast %scan3A_128 : i32 to index
        %get3A_260 = arith.constant 64 : index
        %get3A_261 = tpu.vector_load %arg18[%get3A_259, %get3A_260] {strides = array<i32>} : memref<48x128xf32, #tpu.memory_space<vmem>>, vector<1x16xf32>,
        %get3A_262 = vector.shape_cast %get3A_261 : vector<1x16xf32> to vector<16xf32>
        %mul3A_263 = arith.mulf %div3A_258, %get3A_262 : vector<16xf32>
        %swap3A_264 = arith.index_cast %scan3A_128 : i32 to index
        %swap3A_265 = arith.constant 64 : index
        %swap3A_266 = tpu.vector_load %arg14[%swap3A_264, %swap3A_265] {strides = array<i32>} : memref<48x128xf32, #tpu.memory_space<vmem>>, vector<1x16xf32>,
        %swap3A_267 = vector.shape_cast %swap3A_266 : vector<1x16xf32> to vector<16xf32>
        %swap3A_268 = vector.shape_cast %mul3A_263 : vector<16xf32> to vector<1x16xf32>
        tpu.vector_store %arg14[%swap3A_264, %swap3A_265], %swap3A_268 {strides = array<i32>} : memref<48x128xf32, #tpu.memory_space<vmem>>, vector<1x16xf32>,
        %get3A_269 = arith.index_cast %scan3A_128 : i32 to index
        %get3A_270 = arith.constant 80 : index
        %get3A_271 = tpu.vector_load %arg14[%get3A_269, %get3A_270] {strides = array<i32>} : memref<48x128xf32, #tpu.memory_space<vmem>>, vector<1x16xf32>,
        %get3A_272 = vector.shape_cast %get3A_271 : vector<1x16xf32> to vector<16xf32>
        %get3A_273 = arith.index_cast %scan3A_128 : i32 to index
        %get3A_274 = arith.constant 80 : index
        %get3A_275 = tpu.vector_load %arg16[%get3A_273, %get3A_274] {strides = array<i32>} : memref<48x128xf32, #tpu.memory_space<vmem>>, vector<1x16xf32>,
        %get3A_276 = vector.shape_cast %get3A_275 : vector<1x16xf32> to vector<16xf32>
        %add3A_277 = arith.addf %get3A_272, %get3A_276 : vector<16xf32>
        %neg3A_278 = arith.constant 0.000000e+00 : f32
        %neg3A_279 = vector.broadcast %neg3A_278 : f32 to vector<16xf32>
        %neg3A_280 = arith.subf %neg3A_279, %add3A_277 : vector<16xf32>
        %exp3A_281 = math.exp %neg3A_280 : vector<16xf32>
        %add3A_282 = arith.constant 1.000000e+00 : f32
        %add3A_283 = vector.broadcast %add3A_282 : f32 to vector<16xf32>
        %add3A_284 = arith.addf %add3A_283, %exp3A_281 : vector<16xf32>
        %div3A_285 = arith.constant 1.000000e+00 : f32
        %div3A_286 = vector.broadcast %div3A_285 : f32 to vector<16xf32>
        %div3A_287 = arith.divf %div3A_286, %add3A_284 : vector<16xf32>
        %get3A_288 = arith.index_cast %scan3A_128 : i32 to index
        %get3A_289 = arith.constant 80 : index
        %get3A_290 = tpu.vector_load %arg18[%get3A_288, %get3A_289] {strides = array<i32>} : memref<48x128xf32, #tpu.memory_space<vmem>>, vector<1x16xf32>,
        %get3A_291 = vector.shape_cast %get3A_290 : vector<1x16xf32> to vector<16xf32>
        %mul3A_292 = arith.mulf %div3A_287, %get3A_291 : vector<16xf32>
        %swap3A_293 = arith.index_cast %scan3A_128 : i32 to index
        %swap3A_294 = arith.constant 80 : index
        %swap3A_295 = tpu.vector_load %arg14[%swap3A_293, %swap3A_294] {strides = array<i32>} : memref<48x128xf32, #tpu.memory_space<vmem>>, vector<1x16xf32>,
        %swap3A_296 = vector.shape_cast %swap3A_295 : vector<1x16xf32> to vector<16xf32>
        %swap3A_297 = vector.shape_cast %mul3A_292 : vector<16xf32> to vector<1x16xf32>
        tpu.vector_store %arg14[%swap3A_293, %swap3A_294], %swap3A_297 {strides = array<i32>} : memref<48x128xf32, #tpu.memory_space<vmem>>, vector<1x16xf32>,
        %get3A_298 = arith.index_cast %scan3A_128 : i32 to index
        %get3A_299 = arith.constant 96 : index
        %get3A_300 = tpu.vector_load %arg14[%get3A_298, %get3A_299] {strides = array<i32>} : memref<48x128xf32, #tpu.memory_space<vmem>>, vector<1x16xf32>,
        %get3A_301 = vector.shape_cast %get3A_300 : vector<1x16xf32> to vector<16xf32>
        %get3A_302 = arith.index_cast %scan3A_128 : i32 to index
        %get3A_303 = arith.constant 96 : index
        %get3A_304 = tpu.vector_load %arg16[%get3A_302, %get3A_303] {strides = array<i32>} : memref<48x128xf32, #tpu.memory_space<vmem>>, vector<1x16xf32>,
        %get3A_305 = vector.shape_cast %get3A_304 : vector<1x16xf32> to vector<16xf32>
        %add3A_306 = arith.addf %get3A_301, %get3A_305 : vector<16xf32>
        %neg3A_307 = arith.constant 0.000000e+00 : f32
        %neg3A_308 = vector.broadcast %neg3A_307 : f32 to vector<16xf32>
        %neg3A_309 = arith.subf %neg3A_308, %add3A_306 : vector<16xf32>
        %exp3A_310 = math.exp %neg3A_309 : vector<16xf32>
        %add3A_311 = arith.constant 1.000000e+00 : f32
        %add3A_312 = vector.broadcast %add3A_311 : f32 to vector<16xf32>
        %add3A_313 = arith.addf %add3A_312, %exp3A_310 : vector<16xf32>
        %div3A_314 = arith.constant 1.000000e+00 : f32
        %div3A_315 = vector.broadcast %div3A_314 : f32 to vector<16xf32>
        %div3A_316 = arith.divf %div3A_315, %add3A_313 : vector<16xf32>
        %get3A_317 = arith.index_cast %scan3A_128 : i32 to index
        %get3A_318 = arith.constant 96 : index
        %get3A_319 = tpu.vector_load %arg18[%get3A_317, %get3A_318] {strides = array<i32>} : memref<48x128xf32, #tpu.memory_space<vmem>>, vector<1x16xf32>,
        %get3A_320 = vector.shape_cast %get3A_319 : vector<1x16xf32> to vector<16xf32>
        %mul3A_321 = arith.mulf %div3A_316, %get3A_320 : vector<16xf32>
        %swap3A_322 = arith.index_cast %scan3A_128 : i32 to index
        %swap3A_323 = arith.constant 96 : index
        %swap3A_324 = tpu.vector_load %arg14[%swap3A_322, %swap3A_323] {strides = array<i32>} : memref<48x128xf32, #tpu.memory_space<vmem>>, vector<1x16xf32>,
        %swap3A_325 = vector.shape_cast %swap3A_324 : vector<1x16xf32> to vector<16xf32>
        %swap3A_326 = vector.shape_cast %mul3A_321 : vector<16xf32> to vector<1x16xf32>
        tpu.vector_store %arg14[%swap3A_322, %swap3A_323], %swap3A_326 {strides = array<i32>} : memref<48x128xf32, #tpu.memory_space<vmem>>, vector<1x16xf32>,
        %get3A_327 = arith.index_cast %scan3A_128 : i32 to index
        %get3A_328 = arith.constant 112 : index
        %get3A_329 = tpu.vector_load %arg14[%get3A_327, %get3A_328] {strides = array<i32>} : memref<48x128xf32, #tpu.memory_space<vmem>>, vector<1x16xf32>,
        %get3A_330 = vector.shape_cast %get3A_329 : vector<1x16xf32> to vector<16xf32>
        %get3A_331 = arith.index_cast %scan3A_128 : i32 to index
        %get3A_332 = arith.constant 112 : index
        %get3A_333 = tpu.vector_load %arg16[%get3A_331, %get3A_332] {strides = array<i32>} : memref<48x128xf32, #tpu.memory_space<vmem>>, vector<1x16xf32>,
        %get3A_334 = vector.shape_cast %get3A_333 : vector<1x16xf32> to vector<16xf32>
        %add3A_335 = arith.addf %get3A_330, %get3A_334 : vector<16xf32>
        %neg3A_336 = arith.constant 0.000000e+00 : f32
        %neg3A_337 = vector.broadcast %neg3A_336 : f32 to vector<16xf32>
        %neg3A_338 = arith.subf %neg3A_337, %add3A_335 : vector<16xf32>
        %exp3A_339 = math.exp %neg3A_338 : vector<16xf32>
        %add3A_340 = arith.constant 1.000000e+00 : f32
        %add3A_341 = vector.broadcast %add3A_340 : f32 to vector<16xf32>
        %add3A_342 = arith.addf %add3A_341, %exp3A_339 : vector<16xf32>
        %div3A_343 = arith.constant 1.000000e+00 : f32
        %div3A_344 = vector.broadcast %div3A_343 : f32 to vector<16xf32>
        %div3A_345 = arith.divf %div3A_344, %add3A_342 : vector<16xf32>
        %get3A_346 = arith.index_cast %scan3A_128 : i32 to index
        %get3A_347 = arith.constant 112 : index
        %get3A_348 = tpu.vector_load %arg18[%get3A_346, %get3A_347] {strides = array<i32>} : memref<48x128xf32, #tpu.memory_space<vmem>>, vector<1x16xf32>,
        %get3A_349 = vector.shape_cast %get3A_348 : vector<1x16xf32> to vector<16xf32>
        %mul3A_350 = arith.mulf %div3A_345, %get3A_349 : vector<16xf32>
        %swap3A_351 = arith.index_cast %scan3A_128 : i32 to index
        %swap3A_352 = arith.constant 112 : index
        %swap3A_353 = tpu.vector_load %arg14[%swap3A_351, %swap3A_352] {strides = array<i32>} : memref<48x128xf32, #tpu.memory_space<vmem>>, vector<1x16xf32>,
        %swap3A_354 = vector.shape_cast %swap3A_353 : vector<1x16xf32> to vector<16xf32>
        %swap3A_355 = vector.shape_cast %mul3A_350 : vector<16xf32> to vector<1x16xf32>
        tpu.vector_store %arg14[%swap3A_351, %swap3A_352], %swap3A_355 {strides = array<i32>} : memref<48x128xf32, #tpu.memory_space<vmem>>, vector<1x16xf32>,
      }
      %scan3A_127 = arith.constant 48 : i32
      "tpu.region"() ({
        %run_scoped3A = tpu.sem_alloc : memref<!tpu.dma_semaphore, #tpu.memory_space<semaphore_mem>>
        %dma_start3A_128 = arith.constant 0 : i32
        %dma_start3A_129 = arith.constant 0 : i32
        %dma_start3A_130 = tpu.memref_slice %arg19[%dma_start3A_128, %dma_start3A_129] : memref<10240x128xf32, #tpu.memory_space<vmem_shared>> -> memref<10240x128xf32, #tpu.memory_space<vmem_shared>>
        tpu.enqueue_indirect_dma source(%arg14 : memref<48x128xf32, #tpu.memory_space<vmem>>) target(%dma_start3A_130 : memref<10240x128xf32, #tpu.memory_space<vmem_shared>>) offsets(%arg12 : memref<48xi32, #tpu.memory_space<vmem>>) semaphore(%run_scoped3A : memref<!tpu.dma_semaphore, #tpu.memory_space<semaphore_mem>>) {add = true}
        %dma_wait3A_131 = arith.constant 0 : i32
        %dma_wait3A_132 = arith.constant 0 : i32
        %dma_wait3A_133 = tpu.memref_slice %arg19[%dma_wait3A_131, %dma_wait3A_132] : memref<10240x128xf32, #tpu.memory_space<vmem_shared>> -> memref<10240x128xf32, #tpu.memory_space<vmem_shared>>
        tpu.wait_indirect_dma semaphore(%run_scoped3A : memref<!tpu.dma_semaphore, #tpu.memory_space<semaphore_mem>>) src(%arg14 : memref<48x128xf32, #tpu.memory_space<vmem>>) dst(%dma_wait3A_133 : memref<10240x128xf32, #tpu.memory_space<vmem_shared>>)
        tpu.yield
      }) : () -> ()
    }
    %scan3A_19 = arith.constant 104 : i32
    %add3A_20 = arith.constant 10032 : i32
    %add3A_21 = arith.addi %mul3A_4, %add3A_20 : i32
    "tpu.region"() ({
      %run_scoped3A = tpu.sem_alloc : memref<!tpu.dma_semaphore, #tpu.memory_space<semaphore_mem>>
      %dma_start3A_61 = tpu.memref_slice %arg5[%add3A_21] : memref<322560xi32, #tpu.memory_space<hbm>> -> memref<48xi32, #tpu.memory_space<hbm>>
      %dma_start3A_62 = tpu.memref_slice %arg5[%add3A_21] : memref<322560xi32, #tpu.memory_space<hbm>> -> memref<48xi32, #tpu.memory_space<hbm>>
      tpu.enqueue_dma source(%dma_start3A_62 : memref<48xi32, #tpu.memory_space<hbm>>) target(%arg10 : memref<48xi32, #tpu.memory_space<vmem>>) target_semaphore(%run_scoped3A : memref<!tpu.dma_semaphore, #tpu.memory_space<semaphore_mem>>)
      %dma_wait3A_63 = tpu.memref_slice %arg5[%add3A_21] : memref<322560xi32, #tpu.memory_space<hbm>> -> memref<48xi32, #tpu.memory_space<hbm>>
      %dma_wait3A_64 = tpu.memref_slice %arg5[%add3A_21] : memref<322560xi32, #tpu.memory_space<hbm>> -> memref<48xi32, #tpu.memory_space<hbm>>
      tpu.wait_dma2 semaphore(%run_scoped3A : memref<!tpu.dma_semaphore, #tpu.memory_space<semaphore_mem>>) src(%dma_wait3A_64 : memref<48xi32, #tpu.memory_space<hbm>>) dst(%arg10 : memref<48xi32, #tpu.memory_space<vmem>>)
      tpu.yield
    }) : () -> ()
    "tpu.region"() ({
      %run_scoped3A = tpu.sem_alloc : memref<!tpu.dma_semaphore, #tpu.memory_space<semaphore_mem>>
      %dma_start3A_61 = tpu.memref_slice %arg6[%add3A_21] : memref<322560xi32, #tpu.memory_space<hbm>> -> memref<48xi32, #tpu.memory_space<hbm>>
      %dma_start3A_62 = tpu.memref_slice %arg6[%add3A_21] : memref<322560xi32, #tpu.memory_space<hbm>> -> memref<48xi32, #tpu.memory_space<hbm>>
      tpu.enqueue_dma source(%dma_start3A_62 : memref<48xi32, #tpu.memory_space<hbm>>) target(%arg12 : memref<48xi32, #tpu.memory_space<vmem>>) target_semaphore(%run_scoped3A : memref<!tpu.dma_semaphore, #tpu.memory_space<semaphore_mem>>)
      %dma_wait3A_63 = tpu.memref_slice %arg6[%add3A_21] : memref<322560xi32, #tpu.memory_space<hbm>> -> memref<48xi32, #tpu.memory_space<hbm>>
      %dma_wait3A_64 = tpu.memref_slice %arg6[%add3A_21] : memref<322560xi32, #tpu.memory_space<hbm>> -> memref<48xi32, #tpu.memory_space<hbm>>
      tpu.wait_dma2 semaphore(%run_scoped3A : memref<!tpu.dma_semaphore, #tpu.memory_space<semaphore_mem>>) src(%dma_wait3A_64 : memref<48xi32, #tpu.memory_space<hbm>>) dst(%arg12 : memref<48xi32, #tpu.memory_space<vmem>>)
      tpu.yield
    }) : () -> ()
    %dma_start3A_22 = arith.constant 0 : i32
    %dma_start3A_23 = arith.constant 0 : i32
    %dma_start3A_24 = tpu.memref_slice %arg2[%dma_start3A_22, %dma_start3A_23] : memref<10080x128xf32, #tpu.memory_space<hbm>> -> memref<10080x128xf32, #tpu.memory_space<hbm>>
    tpu.enqueue_indirect_dma source(%dma_start3A_24 : memref<10080x128xf32, #tpu.memory_space<hbm>>) target(%arg14 : memref<48x128xf32, #tpu.memory_space<vmem>>) offsets(%arg12 : memref<48xi32, #tpu.memory_space<vmem>>) semaphore(%arg23 : memref<!tpu.dma_semaphore, #tpu.memory_space<semaphore_mem>>)
    %dma_start3A_25 = arith.constant 0 : i32
    %dma_start3A_26 = arith.constant 0 : i32
    %dma_start3A_27 = tpu.memref_slice %arg3[%dma_start3A_25, %dma_start3A_26] : memref<10080x128xf32, #tpu.memory_space<hbm>> -> memref<10080x128xf32, #tpu.memory_space<hbm>>
    tpu.enqueue_indirect_dma source(%dma_start3A_27 : memref<10080x128xf32, #tpu.memory_space<hbm>>) target(%arg16 : memref<48x128xf32, #tpu.memory_space<vmem>>) offsets(%arg10 : memref<48xi32, #tpu.memory_space<vmem>>) semaphore(%arg24 : memref<!tpu.dma_semaphore, #tpu.memory_space<semaphore_mem>>)
    %dma_start3A_28 = arith.constant 0 : i32
    %dma_start3A_29 = arith.constant 0 : i32
    %dma_start3A_30 = tpu.memref_slice %arg4[%dma_start3A_28, %dma_start3A_29] : memref<10080x128xf32, #tpu.memory_space<hbm>> -> memref<10080x128xf32, #tpu.memory_space<hbm>>
    tpu.enqueue_indirect_dma source(%dma_start3A_30 : memref<10080x128xf32, #tpu.memory_space<hbm>>) target(%arg18 : memref<48x128xf32, #tpu.memory_space<vmem>>) offsets(%arg10 : memref<48xi32, #tpu.memory_space<vmem>>) semaphore(%arg25 : memref<!tpu.dma_semaphore, #tpu.memory_space<semaphore_mem>>)
    %dma_wait3A = arith.constant 0 : i32
    %dma_wait3A_31 = arith.constant 0 : i32
    %dma_wait3A_32 = tpu.memref_slice %arg2[%dma_wait3A, %dma_wait3A_31] : memref<10080x128xf32, #tpu.memory_space<hbm>> -> memref<10080x128xf32, #tpu.memory_space<hbm>>
    tpu.wait_indirect_dma semaphore(%arg20 : memref<!tpu.dma_semaphore, #tpu.memory_space<semaphore_mem>>) src(%dma_wait3A_32 : memref<10080x128xf32, #tpu.memory_space<hbm>>) dst(%arg13 : memref<48x128xf32, #tpu.memory_space<vmem>>)
    %dma_wait3A_33 = arith.constant 0 : i32
    %dma_wait3A_34 = arith.constant 0 : i32
    %dma_wait3A_35 = tpu.memref_slice %arg3[%dma_wait3A_33, %dma_wait3A_34] : memref<10080x128xf32, #tpu.memory_space<hbm>> -> memref<10080x128xf32, #tpu.memory_space<hbm>>
    tpu.wait_indirect_dma semaphore(%arg21 : memref<!tpu.dma_semaphore, #tpu.memory_space<semaphore_mem>>) src(%dma_wait3A_35 : memref<10080x128xf32, #tpu.memory_space<hbm>>) dst(%arg15 : memref<48x128xf32, #tpu.memory_space<vmem>>)
    %dma_wait3A_36 = arith.constant 0 : i32
    %dma_wait3A_37 = arith.constant 0 : i32
    %dma_wait3A_38 = tpu.memref_slice %arg4[%dma_wait3A_36, %dma_wait3A_37] : memref<10080x128xf32, #tpu.memory_space<hbm>> -> memref<10080x128xf32, #tpu.memory_space<hbm>>
    tpu.wait_indirect_dma semaphore(%arg22 : memref<!tpu.dma_semaphore, #tpu.memory_space<semaphore_mem>>) src(%dma_wait3A_38 : memref<10080x128xf32, #tpu.memory_space<hbm>>) dst(%arg17 : memref<48x128xf32, #tpu.memory_space<vmem>>)
    %scan3A_39 = arith.constant 0 : i32
    %scan3A_40 = arith.constant 0 : i32
    %scan3A_41 = arith.constant 48 : i32
    %scan3A_42 = arith.addi %scan3A_40, %scan3A_41 : i32
    %scan3A_43 = arith.constant 1 : i32
    scf.for %scan3A_61 = %scan3A_40 to %scan3A_42 step %scan3A_43  : i32 {
      %get3A = arith.index_cast %scan3A_61 : i32 to index
      %get3A_62 = arith.constant 0 : index
      %get3A_63 = tpu.vector_load %arg13[%get3A, %get3A_62] {strides = array<i32>} : memref<48x128xf32, #tpu.memory_space<vmem>>, vector<1x16xf32>,
      %get3A_64 = vector.shape_cast %get3A_63 : vector<1x16xf32> to vector<16xf32>
      %get3A_65 = arith.index_cast %scan3A_61 : i32 to index
      %get3A_66 = arith.constant 0 : index
      %get3A_67 = tpu.vector_load %arg15[%get3A_65, %get3A_66] {strides = array<i32>} : memref<48x128xf32, #tpu.memory_space<vmem>>, vector<1x16xf32>,
      %get3A_68 = vector.shape_cast %get3A_67 : vector<1x16xf32> to vector<16xf32>
      %add3A_69 = arith.addf %get3A_64, %get3A_68 : vector<16xf32>
      %neg3A = arith.constant 0.000000e+00 : f32
      %neg3A_70 = vector.broadcast %neg3A : f32 to vector<16xf32>
      %neg3A_71 = arith.subf %neg3A_70, %add3A_69 : vector<16xf32>
      %exp3A = math.exp %neg3A_71 : vector<16xf32>
      %add3A_72 = arith.constant 1.000000e+00 : f32
      %add3A_73 = vector.broadcast %add3A_72 : f32 to vector<16xf32>
      %add3A_74 = arith.addf %add3A_73, %exp3A : vector<16xf32>
      %div3A = arith.constant 1.000000e+00 : f32
      %div3A_75 = vector.broadcast %div3A : f32 to vector<16xf32>
      %div3A_76 = arith.divf %div3A_75, %add3A_74 : vector<16xf32>
      %get3A_77 = arith.index_cast %scan3A_61 : i32 to index
      %get3A_78 = arith.constant 0 : index
      %get3A_79 = tpu.vector_load %arg17[%get3A_77, %get3A_78] {strides = array<i32>} : memref<48x128xf32, #tpu.memory_space<vmem>>, vector<1x16xf32>,
      %get3A_80 = vector.shape_cast %get3A_79 : vector<1x16xf32> to vector<16xf32>
      %mul3A_81 = arith.mulf %div3A_76, %get3A_80 : vector<16xf32>
      %swap3A = arith.index_cast %scan3A_61 : i32 to index
      %swap3A_82 = arith.constant 0 : index
      %swap3A_83 = tpu.vector_load %arg13[%swap3A, %swap3A_82] {strides = array<i32>} : memref<48x128xf32, #tpu.memory_space<vmem>>, vector<1x16xf32>,
      %swap3A_84 = vector.shape_cast %swap3A_83 : vector<1x16xf32> to vector<16xf32>
      %swap3A_85 = vector.shape_cast %mul3A_81 : vector<16xf32> to vector<1x16xf32>
      tpu.vector_store %arg13[%swap3A, %swap3A_82], %swap3A_85 {strides = array<i32>} : memref<48x128xf32, #tpu.memory_space<vmem>>, vector<1x16xf32>,
      %get3A_86 = arith.index_cast %scan3A_61 : i32 to index
      %get3A_87 = arith.constant 16 : index
      %get3A_88 = tpu.vector_load %arg13[%get3A_86, %get3A_87] {strides = array<i32>} : memref<48x128xf32, #tpu.memory_space<vmem>>, vector<1x16xf32>,
      %get3A_89 = vector.shape_cast %get3A_88 : vector<1x16xf32> to vector<16xf32>
      %get3A_90 = arith.index_cast %scan3A_61 : i32 to index
      %get3A_91 = arith.constant 16 : index
      %get3A_92 = tpu.vector_load %arg15[%get3A_90, %get3A_91] {strides = array<i32>} : memref<48x128xf32, #tpu.memory_space<vmem>>, vector<1x16xf32>,
      %get3A_93 = vector.shape_cast %get3A_92 : vector<1x16xf32> to vector<16xf32>
      %add3A_94 = arith.addf %get3A_89, %get3A_93 : vector<16xf32>
      %neg3A_95 = arith.constant 0.000000e+00 : f32
      %neg3A_96 = vector.broadcast %neg3A_95 : f32 to vector<16xf32>
      %neg3A_97 = arith.subf %neg3A_96, %add3A_94 : vector<16xf32>
      %exp3A_98 = math.exp %neg3A_97 : vector<16xf32>
      %add3A_99 = arith.constant 1.000000e+00 : f32
      %add3A_100 = vector.broadcast %add3A_99 : f32 to vector<16xf32>
      %add3A_101 = arith.addf %add3A_100, %exp3A_98 : vector<16xf32>
      %div3A_102 = arith.constant 1.000000e+00 : f32
      %div3A_103 = vector.broadcast %div3A_102 : f32 to vector<16xf32>
      %div3A_104 = arith.divf %div3A_103, %add3A_101 : vector<16xf32>
      %get3A_105 = arith.index_cast %scan3A_61 : i32 to index
      %get3A_106 = arith.constant 16 : index
      %get3A_107 = tpu.vector_load %arg17[%get3A_105, %get3A_106] {strides = array<i32>} : memref<48x128xf32, #tpu.memory_space<vmem>>, vector<1x16xf32>,
      %get3A_108 = vector.shape_cast %get3A_107 : vector<1x16xf32> to vector<16xf32>
      %mul3A_109 = arith.mulf %div3A_104, %get3A_108 : vector<16xf32>
      %swap3A_110 = arith.index_cast %scan3A_61 : i32 to index
      %swap3A_111 = arith.constant 16 : index
      %swap3A_112 = tpu.vector_load %arg13[%swap3A_110, %swap3A_111] {strides = array<i32>} : memref<48x128xf32, #tpu.memory_space<vmem>>, vector<1x16xf32>,
      %swap3A_113 = vector.shape_cast %swap3A_112 : vector<1x16xf32> to vector<16xf32>
      %swap3A_114 = vector.shape_cast %mul3A_109 : vector<16xf32> to vector<1x16xf32>
      tpu.vector_store %arg13[%swap3A_110, %swap3A_111], %swap3A_114 {strides = array<i32>} : memref<48x128xf32, #tpu.memory_space<vmem>>, vector<1x16xf32>,
      %get3A_115 = arith.index_cast %scan3A_61 : i32 to index
      %get3A_116 = arith.constant 32 : index
      %get3A_117 = tpu.vector_load %arg13[%get3A_115, %get3A_116] {strides = array<i32>} : memref<48x128xf32, #tpu.memory_space<vmem>>, vector<1x16xf32>,
      %get3A_118 = vector.shape_cast %get3A_117 : vector<1x16xf32> to vector<16xf32>
      %get3A_119 = arith.index_cast %scan3A_61 : i32 to index
      %get3A_120 = arith.constant 32 : index
      %get3A_121 = tpu.vector_load %arg15[%get3A_119, %get3A_120] {strides = array<i32>} : memref<48x128xf32, #tpu.memory_space<vmem>>, vector<1x16xf32>,
      %get3A_122 = vector.shape_cast %get3A_121 : vector<1x16xf32> to vector<16xf32>
      %add3A_123 = arith.addf %get3A_118, %get3A_122 : vector<16xf32>
      %neg3A_124 = arith.constant 0.000000e+00 : f32
      %neg3A_125 = vector.broadcast %neg3A_124 : f32 to vector<16xf32>
      %neg3A_126 = arith.subf %neg3A_125, %add3A_123 : vector<16xf32>
      %exp3A_127 = math.exp %neg3A_126 : vector<16xf32>
      %add3A_128 = arith.constant 1.000000e+00 : f32
      %add3A_129 = vector.broadcast %add3A_128 : f32 to vector<16xf32>
      %add3A_130 = arith.addf %add3A_129, %exp3A_127 : vector<16xf32>
      %div3A_131 = arith.constant 1.000000e+00 : f32
      %div3A_132 = vector.broadcast %div3A_131 : f32 to vector<16xf32>
      %div3A_133 = arith.divf %div3A_132, %add3A_130 : vector<16xf32>
      %get3A_134 = arith.index_cast %scan3A_61 : i32 to index
      %get3A_135 = arith.constant 32 : index
      %get3A_136 = tpu.vector_load %arg17[%get3A_134, %get3A_135] {strides = array<i32>} : memref<48x128xf32, #tpu.memory_space<vmem>>, vector<1x16xf32>,
      %get3A_137 = vector.shape_cast %get3A_136 : vector<1x16xf32> to vector<16xf32>
      %mul3A_138 = arith.mulf %div3A_133, %get3A_137 : vector<16xf32>
      %swap3A_139 = arith.index_cast %scan3A_61 : i32 to index
      %swap3A_140 = arith.constant 32 : index
      %swap3A_141 = tpu.vector_load %arg13[%swap3A_139, %swap3A_140] {strides = array<i32>} : memref<48x128xf32, #tpu.memory_space<vmem>>, vector<1x16xf32>,
      %swap3A_142 = vector.shape_cast %swap3A_141 : vector<1x16xf32> to vector<16xf32>
      %swap3A_143 = vector.shape_cast %mul3A_138 : vector<16xf32> to vector<1x16xf32>
      tpu.vector_store %arg13[%swap3A_139, %swap3A_140], %swap3A_143 {strides = array<i32>} : memref<48x128xf32, #tpu.memory_space<vmem>>, vector<1x16xf32>,
      %get3A_144 = arith.index_cast %scan3A_61 : i32 to index
      %get3A_145 = arith.constant 48 : index
      %get3A_146 = tpu.vector_load %arg13[%get3A_144, %get3A_145] {strides = array<i32>} : memref<48x128xf32, #tpu.memory_space<vmem>>, vector<1x16xf32>,
      %get3A_147 = vector.shape_cast %get3A_146 : vector<1x16xf32> to vector<16xf32>
      %get3A_148 = arith.index_cast %scan3A_61 : i32 to index
      %get3A_149 = arith.constant 48 : index
      %get3A_150 = tpu.vector_load %arg15[%get3A_148, %get3A_149] {strides = array<i32>} : memref<48x128xf32, #tpu.memory_space<vmem>>, vector<1x16xf32>,
      %get3A_151 = vector.shape_cast %get3A_150 : vector<1x16xf32> to vector<16xf32>
      %add3A_152 = arith.addf %get3A_147, %get3A_151 : vector<16xf32>
      %neg3A_153 = arith.constant 0.000000e+00 : f32
      %neg3A_154 = vector.broadcast %neg3A_153 : f32 to vector<16xf32>
      %neg3A_155 = arith.subf %neg3A_154, %add3A_152 : vector<16xf32>
      %exp3A_156 = math.exp %neg3A_155 : vector<16xf32>
      %add3A_157 = arith.constant 1.000000e+00 : f32
      %add3A_158 = vector.broadcast %add3A_157 : f32 to vector<16xf32>
      %add3A_159 = arith.addf %add3A_158, %exp3A_156 : vector<16xf32>
      %div3A_160 = arith.constant 1.000000e+00 : f32
      %div3A_161 = vector.broadcast %div3A_160 : f32 to vector<16xf32>
      %div3A_162 = arith.divf %div3A_161, %add3A_159 : vector<16xf32>
      %get3A_163 = arith.index_cast %scan3A_61 : i32 to index
      %get3A_164 = arith.constant 48 : index
      %get3A_165 = tpu.vector_load %arg17[%get3A_163, %get3A_164] {strides = array<i32>} : memref<48x128xf32, #tpu.memory_space<vmem>>, vector<1x16xf32>,
      %get3A_166 = vector.shape_cast %get3A_165 : vector<1x16xf32> to vector<16xf32>
      %mul3A_167 = arith.mulf %div3A_162, %get3A_166 : vector<16xf32>
      %swap3A_168 = arith.index_cast %scan3A_61 : i32 to index
      %swap3A_169 = arith.constant 48 : index
      %swap3A_170 = tpu.vector_load %arg13[%swap3A_168, %swap3A_169] {strides = array<i32>} : memref<48x128xf32, #tpu.memory_space<vmem>>, vector<1x16xf32>,
      %swap3A_171 = vector.shape_cast %swap3A_170 : vector<1x16xf32> to vector<16xf32>
      %swap3A_172 = vector.shape_cast %mul3A_167 : vector<16xf32> to vector<1x16xf32>
      tpu.vector_store %arg13[%swap3A_168, %swap3A_169], %swap3A_172 {strides = array<i32>} : memref<48x128xf32, #tpu.memory_space<vmem>>, vector<1x16xf32>,
      %get3A_173 = arith.index_cast %scan3A_61 : i32 to index
      %get3A_174 = arith.constant 64 : index
      %get3A_175 = tpu.vector_load %arg13[%get3A_173, %get3A_174] {strides = array<i32>} : memref<48x128xf32, #tpu.memory_space<vmem>>, vector<1x16xf32>,
      %get3A_176 = vector.shape_cast %get3A_175 : vector<1x16xf32> to vector<16xf32>
      %get3A_177 = arith.index_cast %scan3A_61 : i32 to index
      %get3A_178 = arith.constant 64 : index
      %get3A_179 = tpu.vector_load %arg15[%get3A_177, %get3A_178] {strides = array<i32>} : memref<48x128xf32, #tpu.memory_space<vmem>>, vector<1x16xf32>,
      %get3A_180 = vector.shape_cast %get3A_179 : vector<1x16xf32> to vector<16xf32>
      %add3A_181 = arith.addf %get3A_176, %get3A_180 : vector<16xf32>
      %neg3A_182 = arith.constant 0.000000e+00 : f32
      %neg3A_183 = vector.broadcast %neg3A_182 : f32 to vector<16xf32>
      %neg3A_184 = arith.subf %neg3A_183, %add3A_181 : vector<16xf32>
      %exp3A_185 = math.exp %neg3A_184 : vector<16xf32>
      %add3A_186 = arith.constant 1.000000e+00 : f32
      %add3A_187 = vector.broadcast %add3A_186 : f32 to vector<16xf32>
      %add3A_188 = arith.addf %add3A_187, %exp3A_185 : vector<16xf32>
      %div3A_189 = arith.constant 1.000000e+00 : f32
      %div3A_190 = vector.broadcast %div3A_189 : f32 to vector<16xf32>
      %div3A_191 = arith.divf %div3A_190, %add3A_188 : vector<16xf32>
      %get3A_192 = arith.index_cast %scan3A_61 : i32 to index
      %get3A_193 = arith.constant 64 : index
      %get3A_194 = tpu.vector_load %arg17[%get3A_192, %get3A_193] {strides = array<i32>} : memref<48x128xf32, #tpu.memory_space<vmem>>, vector<1x16xf32>,
      %get3A_195 = vector.shape_cast %get3A_194 : vector<1x16xf32> to vector<16xf32>
      %mul3A_196 = arith.mulf %div3A_191, %get3A_195 : vector<16xf32>
      %swap3A_197 = arith.index_cast %scan3A_61 : i32 to index
      %swap3A_198 = arith.constant 64 : index
      %swap3A_199 = tpu.vector_load %arg13[%swap3A_197, %swap3A_198] {strides = array<i32>} : memref<48x128xf32, #tpu.memory_space<vmem>>, vector<1x16xf32>,
      %swap3A_200 = vector.shape_cast %swap3A_199 : vector<1x16xf32> to vector<16xf32>
      %swap3A_201 = vector.shape_cast %mul3A_196 : vector<16xf32> to vector<1x16xf32>
      tpu.vector_store %arg13[%swap3A_197, %swap3A_198], %swap3A_201 {strides = array<i32>} : memref<48x128xf32, #tpu.memory_space<vmem>>, vector<1x16xf32>,
      %get3A_202 = arith.index_cast %scan3A_61 : i32 to index
      %get3A_203 = arith.constant 80 : index
      %get3A_204 = tpu.vector_load %arg13[%get3A_202, %get3A_203] {strides = array<i32>} : memref<48x128xf32, #tpu.memory_space<vmem>>, vector<1x16xf32>,
      %get3A_205 = vector.shape_cast %get3A_204 : vector<1x16xf32> to vector<16xf32>
      %get3A_206 = arith.index_cast %scan3A_61 : i32 to index
      %get3A_207 = arith.constant 80 : index
      %get3A_208 = tpu.vector_load %arg15[%get3A_206, %get3A_207] {strides = array<i32>} : memref<48x128xf32, #tpu.memory_space<vmem>>, vector<1x16xf32>,
      %get3A_209 = vector.shape_cast %get3A_208 : vector<1x16xf32> to vector<16xf32>
      %add3A_210 = arith.addf %get3A_205, %get3A_209 : vector<16xf32>
      %neg3A_211 = arith.constant 0.000000e+00 : f32
      %neg3A_212 = vector.broadcast %neg3A_211 : f32 to vector<16xf32>
      %neg3A_213 = arith.subf %neg3A_212, %add3A_210 : vector<16xf32>
      %exp3A_214 = math.exp %neg3A_213 : vector<16xf32>
      %add3A_215 = arith.constant 1.000000e+00 : f32
      %add3A_216 = vector.broadcast %add3A_215 : f32 to vector<16xf32>
      %add3A_217 = arith.addf %add3A_216, %exp3A_214 : vector<16xf32>
      %div3A_218 = arith.constant 1.000000e+00 : f32
      %div3A_219 = vector.broadcast %div3A_218 : f32 to vector<16xf32>
      %div3A_220 = arith.divf %div3A_219, %add3A_217 : vector<16xf32>
      %get3A_221 = arith.index_cast %scan3A_61 : i32 to index
      %get3A_222 = arith.constant 80 : index
      %get3A_223 = tpu.vector_load %arg17[%get3A_221, %get3A_222] {strides = array<i32>} : memref<48x128xf32, #tpu.memory_space<vmem>>, vector<1x16xf32>,
      %get3A_224 = vector.shape_cast %get3A_223 : vector<1x16xf32> to vector<16xf32>
      %mul3A_225 = arith.mulf %div3A_220, %get3A_224 : vector<16xf32>
      %swap3A_226 = arith.index_cast %scan3A_61 : i32 to index
      %swap3A_227 = arith.constant 80 : index
      %swap3A_228 = tpu.vector_load %arg13[%swap3A_226, %swap3A_227] {strides = array<i32>} : memref<48x128xf32, #tpu.memory_space<vmem>>, vector<1x16xf32>,
      %swap3A_229 = vector.shape_cast %swap3A_228 : vector<1x16xf32> to vector<16xf32>
      %swap3A_230 = vector.shape_cast %mul3A_225 : vector<16xf32> to vector<1x16xf32>
      tpu.vector_store %arg13[%swap3A_226, %swap3A_227], %swap3A_230 {strides = array<i32>} : memref<48x128xf32, #tpu.memory_space<vmem>>, vector<1x16xf32>,
      %get3A_231 = arith.index_cast %scan3A_61 : i32 to index
      %get3A_232 = arith.constant 96 : index
      %get3A_233 = tpu.vector_load %arg13[%get3A_231, %get3A_232] {strides = array<i32>} : memref<48x128xf32, #tpu.memory_space<vmem>>, vector<1x16xf32>,
      %get3A_234 = vector.shape_cast %get3A_233 : vector<1x16xf32> to vector<16xf32>
      %get3A_235 = arith.index_cast %scan3A_61 : i32 to index
      %get3A_236 = arith.constant 96 : index
      %get3A_237 = tpu.vector_load %arg15[%get3A_235, %get3A_236] {strides = array<i32>} : memref<48x128xf32, #tpu.memory_space<vmem>>, vector<1x16xf32>,
      %get3A_238 = vector.shape_cast %get3A_237 : vector<1x16xf32> to vector<16xf32>
      %add3A_239 = arith.addf %get3A_234, %get3A_238 : vector<16xf32>
      %neg3A_240 = arith.constant 0.000000e+00 : f32
      %neg3A_241 = vector.broadcast %neg3A_240 : f32 to vector<16xf32>
      %neg3A_242 = arith.subf %neg3A_241, %add3A_239 : vector<16xf32>
      %exp3A_243 = math.exp %neg3A_242 : vector<16xf32>
      %add3A_244 = arith.constant 1.000000e+00 : f32
      %add3A_245 = vector.broadcast %add3A_244 : f32 to vector<16xf32>
      %add3A_246 = arith.addf %add3A_245, %exp3A_243 : vector<16xf32>
      %div3A_247 = arith.constant 1.000000e+00 : f32
      %div3A_248 = vector.broadcast %div3A_247 : f32 to vector<16xf32>
      %div3A_249 = arith.divf %div3A_248, %add3A_246 : vector<16xf32>
      %get3A_250 = arith.index_cast %scan3A_61 : i32 to index
      %get3A_251 = arith.constant 96 : index
      %get3A_252 = tpu.vector_load %arg17[%get3A_250, %get3A_251] {strides = array<i32>} : memref<48x128xf32, #tpu.memory_space<vmem>>, vector<1x16xf32>,
      %get3A_253 = vector.shape_cast %get3A_252 : vector<1x16xf32> to vector<16xf32>
      %mul3A_254 = arith.mulf %div3A_249, %get3A_253 : vector<16xf32>
      %swap3A_255 = arith.index_cast %scan3A_61 : i32 to index
      %swap3A_256 = arith.constant 96 : index
      %swap3A_257 = tpu.vector_load %arg13[%swap3A_255, %swap3A_256] {strides = array<i32>} : memref<48x128xf32, #tpu.memory_space<vmem>>, vector<1x16xf32>,
      %swap3A_258 = vector.shape_cast %swap3A_257 : vector<1x16xf32> to vector<16xf32>
      %swap3A_259 = vector.shape_cast %mul3A_254 : vector<16xf32> to vector<1x16xf32>
      tpu.vector_store %arg13[%swap3A_255, %swap3A_256], %swap3A_259 {strides = array<i32>} : memref<48x128xf32, #tpu.memory_space<vmem>>, vector<1x16xf32>,
      %get3A_260 = arith.index_cast %scan3A_61 : i32 to index
      %get3A_261 = arith.constant 112 : index
      %get3A_262 = tpu.vector_load %arg13[%get3A_260, %get3A_261] {strides = array<i32>} : memref<48x128xf32, #tpu.memory_space<vmem>>, vector<1x16xf32>,
      %get3A_263 = vector.shape_cast %get3A_262 : vector<1x16xf32> to vector<16xf32>
      %get3A_264 = arith.index_cast %scan3A_61 : i32 to index
      %get3A_265 = arith.constant 112 : index
      %get3A_266 = tpu.vector_load %arg15[%get3A_264, %get3A_265] {strides = array<i32>} : memref<48x128xf32, #tpu.memory_space<vmem>>, vector<1x16xf32>,
      %get3A_267 = vector.shape_cast %get3A_266 : vector<1x16xf32> to vector<16xf32>
      %add3A_268 = arith.addf %get3A_263, %get3A_267 : vector<16xf32>
      %neg3A_269 = arith.constant 0.000000e+00 : f32
      %neg3A_270 = vector.broadcast %neg3A_269 : f32 to vector<16xf32>
      %neg3A_271 = arith.subf %neg3A_270, %add3A_268 : vector<16xf32>
      %exp3A_272 = math.exp %neg3A_271 : vector<16xf32>
      %add3A_273 = arith.constant 1.000000e+00 : f32
      %add3A_274 = vector.broadcast %add3A_273 : f32 to vector<16xf32>
      %add3A_275 = arith.addf %add3A_274, %exp3A_272 : vector<16xf32>
      %div3A_276 = arith.constant 1.000000e+00 : f32
      %div3A_277 = vector.broadcast %div3A_276 : f32 to vector<16xf32>
      %div3A_278 = arith.divf %div3A_277, %add3A_275 : vector<16xf32>
      %get3A_279 = arith.index_cast %scan3A_61 : i32 to index
      %get3A_280 = arith.constant 112 : index
      %get3A_281 = tpu.vector_load %arg17[%get3A_279, %get3A_280] {strides = array<i32>} : memref<48x128xf32, #tpu.memory_space<vmem>>, vector<1x16xf32>,
      %get3A_282 = vector.shape_cast %get3A_281 : vector<1x16xf32> to vector<16xf32>
      %mul3A_283 = arith.mulf %div3A_278, %get3A_282 : vector<16xf32>
      %swap3A_284 = arith.index_cast %scan3A_61 : i32 to index
      %swap3A_285 = arith.constant 112 : index
      %swap3A_286 = tpu.vector_load %arg13[%swap3A_284, %swap3A_285] {strides = array<i32>} : memref<48x128xf32, #tpu.memory_space<vmem>>, vector<1x16xf32>,
      %swap3A_287 = vector.shape_cast %swap3A_286 : vector<1x16xf32> to vector<16xf32>
      %swap3A_288 = vector.shape_cast %mul3A_283 : vector<16xf32> to vector<1x16xf32>
      tpu.vector_store %arg13[%swap3A_284, %swap3A_285], %swap3A_288 {strides = array<i32>} : memref<48x128xf32, #tpu.memory_space<vmem>>, vector<1x16xf32>,
    }
    %scan3A_44 = arith.constant 48 : i32
    "tpu.region"() ({
      %run_scoped3A = tpu.sem_alloc : memref<!tpu.dma_semaphore, #tpu.memory_space<semaphore_mem>>
      %dma_start3A_61 = arith.constant 0 : i32
      %dma_start3A_62 = arith.constant 0 : i32
      %dma_start3A_63 = tpu.memref_slice %arg19[%dma_start3A_61, %dma_start3A_62] : memref<10240x128xf32, #tpu.memory_space<vmem_shared>> -> memref<10240x128xf32, #tpu.memory_space<vmem_shared>>
      tpu.enqueue_indirect_dma source(%arg13 : memref<48x128xf32, #tpu.memory_space<vmem>>) target(%dma_start3A_63 : memref<10240x128xf32, #tpu.memory_space<vmem_shared>>) offsets(%arg11 : memref<48xi32, #tpu.memory_space<vmem>>) semaphore(%run_scoped3A : memref<!tpu.dma_semaphore, #tpu.memory_space<semaphore_mem>>) {add = true}
      %dma_wait3A_64 = arith.constant 0 : i32
      %dma_wait3A_65 = arith.constant 0 : i32
      %dma_wait3A_66 = tpu.memref_slice %arg19[%dma_wait3A_64, %dma_wait3A_65] : memref<10240x128xf32, #tpu.memory_space<vmem_shared>> -> memref<10240x128xf32, #tpu.memory_space<vmem_shared>>
      tpu.wait_indirect_dma semaphore(%run_scoped3A : memref<!tpu.dma_semaphore, #tpu.memory_space<semaphore_mem>>) src(%arg13 : memref<48x128xf32, #tpu.memory_space<vmem>>) dst(%dma_wait3A_66 : memref<10240x128xf32, #tpu.memory_space<vmem_shared>>)
      tpu.yield
    }) : () -> ()
    %dma_wait3A_45 = arith.constant 0 : i32
    %dma_wait3A_46 = arith.constant 0 : i32
    %dma_wait3A_47 = tpu.memref_slice %arg2[%dma_wait3A_45, %dma_wait3A_46] : memref<10080x128xf32, #tpu.memory_space<hbm>> -> memref<10080x128xf32, #tpu.memory_space<hbm>>
    tpu.wait_indirect_dma semaphore(%arg23 : memref<!tpu.dma_semaphore, #tpu.memory_space<semaphore_mem>>) src(%dma_wait3A_47 : memref<10080x128xf32, #tpu.memory_space<hbm>>) dst(%arg14 : memref<48x128xf32, #tpu.memory_space<vmem>>)
    %dma_wait3A_48 = arith.constant 0 : i32
    %dma_wait3A_49 = arith.constant 0 : i32
    %dma_wait3A_50 = tpu.memref_slice %arg3[%dma_wait3A_48, %dma_wait3A_49] : memref<10080x128xf32, #tpu.memory_space<hbm>> -> memref<10080x128xf32, #tpu.memory_space<hbm>>
    tpu.wait_indirect_dma semaphore(%arg24 : memref<!tpu.dma_semaphore, #tpu.memory_space<semaphore_mem>>) src(%dma_wait3A_50 : memref<10080x128xf32, #tpu.memory_space<hbm>>) dst(%arg16 : memref<48x128xf32, #tpu.memory_space<vmem>>)
    %dma_wait3A_51 = arith.constant 0 : i32
    %dma_wait3A_52 = arith.constant 0 : i32
    %dma_wait3A_53 = tpu.memref_slice %arg4[%dma_wait3A_51, %dma_wait3A_52] : memref<10080x128xf32, #tpu.memory_space<hbm>> -> memref<10080x128xf32, #tpu.memory_space<hbm>>
    tpu.wait_indirect_dma semaphore(%arg25 : memref<!tpu.dma_semaphore, #tpu.memory_space<semaphore_mem>>) src(%dma_wait3A_53 : memref<10080x128xf32, #tpu.memory_space<hbm>>) dst(%arg18 : memref<48x128xf32, #tpu.memory_space<vmem>>)
    %scan3A_54 = arith.constant 0 : i32
    %scan3A_55 = arith.constant 0 : i32
    %scan3A_56 = arith.constant 48 : i32
    %scan3A_57 = arith.addi %scan3A_55, %scan3A_56 : i32
    %scan3A_58 = arith.constant 1 : i32
    scf.for %scan3A_61 = %scan3A_55 to %scan3A_57 step %scan3A_58  : i32 {
      %get3A = arith.index_cast %scan3A_61 : i32 to index
      %get3A_62 = arith.constant 0 : index
      %get3A_63 = tpu.vector_load %arg14[%get3A, %get3A_62] {strides = array<i32>} : memref<48x128xf32, #tpu.memory_space<vmem>>, vector<1x16xf32>,
      %get3A_64 = vector.shape_cast %get3A_63 : vector<1x16xf32> to vector<16xf32>
      %get3A_65 = arith.index_cast %scan3A_61 : i32 to index
      %get3A_66 = arith.constant 0 : index
      %get3A_67 = tpu.vector_load %arg16[%get3A_65, %get3A_66] {strides = array<i32>} : memref<48x128xf32, #tpu.memory_space<vmem>>, vector<1x16xf32>,
      %get3A_68 = vector.shape_cast %get3A_67 : vector<1x16xf32> to vector<16xf32>
      %add3A_69 = arith.addf %get3A_64, %get3A_68 : vector<16xf32>
      %neg3A = arith.constant 0.000000e+00 : f32
      %neg3A_70 = vector.broadcast %neg3A : f32 to vector<16xf32>
      %neg3A_71 = arith.subf %neg3A_70, %add3A_69 : vector<16xf32>
      %exp3A = math.exp %neg3A_71 : vector<16xf32>
      %add3A_72 = arith.constant 1.000000e+00 : f32
      %add3A_73 = vector.broadcast %add3A_72 : f32 to vector<16xf32>
      %add3A_74 = arith.addf %add3A_73, %exp3A : vector<16xf32>
      %div3A = arith.constant 1.000000e+00 : f32
      %div3A_75 = vector.broadcast %div3A : f32 to vector<16xf32>
      %div3A_76 = arith.divf %div3A_75, %add3A_74 : vector<16xf32>
      %get3A_77 = arith.index_cast %scan3A_61 : i32 to index
      %get3A_78 = arith.constant 0 : index
      %get3A_79 = tpu.vector_load %arg18[%get3A_77, %get3A_78] {strides = array<i32>} : memref<48x128xf32, #tpu.memory_space<vmem>>, vector<1x16xf32>,
      %get3A_80 = vector.shape_cast %get3A_79 : vector<1x16xf32> to vector<16xf32>
      %mul3A_81 = arith.mulf %div3A_76, %get3A_80 : vector<16xf32>
      %swap3A = arith.index_cast %scan3A_61 : i32 to index
      %swap3A_82 = arith.constant 0 : index
      %swap3A_83 = tpu.vector_load %arg14[%swap3A, %swap3A_82] {strides = array<i32>} : memref<48x128xf32, #tpu.memory_space<vmem>>, vector<1x16xf32>,
      %swap3A_84 = vector.shape_cast %swap3A_83 : vector<1x16xf32> to vector<16xf32>
      %swap3A_85 = vector.shape_cast %mul3A_81 : vector<16xf32> to vector<1x16xf32>
      tpu.vector_store %arg14[%swap3A, %swap3A_82], %swap3A_85 {strides = array<i32>} : memref<48x128xf32, #tpu.memory_space<vmem>>, vector<1x16xf32>,
      %get3A_86 = arith.index_cast %scan3A_61 : i32 to index
      %get3A_87 = arith.constant 16 : index
      %get3A_88 = tpu.vector_load %arg14[%get3A_86, %get3A_87] {strides = array<i32>} : memref<48x128xf32, #tpu.memory_space<vmem>>, vector<1x16xf32>,
      %get3A_89 = vector.shape_cast %get3A_88 : vector<1x16xf32> to vector<16xf32>
      %get3A_90 = arith.index_cast %scan3A_61 : i32 to index
      %get3A_91 = arith.constant 16 : index
      %get3A_92 = tpu.vector_load %arg16[%get3A_90, %get3A_91] {strides = array<i32>} : memref<48x128xf32, #tpu.memory_space<vmem>>, vector<1x16xf32>,
      %get3A_93 = vector.shape_cast %get3A_92 : vector<1x16xf32> to vector<16xf32>
      %add3A_94 = arith.addf %get3A_89, %get3A_93 : vector<16xf32>
      %neg3A_95 = arith.constant 0.000000e+00 : f32
      %neg3A_96 = vector.broadcast %neg3A_95 : f32 to vector<16xf32>
      %neg3A_97 = arith.subf %neg3A_96, %add3A_94 : vector<16xf32>
      %exp3A_98 = math.exp %neg3A_97 : vector<16xf32>
      %add3A_99 = arith.constant 1.000000e+00 : f32
      %add3A_100 = vector.broadcast %add3A_99 : f32 to vector<16xf32>
      %add3A_101 = arith.addf %add3A_100, %exp3A_98 : vector<16xf32>
      %div3A_102 = arith.constant 1.000000e+00 : f32
      %div3A_103 = vector.broadcast %div3A_102 : f32 to vector<16xf32>
      %div3A_104 = arith.divf %div3A_103, %add3A_101 : vector<16xf32>
      %get3A_105 = arith.index_cast %scan3A_61 : i32 to index
      %get3A_106 = arith.constant 16 : index
      %get3A_107 = tpu.vector_load %arg18[%get3A_105, %get3A_106] {strides = array<i32>} : memref<48x128xf32, #tpu.memory_space<vmem>>, vector<1x16xf32>,
      %get3A_108 = vector.shape_cast %get3A_107 : vector<1x16xf32> to vector<16xf32>
      %mul3A_109 = arith.mulf %div3A_104, %get3A_108 : vector<16xf32>
      %swap3A_110 = arith.index_cast %scan3A_61 : i32 to index
      %swap3A_111 = arith.constant 16 : index
      %swap3A_112 = tpu.vector_load %arg14[%swap3A_110, %swap3A_111] {strides = array<i32>} : memref<48x128xf32, #tpu.memory_space<vmem>>, vector<1x16xf32>,
      %swap3A_113 = vector.shape_cast %swap3A_112 : vector<1x16xf32> to vector<16xf32>
      %swap3A_114 = vector.shape_cast %mul3A_109 : vector<16xf32> to vector<1x16xf32>
      tpu.vector_store %arg14[%swap3A_110, %swap3A_111], %swap3A_114 {strides = array<i32>} : memref<48x128xf32, #tpu.memory_space<vmem>>, vector<1x16xf32>,
      %get3A_115 = arith.index_cast %scan3A_61 : i32 to index
      %get3A_116 = arith.constant 32 : index
      %get3A_117 = tpu.vector_load %arg14[%get3A_115, %get3A_116] {strides = array<i32>} : memref<48x128xf32, #tpu.memory_space<vmem>>, vector<1x16xf32>,
      %get3A_118 = vector.shape_cast %get3A_117 : vector<1x16xf32> to vector<16xf32>
      %get3A_119 = arith.index_cast %scan3A_61 : i32 to index
      %get3A_120 = arith.constant 32 : index
      %get3A_121 = tpu.vector_load %arg16[%get3A_119, %get3A_120] {strides = array<i32>} : memref<48x128xf32, #tpu.memory_space<vmem>>, vector<1x16xf32>,
      %get3A_122 = vector.shape_cast %get3A_121 : vector<1x16xf32> to vector<16xf32>
      %add3A_123 = arith.addf %get3A_118, %get3A_122 : vector<16xf32>
      %neg3A_124 = arith.constant 0.000000e+00 : f32
      %neg3A_125 = vector.broadcast %neg3A_124 : f32 to vector<16xf32>
      %neg3A_126 = arith.subf %neg3A_125, %add3A_123 : vector<16xf32>
      %exp3A_127 = math.exp %neg3A_126 : vector<16xf32>
      %add3A_128 = arith.constant 1.000000e+00 : f32
      %add3A_129 = vector.broadcast %add3A_128 : f32 to vector<16xf32>
      %add3A_130 = arith.addf %add3A_129, %exp3A_127 : vector<16xf32>
      %div3A_131 = arith.constant 1.000000e+00 : f32
      %div3A_132 = vector.broadcast %div3A_131 : f32 to vector<16xf32>
      %div3A_133 = arith.divf %div3A_132, %add3A_130 : vector<16xf32>
      %get3A_134 = arith.index_cast %scan3A_61 : i32 to index
      %get3A_135 = arith.constant 32 : index
      %get3A_136 = tpu.vector_load %arg18[%get3A_134, %get3A_135] {strides = array<i32>} : memref<48x128xf32, #tpu.memory_space<vmem>>, vector<1x16xf32>,
      %get3A_137 = vector.shape_cast %get3A_136 : vector<1x16xf32> to vector<16xf32>
      %mul3A_138 = arith.mulf %div3A_133, %get3A_137 : vector<16xf32>
      %swap3A_139 = arith.index_cast %scan3A_61 : i32 to index
      %swap3A_140 = arith.constant 32 : index
      %swap3A_141 = tpu.vector_load %arg14[%swap3A_139, %swap3A_140] {strides = array<i32>} : memref<48x128xf32, #tpu.memory_space<vmem>>, vector<1x16xf32>,
      %swap3A_142 = vector.shape_cast %swap3A_141 : vector<1x16xf32> to vector<16xf32>
      %swap3A_143 = vector.shape_cast %mul3A_138 : vector<16xf32> to vector<1x16xf32>
      tpu.vector_store %arg14[%swap3A_139, %swap3A_140], %swap3A_143 {strides = array<i32>} : memref<48x128xf32, #tpu.memory_space<vmem>>, vector<1x16xf32>,
      %get3A_144 = arith.index_cast %scan3A_61 : i32 to index
      %get3A_145 = arith.constant 48 : index
      %get3A_146 = tpu.vector_load %arg14[%get3A_144, %get3A_145] {strides = array<i32>} : memref<48x128xf32, #tpu.memory_space<vmem>>, vector<1x16xf32>,
      %get3A_147 = vector.shape_cast %get3A_146 : vector<1x16xf32> to vector<16xf32>
      %get3A_148 = arith.index_cast %scan3A_61 : i32 to index
      %get3A_149 = arith.constant 48 : index
      %get3A_150 = tpu.vector_load %arg16[%get3A_148, %get3A_149] {strides = array<i32>} : memref<48x128xf32, #tpu.memory_space<vmem>>, vector<1x16xf32>,
      %get3A_151 = vector.shape_cast %get3A_150 : vector<1x16xf32> to vector<16xf32>
      %add3A_152 = arith.addf %get3A_147, %get3A_151 : vector<16xf32>
      %neg3A_153 = arith.constant 0.000000e+00 : f32
      %neg3A_154 = vector.broadcast %neg3A_153 : f32 to vector<16xf32>
      %neg3A_155 = arith.subf %neg3A_154, %add3A_152 : vector<16xf32>
      %exp3A_156 = math.exp %neg3A_155 : vector<16xf32>
      %add3A_157 = arith.constant 1.000000e+00 : f32
      %add3A_158 = vector.broadcast %add3A_157 : f32 to vector<16xf32>
      %add3A_159 = arith.addf %add3A_158, %exp3A_156 : vector<16xf32>
      %div3A_160 = arith.constant 1.000000e+00 : f32
      %div3A_161 = vector.broadcast %div3A_160 : f32 to vector<16xf32>
      %div3A_162 = arith.divf %div3A_161, %add3A_159 : vector<16xf32>
      %get3A_163 = arith.index_cast %scan3A_61 : i32 to index
      %get3A_164 = arith.constant 48 : index
      %get3A_165 = tpu.vector_load %arg18[%get3A_163, %get3A_164] {strides = array<i32>} : memref<48x128xf32, #tpu.memory_space<vmem>>, vector<1x16xf32>,
      %get3A_166 = vector.shape_cast %get3A_165 : vector<1x16xf32> to vector<16xf32>
      %mul3A_167 = arith.mulf %div3A_162, %get3A_166 : vector<16xf32>
      %swap3A_168 = arith.index_cast %scan3A_61 : i32 to index
      %swap3A_169 = arith.constant 48 : index
      %swap3A_170 = tpu.vector_load %arg14[%swap3A_168, %swap3A_169] {strides = array<i32>} : memref<48x128xf32, #tpu.memory_space<vmem>>, vector<1x16xf32>,
      %swap3A_171 = vector.shape_cast %swap3A_170 : vector<1x16xf32> to vector<16xf32>
      %swap3A_172 = vector.shape_cast %mul3A_167 : vector<16xf32> to vector<1x16xf32>
      tpu.vector_store %arg14[%swap3A_168, %swap3A_169], %swap3A_172 {strides = array<i32>} : memref<48x128xf32, #tpu.memory_space<vmem>>, vector<1x16xf32>,
      %get3A_173 = arith.index_cast %scan3A_61 : i32 to index
      %get3A_174 = arith.constant 64 : index
      %get3A_175 = tpu.vector_load %arg14[%get3A_173, %get3A_174] {strides = array<i32>} : memref<48x128xf32, #tpu.memory_space<vmem>>, vector<1x16xf32>,
      %get3A_176 = vector.shape_cast %get3A_175 : vector<1x16xf32> to vector<16xf32>
      %get3A_177 = arith.index_cast %scan3A_61 : i32 to index
      %get3A_178 = arith.constant 64 : index
      %get3A_179 = tpu.vector_load %arg16[%get3A_177, %get3A_178] {strides = array<i32>} : memref<48x128xf32, #tpu.memory_space<vmem>>, vector<1x16xf32>,
      %get3A_180 = vector.shape_cast %get3A_179 : vector<1x16xf32> to vector<16xf32>
      %add3A_181 = arith.addf %get3A_176, %get3A_180 : vector<16xf32>
      %neg3A_182 = arith.constant 0.000000e+00 : f32
      %neg3A_183 = vector.broadcast %neg3A_182 : f32 to vector<16xf32>
      %neg3A_184 = arith.subf %neg3A_183, %add3A_181 : vector<16xf32>
      %exp3A_185 = math.exp %neg3A_184 : vector<16xf32>
      %add3A_186 = arith.constant 1.000000e+00 : f32
      %add3A_187 = vector.broadcast %add3A_186 : f32 to vector<16xf32>
      %add3A_188 = arith.addf %add3A_187, %exp3A_185 : vector<16xf32>
      %div3A_189 = arith.constant 1.000000e+00 : f32
      %div3A_190 = vector.broadcast %div3A_189 : f32 to vector<16xf32>
      %div3A_191 = arith.divf %div3A_190, %add3A_188 : vector<16xf32>
      %get3A_192 = arith.index_cast %scan3A_61 : i32 to index
      %get3A_193 = arith.constant 64 : index
      %get3A_194 = tpu.vector_load %arg18[%get3A_192, %get3A_193] {strides = array<i32>} : memref<48x128xf32, #tpu.memory_space<vmem>>, vector<1x16xf32>,
      %get3A_195 = vector.shape_cast %get3A_194 : vector<1x16xf32> to vector<16xf32>
      %mul3A_196 = arith.mulf %div3A_191, %get3A_195 : vector<16xf32>
      %swap3A_197 = arith.index_cast %scan3A_61 : i32 to index
      %swap3A_198 = arith.constant 64 : index
      %swap3A_199 = tpu.vector_load %arg14[%swap3A_197, %swap3A_198] {strides = array<i32>} : memref<48x128xf32, #tpu.memory_space<vmem>>, vector<1x16xf32>,
      %swap3A_200 = vector.shape_cast %swap3A_199 : vector<1x16xf32> to vector<16xf32>
      %swap3A_201 = vector.shape_cast %mul3A_196 : vector<16xf32> to vector<1x16xf32>
      tpu.vector_store %arg14[%swap3A_197, %swap3A_198], %swap3A_201 {strides = array<i32>} : memref<48x128xf32, #tpu.memory_space<vmem>>, vector<1x16xf32>,
      %get3A_202 = arith.index_cast %scan3A_61 : i32 to index
      %get3A_203 = arith.constant 80 : index
      %get3A_204 = tpu.vector_load %arg14[%get3A_202, %get3A_203] {strides = array<i32>} : memref<48x128xf32, #tpu.memory_space<vmem>>, vector<1x16xf32>,
      %get3A_205 = vector.shape_cast %get3A_204 : vector<1x16xf32> to vector<16xf32>
      %get3A_206 = arith.index_cast %scan3A_61 : i32 to index
      %get3A_207 = arith.constant 80 : index
      %get3A_208 = tpu.vector_load %arg16[%get3A_206, %get3A_207] {strides = array<i32>} : memref<48x128xf32, #tpu.memory_space<vmem>>, vector<1x16xf32>,
      %get3A_209 = vector.shape_cast %get3A_208 : vector<1x16xf32> to vector<16xf32>
      %add3A_210 = arith.addf %get3A_205, %get3A_209 : vector<16xf32>
      %neg3A_211 = arith.constant 0.000000e+00 : f32
      %neg3A_212 = vector.broadcast %neg3A_211 : f32 to vector<16xf32>
      %neg3A_213 = arith.subf %neg3A_212, %add3A_210 : vector<16xf32>
      %exp3A_214 = math.exp %neg3A_213 : vector<16xf32>
      %add3A_215 = arith.constant 1.000000e+00 : f32
      %add3A_216 = vector.broadcast %add3A_215 : f32 to vector<16xf32>
      %add3A_217 = arith.addf %add3A_216, %exp3A_214 : vector<16xf32>
      %div3A_218 = arith.constant 1.000000e+00 : f32
      %div3A_219 = vector.broadcast %div3A_218 : f32 to vector<16xf32>
      %div3A_220 = arith.divf %div3A_219, %add3A_217 : vector<16xf32>
      %get3A_221 = arith.index_cast %scan3A_61 : i32 to index
      %get3A_222 = arith.constant 80 : index
      %get3A_223 = tpu.vector_load %arg18[%get3A_221, %get3A_222] {strides = array<i32>} : memref<48x128xf32, #tpu.memory_space<vmem>>, vector<1x16xf32>,
      %get3A_224 = vector.shape_cast %get3A_223 : vector<1x16xf32> to vector<16xf32>
      %mul3A_225 = arith.mulf %div3A_220, %get3A_224 : vector<16xf32>
      %swap3A_226 = arith.index_cast %scan3A_61 : i32 to index
      %swap3A_227 = arith.constant 80 : index
      %swap3A_228 = tpu.vector_load %arg14[%swap3A_226, %swap3A_227] {strides = array<i32>} : memref<48x128xf32, #tpu.memory_space<vmem>>, vector<1x16xf32>,
      %swap3A_229 = vector.shape_cast %swap3A_228 : vector<1x16xf32> to vector<16xf32>
      %swap3A_230 = vector.shape_cast %mul3A_225 : vector<16xf32> to vector<1x16xf32>
      tpu.vector_store %arg14[%swap3A_226, %swap3A_227], %swap3A_230 {strides = array<i32>} : memref<48x128xf32, #tpu.memory_space<vmem>>, vector<1x16xf32>,
      %get3A_231 = arith.index_cast %scan3A_61 : i32 to index
      %get3A_232 = arith.constant 96 : index
      %get3A_233 = tpu.vector_load %arg14[%get3A_231, %get3A_232] {strides = array<i32>} : memref<48x128xf32, #tpu.memory_space<vmem>>, vector<1x16xf32>,
      %get3A_234 = vector.shape_cast %get3A_233 : vector<1x16xf32> to vector<16xf32>
      %get3A_235 = arith.index_cast %scan3A_61 : i32 to index
      %get3A_236 = arith.constant 96 : index
      %get3A_237 = tpu.vector_load %arg16[%get3A_235, %get3A_236] {strides = array<i32>} : memref<48x128xf32, #tpu.memory_space<vmem>>, vector<1x16xf32>,
      %get3A_238 = vector.shape_cast %get3A_237 : vector<1x16xf32> to vector<16xf32>
      %add3A_239 = arith.addf %get3A_234, %get3A_238 : vector<16xf32>
      %neg3A_240 = arith.constant 0.000000e+00 : f32
      %neg3A_241 = vector.broadcast %neg3A_240 : f32 to vector<16xf32>
      %neg3A_242 = arith.subf %neg3A_241, %add3A_239 : vector<16xf32>
      %exp3A_243 = math.exp %neg3A_242 : vector<16xf32>
      %add3A_244 = arith.constant 1.000000e+00 : f32
      %add3A_245 = vector.broadcast %add3A_244 : f32 to vector<16xf32>
      %add3A_246 = arith.addf %add3A_245, %exp3A_243 : vector<16xf32>
      %div3A_247 = arith.constant 1.000000e+00 : f32
      %div3A_248 = vector.broadcast %div3A_247 : f32 to vector<16xf32>
      %div3A_249 = arith.divf %div3A_248, %add3A_246 : vector<16xf32>
      %get3A_250 = arith.index_cast %scan3A_61 : i32 to index
      %get3A_251 = arith.constant 96 : index
      %get3A_252 = tpu.vector_load %arg18[%get3A_250, %get3A_251] {strides = array<i32>} : memref<48x128xf32, #tpu.memory_space<vmem>>, vector<1x16xf32>,
      %get3A_253 = vector.shape_cast %get3A_252 : vector<1x16xf32> to vector<16xf32>
      %mul3A_254 = arith.mulf %div3A_249, %get3A_253 : vector<16xf32>
      %swap3A_255 = arith.index_cast %scan3A_61 : i32 to index
      %swap3A_256 = arith.constant 96 : index
      %swap3A_257 = tpu.vector_load %arg14[%swap3A_255, %swap3A_256] {strides = array<i32>} : memref<48x128xf32, #tpu.memory_space<vmem>>, vector<1x16xf32>,
      %swap3A_258 = vector.shape_cast %swap3A_257 : vector<1x16xf32> to vector<16xf32>
      %swap3A_259 = vector.shape_cast %mul3A_254 : vector<16xf32> to vector<1x16xf32>
      tpu.vector_store %arg14[%swap3A_255, %swap3A_256], %swap3A_259 {strides = array<i32>} : memref<48x128xf32, #tpu.memory_space<vmem>>, vector<1x16xf32>,
      %get3A_260 = arith.index_cast %scan3A_61 : i32 to index
      %get3A_261 = arith.constant 112 : index
      %get3A_262 = tpu.vector_load %arg14[%get3A_260, %get3A_261] {strides = array<i32>} : memref<48x128xf32, #tpu.memory_space<vmem>>, vector<1x16xf32>,
      %get3A_263 = vector.shape_cast %get3A_262 : vector<1x16xf32> to vector<16xf32>
      %get3A_264 = arith.index_cast %scan3A_61 : i32 to index
      %get3A_265 = arith.constant 112 : index
      %get3A_266 = tpu.vector_load %arg16[%get3A_264, %get3A_265] {strides = array<i32>} : memref<48x128xf32, #tpu.memory_space<vmem>>, vector<1x16xf32>,
      %get3A_267 = vector.shape_cast %get3A_266 : vector<1x16xf32> to vector<16xf32>
      %add3A_268 = arith.addf %get3A_263, %get3A_267 : vector<16xf32>
      %neg3A_269 = arith.constant 0.000000e+00 : f32
      %neg3A_270 = vector.broadcast %neg3A_269 : f32 to vector<16xf32>
      %neg3A_271 = arith.subf %neg3A_270, %add3A_268 : vector<16xf32>
      %exp3A_272 = math.exp %neg3A_271 : vector<16xf32>
      %add3A_273 = arith.constant 1.000000e+00 : f32
      %add3A_274 = vector.broadcast %add3A_273 : f32 to vector<16xf32>
      %add3A_275 = arith.addf %add3A_274, %exp3A_272 : vector<16xf32>
      %div3A_276 = arith.constant 1.000000e+00 : f32
      %div3A_277 = vector.broadcast %div3A_276 : f32 to vector<16xf32>
      %div3A_278 = arith.divf %div3A_277, %add3A_275 : vector<16xf32>
      %get3A_279 = arith.index_cast %scan3A_61 : i32 to index
      %get3A_280 = arith.constant 112 : index
      %get3A_281 = tpu.vector_load %arg18[%get3A_279, %get3A_280] {strides = array<i32>} : memref<48x128xf32, #tpu.memory_space<vmem>>, vector<1x16xf32>,
      %get3A_282 = vector.shape_cast %get3A_281 : vector<1x16xf32> to vector<16xf32>
      %mul3A_283 = arith.mulf %div3A_278, %get3A_282 : vector<16xf32>
      %swap3A_284 = arith.index_cast %scan3A_61 : i32 to index
      %swap3A_285 = arith.constant 112 : index
      %swap3A_286 = tpu.vector_load %arg14[%swap3A_284, %swap3A_285] {strides = array<i32>} : memref<48x128xf32, #tpu.memory_space<vmem>>, vector<1x16xf32>,
      %swap3A_287 = vector.shape_cast %swap3A_286 : vector<1x16xf32> to vector<16xf32>
      %swap3A_288 = vector.shape_cast %mul3A_283 : vector<16xf32> to vector<1x16xf32>
      tpu.vector_store %arg14[%swap3A_284, %swap3A_285], %swap3A_288 {strides = array<i32>} : memref<48x128xf32, #tpu.memory_space<vmem>>, vector<1x16xf32>,
    }
    %scan3A_59 = arith.constant 48 : i32
    "tpu.region"() ({
      %run_scoped3A = tpu.sem_alloc : memref<!tpu.dma_semaphore, #tpu.memory_space<semaphore_mem>>
      %dma_start3A_61 = arith.constant 0 : i32
      %dma_start3A_62 = arith.constant 0 : i32
      %dma_start3A_63 = tpu.memref_slice %arg19[%dma_start3A_61, %dma_start3A_62] : memref<10240x128xf32, #tpu.memory_space<vmem_shared>> -> memref<10240x128xf32, #tpu.memory_space<vmem_shared>>
      tpu.enqueue_indirect_dma source(%arg14 : memref<48x128xf32, #tpu.memory_space<vmem>>) target(%dma_start3A_63 : memref<10240x128xf32, #tpu.memory_space<vmem_shared>>) offsets(%arg12 : memref<48xi32, #tpu.memory_space<vmem>>) semaphore(%run_scoped3A : memref<!tpu.dma_semaphore, #tpu.memory_space<semaphore_mem>>) {add = true}
      %dma_wait3A_64 = arith.constant 0 : i32
      %dma_wait3A_65 = arith.constant 0 : i32
      %dma_wait3A_66 = tpu.memref_slice %arg19[%dma_wait3A_64, %dma_wait3A_65] : memref<10240x128xf32, #tpu.memory_space<vmem_shared>> -> memref<10240x128xf32, #tpu.memory_space<vmem_shared>>
      tpu.wait_indirect_dma semaphore(%run_scoped3A : memref<!tpu.dma_semaphore, #tpu.memory_space<semaphore_mem>>) src(%arg14 : memref<48x128xf32, #tpu.memory_space<vmem>>) dst(%dma_wait3A_66 : memref<10240x128xf32, #tpu.memory_space<vmem_shared>>)
      tpu.yield
    }) : () -> ()
    %barrier3A_60 = arith.constant 0 : index
    tpu.barrier barrier_id(%barrier3A_60)
    "tpu.region"() ({
      %run_scoped3A = tpu.sem_alloc : memref<!tpu.dma_semaphore, #tpu.memory_space<semaphore_mem>>
      %dma_start3A_61 = arith.constant 0 : i32
      %dma_start3A_62 = tpu.memref_slice %arg8[%arg0, %multiple_of3A, %dma_start3A_61] : memref<2x10240x128xf32, #tpu.memory_space<hbm>> -> memref<1x640x128xf32, #tpu.memory_space<hbm>>
      %dma_start3A_63 = tpu.memref_squeeze %dma_start3A_62 : memref<1x640x128xf32, #tpu.memory_space<hbm>> -> memref<640x128xf32, #tpu.memory_space<hbm>>
      %dma_start3A_64 = arith.constant 0 : i32
      %dma_start3A_65 = tpu.memref_slice %arg19[%multiple_of3A, %dma_start3A_64] : memref<10240x128xf32, #tpu.memory_space<vmem_shared>> -> memref<640x128xf32, #tpu.memory_space<vmem_shared>>
      tpu.enqueue_dma source(%dma_start3A_65 : memref<640x128xf32, #tpu.memory_space<vmem_shared>>) target(%dma_start3A_63 : memref<640x128xf32, #tpu.memory_space<hbm>>) target_semaphore(%run_scoped3A : memref<!tpu.dma_semaphore, #tpu.memory_space<semaphore_mem>>)
      %dma_wait3A_66 = arith.constant 0 : i32
      %dma_wait3A_67 = tpu.memref_slice %arg8[%arg0, %multiple_of3A, %dma_wait3A_66] : memref<2x10240x128xf32, #tpu.memory_space<hbm>> -> memref<1x640x128xf32, #tpu.memory_space<hbm>>
      %dma_wait3A_68 = tpu.memref_squeeze %dma_wait3A_67 : memref<1x640x128xf32, #tpu.memory_space<hbm>> -> memref<640x128xf32, #tpu.memory_space<hbm>>
      %dma_wait3A_69 = arith.constant 0 : i32
      %dma_wait3A_70 = tpu.memref_slice %arg19[%multiple_of3A, %dma_wait3A_69] : memref<10240x128xf32, #tpu.memory_space<vmem_shared>> -> memref<640x128xf32, #tpu.memory_space<vmem_shared>>
      tpu.wait_dma2 semaphore(%run_scoped3A : memref<!tpu.dma_semaphore, #tpu.memory_space<semaphore_mem>>) src(%dma_wait3A_70 : memref<640x128xf32, #tpu.memory_space<vmem_shared>>) dst(%dma_wait3A_68 : memref<640x128xf32, #tpu.memory_space<hbm>>)
      tpu.yield
    }) : () -> ()
    return
  }
}

#map = affine_map<(d0, d1) -> (0, 0)>
#map1 = affine_map<(d0, d1) -> (0)>
#map2 = affine_map<(d0, d1) -> (0, 0, 0)>
module attributes {stable_mosaic.version = 14 : i64} {
  func.func @body(%arg0: i32, %arg1: i32, %arg2: memref<10080x128xf32, #tpu.memory_space<hbm>>, %arg3: memref<10080x128xf32, #tpu.memory_space<hbm>>, %arg4: memref<10080x128xf32, #tpu.memory_space<hbm>>, %arg5: memref<322560xi32, #tpu.memory_space<hbm>>, %arg6: memref<322560xi32, #tpu.memory_space<hbm>>, %arg7: memref<10240x128xf32, #tpu.memory_space<hbm>>, %arg8: memref<2x10240x128xf32, #tpu.memory_space<hbm>>, %arg9: memref<48xi32, #tpu.memory_space<vmem>>, %arg10: memref<48xi32, #tpu.memory_space<vmem>>, %arg11: memref<48xi32, #tpu.memory_space<vmem>>, %arg12: memref<48xi32, #tpu.memory_space<vmem>>, %arg13: memref<48x128xf32, #tpu.memory_space<vmem>>, %arg14: memref<48x128xf32, #tpu.memory_space<vmem>>, %arg15: memref<48x128xf32, #tpu.memory_space<vmem>>, %arg16: memref<48x128xf32, #tpu.memory_space<vmem>>, %arg17: memref<48x128xf32, #tpu.memory_space<vmem>>, %arg18: memref<48x128xf32, #tpu.memory_space<vmem>>, %arg19: memref<10240x128xf32, #tpu.memory_space<vmem_shared>>, %arg20: memref<!tpu.dma_semaphore, #tpu.memory_space<semaphore_mem>>, %arg21: memref<!tpu.dma_semaphore, #tpu.memory_space<semaphore_mem>>, %arg22: memref<!tpu.dma_semaphore, #tpu.memory_space<semaphore_mem>>, %arg23: memref<!tpu.dma_semaphore, #tpu.memory_space<semaphore_mem>>, %arg24: memref<!tpu.dma_semaphore, #tpu.memory_space<semaphore_mem>>, %arg25: memref<!tpu.dma_semaphore, #tpu.memory_space<semaphore_mem>>) attributes {dimension_semantics = [#tpu.dimension_semantics<core_parallel>, #tpu.dimension_semantics<subcore_parallel>], iteration_bounds = array<i64: 2, 16>, scalar_prefetch = 0 : i64, scratch_operands = 17 : i64, tpu.core_type = #tpu.core_type<sc_vector_subcore>, window_params = [{transform_indices = #map}, {transform_indices = #map}, {transform_indices = #map}, {transform_indices = #map1}, {transform_indices = #map1}, {transform_indices = #map}, {transform_indices = #map2}]} {
    %mul3A = arith.constant 2 : i32
    %mul3A_0 = arith.muli %arg1, %mul3A : i32
    %add3A = arith.addi %mul3A_0, %arg0 : i32
    %mul3A_1 = arith.constant 640 : i32
    %mul3A_2 = arith.muli %arg1, %mul3A_1 : i32
    %multiple_of3A = tpu.assume_multiple %mul3A_2, 8 : i32
    "tpu.region"() ({
      %run_scoped3A = tpu.sem_alloc : memref<!tpu.dma_semaphore, #tpu.memory_space<semaphore_mem>>
      %dma_start3A_61 = arith.constant 0 : i32
      %dma_start3A_62 = tpu.memref_slice %arg19[%multiple_of3A, %dma_start3A_61] : memref<10240x128xf32, #tpu.memory_space<vmem_shared>> -> memref<640x128xf32, #tpu.memory_space<vmem_shared>>
      %dma_start3A_63 = arith.constant 0 : i32
      %dma_start3A_64 = tpu.memref_slice %arg7[%multiple_of3A, %dma_start3A_63] : memref<10240x128xf32, #tpu.memory_space<hbm>> -> memref<640x128xf32, #tpu.memory_space<hbm>>
      tpu.enqueue_dma source(%dma_start3A_64 : memref<640x128xf32, #tpu.memory_space<hbm>>) target(%dma_start3A_62 : memref<640x128xf32, #tpu.memory_space<vmem_shared>>) target_semaphore(%run_scoped3A : memref<!tpu.dma_semaphore, #tpu.memory_space<semaphore_mem>>)
      %dma_wait3A_65 = arith.constant 0 : i32
      %dma_wait3A_66 = tpu.memref_slice %arg19[%multiple_of3A, %dma_wait3A_65] : memref<10240x128xf32, #tpu.memory_space<vmem_shared>> -> memref<640x128xf32, #tpu.memory_space<vmem_shared>>
      %dma_wait3A_67 = arith.constant 0 : i32
      %dma_wait3A_68 = tpu.memref_slice %arg7[%multiple_of3A, %dma_wait3A_67] : memref<10240x128xf32, #tpu.memory_space<hbm>> -> memref<640x128xf32, #tpu.memory_space<hbm>>
      tpu.wait_dma2 semaphore(%run_scoped3A : memref<!tpu.dma_semaphore, #tpu.memory_space<semaphore_mem>>) src(%dma_wait3A_68 : memref<640x128xf32, #tpu.memory_space<hbm>>) dst(%dma_wait3A_66 : memref<640x128xf32, #tpu.memory_space<vmem_shared>>)
      tpu.yield
    }) : () -> ()
    %barrier3A = arith.constant 0 : index
    tpu.barrier barrier_id(%barrier3A)
    %mul3A_3 = arith.constant 10080 : i32
    %mul3A_4 = arith.muli %add3A, %mul3A_3 : i32
    %add3A_5 = arith.constant 0 : i32
    %add3A_6 = arith.addi %mul3A_4, %add3A_5 : i32
    "tpu.region"() ({
      %run_scoped3A = tpu.sem_alloc : memref<!tpu.dma_semaphore, #tpu.memory_space<semaphore_mem>>
      %dma_start3A_61 = tpu.memref_slice %arg5[%add3A_6] : memref<322560xi32, #tpu.memory_space<hbm>> -> memref<48xi32, #tpu.memory_space<hbm>>
      %dma_start3A_62 = tpu.memref_slice %arg5[%add3A_6] : memref<322560xi32, #tpu.memory_space<hbm>> -> memref<48xi32, #tpu.memory_space<hbm>>
      tpu.enqueue_dma source(%dma_start3A_62 : memref<48xi32, #tpu.memory_space<hbm>>) target(%arg9 : memref<48xi32, #tpu.memory_space<vmem>>) target_semaphore(%run_scoped3A : memref<!tpu.dma_semaphore, #tpu.memory_space<semaphore_mem>>)
      %dma_wait3A_63 = tpu.memref_slice %arg5[%add3A_6] : memref<322560xi32, #tpu.memory_space<hbm>> -> memref<48xi32, #tpu.memory_space<hbm>>
      %dma_wait3A_64 = tpu.memref_slice %arg5[%add3A_6] : memref<322560xi32, #tpu.memory_space<hbm>> -> memref<48xi32, #tpu.memory_space<hbm>>
      tpu.wait_dma2 semaphore(%run_scoped3A : memref<!tpu.dma_semaphore, #tpu.memory_space<semaphore_mem>>) src(%dma_wait3A_64 : memref<48xi32, #tpu.memory_space<hbm>>) dst(%arg9 : memref<48xi32, #tpu.memory_space<vmem>>)
      tpu.yield
    }) : () -> ()
    "tpu.region"() ({
      %run_scoped3A = tpu.sem_alloc : memref<!tpu.dma_semaphore, #tpu.memory_space<semaphore_mem>>
      %dma_start3A_61 = tpu.memref_slice %arg6[%add3A_6] : memref<322560xi32, #tpu.memory_space<hbm>> -> memref<48xi32, #tpu.memory_space<hbm>>
      %dma_start3A_62 = tpu.memref_slice %arg6[%add3A_6] : memref<322560xi32, #tpu.memory_space<hbm>> -> memref<48xi32, #tpu.memory_space<hbm>>
      tpu.enqueue_dma source(%dma_start3A_62 : memref<48xi32, #tpu.memory_space<hbm>>) target(%arg11 : memref<48xi32, #tpu.memory_space<vmem>>) target_semaphore(%run_scoped3A : memref<!tpu.dma_semaphore, #tpu.memory_space<semaphore_mem>>)
      %dma_wait3A_63 = tpu.memref_slice %arg6[%add3A_6] : memref<322560xi32, #tpu.memory_space<hbm>> -> memref<48xi32, #tpu.memory_space<hbm>>
      %dma_wait3A_64 = tpu.memref_slice %arg6[%add3A_6] : memref<322560xi32, #tpu.memory_space<hbm>> -> memref<48xi32, #tpu.memory_space<hbm>>
      tpu.wait_dma2 semaphore(%run_scoped3A : memref<!tpu.dma_semaphore, #tpu.memory_space<semaphore_mem>>) src(%dma_wait3A_64 : memref<48xi32, #tpu.memory_space<hbm>>) dst(%arg11 : memref<48xi32, #tpu.memory_space<vmem>>)
      tpu.yield
    }) : () -> ()
    %dma_start3A = arith.constant 0 : i32
    %dma_start3A_7 = arith.constant 0 : i32
    %dma_start3A_8 = tpu.memref_slice %arg2[%dma_start3A, %dma_start3A_7] : memref<10080x128xf32, #tpu.memory_space<hbm>> -> memref<10080x128xf32, #tpu.memory_space<hbm>>
    tpu.enqueue_indirect_dma source(%dma_start3A_8 : memref<10080x128xf32, #tpu.memory_space<hbm>>) target(%arg13 : memref<48x128xf32, #tpu.memory_space<vmem>>) offsets(%arg11 : memref<48xi32, #tpu.memory_space<vmem>>) semaphore(%arg20 : memref<!tpu.dma_semaphore, #tpu.memory_space<semaphore_mem>>)
    %dma_start3A_9 = arith.constant 0 : i32
    %dma_start3A_10 = arith.constant 0 : i32
    %dma_start3A_11 = tpu.memref_slice %arg3[%dma_start3A_9, %dma_start3A_10] : memref<10080x128xf32, #tpu.memory_space<hbm>> -> memref<10080x128xf32, #tpu.memory_space<hbm>>
    tpu.enqueue_indirect_dma source(%dma_start3A_11 : memref<10080x128xf32, #tpu.memory_space<hbm>>) target(%arg15 : memref<48x128xf32, #tpu.memory_space<vmem>>) offsets(%arg9 : memref<48xi32, #tpu.memory_space<vmem>>) semaphore(%arg21 : memref<!tpu.dma_semaphore, #tpu.memory_space<semaphore_mem>>)
    %dma_start3A_12 = arith.constant 0 : i32
    %dma_start3A_13 = arith.constant 0 : i32
    %dma_start3A_14 = tpu.memref_slice %arg4[%dma_start3A_12, %dma_start3A_13] : memref<10080x128xf32, #tpu.memory_space<hbm>> -> memref<10080x128xf32, #tpu.memory_space<hbm>>
    tpu.enqueue_indirect_dma source(%dma_start3A_14 : memref<10080x128xf32, #tpu.memory_space<hbm>>) target(%arg17 : memref<48x128xf32, #tpu.memory_space<vmem>>) offsets(%arg9 : memref<48xi32, #tpu.memory_space<vmem>>) semaphore(%arg22 : memref<!tpu.dma_semaphore, #tpu.memory_space<semaphore_mem>>)
    %scan3A = arith.constant 0 : i32
    %scan3A_15 = arith.constant 0 : i32
    %scan3A_16 = arith.constant 104 : i32
    %scan3A_17 = arith.addi %scan3A_15, %scan3A_16 : i32
    %scan3A_18 = arith.constant 1 : i32
    scf.for %scan3A_61 = %scan3A_15 to %scan3A_17 step %scan3A_18  : i32 {
      %mul3A_62 = arith.constant 2 : i32
      %mul3A_63 = arith.muli %mul3A_62, %scan3A_61 : i32
      %add3A_64 = arith.constant 0 : i32
      %add3A_65 = arith.addi %mul3A_63, %add3A_64 : i32
      %add3A_66 = arith.constant 1 : i32
      %add3A_67 = arith.addi %add3A_65, %add3A_66 : i32
      %mul3A_68 = arith.constant 48 : i32
      %mul3A_69 = arith.muli %add3A_67, %mul3A_68 : i32
      %add3A_70 = arith.addi %mul3A_4, %mul3A_69 : i32
      "tpu.region"() ({
        %run_scoped3A = tpu.sem_alloc : memref<!tpu.dma_semaphore, #tpu.memory_space<semaphore_mem>>
        %dma_start3A_128 = tpu.memref_slice %arg5[%add3A_70] : memref<322560xi32, #tpu.memory_space<hbm>> -> memref<48xi32, #tpu.memory_space<hbm>>
        %dma_start3A_129 = tpu.memref_slice %arg5[%add3A_70] : memref<322560xi32, #tpu.memory_space<hbm>> -> memref<48xi32, #tpu.memory_space<hbm>>
        tpu.enqueue_dma source(%dma_start3A_129 : memref<48xi32, #tpu.memory_space<hbm>>) target(%arg10 : memref<48xi32, #tpu.memory_space<vmem>>) target_semaphore(%run_scoped3A : memref<!tpu.dma_semaphore, #tpu.memory_space<semaphore_mem>>)
        %dma_wait3A_130 = tpu.memref_slice %arg5[%add3A_70] : memref<322560xi32, #tpu.memory_space<hbm>> -> memref<48xi32, #tpu.memory_space<hbm>>
        %dma_wait3A_131 = tpu.memref_slice %arg5[%add3A_70] : memref<322560xi32, #tpu.memory_space<hbm>> -> memref<48xi32, #tpu.memory_space<hbm>>
        tpu.wait_dma2 semaphore(%run_scoped3A : memref<!tpu.dma_semaphore, #tpu.memory_space<semaphore_mem>>) src(%dma_wait3A_131 : memref<48xi32, #tpu.memory_space<hbm>>) dst(%arg10 : memref<48xi32, #tpu.memory_space<vmem>>)
        tpu.yield
      }) : () -> ()
      "tpu.region"() ({
        %run_scoped3A = tpu.sem_alloc : memref<!tpu.dma_semaphore, #tpu.memory_space<semaphore_mem>>
        %dma_start3A_128 = tpu.memref_slice %arg6[%add3A_70] : memref<322560xi32, #tpu.memory_space<hbm>> -> memref<48xi32, #tpu.memory_space<hbm>>
        %dma_start3A_129 = tpu.memref_slice %arg6[%add3A_70] : memref<322560xi32, #tpu.memory_space<hbm>> -> memref<48xi32, #tpu.memory_space<hbm>>
        tpu.enqueue_dma source(%dma_start3A_129 : memref<48xi32, #tpu.memory_space<hbm>>) target(%arg12 : memref<48xi32, #tpu.memory_space<vmem>>) target_semaphore(%run_scoped3A : memref<!tpu.dma_semaphore, #tpu.memory_space<semaphore_mem>>)
        %dma_wait3A_130 = tpu.memref_slice %arg6[%add3A_70] : memref<322560xi32, #tpu.memory_space<hbm>> -> memref<48xi32, #tpu.memory_space<hbm>>
        %dma_wait3A_131 = tpu.memref_slice %arg6[%add3A_70] : memref<322560xi32, #tpu.memory_space<hbm>> -> memref<48xi32, #tpu.memory_space<hbm>>
        tpu.wait_dma2 semaphore(%run_scoped3A : memref<!tpu.dma_semaphore, #tpu.memory_space<semaphore_mem>>) src(%dma_wait3A_131 : memref<48xi32, #tpu.memory_space<hbm>>) dst(%arg12 : memref<48xi32, #tpu.memory_space<vmem>>)
        tpu.yield
      }) : () -> ()
      %dma_start3A_71 = arith.constant 0 : i32
      %dma_start3A_72 = arith.constant 0 : i32
      %dma_start3A_73 = tpu.memref_slice %arg2[%dma_start3A_71, %dma_start3A_72] : memref<10080x128xf32, #tpu.memory_space<hbm>> -> memref<10080x128xf32, #tpu.memory_space<hbm>>
      tpu.enqueue_indirect_dma source(%dma_start3A_73 : memref<10080x128xf32, #tpu.memory_space<hbm>>) target(%arg14 : memref<48x128xf32, #tpu.memory_space<vmem>>) offsets(%arg12 : memref<48xi32, #tpu.memory_space<vmem>>) semaphore(%arg23 : memref<!tpu.dma_semaphore, #tpu.memory_space<semaphore_mem>>)
      %dma_start3A_74 = arith.constant 0 : i32
      %dma_start3A_75 = arith.constant 0 : i32
      %dma_start3A_76 = tpu.memref_slice %arg3[%dma_start3A_74, %dma_start3A_75] : memref<10080x128xf32, #tpu.memory_space<hbm>> -> memref<10080x128xf32, #tpu.memory_space<hbm>>
      tpu.enqueue_indirect_dma source(%dma_start3A_76 : memref<10080x128xf32, #tpu.memory_space<hbm>>) target(%arg16 : memref<48x128xf32, #tpu.memory_space<vmem>>) offsets(%arg10 : memref<48xi32, #tpu.memory_space<vmem>>) semaphore(%arg24 : memref<!tpu.dma_semaphore, #tpu.memory_space<semaphore_mem>>)
      %dma_start3A_77 = arith.constant 0 : i32
      %dma_start3A_78 = arith.constant 0 : i32
      %dma_start3A_79 = tpu.memref_slice %arg4[%dma_start3A_77, %dma_start3A_78] : memref<10080x128xf32, #tpu.memory_space<hbm>> -> memref<10080x128xf32, #tpu.memory_space<hbm>>
      tpu.enqueue_indirect_dma source(%dma_start3A_79 : memref<10080x128xf32, #tpu.memory_space<hbm>>) target(%arg18 : memref<48x128xf32, #tpu.memory_space<vmem>>) offsets(%arg10 : memref<48xi32, #tpu.memory_space<vmem>>) semaphore(%arg25 : memref<!tpu.dma_semaphore, #tpu.memory_space<semaphore_mem>>)
      %dma_wait3A_80 = arith.constant 0 : i32
      %dma_wait3A_81 = arith.constant 0 : i32
      %dma_wait3A_82 = tpu.memref_slice %arg2[%dma_wait3A_80, %dma_wait3A_81] : memref<10080x128xf32, #tpu.memory_space<hbm>> -> memref<10080x128xf32, #tpu.memory_space<hbm>>
      tpu.wait_indirect_dma semaphore(%arg20 : memref<!tpu.dma_semaphore, #tpu.memory_space<semaphore_mem>>) src(%dma_wait3A_82 : memref<10080x128xf32, #tpu.memory_space<hbm>>) dst(%arg13 : memref<48x128xf32, #tpu.memory_space<vmem>>)
      %dma_wait3A_83 = arith.constant 0 : i32
      %dma_wait3A_84 = arith.constant 0 : i32
      %dma_wait3A_85 = tpu.memref_slice %arg3[%dma_wait3A_83, %dma_wait3A_84] : memref<10080x128xf32, #tpu.memory_space<hbm>> -> memref<10080x128xf32, #tpu.memory_space<hbm>>
      tpu.wait_indirect_dma semaphore(%arg21 : memref<!tpu.dma_semaphore, #tpu.memory_space<semaphore_mem>>) src(%dma_wait3A_85 : memref<10080x128xf32, #tpu.memory_space<hbm>>) dst(%arg15 : memref<48x128xf32, #tpu.memory_space<vmem>>)
      %dma_wait3A_86 = arith.constant 0 : i32
      %dma_wait3A_87 = arith.constant 0 : i32
      %dma_wait3A_88 = tpu.memref_slice %arg4[%dma_wait3A_86, %dma_wait3A_87] : memref<10080x128xf32, #tpu.memory_space<hbm>> -> memref<10080x128xf32, #tpu.memory_space<hbm>>
      tpu.wait_indirect_dma semaphore(%arg22 : memref<!tpu.dma_semaphore, #tpu.memory_space<semaphore_mem>>) src(%dma_wait3A_88 : memref<10080x128xf32, #tpu.memory_space<hbm>>) dst(%arg17 : memref<48x128xf32, #tpu.memory_space<vmem>>)
      %scan3A_89 = arith.constant 0 : i32
      %scan3A_90 = arith.constant 0 : i32
      %scan3A_91 = arith.constant 48 : i32
      %scan3A_92 = arith.addi %scan3A_90, %scan3A_91 : i32
      %scan3A_93 = arith.constant 1 : i32
      scf.for %scan3A_128 = %scan3A_90 to %scan3A_92 step %scan3A_93  : i32 {
        %get3A = arith.index_cast %scan3A_128 : i32 to index
        %get3A_129 = arith.constant 0 : index
        %get3A_130 = tpu.vector_load %arg13[%get3A, %get3A_129] {strides = array<i32>} : memref<48x128xf32, #tpu.memory_space<vmem>>, vector<1x16xf32>,
        %get3A_131 = vector.shape_cast %get3A_130 : vector<1x16xf32> to vector<16xf32>
        %get3A_132 = arith.index_cast %scan3A_128 : i32 to index
        %get3A_133 = arith.constant 0 : index
        %get3A_134 = tpu.vector_load %arg15[%get3A_132, %get3A_133] {strides = array<i32>} : memref<48x128xf32, #tpu.memory_space<vmem>>, vector<1x16xf32>,
        %get3A_135 = vector.shape_cast %get3A_134 : vector<1x16xf32> to vector<16xf32>
        %add3A_136 = arith.addf %get3A_131, %get3A_135 : vector<16xf32>
        %neg3A = arith.constant 0.000000e+00 : f32
        %neg3A_137 = vector.broadcast %neg3A : f32 to vector<16xf32>
        %neg3A_138 = arith.subf %neg3A_137, %add3A_136 : vector<16xf32>
        %exp3A = math.exp %neg3A_138 : vector<16xf32>
        %add3A_139 = arith.constant 1.000000e+00 : f32
        %add3A_140 = vector.broadcast %add3A_139 : f32 to vector<16xf32>
        %add3A_141 = arith.addf %add3A_140, %exp3A : vector<16xf32>
        %div3A = arith.constant 1.000000e+00 : f32
        %div3A_142 = vector.broadcast %div3A : f32 to vector<16xf32>
        %div3A_143 = arith.divf %div3A_142, %add3A_141 : vector<16xf32>
        %get3A_144 = arith.index_cast %scan3A_128 : i32 to index
        %get3A_145 = arith.constant 0 : index
        %get3A_146 = tpu.vector_load %arg17[%get3A_144, %get3A_145] {strides = array<i32>} : memref<48x128xf32, #tpu.memory_space<vmem>>, vector<1x16xf32>,
        %get3A_147 = vector.shape_cast %get3A_146 : vector<1x16xf32> to vector<16xf32>
        %mul3A_148 = arith.mulf %div3A_143, %get3A_147 : vector<16xf32>
        %swap3A = arith.index_cast %scan3A_128 : i32 to index
        %swap3A_149 = arith.constant 0 : index
        %swap3A_150 = tpu.vector_load %arg13[%swap3A, %swap3A_149] {strides = array<i32>} : memref<48x128xf32, #tpu.memory_space<vmem>>, vector<1x16xf32>,
        %swap3A_151 = vector.shape_cast %swap3A_150 : vector<1x16xf32> to vector<16xf32>
        %swap3A_152 = vector.shape_cast %mul3A_148 : vector<16xf32> to vector<1x16xf32>
        tpu.vector_store %arg13[%swap3A, %swap3A_149], %swap3A_152 {strides = array<i32>} : memref<48x128xf32, #tpu.memory_space<vmem>>, vector<1x16xf32>,
        %get3A_153 = arith.index_cast %scan3A_128 : i32 to index
        %get3A_154 = arith.constant 16 : index
        %get3A_155 = tpu.vector_load %arg13[%get3A_153, %get3A_154] {strides = array<i32>} : memref<48x128xf32, #tpu.memory_space<vmem>>, vector<1x16xf32>,
        %get3A_156 = vector.shape_cast %get3A_155 : vector<1x16xf32> to vector<16xf32>
        %get3A_157 = arith.index_cast %scan3A_128 : i32 to index
        %get3A_158 = arith.constant 16 : index
        %get3A_159 = tpu.vector_load %arg15[%get3A_157, %get3A_158] {strides = array<i32>} : memref<48x128xf32, #tpu.memory_space<vmem>>, vector<1x16xf32>,
        %get3A_160 = vector.shape_cast %get3A_159 : vector<1x16xf32> to vector<16xf32>
        %add3A_161 = arith.addf %get3A_156, %get3A_160 : vector<16xf32>
        %neg3A_162 = arith.constant 0.000000e+00 : f32
        %neg3A_163 = vector.broadcast %neg3A_162 : f32 to vector<16xf32>
        %neg3A_164 = arith.subf %neg3A_163, %add3A_161 : vector<16xf32>
        %exp3A_165 = math.exp %neg3A_164 : vector<16xf32>
        %add3A_166 = arith.constant 1.000000e+00 : f32
        %add3A_167 = vector.broadcast %add3A_166 : f32 to vector<16xf32>
        %add3A_168 = arith.addf %add3A_167, %exp3A_165 : vector<16xf32>
        %div3A_169 = arith.constant 1.000000e+00 : f32
        %div3A_170 = vector.broadcast %div3A_169 : f32 to vector<16xf32>
        %div3A_171 = arith.divf %div3A_170, %add3A_168 : vector<16xf32>
        %get3A_172 = arith.index_cast %scan3A_128 : i32 to index
        %get3A_173 = arith.constant 16 : index
        %get3A_174 = tpu.vector_load %arg17[%get3A_172, %get3A_173] {strides = array<i32>} : memref<48x128xf32, #tpu.memory_space<vmem>>, vector<1x16xf32>,
        %get3A_175 = vector.shape_cast %get3A_174 : vector<1x16xf32> to vector<16xf32>
        %mul3A_176 = arith.mulf %div3A_171, %get3A_175 : vector<16xf32>
        %swap3A_177 = arith.index_cast %scan3A_128 : i32 to index
        %swap3A_178 = arith.constant 16 : index
        %swap3A_179 = tpu.vector_load %arg13[%swap3A_177, %swap3A_178] {strides = array<i32>} : memref<48x128xf32, #tpu.memory_space<vmem>>, vector<1x16xf32>,
        %swap3A_180 = vector.shape_cast %swap3A_179 : vector<1x16xf32> to vector<16xf32>
        %swap3A_181 = vector.shape_cast %mul3A_176 : vector<16xf32> to vector<1x16xf32>
        tpu.vector_store %arg13[%swap3A_177, %swap3A_178], %swap3A_181 {strides = array<i32>} : memref<48x128xf32, #tpu.memory_space<vmem>>, vector<1x16xf32>,
        %get3A_182 = arith.index_cast %scan3A_128 : i32 to index
        %get3A_183 = arith.constant 32 : index
        %get3A_184 = tpu.vector_load %arg13[%get3A_182, %get3A_183] {strides = array<i32>} : memref<48x128xf32, #tpu.memory_space<vmem>>, vector<1x16xf32>,
        %get3A_185 = vector.shape_cast %get3A_184 : vector<1x16xf32> to vector<16xf32>
        %get3A_186 = arith.index_cast %scan3A_128 : i32 to index
        %get3A_187 = arith.constant 32 : index
        %get3A_188 = tpu.vector_load %arg15[%get3A_186, %get3A_187] {strides = array<i32>} : memref<48x128xf32, #tpu.memory_space<vmem>>, vector<1x16xf32>,
        %get3A_189 = vector.shape_cast %get3A_188 : vector<1x16xf32> to vector<16xf32>
        %add3A_190 = arith.addf %get3A_185, %get3A_189 : vector<16xf32>
        %neg3A_191 = arith.constant 0.000000e+00 : f32
        %neg3A_192 = vector.broadcast %neg3A_191 : f32 to vector<16xf32>
        %neg3A_193 = arith.subf %neg3A_192, %add3A_190 : vector<16xf32>
        %exp3A_194 = math.exp %neg3A_193 : vector<16xf32>
        %add3A_195 = arith.constant 1.000000e+00 : f32
        %add3A_196 = vector.broadcast %add3A_195 : f32 to vector<16xf32>
        %add3A_197 = arith.addf %add3A_196, %exp3A_194 : vector<16xf32>
        %div3A_198 = arith.constant 1.000000e+00 : f32
        %div3A_199 = vector.broadcast %div3A_198 : f32 to vector<16xf32>
        %div3A_200 = arith.divf %div3A_199, %add3A_197 : vector<16xf32>
        %get3A_201 = arith.index_cast %scan3A_128 : i32 to index
        %get3A_202 = arith.constant 32 : index
        %get3A_203 = tpu.vector_load %arg17[%get3A_201, %get3A_202] {strides = array<i32>} : memref<48x128xf32, #tpu.memory_space<vmem>>, vector<1x16xf32>,
        %get3A_204 = vector.shape_cast %get3A_203 : vector<1x16xf32> to vector<16xf32>
        %mul3A_205 = arith.mulf %div3A_200, %get3A_204 : vector<16xf32>
        %swap3A_206 = arith.index_cast %scan3A_128 : i32 to index
        %swap3A_207 = arith.constant 32 : index
        %swap3A_208 = tpu.vector_load %arg13[%swap3A_206, %swap3A_207] {strides = array<i32>} : memref<48x128xf32, #tpu.memory_space<vmem>>, vector<1x16xf32>,
        %swap3A_209 = vector.shape_cast %swap3A_208 : vector<1x16xf32> to vector<16xf32>
        %swap3A_210 = vector.shape_cast %mul3A_205 : vector<16xf32> to vector<1x16xf32>
        tpu.vector_store %arg13[%swap3A_206, %swap3A_207], %swap3A_210 {strides = array<i32>} : memref<48x128xf32, #tpu.memory_space<vmem>>, vector<1x16xf32>,
        %get3A_211 = arith.index_cast %scan3A_128 : i32 to index
        %get3A_212 = arith.constant 48 : index
        %get3A_213 = tpu.vector_load %arg13[%get3A_211, %get3A_212] {strides = array<i32>} : memref<48x128xf32, #tpu.memory_space<vmem>>, vector<1x16xf32>,
        %get3A_214 = vector.shape_cast %get3A_213 : vector<1x16xf32> to vector<16xf32>
        %get3A_215 = arith.index_cast %scan3A_128 : i32 to index
        %get3A_216 = arith.constant 48 : index
        %get3A_217 = tpu.vector_load %arg15[%get3A_215, %get3A_216] {strides = array<i32>} : memref<48x128xf32, #tpu.memory_space<vmem>>, vector<1x16xf32>,
        %get3A_218 = vector.shape_cast %get3A_217 : vector<1x16xf32> to vector<16xf32>
        %add3A_219 = arith.addf %get3A_214, %get3A_218 : vector<16xf32>
        %neg3A_220 = arith.constant 0.000000e+00 : f32
        %neg3A_221 = vector.broadcast %neg3A_220 : f32 to vector<16xf32>
        %neg3A_222 = arith.subf %neg3A_221, %add3A_219 : vector<16xf32>
        %exp3A_223 = math.exp %neg3A_222 : vector<16xf32>
        %add3A_224 = arith.constant 1.000000e+00 : f32
        %add3A_225 = vector.broadcast %add3A_224 : f32 to vector<16xf32>
        %add3A_226 = arith.addf %add3A_225, %exp3A_223 : vector<16xf32>
        %div3A_227 = arith.constant 1.000000e+00 : f32
        %div3A_228 = vector.broadcast %div3A_227 : f32 to vector<16xf32>
        %div3A_229 = arith.divf %div3A_228, %add3A_226 : vector<16xf32>
        %get3A_230 = arith.index_cast %scan3A_128 : i32 to index
        %get3A_231 = arith.constant 48 : index
        %get3A_232 = tpu.vector_load %arg17[%get3A_230, %get3A_231] {strides = array<i32>} : memref<48x128xf32, #tpu.memory_space<vmem>>, vector<1x16xf32>,
        %get3A_233 = vector.shape_cast %get3A_232 : vector<1x16xf32> to vector<16xf32>
        %mul3A_234 = arith.mulf %div3A_229, %get3A_233 : vector<16xf32>
        %swap3A_235 = arith.index_cast %scan3A_128 : i32 to index
        %swap3A_236 = arith.constant 48 : index
        %swap3A_237 = tpu.vector_load %arg13[%swap3A_235, %swap3A_236] {strides = array<i32>} : memref<48x128xf32, #tpu.memory_space<vmem>>, vector<1x16xf32>,
        %swap3A_238 = vector.shape_cast %swap3A_237 : vector<1x16xf32> to vector<16xf32>
        %swap3A_239 = vector.shape_cast %mul3A_234 : vector<16xf32> to vector<1x16xf32>
        tpu.vector_store %arg13[%swap3A_235, %swap3A_236], %swap3A_239 {strides = array<i32>} : memref<48x128xf32, #tpu.memory_space<vmem>>, vector<1x16xf32>,
        %get3A_240 = arith.index_cast %scan3A_128 : i32 to index
        %get3A_241 = arith.constant 64 : index
        %get3A_242 = tpu.vector_load %arg13[%get3A_240, %get3A_241] {strides = array<i32>} : memref<48x128xf32, #tpu.memory_space<vmem>>, vector<1x16xf32>,
        %get3A_243 = vector.shape_cast %get3A_242 : vector<1x16xf32> to vector<16xf32>
        %get3A_244 = arith.index_cast %scan3A_128 : i32 to index
        %get3A_245 = arith.constant 64 : index
        %get3A_246 = tpu.vector_load %arg15[%get3A_244, %get3A_245] {strides = array<i32>} : memref<48x128xf32, #tpu.memory_space<vmem>>, vector<1x16xf32>,
        %get3A_247 = vector.shape_cast %get3A_246 : vector<1x16xf32> to vector<16xf32>
        %add3A_248 = arith.addf %get3A_243, %get3A_247 : vector<16xf32>
        %neg3A_249 = arith.constant 0.000000e+00 : f32
        %neg3A_250 = vector.broadcast %neg3A_249 : f32 to vector<16xf32>
        %neg3A_251 = arith.subf %neg3A_250, %add3A_248 : vector<16xf32>
        %exp3A_252 = math.exp %neg3A_251 : vector<16xf32>
        %add3A_253 = arith.constant 1.000000e+00 : f32
        %add3A_254 = vector.broadcast %add3A_253 : f32 to vector<16xf32>
        %add3A_255 = arith.addf %add3A_254, %exp3A_252 : vector<16xf32>
        %div3A_256 = arith.constant 1.000000e+00 : f32
        %div3A_257 = vector.broadcast %div3A_256 : f32 to vector<16xf32>
        %div3A_258 = arith.divf %div3A_257, %add3A_255 : vector<16xf32>
        %get3A_259 = arith.index_cast %scan3A_128 : i32 to index
        %get3A_260 = arith.constant 64 : index
        %get3A_261 = tpu.vector_load %arg17[%get3A_259, %get3A_260] {strides = array<i32>} : memref<48x128xf32, #tpu.memory_space<vmem>>, vector<1x16xf32>,
        %get3A_262 = vector.shape_cast %get3A_261 : vector<1x16xf32> to vector<16xf32>
        %mul3A_263 = arith.mulf %div3A_258, %get3A_262 : vector<16xf32>
        %swap3A_264 = arith.index_cast %scan3A_128 : i32 to index
        %swap3A_265 = arith.constant 64 : index
        %swap3A_266 = tpu.vector_load %arg13[%swap3A_264, %swap3A_265] {strides = array<i32>} : memref<48x128xf32, #tpu.memory_space<vmem>>, vector<1x16xf32>,
        %swap3A_267 = vector.shape_cast %swap3A_266 : vector<1x16xf32> to vector<16xf32>
        %swap3A_268 = vector.shape_cast %mul3A_263 : vector<16xf32> to vector<1x16xf32>
        tpu.vector_store %arg13[%swap3A_264, %swap3A_265], %swap3A_268 {strides = array<i32>} : memref<48x128xf32, #tpu.memory_space<vmem>>, vector<1x16xf32>,
        %get3A_269 = arith.index_cast %scan3A_128 : i32 to index
        %get3A_270 = arith.constant 80 : index
        %get3A_271 = tpu.vector_load %arg13[%get3A_269, %get3A_270] {strides = array<i32>} : memref<48x128xf32, #tpu.memory_space<vmem>>, vector<1x16xf32>,
        %get3A_272 = vector.shape_cast %get3A_271 : vector<1x16xf32> to vector<16xf32>
        %get3A_273 = arith.index_cast %scan3A_128 : i32 to index
        %get3A_274 = arith.constant 80 : index
        %get3A_275 = tpu.vector_load %arg15[%get3A_273, %get3A_274] {strides = array<i32>} : memref<48x128xf32, #tpu.memory_space<vmem>>, vector<1x16xf32>,
        %get3A_276 = vector.shape_cast %get3A_275 : vector<1x16xf32> to vector<16xf32>
        %add3A_277 = arith.addf %get3A_272, %get3A_276 : vector<16xf32>
        %neg3A_278 = arith.constant 0.000000e+00 : f32
        %neg3A_279 = vector.broadcast %neg3A_278 : f32 to vector<16xf32>
        %neg3A_280 = arith.subf %neg3A_279, %add3A_277 : vector<16xf32>
        %exp3A_281 = math.exp %neg3A_280 : vector<16xf32>
        %add3A_282 = arith.constant 1.000000e+00 : f32
        %add3A_283 = vector.broadcast %add3A_282 : f32 to vector<16xf32>
        %add3A_284 = arith.addf %add3A_283, %exp3A_281 : vector<16xf32>
        %div3A_285 = arith.constant 1.000000e+00 : f32
        %div3A_286 = vector.broadcast %div3A_285 : f32 to vector<16xf32>
        %div3A_287 = arith.divf %div3A_286, %add3A_284 : vector<16xf32>
        %get3A_288 = arith.index_cast %scan3A_128 : i32 to index
        %get3A_289 = arith.constant 80 : index
        %get3A_290 = tpu.vector_load %arg17[%get3A_288, %get3A_289] {strides = array<i32>} : memref<48x128xf32, #tpu.memory_space<vmem>>, vector<1x16xf32>,
        %get3A_291 = vector.shape_cast %get3A_290 : vector<1x16xf32> to vector<16xf32>
        %mul3A_292 = arith.mulf %div3A_287, %get3A_291 : vector<16xf32>
        %swap3A_293 = arith.index_cast %scan3A_128 : i32 to index
        %swap3A_294 = arith.constant 80 : index
        %swap3A_295 = tpu.vector_load %arg13[%swap3A_293, %swap3A_294] {strides = array<i32>} : memref<48x128xf32, #tpu.memory_space<vmem>>, vector<1x16xf32>,
        %swap3A_296 = vector.shape_cast %swap3A_295 : vector<1x16xf32> to vector<16xf32>
        %swap3A_297 = vector.shape_cast %mul3A_292 : vector<16xf32> to vector<1x16xf32>
        tpu.vector_store %arg13[%swap3A_293, %swap3A_294], %swap3A_297 {strides = array<i32>} : memref<48x128xf32, #tpu.memory_space<vmem>>, vector<1x16xf32>,
        %get3A_298 = arith.index_cast %scan3A_128 : i32 to index
        %get3A_299 = arith.constant 96 : index
        %get3A_300 = tpu.vector_load %arg13[%get3A_298, %get3A_299] {strides = array<i32>} : memref<48x128xf32, #tpu.memory_space<vmem>>, vector<1x16xf32>,
        %get3A_301 = vector.shape_cast %get3A_300 : vector<1x16xf32> to vector<16xf32>
        %get3A_302 = arith.index_cast %scan3A_128 : i32 to index
        %get3A_303 = arith.constant 96 : index
        %get3A_304 = tpu.vector_load %arg15[%get3A_302, %get3A_303] {strides = array<i32>} : memref<48x128xf32, #tpu.memory_space<vmem>>, vector<1x16xf32>,
        %get3A_305 = vector.shape_cast %get3A_304 : vector<1x16xf32> to vector<16xf32>
        %add3A_306 = arith.addf %get3A_301, %get3A_305 : vector<16xf32>
        %neg3A_307 = arith.constant 0.000000e+00 : f32
        %neg3A_308 = vector.broadcast %neg3A_307 : f32 to vector<16xf32>
        %neg3A_309 = arith.subf %neg3A_308, %add3A_306 : vector<16xf32>
        %exp3A_310 = math.exp %neg3A_309 : vector<16xf32>
        %add3A_311 = arith.constant 1.000000e+00 : f32
        %add3A_312 = vector.broadcast %add3A_311 : f32 to vector<16xf32>
        %add3A_313 = arith.addf %add3A_312, %exp3A_310 : vector<16xf32>
        %div3A_314 = arith.constant 1.000000e+00 : f32
        %div3A_315 = vector.broadcast %div3A_314 : f32 to vector<16xf32>
        %div3A_316 = arith.divf %div3A_315, %add3A_313 : vector<16xf32>
        %get3A_317 = arith.index_cast %scan3A_128 : i32 to index
        %get3A_318 = arith.constant 96 : index
        %get3A_319 = tpu.vector_load %arg17[%get3A_317, %get3A_318] {strides = array<i32>} : memref<48x128xf32, #tpu.memory_space<vmem>>, vector<1x16xf32>,
        %get3A_320 = vector.shape_cast %get3A_319 : vector<1x16xf32> to vector<16xf32>
        %mul3A_321 = arith.mulf %div3A_316, %get3A_320 : vector<16xf32>
        %swap3A_322 = arith.index_cast %scan3A_128 : i32 to index
        %swap3A_323 = arith.constant 96 : index
        %swap3A_324 = tpu.vector_load %arg13[%swap3A_322, %swap3A_323] {strides = array<i32>} : memref<48x128xf32, #tpu.memory_space<vmem>>, vector<1x16xf32>,
        %swap3A_325 = vector.shape_cast %swap3A_324 : vector<1x16xf32> to vector<16xf32>
        %swap3A_326 = vector.shape_cast %mul3A_321 : vector<16xf32> to vector<1x16xf32>
        tpu.vector_store %arg13[%swap3A_322, %swap3A_323], %swap3A_326 {strides = array<i32>} : memref<48x128xf32, #tpu.memory_space<vmem>>, vector<1x16xf32>,
        %get3A_327 = arith.index_cast %scan3A_128 : i32 to index
        %get3A_328 = arith.constant 112 : index
        %get3A_329 = tpu.vector_load %arg13[%get3A_327, %get3A_328] {strides = array<i32>} : memref<48x128xf32, #tpu.memory_space<vmem>>, vector<1x16xf32>,
        %get3A_330 = vector.shape_cast %get3A_329 : vector<1x16xf32> to vector<16xf32>
        %get3A_331 = arith.index_cast %scan3A_128 : i32 to index
        %get3A_332 = arith.constant 112 : index
        %get3A_333 = tpu.vector_load %arg15[%get3A_331, %get3A_332] {strides = array<i32>} : memref<48x128xf32, #tpu.memory_space<vmem>>, vector<1x16xf32>,
        %get3A_334 = vector.shape_cast %get3A_333 : vector<1x16xf32> to vector<16xf32>
        %add3A_335 = arith.addf %get3A_330, %get3A_334 : vector<16xf32>
        %neg3A_336 = arith.constant 0.000000e+00 : f32
        %neg3A_337 = vector.broadcast %neg3A_336 : f32 to vector<16xf32>
        %neg3A_338 = arith.subf %neg3A_337, %add3A_335 : vector<16xf32>
        %exp3A_339 = math.exp %neg3A_338 : vector<16xf32>
        %add3A_340 = arith.constant 1.000000e+00 : f32
        %add3A_341 = vector.broadcast %add3A_340 : f32 to vector<16xf32>
        %add3A_342 = arith.addf %add3A_341, %exp3A_339 : vector<16xf32>
        %div3A_343 = arith.constant 1.000000e+00 : f32
        %div3A_344 = vector.broadcast %div3A_343 : f32 to vector<16xf32>
        %div3A_345 = arith.divf %div3A_344, %add3A_342 : vector<16xf32>
        %get3A_346 = arith.index_cast %scan3A_128 : i32 to index
        %get3A_347 = arith.constant 112 : index
        %get3A_348 = tpu.vector_load %arg17[%get3A_346, %get3A_347] {strides = array<i32>} : memref<48x128xf32, #tpu.memory_space<vmem>>, vector<1x16xf32>,
        %get3A_349 = vector.shape_cast %get3A_348 : vector<1x16xf32> to vector<16xf32>
        %mul3A_350 = arith.mulf %div3A_345, %get3A_349 : vector<16xf32>
        %swap3A_351 = arith.index_cast %scan3A_128 : i32 to index
        %swap3A_352 = arith.constant 112 : index
        %swap3A_353 = tpu.vector_load %arg13[%swap3A_351, %swap3A_352] {strides = array<i32>} : memref<48x128xf32, #tpu.memory_space<vmem>>, vector<1x16xf32>,
        %swap3A_354 = vector.shape_cast %swap3A_353 : vector<1x16xf32> to vector<16xf32>
        %swap3A_355 = vector.shape_cast %mul3A_350 : vector<16xf32> to vector<1x16xf32>
        tpu.vector_store %arg13[%swap3A_351, %swap3A_352], %swap3A_355 {strides = array<i32>} : memref<48x128xf32, #tpu.memory_space<vmem>>, vector<1x16xf32>,
      }
      %scan3A_94 = arith.constant 48 : i32
      "tpu.region"() ({
        %run_scoped3A = tpu.sem_alloc : memref<!tpu.dma_semaphore, #tpu.memory_space<semaphore_mem>>
        %dma_start3A_128 = arith.constant 0 : i32
        %dma_start3A_129 = arith.constant 0 : i32
        %dma_start3A_130 = tpu.memref_slice %arg19[%dma_start3A_128, %dma_start3A_129] : memref<10240x128xf32, #tpu.memory_space<vmem_shared>> -> memref<10240x128xf32, #tpu.memory_space<vmem_shared>>
        tpu.enqueue_indirect_dma source(%arg13 : memref<48x128xf32, #tpu.memory_space<vmem>>) target(%dma_start3A_130 : memref<10240x128xf32, #tpu.memory_space<vmem_shared>>) offsets(%arg11 : memref<48xi32, #tpu.memory_space<vmem>>) semaphore(%run_scoped3A : memref<!tpu.dma_semaphore, #tpu.memory_space<semaphore_mem>>) {add = true}
        %dma_wait3A_131 = arith.constant 0 : i32
        %dma_wait3A_132 = arith.constant 0 : i32
        %dma_wait3A_133 = tpu.memref_slice %arg19[%dma_wait3A_131, %dma_wait3A_132] : memref<10240x128xf32, #tpu.memory_space<vmem_shared>> -> memref<10240x128xf32, #tpu.memory_space<vmem_shared>>
        tpu.wait_indirect_dma semaphore(%run_scoped3A : memref<!tpu.dma_semaphore, #tpu.memory_space<semaphore_mem>>) src(%arg13 : memref<48x128xf32, #tpu.memory_space<vmem>>) dst(%dma_wait3A_133 : memref<10240x128xf32, #tpu.memory_space<vmem_shared>>)
        tpu.yield
      }) : () -> ()
      %mul3A_95 = arith.constant 2 : i32
      %mul3A_96 = arith.muli %mul3A_95, %scan3A_61 : i32
      %add3A_97 = arith.constant 1 : i32
      %add3A_98 = arith.addi %mul3A_96, %add3A_97 : i32
      %add3A_99 = arith.constant 1 : i32
      %add3A_100 = arith.addi %add3A_98, %add3A_99 : i32
      %mul3A_101 = arith.constant 48 : i32
      %mul3A_102 = arith.muli %add3A_100, %mul3A_101 : i32
      %add3A_103 = arith.addi %mul3A_4, %mul3A_102 : i32
      "tpu.region"() ({
        %run_scoped3A = tpu.sem_alloc : memref<!tpu.dma_semaphore, #tpu.memory_space<semaphore_mem>>
        %dma_start3A_128 = tpu.memref_slice %arg5[%add3A_103] : memref<322560xi32, #tpu.memory_space<hbm>> -> memref<48xi32, #tpu.memory_space<hbm>>
        %dma_start3A_129 = tpu.memref_slice %arg5[%add3A_103] : memref<322560xi32, #tpu.memory_space<hbm>> -> memref<48xi32, #tpu.memory_space<hbm>>
        tpu.enqueue_dma source(%dma_start3A_129 : memref<48xi32, #tpu.memory_space<hbm>>) target(%arg9 : memref<48xi32, #tpu.memory_space<vmem>>) target_semaphore(%run_scoped3A : memref<!tpu.dma_semaphore, #tpu.memory_space<semaphore_mem>>)
        %dma_wait3A_130 = tpu.memref_slice %arg5[%add3A_103] : memref<322560xi32, #tpu.memory_space<hbm>> -> memref<48xi32, #tpu.memory_space<hbm>>
        %dma_wait3A_131 = tpu.memref_slice %arg5[%add3A_103] : memref<322560xi32, #tpu.memory_space<hbm>> -> memref<48xi32, #tpu.memory_space<hbm>>
        tpu.wait_dma2 semaphore(%run_scoped3A : memref<!tpu.dma_semaphore, #tpu.memory_space<semaphore_mem>>) src(%dma_wait3A_131 : memref<48xi32, #tpu.memory_space<hbm>>) dst(%arg9 : memref<48xi32, #tpu.memory_space<vmem>>)
        tpu.yield
      }) : () -> ()
      "tpu.region"() ({
        %run_scoped3A = tpu.sem_alloc : memref<!tpu.dma_semaphore, #tpu.memory_space<semaphore_mem>>
        %dma_start3A_128 = tpu.memref_slice %arg6[%add3A_103] : memref<322560xi32, #tpu.memory_space<hbm>> -> memref<48xi32, #tpu.memory_space<hbm>>
        %dma_start3A_129 = tpu.memref_slice %arg6[%add3A_103] : memref<322560xi32, #tpu.memory_space<hbm>> -> memref<48xi32, #tpu.memory_space<hbm>>
        tpu.enqueue_dma source(%dma_start3A_129 : memref<48xi32, #tpu.memory_space<hbm>>) target(%arg11 : memref<48xi32, #tpu.memory_space<vmem>>) target_semaphore(%run_scoped3A : memref<!tpu.dma_semaphore, #tpu.memory_space<semaphore_mem>>)
        %dma_wait3A_130 = tpu.memref_slice %arg6[%add3A_103] : memref<322560xi32, #tpu.memory_space<hbm>> -> memref<48xi32, #tpu.memory_space<hbm>>
        %dma_wait3A_131 = tpu.memref_slice %arg6[%add3A_103] : memref<322560xi32, #tpu.memory_space<hbm>> -> memref<48xi32, #tpu.memory_space<hbm>>
        tpu.wait_dma2 semaphore(%run_scoped3A : memref<!tpu.dma_semaphore, #tpu.memory_space<semaphore_mem>>) src(%dma_wait3A_131 : memref<48xi32, #tpu.memory_space<hbm>>) dst(%arg11 : memref<48xi32, #tpu.memory_space<vmem>>)
        tpu.yield
      }) : () -> ()
      %dma_start3A_104 = arith.constant 0 : i32
      %dma_start3A_105 = arith.constant 0 : i32
      %dma_start3A_106 = tpu.memref_slice %arg2[%dma_start3A_104, %dma_start3A_105] : memref<10080x128xf32, #tpu.memory_space<hbm>> -> memref<10080x128xf32, #tpu.memory_space<hbm>>
      tpu.enqueue_indirect_dma source(%dma_start3A_106 : memref<10080x128xf32, #tpu.memory_space<hbm>>) target(%arg13 : memref<48x128xf32, #tpu.memory_space<vmem>>) offsets(%arg11 : memref<48xi32, #tpu.memory_space<vmem>>) semaphore(%arg20 : memref<!tpu.dma_semaphore, #tpu.memory_space<semaphore_mem>>)
      %dma_start3A_107 = arith.constant 0 : i32
      %dma_start3A_108 = arith.constant 0 : i32
      %dma_start3A_109 = tpu.memref_slice %arg3[%dma_start3A_107, %dma_start3A_108] : memref<10080x128xf32, #tpu.memory_space<hbm>> -> memref<10080x128xf32, #tpu.memory_space<hbm>>
      tpu.enqueue_indirect_dma source(%dma_start3A_109 : memref<10080x128xf32, #tpu.memory_space<hbm>>) target(%arg15 : memref<48x128xf32, #tpu.memory_space<vmem>>) offsets(%arg9 : memref<48xi32, #tpu.memory_space<vmem>>) semaphore(%arg21 : memref<!tpu.dma_semaphore, #tpu.memory_space<semaphore_mem>>)
      %dma_start3A_110 = arith.constant 0 : i32
      %dma_start3A_111 = arith.constant 0 : i32
      %dma_start3A_112 = tpu.memref_slice %arg4[%dma_start3A_110, %dma_start3A_111] : memref<10080x128xf32, #tpu.memory_space<hbm>> -> memref<10080x128xf32, #tpu.memory_space<hbm>>
      tpu.enqueue_indirect_dma source(%dma_start3A_112 : memref<10080x128xf32, #tpu.memory_space<hbm>>) target(%arg17 : memref<48x128xf32, #tpu.memory_space<vmem>>) offsets(%arg9 : memref<48xi32, #tpu.memory_space<vmem>>) semaphore(%arg22 : memref<!tpu.dma_semaphore, #tpu.memory_space<semaphore_mem>>)
      %dma_wait3A_113 = arith.constant 0 : i32
      %dma_wait3A_114 = arith.constant 0 : i32
      %dma_wait3A_115 = tpu.memref_slice %arg2[%dma_wait3A_113, %dma_wait3A_114] : memref<10080x128xf32, #tpu.memory_space<hbm>> -> memref<10080x128xf32, #tpu.memory_space<hbm>>
      tpu.wait_indirect_dma semaphore(%arg23 : memref<!tpu.dma_semaphore, #tpu.memory_space<semaphore_mem>>) src(%dma_wait3A_115 : memref<10080x128xf32, #tpu.memory_space<hbm>>) dst(%arg14 : memref<48x128xf32, #tpu.memory_space<vmem>>)
      %dma_wait3A_116 = arith.constant 0 : i32
      %dma_wait3A_117 = arith.constant 0 : i32
      %dma_wait3A_118 = tpu.memref_slice %arg3[%dma_wait3A_116, %dma_wait3A_117] : memref<10080x128xf32, #tpu.memory_space<hbm>> -> memref<10080x128xf32, #tpu.memory_space<hbm>>
      tpu.wait_indirect_dma semaphore(%arg24 : memref<!tpu.dma_semaphore, #tpu.memory_space<semaphore_mem>>) src(%dma_wait3A_118 : memref<10080x128xf32, #tpu.memory_space<hbm>>) dst(%arg16 : memref<48x128xf32, #tpu.memory_space<vmem>>)
      %dma_wait3A_119 = arith.constant 0 : i32
      %dma_wait3A_120 = arith.constant 0 : i32
      %dma_wait3A_121 = tpu.memref_slice %arg4[%dma_wait3A_119, %dma_wait3A_120] : memref<10080x128xf32, #tpu.memory_space<hbm>> -> memref<10080x128xf32, #tpu.memory_space<hbm>>
      tpu.wait_indirect_dma semaphore(%arg25 : memref<!tpu.dma_semaphore, #tpu.memory_space<semaphore_mem>>) src(%dma_wait3A_121 : memref<10080x128xf32, #tpu.memory_space<hbm>>) dst(%arg18 : memref<48x128xf32, #tpu.memory_space<vmem>>)
      %scan3A_122 = arith.constant 0 : i32
      %scan3A_123 = arith.constant 0 : i32
      %scan3A_124 = arith.constant 48 : i32
      %scan3A_125 = arith.addi %scan3A_123, %scan3A_124 : i32
      %scan3A_126 = arith.constant 1 : i32
      scf.for %scan3A_128 = %scan3A_123 to %scan3A_125 step %scan3A_126  : i32 {
        %get3A = arith.index_cast %scan3A_128 : i32 to index
        %get3A_129 = arith.constant 0 : index
        %get3A_130 = tpu.vector_load %arg14[%get3A, %get3A_129] {strides = array<i32>} : memref<48x128xf32, #tpu.memory_space<vmem>>, vector<1x16xf32>,
        %get3A_131 = vector.shape_cast %get3A_130 : vector<1x16xf32> to vector<16xf32>
        %get3A_132 = arith.index_cast %scan3A_128 : i32 to index
        %get3A_133 = arith.constant 0 : index
        %get3A_134 = tpu.vector_load %arg16[%get3A_132, %get3A_133] {strides = array<i32>} : memref<48x128xf32, #tpu.memory_space<vmem>>, vector<1x16xf32>,
        %get3A_135 = vector.shape_cast %get3A_134 : vector<1x16xf32> to vector<16xf32>
        %add3A_136 = arith.addf %get3A_131, %get3A_135 : vector<16xf32>
        %neg3A = arith.constant 0.000000e+00 : f32
        %neg3A_137 = vector.broadcast %neg3A : f32 to vector<16xf32>
        %neg3A_138 = arith.subf %neg3A_137, %add3A_136 : vector<16xf32>
        %exp3A = math.exp %neg3A_138 : vector<16xf32>
        %add3A_139 = arith.constant 1.000000e+00 : f32
        %add3A_140 = vector.broadcast %add3A_139 : f32 to vector<16xf32>
        %add3A_141 = arith.addf %add3A_140, %exp3A : vector<16xf32>
        %div3A = arith.constant 1.000000e+00 : f32
        %div3A_142 = vector.broadcast %div3A : f32 to vector<16xf32>
        %div3A_143 = arith.divf %div3A_142, %add3A_141 : vector<16xf32>
        %get3A_144 = arith.index_cast %scan3A_128 : i32 to index
        %get3A_145 = arith.constant 0 : index
        %get3A_146 = tpu.vector_load %arg18[%get3A_144, %get3A_145] {strides = array<i32>} : memref<48x128xf32, #tpu.memory_space<vmem>>, vector<1x16xf32>,
        %get3A_147 = vector.shape_cast %get3A_146 : vector<1x16xf32> to vector<16xf32>
        %mul3A_148 = arith.mulf %div3A_143, %get3A_147 : vector<16xf32>
        %swap3A = arith.index_cast %scan3A_128 : i32 to index
        %swap3A_149 = arith.constant 0 : index
        %swap3A_150 = tpu.vector_load %arg14[%swap3A, %swap3A_149] {strides = array<i32>} : memref<48x128xf32, #tpu.memory_space<vmem>>, vector<1x16xf32>,
        %swap3A_151 = vector.shape_cast %swap3A_150 : vector<1x16xf32> to vector<16xf32>
        %swap3A_152 = vector.shape_cast %mul3A_148 : vector<16xf32> to vector<1x16xf32>
        tpu.vector_store %arg14[%swap3A, %swap3A_149], %swap3A_152 {strides = array<i32>} : memref<48x128xf32, #tpu.memory_space<vmem>>, vector<1x16xf32>,
        %get3A_153 = arith.index_cast %scan3A_128 : i32 to index
        %get3A_154 = arith.constant 16 : index
        %get3A_155 = tpu.vector_load %arg14[%get3A_153, %get3A_154] {strides = array<i32>} : memref<48x128xf32, #tpu.memory_space<vmem>>, vector<1x16xf32>,
        %get3A_156 = vector.shape_cast %get3A_155 : vector<1x16xf32> to vector<16xf32>
        %get3A_157 = arith.index_cast %scan3A_128 : i32 to index
        %get3A_158 = arith.constant 16 : index
        %get3A_159 = tpu.vector_load %arg16[%get3A_157, %get3A_158] {strides = array<i32>} : memref<48x128xf32, #tpu.memory_space<vmem>>, vector<1x16xf32>,
        %get3A_160 = vector.shape_cast %get3A_159 : vector<1x16xf32> to vector<16xf32>
        %add3A_161 = arith.addf %get3A_156, %get3A_160 : vector<16xf32>
        %neg3A_162 = arith.constant 0.000000e+00 : f32
        %neg3A_163 = vector.broadcast %neg3A_162 : f32 to vector<16xf32>
        %neg3A_164 = arith.subf %neg3A_163, %add3A_161 : vector<16xf32>
        %exp3A_165 = math.exp %neg3A_164 : vector<16xf32>
        %add3A_166 = arith.constant 1.000000e+00 : f32
        %add3A_167 = vector.broadcast %add3A_166 : f32 to vector<16xf32>
        %add3A_168 = arith.addf %add3A_167, %exp3A_165 : vector<16xf32>
        %div3A_169 = arith.constant 1.000000e+00 : f32
        %div3A_170 = vector.broadcast %div3A_169 : f32 to vector<16xf32>
        %div3A_171 = arith.divf %div3A_170, %add3A_168 : vector<16xf32>
        %get3A_172 = arith.index_cast %scan3A_128 : i32 to index
        %get3A_173 = arith.constant 16 : index
        %get3A_174 = tpu.vector_load %arg18[%get3A_172, %get3A_173] {strides = array<i32>} : memref<48x128xf32, #tpu.memory_space<vmem>>, vector<1x16xf32>,
        %get3A_175 = vector.shape_cast %get3A_174 : vector<1x16xf32> to vector<16xf32>
        %mul3A_176 = arith.mulf %div3A_171, %get3A_175 : vector<16xf32>
        %swap3A_177 = arith.index_cast %scan3A_128 : i32 to index
        %swap3A_178 = arith.constant 16 : index
        %swap3A_179 = tpu.vector_load %arg14[%swap3A_177, %swap3A_178] {strides = array<i32>} : memref<48x128xf32, #tpu.memory_space<vmem>>, vector<1x16xf32>,
        %swap3A_180 = vector.shape_cast %swap3A_179 : vector<1x16xf32> to vector<16xf32>
        %swap3A_181 = vector.shape_cast %mul3A_176 : vector<16xf32> to vector<1x16xf32>
        tpu.vector_store %arg14[%swap3A_177, %swap3A_178], %swap3A_181 {strides = array<i32>} : memref<48x128xf32, #tpu.memory_space<vmem>>, vector<1x16xf32>,
        %get3A_182 = arith.index_cast %scan3A_128 : i32 to index
        %get3A_183 = arith.constant 32 : index
        %get3A_184 = tpu.vector_load %arg14[%get3A_182, %get3A_183] {strides = array<i32>} : memref<48x128xf32, #tpu.memory_space<vmem>>, vector<1x16xf32>,
        %get3A_185 = vector.shape_cast %get3A_184 : vector<1x16xf32> to vector<16xf32>
        %get3A_186 = arith.index_cast %scan3A_128 : i32 to index
        %get3A_187 = arith.constant 32 : index
        %get3A_188 = tpu.vector_load %arg16[%get3A_186, %get3A_187] {strides = array<i32>} : memref<48x128xf32, #tpu.memory_space<vmem>>, vector<1x16xf32>,
        %get3A_189 = vector.shape_cast %get3A_188 : vector<1x16xf32> to vector<16xf32>
        %add3A_190 = arith.addf %get3A_185, %get3A_189 : vector<16xf32>
        %neg3A_191 = arith.constant 0.000000e+00 : f32
        %neg3A_192 = vector.broadcast %neg3A_191 : f32 to vector<16xf32>
        %neg3A_193 = arith.subf %neg3A_192, %add3A_190 : vector<16xf32>
        %exp3A_194 = math.exp %neg3A_193 : vector<16xf32>
        %add3A_195 = arith.constant 1.000000e+00 : f32
        %add3A_196 = vector.broadcast %add3A_195 : f32 to vector<16xf32>
        %add3A_197 = arith.addf %add3A_196, %exp3A_194 : vector<16xf32>
        %div3A_198 = arith.constant 1.000000e+00 : f32
        %div3A_199 = vector.broadcast %div3A_198 : f32 to vector<16xf32>
        %div3A_200 = arith.divf %div3A_199, %add3A_197 : vector<16xf32>
        %get3A_201 = arith.index_cast %scan3A_128 : i32 to index
        %get3A_202 = arith.constant 32 : index
        %get3A_203 = tpu.vector_load %arg18[%get3A_201, %get3A_202] {strides = array<i32>} : memref<48x128xf32, #tpu.memory_space<vmem>>, vector<1x16xf32>,
        %get3A_204 = vector.shape_cast %get3A_203 : vector<1x16xf32> to vector<16xf32>
        %mul3A_205 = arith.mulf %div3A_200, %get3A_204 : vector<16xf32>
        %swap3A_206 = arith.index_cast %scan3A_128 : i32 to index
        %swap3A_207 = arith.constant 32 : index
        %swap3A_208 = tpu.vector_load %arg14[%swap3A_206, %swap3A_207] {strides = array<i32>} : memref<48x128xf32, #tpu.memory_space<vmem>>, vector<1x16xf32>,
        %swap3A_209 = vector.shape_cast %swap3A_208 : vector<1x16xf32> to vector<16xf32>
        %swap3A_210 = vector.shape_cast %mul3A_205 : vector<16xf32> to vector<1x16xf32>
        tpu.vector_store %arg14[%swap3A_206, %swap3A_207], %swap3A_210 {strides = array<i32>} : memref<48x128xf32, #tpu.memory_space<vmem>>, vector<1x16xf32>,
        %get3A_211 = arith.index_cast %scan3A_128 : i32 to index
        %get3A_212 = arith.constant 48 : index
        %get3A_213 = tpu.vector_load %arg14[%get3A_211, %get3A_212] {strides = array<i32>} : memref<48x128xf32, #tpu.memory_space<vmem>>, vector<1x16xf32>,
        %get3A_214 = vector.shape_cast %get3A_213 : vector<1x16xf32> to vector<16xf32>
        %get3A_215 = arith.index_cast %scan3A_128 : i32 to index
        %get3A_216 = arith.constant 48 : index
        %get3A_217 = tpu.vector_load %arg16[%get3A_215, %get3A_216] {strides = array<i32>} : memref<48x128xf32, #tpu.memory_space<vmem>>, vector<1x16xf32>,
        %get3A_218 = vector.shape_cast %get3A_217 : vector<1x16xf32> to vector<16xf32>
        %add3A_219 = arith.addf %get3A_214, %get3A_218 : vector<16xf32>
        %neg3A_220 = arith.constant 0.000000e+00 : f32
        %neg3A_221 = vector.broadcast %neg3A_220 : f32 to vector<16xf32>
        %neg3A_222 = arith.subf %neg3A_221, %add3A_219 : vector<16xf32>
        %exp3A_223 = math.exp %neg3A_222 : vector<16xf32>
        %add3A_224 = arith.constant 1.000000e+00 : f32
        %add3A_225 = vector.broadcast %add3A_224 : f32 to vector<16xf32>
        %add3A_226 = arith.addf %add3A_225, %exp3A_223 : vector<16xf32>
        %div3A_227 = arith.constant 1.000000e+00 : f32
        %div3A_228 = vector.broadcast %div3A_227 : f32 to vector<16xf32>
        %div3A_229 = arith.divf %div3A_228, %add3A_226 : vector<16xf32>
        %get3A_230 = arith.index_cast %scan3A_128 : i32 to index
        %get3A_231 = arith.constant 48 : index
        %get3A_232 = tpu.vector_load %arg18[%get3A_230, %get3A_231] {strides = array<i32>} : memref<48x128xf32, #tpu.memory_space<vmem>>, vector<1x16xf32>,
        %get3A_233 = vector.shape_cast %get3A_232 : vector<1x16xf32> to vector<16xf32>
        %mul3A_234 = arith.mulf %div3A_229, %get3A_233 : vector<16xf32>
        %swap3A_235 = arith.index_cast %scan3A_128 : i32 to index
        %swap3A_236 = arith.constant 48 : index
        %swap3A_237 = tpu.vector_load %arg14[%swap3A_235, %swap3A_236] {strides = array<i32>} : memref<48x128xf32, #tpu.memory_space<vmem>>, vector<1x16xf32>,
        %swap3A_238 = vector.shape_cast %swap3A_237 : vector<1x16xf32> to vector<16xf32>
        %swap3A_239 = vector.shape_cast %mul3A_234 : vector<16xf32> to vector<1x16xf32>
        tpu.vector_store %arg14[%swap3A_235, %swap3A_236], %swap3A_239 {strides = array<i32>} : memref<48x128xf32, #tpu.memory_space<vmem>>, vector<1x16xf32>,
        %get3A_240 = arith.index_cast %scan3A_128 : i32 to index
        %get3A_241 = arith.constant 64 : index
        %get3A_242 = tpu.vector_load %arg14[%get3A_240, %get3A_241] {strides = array<i32>} : memref<48x128xf32, #tpu.memory_space<vmem>>, vector<1x16xf32>,
        %get3A_243 = vector.shape_cast %get3A_242 : vector<1x16xf32> to vector<16xf32>
        %get3A_244 = arith.index_cast %scan3A_128 : i32 to index
        %get3A_245 = arith.constant 64 : index
        %get3A_246 = tpu.vector_load %arg16[%get3A_244, %get3A_245] {strides = array<i32>} : memref<48x128xf32, #tpu.memory_space<vmem>>, vector<1x16xf32>,
        %get3A_247 = vector.shape_cast %get3A_246 : vector<1x16xf32> to vector<16xf32>
        %add3A_248 = arith.addf %get3A_243, %get3A_247 : vector<16xf32>
        %neg3A_249 = arith.constant 0.000000e+00 : f32
        %neg3A_250 = vector.broadcast %neg3A_249 : f32 to vector<16xf32>
        %neg3A_251 = arith.subf %neg3A_250, %add3A_248 : vector<16xf32>
        %exp3A_252 = math.exp %neg3A_251 : vector<16xf32>
        %add3A_253 = arith.constant 1.000000e+00 : f32
        %add3A_254 = vector.broadcast %add3A_253 : f32 to vector<16xf32>
        %add3A_255 = arith.addf %add3A_254, %exp3A_252 : vector<16xf32>
        %div3A_256 = arith.constant 1.000000e+00 : f32
        %div3A_257 = vector.broadcast %div3A_256 : f32 to vector<16xf32>
        %div3A_258 = arith.divf %div3A_257, %add3A_255 : vector<16xf32>
        %get3A_259 = arith.index_cast %scan3A_128 : i32 to index
        %get3A_260 = arith.constant 64 : index
        %get3A_261 = tpu.vector_load %arg18[%get3A_259, %get3A_260] {strides = array<i32>} : memref<48x128xf32, #tpu.memory_space<vmem>>, vector<1x16xf32>,
        %get3A_262 = vector.shape_cast %get3A_261 : vector<1x16xf32> to vector<16xf32>
        %mul3A_263 = arith.mulf %div3A_258, %get3A_262 : vector<16xf32>
        %swap3A_264 = arith.index_cast %scan3A_128 : i32 to index
        %swap3A_265 = arith.constant 64 : index
        %swap3A_266 = tpu.vector_load %arg14[%swap3A_264, %swap3A_265] {strides = array<i32>} : memref<48x128xf32, #tpu.memory_space<vmem>>, vector<1x16xf32>,
        %swap3A_267 = vector.shape_cast %swap3A_266 : vector<1x16xf32> to vector<16xf32>
        %swap3A_268 = vector.shape_cast %mul3A_263 : vector<16xf32> to vector<1x16xf32>
        tpu.vector_store %arg14[%swap3A_264, %swap3A_265], %swap3A_268 {strides = array<i32>} : memref<48x128xf32, #tpu.memory_space<vmem>>, vector<1x16xf32>,
        %get3A_269 = arith.index_cast %scan3A_128 : i32 to index
        %get3A_270 = arith.constant 80 : index
        %get3A_271 = tpu.vector_load %arg14[%get3A_269, %get3A_270] {strides = array<i32>} : memref<48x128xf32, #tpu.memory_space<vmem>>, vector<1x16xf32>,
        %get3A_272 = vector.shape_cast %get3A_271 : vector<1x16xf32> to vector<16xf32>
        %get3A_273 = arith.index_cast %scan3A_128 : i32 to index
        %get3A_274 = arith.constant 80 : index
        %get3A_275 = tpu.vector_load %arg16[%get3A_273, %get3A_274] {strides = array<i32>} : memref<48x128xf32, #tpu.memory_space<vmem>>, vector<1x16xf32>,
        %get3A_276 = vector.shape_cast %get3A_275 : vector<1x16xf32> to vector<16xf32>
        %add3A_277 = arith.addf %get3A_272, %get3A_276 : vector<16xf32>
        %neg3A_278 = arith.constant 0.000000e+00 : f32
        %neg3A_279 = vector.broadcast %neg3A_278 : f32 to vector<16xf32>
        %neg3A_280 = arith.subf %neg3A_279, %add3A_277 : vector<16xf32>
        %exp3A_281 = math.exp %neg3A_280 : vector<16xf32>
        %add3A_282 = arith.constant 1.000000e+00 : f32
        %add3A_283 = vector.broadcast %add3A_282 : f32 to vector<16xf32>
        %add3A_284 = arith.addf %add3A_283, %exp3A_281 : vector<16xf32>
        %div3A_285 = arith.constant 1.000000e+00 : f32
        %div3A_286 = vector.broadcast %div3A_285 : f32 to vector<16xf32>
        %div3A_287 = arith.divf %div3A_286, %add3A_284 : vector<16xf32>
        %get3A_288 = arith.index_cast %scan3A_128 : i32 to index
        %get3A_289 = arith.constant 80 : index
        %get3A_290 = tpu.vector_load %arg18[%get3A_288, %get3A_289] {strides = array<i32>} : memref<48x128xf32, #tpu.memory_space<vmem>>, vector<1x16xf32>,
        %get3A_291 = vector.shape_cast %get3A_290 : vector<1x16xf32> to vector<16xf32>
        %mul3A_292 = arith.mulf %div3A_287, %get3A_291 : vector<16xf32>
        %swap3A_293 = arith.index_cast %scan3A_128 : i32 to index
        %swap3A_294 = arith.constant 80 : index
        %swap3A_295 = tpu.vector_load %arg14[%swap3A_293, %swap3A_294] {strides = array<i32>} : memref<48x128xf32, #tpu.memory_space<vmem>>, vector<1x16xf32>,
        %swap3A_296 = vector.shape_cast %swap3A_295 : vector<1x16xf32> to vector<16xf32>
        %swap3A_297 = vector.shape_cast %mul3A_292 : vector<16xf32> to vector<1x16xf32>
        tpu.vector_store %arg14[%swap3A_293, %swap3A_294], %swap3A_297 {strides = array<i32>} : memref<48x128xf32, #tpu.memory_space<vmem>>, vector<1x16xf32>,
        %get3A_298 = arith.index_cast %scan3A_128 : i32 to index
        %get3A_299 = arith.constant 96 : index
        %get3A_300 = tpu.vector_load %arg14[%get3A_298, %get3A_299] {strides = array<i32>} : memref<48x128xf32, #tpu.memory_space<vmem>>, vector<1x16xf32>,
        %get3A_301 = vector.shape_cast %get3A_300 : vector<1x16xf32> to vector<16xf32>
        %get3A_302 = arith.index_cast %scan3A_128 : i32 to index
        %get3A_303 = arith.constant 96 : index
        %get3A_304 = tpu.vector_load %arg16[%get3A_302, %get3A_303] {strides = array<i32>} : memref<48x128xf32, #tpu.memory_space<vmem>>, vector<1x16xf32>,
        %get3A_305 = vector.shape_cast %get3A_304 : vector<1x16xf32> to vector<16xf32>
        %add3A_306 = arith.addf %get3A_301, %get3A_305 : vector<16xf32>
        %neg3A_307 = arith.constant 0.000000e+00 : f32
        %neg3A_308 = vector.broadcast %neg3A_307 : f32 to vector<16xf32>
        %neg3A_309 = arith.subf %neg3A_308, %add3A_306 : vector<16xf32>
        %exp3A_310 = math.exp %neg3A_309 : vector<16xf32>
        %add3A_311 = arith.constant 1.000000e+00 : f32
        %add3A_312 = vector.broadcast %add3A_311 : f32 to vector<16xf32>
        %add3A_313 = arith.addf %add3A_312, %exp3A_310 : vector<16xf32>
        %div3A_314 = arith.constant 1.000000e+00 : f32
        %div3A_315 = vector.broadcast %div3A_314 : f32 to vector<16xf32>
        %div3A_316 = arith.divf %div3A_315, %add3A_313 : vector<16xf32>
        %get3A_317 = arith.index_cast %scan3A_128 : i32 to index
        %get3A_318 = arith.constant 96 : index
        %get3A_319 = tpu.vector_load %arg18[%get3A_317, %get3A_318] {strides = array<i32>} : memref<48x128xf32, #tpu.memory_space<vmem>>, vector<1x16xf32>,
        %get3A_320 = vector.shape_cast %get3A_319 : vector<1x16xf32> to vector<16xf32>
        %mul3A_321 = arith.mulf %div3A_316, %get3A_320 : vector<16xf32>
        %swap3A_322 = arith.index_cast %scan3A_128 : i32 to index
        %swap3A_323 = arith.constant 96 : index
        %swap3A_324 = tpu.vector_load %arg14[%swap3A_322, %swap3A_323] {strides = array<i32>} : memref<48x128xf32, #tpu.memory_space<vmem>>, vector<1x16xf32>,
        %swap3A_325 = vector.shape_cast %swap3A_324 : vector<1x16xf32> to vector<16xf32>
        %swap3A_326 = vector.shape_cast %mul3A_321 : vector<16xf32> to vector<1x16xf32>
        tpu.vector_store %arg14[%swap3A_322, %swap3A_323], %swap3A_326 {strides = array<i32>} : memref<48x128xf32, #tpu.memory_space<vmem>>, vector<1x16xf32>,
        %get3A_327 = arith.index_cast %scan3A_128 : i32 to index
        %get3A_328 = arith.constant 112 : index
        %get3A_329 = tpu.vector_load %arg14[%get3A_327, %get3A_328] {strides = array<i32>} : memref<48x128xf32, #tpu.memory_space<vmem>>, vector<1x16xf32>,
        %get3A_330 = vector.shape_cast %get3A_329 : vector<1x16xf32> to vector<16xf32>
        %get3A_331 = arith.index_cast %scan3A_128 : i32 to index
        %get3A_332 = arith.constant 112 : index
        %get3A_333 = tpu.vector_load %arg16[%get3A_331, %get3A_332] {strides = array<i32>} : memref<48x128xf32, #tpu.memory_space<vmem>>, vector<1x16xf32>,
        %get3A_334 = vector.shape_cast %get3A_333 : vector<1x16xf32> to vector<16xf32>
        %add3A_335 = arith.addf %get3A_330, %get3A_334 : vector<16xf32>
        %neg3A_336 = arith.constant 0.000000e+00 : f32
        %neg3A_337 = vector.broadcast %neg3A_336 : f32 to vector<16xf32>
        %neg3A_338 = arith.subf %neg3A_337, %add3A_335 : vector<16xf32>
        %exp3A_339 = math.exp %neg3A_338 : vector<16xf32>
        %add3A_340 = arith.constant 1.000000e+00 : f32
        %add3A_341 = vector.broadcast %add3A_340 : f32 to vector<16xf32>
        %add3A_342 = arith.addf %add3A_341, %exp3A_339 : vector<16xf32>
        %div3A_343 = arith.constant 1.000000e+00 : f32
        %div3A_344 = vector.broadcast %div3A_343 : f32 to vector<16xf32>
        %div3A_345 = arith.divf %div3A_344, %add3A_342 : vector<16xf32>
        %get3A_346 = arith.index_cast %scan3A_128 : i32 to index
        %get3A_347 = arith.constant 112 : index
        %get3A_348 = tpu.vector_load %arg18[%get3A_346, %get3A_347] {strides = array<i32>} : memref<48x128xf32, #tpu.memory_space<vmem>>, vector<1x16xf32>,
        %get3A_349 = vector.shape_cast %get3A_348 : vector<1x16xf32> to vector<16xf32>
        %mul3A_350 = arith.mulf %div3A_345, %get3A_349 : vector<16xf32>
        %swap3A_351 = arith.index_cast %scan3A_128 : i32 to index
        %swap3A_352 = arith.constant 112 : index
        %swap3A_353 = tpu.vector_load %arg14[%swap3A_351, %swap3A_352] {strides = array<i32>} : memref<48x128xf32, #tpu.memory_space<vmem>>, vector<1x16xf32>,
        %swap3A_354 = vector.shape_cast %swap3A_353 : vector<1x16xf32> to vector<16xf32>
        %swap3A_355 = vector.shape_cast %mul3A_350 : vector<16xf32> to vector<1x16xf32>
        tpu.vector_store %arg14[%swap3A_351, %swap3A_352], %swap3A_355 {strides = array<i32>} : memref<48x128xf32, #tpu.memory_space<vmem>>, vector<1x16xf32>,
      }
      %scan3A_127 = arith.constant 48 : i32
      "tpu.region"() ({
        %run_scoped3A = tpu.sem_alloc : memref<!tpu.dma_semaphore, #tpu.memory_space<semaphore_mem>>
        %dma_start3A_128 = arith.constant 0 : i32
        %dma_start3A_129 = arith.constant 0 : i32
        %dma_start3A_130 = tpu.memref_slice %arg19[%dma_start3A_128, %dma_start3A_129] : memref<10240x128xf32, #tpu.memory_space<vmem_shared>> -> memref<10240x128xf32, #tpu.memory_space<vmem_shared>>
        tpu.enqueue_indirect_dma source(%arg14 : memref<48x128xf32, #tpu.memory_space<vmem>>) target(%dma_start3A_130 : memref<10240x128xf32, #tpu.memory_space<vmem_shared>>) offsets(%arg12 : memref<48xi32, #tpu.memory_space<vmem>>) semaphore(%run_scoped3A : memref<!tpu.dma_semaphore, #tpu.memory_space<semaphore_mem>>) {add = true}
        %dma_wait3A_131 = arith.constant 0 : i32
        %dma_wait3A_132 = arith.constant 0 : i32
        %dma_wait3A_133 = tpu.memref_slice %arg19[%dma_wait3A_131, %dma_wait3A_132] : memref<10240x128xf32, #tpu.memory_space<vmem_shared>> -> memref<10240x128xf32, #tpu.memory_space<vmem_shared>>
        tpu.wait_indirect_dma semaphore(%run_scoped3A : memref<!tpu.dma_semaphore, #tpu.memory_space<semaphore_mem>>) src(%arg14 : memref<48x128xf32, #tpu.memory_space<vmem>>) dst(%dma_wait3A_133 : memref<10240x128xf32, #tpu.memory_space<vmem_shared>>)
        tpu.yield
      }) : () -> ()
    }
    %scan3A_19 = arith.constant 104 : i32
    %add3A_20 = arith.constant 10032 : i32
    %add3A_21 = arith.addi %mul3A_4, %add3A_20 : i32
    "tpu.region"() ({
      %run_scoped3A = tpu.sem_alloc : memref<!tpu.dma_semaphore, #tpu.memory_space<semaphore_mem>>
      %dma_start3A_61 = tpu.memref_slice %arg5[%add3A_21] : memref<322560xi32, #tpu.memory_space<hbm>> -> memref<48xi32, #tpu.memory_space<hbm>>
      %dma_start3A_62 = tpu.memref_slice %arg5[%add3A_21] : memref<322560xi32, #tpu.memory_space<hbm>> -> memref<48xi32, #tpu.memory_space<hbm>>
      tpu.enqueue_dma source(%dma_start3A_62 : memref<48xi32, #tpu.memory_space<hbm>>) target(%arg10 : memref<48xi32, #tpu.memory_space<vmem>>) target_semaphore(%run_scoped3A : memref<!tpu.dma_semaphore, #tpu.memory_space<semaphore_mem>>)
      %dma_wait3A_63 = tpu.memref_slice %arg5[%add3A_21] : memref<322560xi32, #tpu.memory_space<hbm>> -> memref<48xi32, #tpu.memory_space<hbm>>
      %dma_wait3A_64 = tpu.memref_slice %arg5[%add3A_21] : memref<322560xi32, #tpu.memory_space<hbm>> -> memref<48xi32, #tpu.memory_space<hbm>>
      tpu.wait_dma2 semaphore(%run_scoped3A : memref<!tpu.dma_semaphore, #tpu.memory_space<semaphore_mem>>) src(%dma_wait3A_64 : memref<48xi32, #tpu.memory_space<hbm>>) dst(%arg10 : memref<48xi32, #tpu.memory_space<vmem>>)
      tpu.yield
    }) : () -> ()
    "tpu.region"() ({
      %run_scoped3A = tpu.sem_alloc : memref<!tpu.dma_semaphore, #tpu.memory_space<semaphore_mem>>
      %dma_start3A_61 = tpu.memref_slice %arg6[%add3A_21] : memref<322560xi32, #tpu.memory_space<hbm>> -> memref<48xi32, #tpu.memory_space<hbm>>
      %dma_start3A_62 = tpu.memref_slice %arg6[%add3A_21] : memref<322560xi32, #tpu.memory_space<hbm>> -> memref<48xi32, #tpu.memory_space<hbm>>
      tpu.enqueue_dma source(%dma_start3A_62 : memref<48xi32, #tpu.memory_space<hbm>>) target(%arg12 : memref<48xi32, #tpu.memory_space<vmem>>) target_semaphore(%run_scoped3A : memref<!tpu.dma_semaphore, #tpu.memory_space<semaphore_mem>>)
      %dma_wait3A_63 = tpu.memref_slice %arg6[%add3A_21] : memref<322560xi32, #tpu.memory_space<hbm>> -> memref<48xi32, #tpu.memory_space<hbm>>
      %dma_wait3A_64 = tpu.memref_slice %arg6[%add3A_21] : memref<322560xi32, #tpu.memory_space<hbm>> -> memref<48xi32, #tpu.memory_space<hbm>>
      tpu.wait_dma2 semaphore(%run_scoped3A : memref<!tpu.dma_semaphore, #tpu.memory_space<semaphore_mem>>) src(%dma_wait3A_64 : memref<48xi32, #tpu.memory_space<hbm>>) dst(%arg12 : memref<48xi32, #tpu.memory_space<vmem>>)
      tpu.yield
    }) : () -> ()
    %dma_start3A_22 = arith.constant 0 : i32
    %dma_start3A_23 = arith.constant 0 : i32
    %dma_start3A_24 = tpu.memref_slice %arg2[%dma_start3A_22, %dma_start3A_23] : memref<10080x128xf32, #tpu.memory_space<hbm>> -> memref<10080x128xf32, #tpu.memory_space<hbm>>
    tpu.enqueue_indirect_dma source(%dma_start3A_24 : memref<10080x128xf32, #tpu.memory_space<hbm>>) target(%arg14 : memref<48x128xf32, #tpu.memory_space<vmem>>) offsets(%arg12 : memref<48xi32, #tpu.memory_space<vmem>>) semaphore(%arg23 : memref<!tpu.dma_semaphore, #tpu.memory_space<semaphore_mem>>)
    %dma_start3A_25 = arith.constant 0 : i32
    %dma_start3A_26 = arith.constant 0 : i32
    %dma_start3A_27 = tpu.memref_slice %arg3[%dma_start3A_25, %dma_start3A_26] : memref<10080x128xf32, #tpu.memory_space<hbm>> -> memref<10080x128xf32, #tpu.memory_space<hbm>>
    tpu.enqueue_indirect_dma source(%dma_start3A_27 : memref<10080x128xf32, #tpu.memory_space<hbm>>) target(%arg16 : memref<48x128xf32, #tpu.memory_space<vmem>>) offsets(%arg10 : memref<48xi32, #tpu.memory_space<vmem>>) semaphore(%arg24 : memref<!tpu.dma_semaphore, #tpu.memory_space<semaphore_mem>>)
    %dma_start3A_28 = arith.constant 0 : i32
    %dma_start3A_29 = arith.constant 0 : i32
    %dma_start3A_30 = tpu.memref_slice %arg4[%dma_start3A_28, %dma_start3A_29] : memref<10080x128xf32, #tpu.memory_space<hbm>> -> memref<10080x128xf32, #tpu.memory_space<hbm>>
    tpu.enqueue_indirect_dma source(%dma_start3A_30 : memref<10080x128xf32, #tpu.memory_space<hbm>>) target(%arg18 : memref<48x128xf32, #tpu.memory_space<vmem>>) offsets(%arg10 : memref<48xi32, #tpu.memory_space<vmem>>) semaphore(%arg25 : memref<!tpu.dma_semaphore, #tpu.memory_space<semaphore_mem>>)
    %dma_wait3A = arith.constant 0 : i32
    %dma_wait3A_31 = arith.constant 0 : i32
    %dma_wait3A_32 = tpu.memref_slice %arg2[%dma_wait3A, %dma_wait3A_31] : memref<10080x128xf32, #tpu.memory_space<hbm>> -> memref<10080x128xf32, #tpu.memory_space<hbm>>
    tpu.wait_indirect_dma semaphore(%arg20 : memref<!tpu.dma_semaphore, #tpu.memory_space<semaphore_mem>>) src(%dma_wait3A_32 : memref<10080x128xf32, #tpu.memory_space<hbm>>) dst(%arg13 : memref<48x128xf32, #tpu.memory_space<vmem>>)
    %dma_wait3A_33 = arith.constant 0 : i32
    %dma_wait3A_34 = arith.constant 0 : i32
    %dma_wait3A_35 = tpu.memref_slice %arg3[%dma_wait3A_33, %dma_wait3A_34] : memref<10080x128xf32, #tpu.memory_space<hbm>> -> memref<10080x128xf32, #tpu.memory_space<hbm>>
    tpu.wait_indirect_dma semaphore(%arg21 : memref<!tpu.dma_semaphore, #tpu.memory_space<semaphore_mem>>) src(%dma_wait3A_35 : memref<10080x128xf32, #tpu.memory_space<hbm>>) dst(%arg15 : memref<48x128xf32, #tpu.memory_space<vmem>>)
    %dma_wait3A_36 = arith.constant 0 : i32
    %dma_wait3A_37 = arith.constant 0 : i32
    %dma_wait3A_38 = tpu.memref_slice %arg4[%dma_wait3A_36, %dma_wait3A_37] : memref<10080x128xf32, #tpu.memory_space<hbm>> -> memref<10080x128xf32, #tpu.memory_space<hbm>>
    tpu.wait_indirect_dma semaphore(%arg22 : memref<!tpu.dma_semaphore, #tpu.memory_space<semaphore_mem>>) src(%dma_wait3A_38 : memref<10080x128xf32, #tpu.memory_space<hbm>>) dst(%arg17 : memref<48x128xf32, #tpu.memory_space<vmem>>)
    %scan3A_39 = arith.constant 0 : i32
    %scan3A_40 = arith.constant 0 : i32
    %scan3A_41 = arith.constant 48 : i32
    %scan3A_42 = arith.addi %scan3A_40, %scan3A_41 : i32
    %scan3A_43 = arith.constant 1 : i32
    scf.for %scan3A_61 = %scan3A_40 to %scan3A_42 step %scan3A_43  : i32 {
      %get3A = arith.index_cast %scan3A_61 : i32 to index
      %get3A_62 = arith.constant 0 : index
      %get3A_63 = tpu.vector_load %arg13[%get3A, %get3A_62] {strides = array<i32>} : memref<48x128xf32, #tpu.memory_space<vmem>>, vector<1x16xf32>,
      %get3A_64 = vector.shape_cast %get3A_63 : vector<1x16xf32> to vector<16xf32>
      %get3A_65 = arith.index_cast %scan3A_61 : i32 to index
      %get3A_66 = arith.constant 0 : index
      %get3A_67 = tpu.vector_load %arg15[%get3A_65, %get3A_66] {strides = array<i32>} : memref<48x128xf32, #tpu.memory_space<vmem>>, vector<1x16xf32>,
      %get3A_68 = vector.shape_cast %get3A_67 : vector<1x16xf32> to vector<16xf32>
      %add3A_69 = arith.addf %get3A_64, %get3A_68 : vector<16xf32>
      %neg3A = arith.constant 0.000000e+00 : f32
      %neg3A_70 = vector.broadcast %neg3A : f32 to vector<16xf32>
      %neg3A_71 = arith.subf %neg3A_70, %add3A_69 : vector<16xf32>
      %exp3A = math.exp %neg3A_71 : vector<16xf32>
      %add3A_72 = arith.constant 1.000000e+00 : f32
      %add3A_73 = vector.broadcast %add3A_72 : f32 to vector<16xf32>
      %add3A_74 = arith.addf %add3A_73, %exp3A : vector<16xf32>
      %div3A = arith.constant 1.000000e+00 : f32
      %div3A_75 = vector.broadcast %div3A : f32 to vector<16xf32>
      %div3A_76 = arith.divf %div3A_75, %add3A_74 : vector<16xf32>
      %get3A_77 = arith.index_cast %scan3A_61 : i32 to index
      %get3A_78 = arith.constant 0 : index
      %get3A_79 = tpu.vector_load %arg17[%get3A_77, %get3A_78] {strides = array<i32>} : memref<48x128xf32, #tpu.memory_space<vmem>>, vector<1x16xf32>,
      %get3A_80 = vector.shape_cast %get3A_79 : vector<1x16xf32> to vector<16xf32>
      %mul3A_81 = arith.mulf %div3A_76, %get3A_80 : vector<16xf32>
      %swap3A = arith.index_cast %scan3A_61 : i32 to index
      %swap3A_82 = arith.constant 0 : index
      %swap3A_83 = tpu.vector_load %arg13[%swap3A, %swap3A_82] {strides = array<i32>} : memref<48x128xf32, #tpu.memory_space<vmem>>, vector<1x16xf32>,
      %swap3A_84 = vector.shape_cast %swap3A_83 : vector<1x16xf32> to vector<16xf32>
      %swap3A_85 = vector.shape_cast %mul3A_81 : vector<16xf32> to vector<1x16xf32>
      tpu.vector_store %arg13[%swap3A, %swap3A_82], %swap3A_85 {strides = array<i32>} : memref<48x128xf32, #tpu.memory_space<vmem>>, vector<1x16xf32>,
      %get3A_86 = arith.index_cast %scan3A_61 : i32 to index
      %get3A_87 = arith.constant 16 : index
      %get3A_88 = tpu.vector_load %arg13[%get3A_86, %get3A_87] {strides = array<i32>} : memref<48x128xf32, #tpu.memory_space<vmem>>, vector<1x16xf32>,
      %get3A_89 = vector.shape_cast %get3A_88 : vector<1x16xf32> to vector<16xf32>
      %get3A_90 = arith.index_cast %scan3A_61 : i32 to index
      %get3A_91 = arith.constant 16 : index
      %get3A_92 = tpu.vector_load %arg15[%get3A_90, %get3A_91] {strides = array<i32>} : memref<48x128xf32, #tpu.memory_space<vmem>>, vector<1x16xf32>,
      %get3A_93 = vector.shape_cast %get3A_92 : vector<1x16xf32> to vector<16xf32>
      %add3A_94 = arith.addf %get3A_89, %get3A_93 : vector<16xf32>
      %neg3A_95 = arith.constant 0.000000e+00 : f32
      %neg3A_96 = vector.broadcast %neg3A_95 : f32 to vector<16xf32>
      %neg3A_97 = arith.subf %neg3A_96, %add3A_94 : vector<16xf32>
      %exp3A_98 = math.exp %neg3A_97 : vector<16xf32>
      %add3A_99 = arith.constant 1.000000e+00 : f32
      %add3A_100 = vector.broadcast %add3A_99 : f32 to vector<16xf32>
      %add3A_101 = arith.addf %add3A_100, %exp3A_98 : vector<16xf32>
      %div3A_102 = arith.constant 1.000000e+00 : f32
      %div3A_103 = vector.broadcast %div3A_102 : f32 to vector<16xf32>
      %div3A_104 = arith.divf %div3A_103, %add3A_101 : vector<16xf32>
      %get3A_105 = arith.index_cast %scan3A_61 : i32 to index
      %get3A_106 = arith.constant 16 : index
      %get3A_107 = tpu.vector_load %arg17[%get3A_105, %get3A_106] {strides = array<i32>} : memref<48x128xf32, #tpu.memory_space<vmem>>, vector<1x16xf32>,
      %get3A_108 = vector.shape_cast %get3A_107 : vector<1x16xf32> to vector<16xf32>
      %mul3A_109 = arith.mulf %div3A_104, %get3A_108 : vector<16xf32>
      %swap3A_110 = arith.index_cast %scan3A_61 : i32 to index
      %swap3A_111 = arith.constant 16 : index
      %swap3A_112 = tpu.vector_load %arg13[%swap3A_110, %swap3A_111] {strides = array<i32>} : memref<48x128xf32, #tpu.memory_space<vmem>>, vector<1x16xf32>,
      %swap3A_113 = vector.shape_cast %swap3A_112 : vector<1x16xf32> to vector<16xf32>
      %swap3A_114 = vector.shape_cast %mul3A_109 : vector<16xf32> to vector<1x16xf32>
      tpu.vector_store %arg13[%swap3A_110, %swap3A_111], %swap3A_114 {strides = array<i32>} : memref<48x128xf32, #tpu.memory_space<vmem>>, vector<1x16xf32>,
      %get3A_115 = arith.index_cast %scan3A_61 : i32 to index
      %get3A_116 = arith.constant 32 : index
      %get3A_117 = tpu.vector_load %arg13[%get3A_115, %get3A_116] {strides = array<i32>} : memref<48x128xf32, #tpu.memory_space<vmem>>, vector<1x16xf32>,
      %get3A_118 = vector.shape_cast %get3A_117 : vector<1x16xf32> to vector<16xf32>
      %get3A_119 = arith.index_cast %scan3A_61 : i32 to index
      %get3A_120 = arith.constant 32 : index
      %get3A_121 = tpu.vector_load %arg15[%get3A_119, %get3A_120] {strides = array<i32>} : memref<48x128xf32, #tpu.memory_space<vmem>>, vector<1x16xf32>,
      %get3A_122 = vector.shape_cast %get3A_121 : vector<1x16xf32> to vector<16xf32>
      %add3A_123 = arith.addf %get3A_118, %get3A_122 : vector<16xf32>
      %neg3A_124 = arith.constant 0.000000e+00 : f32
      %neg3A_125 = vector.broadcast %neg3A_124 : f32 to vector<16xf32>
      %neg3A_126 = arith.subf %neg3A_125, %add3A_123 : vector<16xf32>
      %exp3A_127 = math.exp %neg3A_126 : vector<16xf32>
      %add3A_128 = arith.constant 1.000000e+00 : f32
      %add3A_129 = vector.broadcast %add3A_128 : f32 to vector<16xf32>
      %add3A_130 = arith.addf %add3A_129, %exp3A_127 : vector<16xf32>
      %div3A_131 = arith.constant 1.000000e+00 : f32
      %div3A_132 = vector.broadcast %div3A_131 : f32 to vector<16xf32>
      %div3A_133 = arith.divf %div3A_132, %add3A_130 : vector<16xf32>
      %get3A_134 = arith.index_cast %scan3A_61 : i32 to index
      %get3A_135 = arith.constant 32 : index
      %get3A_136 = tpu.vector_load %arg17[%get3A_134, %get3A_135] {strides = array<i32>} : memref<48x128xf32, #tpu.memory_space<vmem>>, vector<1x16xf32>,
      %get3A_137 = vector.shape_cast %get3A_136 : vector<1x16xf32> to vector<16xf32>
      %mul3A_138 = arith.mulf %div3A_133, %get3A_137 : vector<16xf32>
      %swap3A_139 = arith.index_cast %scan3A_61 : i32 to index
      %swap3A_140 = arith.constant 32 : index
      %swap3A_141 = tpu.vector_load %arg13[%swap3A_139, %swap3A_140] {strides = array<i32>} : memref<48x128xf32, #tpu.memory_space<vmem>>, vector<1x16xf32>,
      %swap3A_142 = vector.shape_cast %swap3A_141 : vector<1x16xf32> to vector<16xf32>
      %swap3A_143 = vector.shape_cast %mul3A_138 : vector<16xf32> to vector<1x16xf32>
      tpu.vector_store %arg13[%swap3A_139, %swap3A_140], %swap3A_143 {strides = array<i32>} : memref<48x128xf32, #tpu.memory_space<vmem>>, vector<1x16xf32>,
      %get3A_144 = arith.index_cast %scan3A_61 : i32 to index
      %get3A_145 = arith.constant 48 : index
      %get3A_146 = tpu.vector_load %arg13[%get3A_144, %get3A_145] {strides = array<i32>} : memref<48x128xf32, #tpu.memory_space<vmem>>, vector<1x16xf32>,
      %get3A_147 = vector.shape_cast %get3A_146 : vector<1x16xf32> to vector<16xf32>
      %get3A_148 = arith.index_cast %scan3A_61 : i32 to index
      %get3A_149 = arith.constant 48 : index
      %get3A_150 = tpu.vector_load %arg15[%get3A_148, %get3A_149] {strides = array<i32>} : memref<48x128xf32, #tpu.memory_space<vmem>>, vector<1x16xf32>,
      %get3A_151 = vector.shape_cast %get3A_150 : vector<1x16xf32> to vector<16xf32>
      %add3A_152 = arith.addf %get3A_147, %get3A_151 : vector<16xf32>
      %neg3A_153 = arith.constant 0.000000e+00 : f32
      %neg3A_154 = vector.broadcast %neg3A_153 : f32 to vector<16xf32>
      %neg3A_155 = arith.subf %neg3A_154, %add3A_152 : vector<16xf32>
      %exp3A_156 = math.exp %neg3A_155 : vector<16xf32>
      %add3A_157 = arith.constant 1.000000e+00 : f32
      %add3A_158 = vector.broadcast %add3A_157 : f32 to vector<16xf32>
      %add3A_159 = arith.addf %add3A_158, %exp3A_156 : vector<16xf32>
      %div3A_160 = arith.constant 1.000000e+00 : f32
      %div3A_161 = vector.broadcast %div3A_160 : f32 to vector<16xf32>
      %div3A_162 = arith.divf %div3A_161, %add3A_159 : vector<16xf32>
      %get3A_163 = arith.index_cast %scan3A_61 : i32 to index
      %get3A_164 = arith.constant 48 : index
      %get3A_165 = tpu.vector_load %arg17[%get3A_163, %get3A_164] {strides = array<i32>} : memref<48x128xf32, #tpu.memory_space<vmem>>, vector<1x16xf32>,
      %get3A_166 = vector.shape_cast %get3A_165 : vector<1x16xf32> to vector<16xf32>
      %mul3A_167 = arith.mulf %div3A_162, %get3A_166 : vector<16xf32>
      %swap3A_168 = arith.index_cast %scan3A_61 : i32 to index
      %swap3A_169 = arith.constant 48 : index
      %swap3A_170 = tpu.vector_load %arg13[%swap3A_168, %swap3A_169] {strides = array<i32>} : memref<48x128xf32, #tpu.memory_space<vmem>>, vector<1x16xf32>,
      %swap3A_171 = vector.shape_cast %swap3A_170 : vector<1x16xf32> to vector<16xf32>
      %swap3A_172 = vector.shape_cast %mul3A_167 : vector<16xf32> to vector<1x16xf32>
      tpu.vector_store %arg13[%swap3A_168, %swap3A_169], %swap3A_172 {strides = array<i32>} : memref<48x128xf32, #tpu.memory_space<vmem>>, vector<1x16xf32>,
      %get3A_173 = arith.index_cast %scan3A_61 : i32 to index
      %get3A_174 = arith.constant 64 : index
      %get3A_175 = tpu.vector_load %arg13[%get3A_173, %get3A_174] {strides = array<i32>} : memref<48x128xf32, #tpu.memory_space<vmem>>, vector<1x16xf32>,
      %get3A_176 = vector.shape_cast %get3A_175 : vector<1x16xf32> to vector<16xf32>
      %get3A_177 = arith.index_cast %scan3A_61 : i32 to index
      %get3A_178 = arith.constant 64 : index
      %get3A_179 = tpu.vector_load %arg15[%get3A_177, %get3A_178] {strides = array<i32>} : memref<48x128xf32, #tpu.memory_space<vmem>>, vector<1x16xf32>,
      %get3A_180 = vector.shape_cast %get3A_179 : vector<1x16xf32> to vector<16xf32>
      %add3A_181 = arith.addf %get3A_176, %get3A_180 : vector<16xf32>
      %neg3A_182 = arith.constant 0.000000e+00 : f32
      %neg3A_183 = vector.broadcast %neg3A_182 : f32 to vector<16xf32>
      %neg3A_184 = arith.subf %neg3A_183, %add3A_181 : vector<16xf32>
      %exp3A_185 = math.exp %neg3A_184 : vector<16xf32>
      %add3A_186 = arith.constant 1.000000e+00 : f32
      %add3A_187 = vector.broadcast %add3A_186 : f32 to vector<16xf32>
      %add3A_188 = arith.addf %add3A_187, %exp3A_185 : vector<16xf32>
      %div3A_189 = arith.constant 1.000000e+00 : f32
      %div3A_190 = vector.broadcast %div3A_189 : f32 to vector<16xf32>
      %div3A_191 = arith.divf %div3A_190, %add3A_188 : vector<16xf32>
      %get3A_192 = arith.index_cast %scan3A_61 : i32 to index
      %get3A_193 = arith.constant 64 : index
      %get3A_194 = tpu.vector_load %arg17[%get3A_192, %get3A_193] {strides = array<i32>} : memref<48x128xf32, #tpu.memory_space<vmem>>, vector<1x16xf32>,
      %get3A_195 = vector.shape_cast %get3A_194 : vector<1x16xf32> to vector<16xf32>
      %mul3A_196 = arith.mulf %div3A_191, %get3A_195 : vector<16xf32>
      %swap3A_197 = arith.index_cast %scan3A_61 : i32 to index
      %swap3A_198 = arith.constant 64 : index
      %swap3A_199 = tpu.vector_load %arg13[%swap3A_197, %swap3A_198] {strides = array<i32>} : memref<48x128xf32, #tpu.memory_space<vmem>>, vector<1x16xf32>,
      %swap3A_200 = vector.shape_cast %swap3A_199 : vector<1x16xf32> to vector<16xf32>
      %swap3A_201 = vector.shape_cast %mul3A_196 : vector<16xf32> to vector<1x16xf32>
      tpu.vector_store %arg13[%swap3A_197, %swap3A_198], %swap3A_201 {strides = array<i32>} : memref<48x128xf32, #tpu.memory_space<vmem>>, vector<1x16xf32>,
      %get3A_202 = arith.index_cast %scan3A_61 : i32 to index
      %get3A_203 = arith.constant 80 : index
      %get3A_204 = tpu.vector_load %arg13[%get3A_202, %get3A_203] {strides = array<i32>} : memref<48x128xf32, #tpu.memory_space<vmem>>, vector<1x16xf32>,
      %get3A_205 = vector.shape_cast %get3A_204 : vector<1x16xf32> to vector<16xf32>
      %get3A_206 = arith.index_cast %scan3A_61 : i32 to index
      %get3A_207 = arith.constant 80 : index
      %get3A_208 = tpu.vector_load %arg15[%get3A_206, %get3A_207] {strides = array<i32>} : memref<48x128xf32, #tpu.memory_space<vmem>>, vector<1x16xf32>,
      %get3A_209 = vector.shape_cast %get3A_208 : vector<1x16xf32> to vector<16xf32>
      %add3A_210 = arith.addf %get3A_205, %get3A_209 : vector<16xf32>
      %neg3A_211 = arith.constant 0.000000e+00 : f32
      %neg3A_212 = vector.broadcast %neg3A_211 : f32 to vector<16xf32>
      %neg3A_213 = arith.subf %neg3A_212, %add3A_210 : vector<16xf32>
      %exp3A_214 = math.exp %neg3A_213 : vector<16xf32>
      %add3A_215 = arith.constant 1.000000e+00 : f32
      %add3A_216 = vector.broadcast %add3A_215 : f32 to vector<16xf32>
      %add3A_217 = arith.addf %add3A_216, %exp3A_214 : vector<16xf32>
      %div3A_218 = arith.constant 1.000000e+00 : f32
      %div3A_219 = vector.broadcast %div3A_218 : f32 to vector<16xf32>
      %div3A_220 = arith.divf %div3A_219, %add3A_217 : vector<16xf32>
      %get3A_221 = arith.index_cast %scan3A_61 : i32 to index
      %get3A_222 = arith.constant 80 : index
      %get3A_223 = tpu.vector_load %arg17[%get3A_221, %get3A_222] {strides = array<i32>} : memref<48x128xf32, #tpu.memory_space<vmem>>, vector<1x16xf32>,
      %get3A_224 = vector.shape_cast %get3A_223 : vector<1x16xf32> to vector<16xf32>
      %mul3A_225 = arith.mulf %div3A_220, %get3A_224 : vector<16xf32>
      %swap3A_226 = arith.index_cast %scan3A_61 : i32 to index
      %swap3A_227 = arith.constant 80 : index
      %swap3A_228 = tpu.vector_load %arg13[%swap3A_226, %swap3A_227] {strides = array<i32>} : memref<48x128xf32, #tpu.memory_space<vmem>>, vector<1x16xf32>,
      %swap3A_229 = vector.shape_cast %swap3A_228 : vector<1x16xf32> to vector<16xf32>
      %swap3A_230 = vector.shape_cast %mul3A_225 : vector<16xf32> to vector<1x16xf32>
      tpu.vector_store %arg13[%swap3A_226, %swap3A_227], %swap3A_230 {strides = array<i32>} : memref<48x128xf32, #tpu.memory_space<vmem>>, vector<1x16xf32>,
      %get3A_231 = arith.index_cast %scan3A_61 : i32 to index
      %get3A_232 = arith.constant 96 : index
      %get3A_233 = tpu.vector_load %arg13[%get3A_231, %get3A_232] {strides = array<i32>} : memref<48x128xf32, #tpu.memory_space<vmem>>, vector<1x16xf32>,
      %get3A_234 = vector.shape_cast %get3A_233 : vector<1x16xf32> to vector<16xf32>
      %get3A_235 = arith.index_cast %scan3A_61 : i32 to index
      %get3A_236 = arith.constant 96 : index
      %get3A_237 = tpu.vector_load %arg15[%get3A_235, %get3A_236] {strides = array<i32>} : memref<48x128xf32, #tpu.memory_space<vmem>>, vector<1x16xf32>,
      %get3A_238 = vector.shape_cast %get3A_237 : vector<1x16xf32> to vector<16xf32>
      %add3A_239 = arith.addf %get3A_234, %get3A_238 : vector<16xf32>
      %neg3A_240 = arith.constant 0.000000e+00 : f32
      %neg3A_241 = vector.broadcast %neg3A_240 : f32 to vector<16xf32>
      %neg3A_242 = arith.subf %neg3A_241, %add3A_239 : vector<16xf32>
      %exp3A_243 = math.exp %neg3A_242 : vector<16xf32>
      %add3A_244 = arith.constant 1.000000e+00 : f32
      %add3A_245 = vector.broadcast %add3A_244 : f32 to vector<16xf32>
      %add3A_246 = arith.addf %add3A_245, %exp3A_243 : vector<16xf32>
      %div3A_247 = arith.constant 1.000000e+00 : f32
      %div3A_248 = vector.broadcast %div3A_247 : f32 to vector<16xf32>
      %div3A_249 = arith.divf %div3A_248, %add3A_246 : vector<16xf32>
      %get3A_250 = arith.index_cast %scan3A_61 : i32 to index
      %get3A_251 = arith.constant 96 : index
      %get3A_252 = tpu.vector_load %arg17[%get3A_250, %get3A_251] {strides = array<i32>} : memref<48x128xf32, #tpu.memory_space<vmem>>, vector<1x16xf32>,
      %get3A_253 = vector.shape_cast %get3A_252 : vector<1x16xf32> to vector<16xf32>
      %mul3A_254 = arith.mulf %div3A_249, %get3A_253 : vector<16xf32>
      %swap3A_255 = arith.index_cast %scan3A_61 : i32 to index
      %swap3A_256 = arith.constant 96 : index
      %swap3A_257 = tpu.vector_load %arg13[%swap3A_255, %swap3A_256] {strides = array<i32>} : memref<48x128xf32, #tpu.memory_space<vmem>>, vector<1x16xf32>,
      %swap3A_258 = vector.shape_cast %swap3A_257 : vector<1x16xf32> to vector<16xf32>
      %swap3A_259 = vector.shape_cast %mul3A_254 : vector<16xf32> to vector<1x16xf32>
      tpu.vector_store %arg13[%swap3A_255, %swap3A_256], %swap3A_259 {strides = array<i32>} : memref<48x128xf32, #tpu.memory_space<vmem>>, vector<1x16xf32>,
      %get3A_260 = arith.index_cast %scan3A_61 : i32 to index
      %get3A_261 = arith.constant 112 : index
      %get3A_262 = tpu.vector_load %arg13[%get3A_260, %get3A_261] {strides = array<i32>} : memref<48x128xf32, #tpu.memory_space<vmem>>, vector<1x16xf32>,
      %get3A_263 = vector.shape_cast %get3A_262 : vector<1x16xf32> to vector<16xf32>
      %get3A_264 = arith.index_cast %scan3A_61 : i32 to index
      %get3A_265 = arith.constant 112 : index
      %get3A_266 = tpu.vector_load %arg15[%get3A_264, %get3A_265] {strides = array<i32>} : memref<48x128xf32, #tpu.memory_space<vmem>>, vector<1x16xf32>,
      %get3A_267 = vector.shape_cast %get3A_266 : vector<1x16xf32> to vector<16xf32>
      %add3A_268 = arith.addf %get3A_263, %get3A_267 : vector<16xf32>
      %neg3A_269 = arith.constant 0.000000e+00 : f32
      %neg3A_270 = vector.broadcast %neg3A_269 : f32 to vector<16xf32>
      %neg3A_271 = arith.subf %neg3A_270, %add3A_268 : vector<16xf32>
      %exp3A_272 = math.exp %neg3A_271 : vector<16xf32>
      %add3A_273 = arith.constant 1.000000e+00 : f32
      %add3A_274 = vector.broadcast %add3A_273 : f32 to vector<16xf32>
      %add3A_275 = arith.addf %add3A_274, %exp3A_272 : vector<16xf32>
      %div3A_276 = arith.constant 1.000000e+00 : f32
      %div3A_277 = vector.broadcast %div3A_276 : f32 to vector<16xf32>
      %div3A_278 = arith.divf %div3A_277, %add3A_275 : vector<16xf32>
      %get3A_279 = arith.index_cast %scan3A_61 : i32 to index
      %get3A_280 = arith.constant 112 : index
      %get3A_281 = tpu.vector_load %arg17[%get3A_279, %get3A_280] {strides = array<i32>} : memref<48x128xf32, #tpu.memory_space<vmem>>, vector<1x16xf32>,
      %get3A_282 = vector.shape_cast %get3A_281 : vector<1x16xf32> to vector<16xf32>
      %mul3A_283 = arith.mulf %div3A_278, %get3A_282 : vector<16xf32>
      %swap3A_284 = arith.index_cast %scan3A_61 : i32 to index
      %swap3A_285 = arith.constant 112 : index
      %swap3A_286 = tpu.vector_load %arg13[%swap3A_284, %swap3A_285] {strides = array<i32>} : memref<48x128xf32, #tpu.memory_space<vmem>>, vector<1x16xf32>,
      %swap3A_287 = vector.shape_cast %swap3A_286 : vector<1x16xf32> to vector<16xf32>
      %swap3A_288 = vector.shape_cast %mul3A_283 : vector<16xf32> to vector<1x16xf32>
      tpu.vector_store %arg13[%swap3A_284, %swap3A_285], %swap3A_288 {strides = array<i32>} : memref<48x128xf32, #tpu.memory_space<vmem>>, vector<1x16xf32>,
    }
    %scan3A_44 = arith.constant 48 : i32
    "tpu.region"() ({
      %run_scoped3A = tpu.sem_alloc : memref<!tpu.dma_semaphore, #tpu.memory_space<semaphore_mem>>
      %dma_start3A_61 = arith.constant 0 : i32
      %dma_start3A_62 = arith.constant 0 : i32
      %dma_start3A_63 = tpu.memref_slice %arg19[%dma_start3A_61, %dma_start3A_62] : memref<10240x128xf32, #tpu.memory_space<vmem_shared>> -> memref<10240x128xf32, #tpu.memory_space<vmem_shared>>
      tpu.enqueue_indirect_dma source(%arg13 : memref<48x128xf32, #tpu.memory_space<vmem>>) target(%dma_start3A_63 : memref<10240x128xf32, #tpu.memory_space<vmem_shared>>) offsets(%arg11 : memref<48xi32, #tpu.memory_space<vmem>>) semaphore(%run_scoped3A : memref<!tpu.dma_semaphore, #tpu.memory_space<semaphore_mem>>) {add = true}
      %dma_wait3A_64 = arith.constant 0 : i32
      %dma_wait3A_65 = arith.constant 0 : i32
      %dma_wait3A_66 = tpu.memref_slice %arg19[%dma_wait3A_64, %dma_wait3A_65] : memref<10240x128xf32, #tpu.memory_space<vmem_shared>> -> memref<10240x128xf32, #tpu.memory_space<vmem_shared>>
      tpu.wait_indirect_dma semaphore(%run_scoped3A : memref<!tpu.dma_semaphore, #tpu.memory_space<semaphore_mem>>) src(%arg13 : memref<48x128xf32, #tpu.memory_space<vmem>>) dst(%dma_wait3A_66 : memref<10240x128xf32, #tpu.memory_space<vmem_shared>>)
      tpu.yield
    }) : () -> ()
    %dma_wait3A_45 = arith.constant 0 : i32
    %dma_wait3A_46 = arith.constant 0 : i32
    %dma_wait3A_47 = tpu.memref_slice %arg2[%dma_wait3A_45, %dma_wait3A_46] : memref<10080x128xf32, #tpu.memory_space<hbm>> -> memref<10080x128xf32, #tpu.memory_space<hbm>>
    tpu.wait_indirect_dma semaphore(%arg23 : memref<!tpu.dma_semaphore, #tpu.memory_space<semaphore_mem>>) src(%dma_wait3A_47 : memref<10080x128xf32, #tpu.memory_space<hbm>>) dst(%arg14 : memref<48x128xf32, #tpu.memory_space<vmem>>)
    %dma_wait3A_48 = arith.constant 0 : i32
    %dma_wait3A_49 = arith.constant 0 : i32
    %dma_wait3A_50 = tpu.memref_slice %arg3[%dma_wait3A_48, %dma_wait3A_49] : memref<10080x128xf32, #tpu.memory_space<hbm>> -> memref<10080x128xf32, #tpu.memory_space<hbm>>
    tpu.wait_indirect_dma semaphore(%arg24 : memref<!tpu.dma_semaphore, #tpu.memory_space<semaphore_mem>>) src(%dma_wait3A_50 : memref<10080x128xf32, #tpu.memory_space<hbm>>) dst(%arg16 : memref<48x128xf32, #tpu.memory_space<vmem>>)
    %dma_wait3A_51 = arith.constant 0 : i32
    %dma_wait3A_52 = arith.constant 0 : i32
    %dma_wait3A_53 = tpu.memref_slice %arg4[%dma_wait3A_51, %dma_wait3A_52] : memref<10080x128xf32, #tpu.memory_space<hbm>> -> memref<10080x128xf32, #tpu.memory_space<hbm>>
    tpu.wait_indirect_dma semaphore(%arg25 : memref<!tpu.dma_semaphore, #tpu.memory_space<semaphore_mem>>) src(%dma_wait3A_53 : memref<10080x128xf32, #tpu.memory_space<hbm>>) dst(%arg18 : memref<48x128xf32, #tpu.memory_space<vmem>>)
    %scan3A_54 = arith.constant 0 : i32
    %scan3A_55 = arith.constant 0 : i32
    %scan3A_56 = arith.constant 48 : i32
    %scan3A_57 = arith.addi %scan3A_55, %scan3A_56 : i32
    %scan3A_58 = arith.constant 1 : i32
    scf.for %scan3A_61 = %scan3A_55 to %scan3A_57 step %scan3A_58  : i32 {
      %get3A = arith.index_cast %scan3A_61 : i32 to index
      %get3A_62 = arith.constant 0 : index
      %get3A_63 = tpu.vector_load %arg14[%get3A, %get3A_62] {strides = array<i32>} : memref<48x128xf32, #tpu.memory_space<vmem>>, vector<1x16xf32>,
      %get3A_64 = vector.shape_cast %get3A_63 : vector<1x16xf32> to vector<16xf32>
      %get3A_65 = arith.index_cast %scan3A_61 : i32 to index
      %get3A_66 = arith.constant 0 : index
      %get3A_67 = tpu.vector_load %arg16[%get3A_65, %get3A_66] {strides = array<i32>} : memref<48x128xf32, #tpu.memory_space<vmem>>, vector<1x16xf32>,
      %get3A_68 = vector.shape_cast %get3A_67 : vector<1x16xf32> to vector<16xf32>
      %add3A_69 = arith.addf %get3A_64, %get3A_68 : vector<16xf32>
      %neg3A = arith.constant 0.000000e+00 : f32
      %neg3A_70 = vector.broadcast %neg3A : f32 to vector<16xf32>
      %neg3A_71 = arith.subf %neg3A_70, %add3A_69 : vector<16xf32>
      %exp3A = math.exp %neg3A_71 : vector<16xf32>
      %add3A_72 = arith.constant 1.000000e+00 : f32
      %add3A_73 = vector.broadcast %add3A_72 : f32 to vector<16xf32>
      %add3A_74 = arith.addf %add3A_73, %exp3A : vector<16xf32>
      %div3A = arith.constant 1.000000e+00 : f32
      %div3A_75 = vector.broadcast %div3A : f32 to vector<16xf32>
      %div3A_76 = arith.divf %div3A_75, %add3A_74 : vector<16xf32>
      %get3A_77 = arith.index_cast %scan3A_61 : i32 to index
      %get3A_78 = arith.constant 0 : index
      %get3A_79 = tpu.vector_load %arg18[%get3A_77, %get3A_78] {strides = array<i32>} : memref<48x128xf32, #tpu.memory_space<vmem>>, vector<1x16xf32>,
      %get3A_80 = vector.shape_cast %get3A_79 : vector<1x16xf32> to vector<16xf32>
      %mul3A_81 = arith.mulf %div3A_76, %get3A_80 : vector<16xf32>
      %swap3A = arith.index_cast %scan3A_61 : i32 to index
      %swap3A_82 = arith.constant 0 : index
      %swap3A_83 = tpu.vector_load %arg14[%swap3A, %swap3A_82] {strides = array<i32>} : memref<48x128xf32, #tpu.memory_space<vmem>>, vector<1x16xf32>,
      %swap3A_84 = vector.shape_cast %swap3A_83 : vector<1x16xf32> to vector<16xf32>
      %swap3A_85 = vector.shape_cast %mul3A_81 : vector<16xf32> to vector<1x16xf32>
      tpu.vector_store %arg14[%swap3A, %swap3A_82], %swap3A_85 {strides = array<i32>} : memref<48x128xf32, #tpu.memory_space<vmem>>, vector<1x16xf32>,
      %get3A_86 = arith.index_cast %scan3A_61 : i32 to index
      %get3A_87 = arith.constant 16 : index
      %get3A_88 = tpu.vector_load %arg14[%get3A_86, %get3A_87] {strides = array<i32>} : memref<48x128xf32, #tpu.memory_space<vmem>>, vector<1x16xf32>,
      %get3A_89 = vector.shape_cast %get3A_88 : vector<1x16xf32> to vector<16xf32>
      %get3A_90 = arith.index_cast %scan3A_61 : i32 to index
      %get3A_91 = arith.constant 16 : index
      %get3A_92 = tpu.vector_load %arg16[%get3A_90, %get3A_91] {strides = array<i32>} : memref<48x128xf32, #tpu.memory_space<vmem>>, vector<1x16xf32>,
      %get3A_93 = vector.shape_cast %get3A_92 : vector<1x16xf32> to vector<16xf32>
      %add3A_94 = arith.addf %get3A_89, %get3A_93 : vector<16xf32>
      %neg3A_95 = arith.constant 0.000000e+00 : f32
      %neg3A_96 = vector.broadcast %neg3A_95 : f32 to vector<16xf32>
      %neg3A_97 = arith.subf %neg3A_96, %add3A_94 : vector<16xf32>
      %exp3A_98 = math.exp %neg3A_97 : vector<16xf32>
      %add3A_99 = arith.constant 1.000000e+00 : f32
      %add3A_100 = vector.broadcast %add3A_99 : f32 to vector<16xf32>
      %add3A_101 = arith.addf %add3A_100, %exp3A_98 : vector<16xf32>
      %div3A_102 = arith.constant 1.000000e+00 : f32
      %div3A_103 = vector.broadcast %div3A_102 : f32 to vector<16xf32>
      %div3A_104 = arith.divf %div3A_103, %add3A_101 : vector<16xf32>
      %get3A_105 = arith.index_cast %scan3A_61 : i32 to index
      %get3A_106 = arith.constant 16 : index
      %get3A_107 = tpu.vector_load %arg18[%get3A_105, %get3A_106] {strides = array<i32>} : memref<48x128xf32, #tpu.memory_space<vmem>>, vector<1x16xf32>,
      %get3A_108 = vector.shape_cast %get3A_107 : vector<1x16xf32> to vector<16xf32>
      %mul3A_109 = arith.mulf %div3A_104, %get3A_108 : vector<16xf32>
      %swap3A_110 = arith.index_cast %scan3A_61 : i32 to index
      %swap3A_111 = arith.constant 16 : index
      %swap3A_112 = tpu.vector_load %arg14[%swap3A_110, %swap3A_111] {strides = array<i32>} : memref<48x128xf32, #tpu.memory_space<vmem>>, vector<1x16xf32>,
      %swap3A_113 = vector.shape_cast %swap3A_112 : vector<1x16xf32> to vector<16xf32>
      %swap3A_114 = vector.shape_cast %mul3A_109 : vector<16xf32> to vector<1x16xf32>
      tpu.vector_store %arg14[%swap3A_110, %swap3A_111], %swap3A_114 {strides = array<i32>} : memref<48x128xf32, #tpu.memory_space<vmem>>, vector<1x16xf32>,
      %get3A_115 = arith.index_cast %scan3A_61 : i32 to index
      %get3A_116 = arith.constant 32 : index
      %get3A_117 = tpu.vector_load %arg14[%get3A_115, %get3A_116] {strides = array<i32>} : memref<48x128xf32, #tpu.memory_space<vmem>>, vector<1x16xf32>,
      %get3A_118 = vector.shape_cast %get3A_117 : vector<1x16xf32> to vector<16xf32>
      %get3A_119 = arith.index_cast %scan3A_61 : i32 to index
      %get3A_120 = arith.constant 32 : index
      %get3A_121 = tpu.vector_load %arg16[%get3A_119, %get3A_120] {strides = array<i32>} : memref<48x128xf32, #tpu.memory_space<vmem>>, vector<1x16xf32>,
      %get3A_122 = vector.shape_cast %get3A_121 : vector<1x16xf32> to vector<16xf32>
      %add3A_123 = arith.addf %get3A_118, %get3A_122 : vector<16xf32>
      %neg3A_124 = arith.constant 0.000000e+00 : f32
      %neg3A_125 = vector.broadcast %neg3A_124 : f32 to vector<16xf32>
      %neg3A_126 = arith.subf %neg3A_125, %add3A_123 : vector<16xf32>
      %exp3A_127 = math.exp %neg3A_126 : vector<16xf32>
      %add3A_128 = arith.constant 1.000000e+00 : f32
      %add3A_129 = vector.broadcast %add3A_128 : f32 to vector<16xf32>
      %add3A_130 = arith.addf %add3A_129, %exp3A_127 : vector<16xf32>
      %div3A_131 = arith.constant 1.000000e+00 : f32
      %div3A_132 = vector.broadcast %div3A_131 : f32 to vector<16xf32>
      %div3A_133 = arith.divf %div3A_132, %add3A_130 : vector<16xf32>
      %get3A_134 = arith.index_cast %scan3A_61 : i32 to index
      %get3A_135 = arith.constant 32 : index
      %get3A_136 = tpu.vector_load %arg18[%get3A_134, %get3A_135] {strides = array<i32>} : memref<48x128xf32, #tpu.memory_space<vmem>>, vector<1x16xf32>,
      %get3A_137 = vector.shape_cast %get3A_136 : vector<1x16xf32> to vector<16xf32>
      %mul3A_138 = arith.mulf %div3A_133, %get3A_137 : vector<16xf32>
      %swap3A_139 = arith.index_cast %scan3A_61 : i32 to index
      %swap3A_140 = arith.constant 32 : index
      %swap3A_141 = tpu.vector_load %arg14[%swap3A_139, %swap3A_140] {strides = array<i32>} : memref<48x128xf32, #tpu.memory_space<vmem>>, vector<1x16xf32>,
      %swap3A_142 = vector.shape_cast %swap3A_141 : vector<1x16xf32> to vector<16xf32>
      %swap3A_143 = vector.shape_cast %mul3A_138 : vector<16xf32> to vector<1x16xf32>
      tpu.vector_store %arg14[%swap3A_139, %swap3A_140], %swap3A_143 {strides = array<i32>} : memref<48x128xf32, #tpu.memory_space<vmem>>, vector<1x16xf32>,
      %get3A_144 = arith.index_cast %scan3A_61 : i32 to index
      %get3A_145 = arith.constant 48 : index
      %get3A_146 = tpu.vector_load %arg14[%get3A_144, %get3A_145] {strides = array<i32>} : memref<48x128xf32, #tpu.memory_space<vmem>>, vector<1x16xf32>,
      %get3A_147 = vector.shape_cast %get3A_146 : vector<1x16xf32> to vector<16xf32>
      %get3A_148 = arith.index_cast %scan3A_61 : i32 to index
      %get3A_149 = arith.constant 48 : index
      %get3A_150 = tpu.vector_load %arg16[%get3A_148, %get3A_149] {strides = array<i32>} : memref<48x128xf32, #tpu.memory_space<vmem>>, vector<1x16xf32>,
      %get3A_151 = vector.shape_cast %get3A_150 : vector<1x16xf32> to vector<16xf32>
      %add3A_152 = arith.addf %get3A_147, %get3A_151 : vector<16xf32>
      %neg3A_153 = arith.constant 0.000000e+00 : f32
      %neg3A_154 = vector.broadcast %neg3A_153 : f32 to vector<16xf32>
      %neg3A_155 = arith.subf %neg3A_154, %add3A_152 : vector<16xf32>
      %exp3A_156 = math.exp %neg3A_155 : vector<16xf32>
      %add3A_157 = arith.constant 1.000000e+00 : f32
      %add3A_158 = vector.broadcast %add3A_157 : f32 to vector<16xf32>
      %add3A_159 = arith.addf %add3A_158, %exp3A_156 : vector<16xf32>
      %div3A_160 = arith.constant 1.000000e+00 : f32
      %div3A_161 = vector.broadcast %div3A_160 : f32 to vector<16xf32>
      %div3A_162 = arith.divf %div3A_161, %add3A_159 : vector<16xf32>
      %get3A_163 = arith.index_cast %scan3A_61 : i32 to index
      %get3A_164 = arith.constant 48 : index
      %get3A_165 = tpu.vector_load %arg18[%get3A_163, %get3A_164] {strides = array<i32>} : memref<48x128xf32, #tpu.memory_space<vmem>>, vector<1x16xf32>,
      %get3A_166 = vector.shape_cast %get3A_165 : vector<1x16xf32> to vector<16xf32>
      %mul3A_167 = arith.mulf %div3A_162, %get3A_166 : vector<16xf32>
      %swap3A_168 = arith.index_cast %scan3A_61 : i32 to index
      %swap3A_169 = arith.constant 48 : index
      %swap3A_170 = tpu.vector_load %arg14[%swap3A_168, %swap3A_169] {strides = array<i32>} : memref<48x128xf32, #tpu.memory_space<vmem>>, vector<1x16xf32>,
      %swap3A_171 = vector.shape_cast %swap3A_170 : vector<1x16xf32> to vector<16xf32>
      %swap3A_172 = vector.shape_cast %mul3A_167 : vector<16xf32> to vector<1x16xf32>
      tpu.vector_store %arg14[%swap3A_168, %swap3A_169], %swap3A_172 {strides = array<i32>} : memref<48x128xf32, #tpu.memory_space<vmem>>, vector<1x16xf32>,
      %get3A_173 = arith.index_cast %scan3A_61 : i32 to index
      %get3A_174 = arith.constant 64 : index
      %get3A_175 = tpu.vector_load %arg14[%get3A_173, %get3A_174] {strides = array<i32>} : memref<48x128xf32, #tpu.memory_space<vmem>>, vector<1x16xf32>,
      %get3A_176 = vector.shape_cast %get3A_175 : vector<1x16xf32> to vector<16xf32>
      %get3A_177 = arith.index_cast %scan3A_61 : i32 to index
      %get3A_178 = arith.constant 64 : index
      %get3A_179 = tpu.vector_load %arg16[%get3A_177, %get3A_178] {strides = array<i32>} : memref<48x128xf32, #tpu.memory_space<vmem>>, vector<1x16xf32>,
      %get3A_180 = vector.shape_cast %get3A_179 : vector<1x16xf32> to vector<16xf32>
      %add3A_181 = arith.addf %get3A_176, %get3A_180 : vector<16xf32>
      %neg3A_182 = arith.constant 0.000000e+00 : f32
      %neg3A_183 = vector.broadcast %neg3A_182 : f32 to vector<16xf32>
      %neg3A_184 = arith.subf %neg3A_183, %add3A_181 : vector<16xf32>
      %exp3A_185 = math.exp %neg3A_184 : vector<16xf32>
      %add3A_186 = arith.constant 1.000000e+00 : f32
      %add3A_187 = vector.broadcast %add3A_186 : f32 to vector<16xf32>
      %add3A_188 = arith.addf %add3A_187, %exp3A_185 : vector<16xf32>
      %div3A_189 = arith.constant 1.000000e+00 : f32
      %div3A_190 = vector.broadcast %div3A_189 : f32 to vector<16xf32>
      %div3A_191 = arith.divf %div3A_190, %add3A_188 : vector<16xf32>
      %get3A_192 = arith.index_cast %scan3A_61 : i32 to index
      %get3A_193 = arith.constant 64 : index
      %get3A_194 = tpu.vector_load %arg18[%get3A_192, %get3A_193] {strides = array<i32>} : memref<48x128xf32, #tpu.memory_space<vmem>>, vector<1x16xf32>,
      %get3A_195 = vector.shape_cast %get3A_194 : vector<1x16xf32> to vector<16xf32>
      %mul3A_196 = arith.mulf %div3A_191, %get3A_195 : vector<16xf32>
      %swap3A_197 = arith.index_cast %scan3A_61 : i32 to index
      %swap3A_198 = arith.constant 64 : index
      %swap3A_199 = tpu.vector_load %arg14[%swap3A_197, %swap3A_198] {strides = array<i32>} : memref<48x128xf32, #tpu.memory_space<vmem>>, vector<1x16xf32>,
      %swap3A_200 = vector.shape_cast %swap3A_199 : vector<1x16xf32> to vector<16xf32>
      %swap3A_201 = vector.shape_cast %mul3A_196 : vector<16xf32> to vector<1x16xf32>
      tpu.vector_store %arg14[%swap3A_197, %swap3A_198], %swap3A_201 {strides = array<i32>} : memref<48x128xf32, #tpu.memory_space<vmem>>, vector<1x16xf32>,
      %get3A_202 = arith.index_cast %scan3A_61 : i32 to index
      %get3A_203 = arith.constant 80 : index
      %get3A_204 = tpu.vector_load %arg14[%get3A_202, %get3A_203] {strides = array<i32>} : memref<48x128xf32, #tpu.memory_space<vmem>>, vector<1x16xf32>,
      %get3A_205 = vector.shape_cast %get3A_204 : vector<1x16xf32> to vector<16xf32>
      %get3A_206 = arith.index_cast %scan3A_61 : i32 to index
      %get3A_207 = arith.constant 80 : index
      %get3A_208 = tpu.vector_load %arg16[%get3A_206, %get3A_207] {strides = array<i32>} : memref<48x128xf32, #tpu.memory_space<vmem>>, vector<1x16xf32>,
      %get3A_209 = vector.shape_cast %get3A_208 : vector<1x16xf32> to vector<16xf32>
      %add3A_210 = arith.addf %get3A_205, %get3A_209 : vector<16xf32>
      %neg3A_211 = arith.constant 0.000000e+00 : f32
      %neg3A_212 = vector.broadcast %neg3A_211 : f32 to vector<16xf32>
      %neg3A_213 = arith.subf %neg3A_212, %add3A_210 : vector<16xf32>
      %exp3A_214 = math.exp %neg3A_213 : vector<16xf32>
      %add3A_215 = arith.constant 1.000000e+00 : f32
      %add3A_216 = vector.broadcast %add3A_215 : f32 to vector<16xf32>
      %add3A_217 = arith.addf %add3A_216, %exp3A_214 : vector<16xf32>
      %div3A_218 = arith.constant 1.000000e+00 : f32
      %div3A_219 = vector.broadcast %div3A_218 : f32 to vector<16xf32>
      %div3A_220 = arith.divf %div3A_219, %add3A_217 : vector<16xf32>
      %get3A_221 = arith.index_cast %scan3A_61 : i32 to index
      %get3A_222 = arith.constant 80 : index
      %get3A_223 = tpu.vector_load %arg18[%get3A_221, %get3A_222] {strides = array<i32>} : memref<48x128xf32, #tpu.memory_space<vmem>>, vector<1x16xf32>,
      %get3A_224 = vector.shape_cast %get3A_223 : vector<1x16xf32> to vector<16xf32>
      %mul3A_225 = arith.mulf %div3A_220, %get3A_224 : vector<16xf32>
      %swap3A_226 = arith.index_cast %scan3A_61 : i32 to index
      %swap3A_227 = arith.constant 80 : index
      %swap3A_228 = tpu.vector_load %arg14[%swap3A_226, %swap3A_227] {strides = array<i32>} : memref<48x128xf32, #tpu.memory_space<vmem>>, vector<1x16xf32>,
      %swap3A_229 = vector.shape_cast %swap3A_228 : vector<1x16xf32> to vector<16xf32>
      %swap3A_230 = vector.shape_cast %mul3A_225 : vector<16xf32> to vector<1x16xf32>
      tpu.vector_store %arg14[%swap3A_226, %swap3A_227], %swap3A_230 {strides = array<i32>} : memref<48x128xf32, #tpu.memory_space<vmem>>, vector<1x16xf32>,
      %get3A_231 = arith.index_cast %scan3A_61 : i32 to index
      %get3A_232 = arith.constant 96 : index
      %get3A_233 = tpu.vector_load %arg14[%get3A_231, %get3A_232] {strides = array<i32>} : memref<48x128xf32, #tpu.memory_space<vmem>>, vector<1x16xf32>,
      %get3A_234 = vector.shape_cast %get3A_233 : vector<1x16xf32> to vector<16xf32>
      %get3A_235 = arith.index_cast %scan3A_61 : i32 to index
      %get3A_236 = arith.constant 96 : index
      %get3A_237 = tpu.vector_load %arg16[%get3A_235, %get3A_236] {strides = array<i32>} : memref<48x128xf32, #tpu.memory_space<vmem>>, vector<1x16xf32>,
      %get3A_238 = vector.shape_cast %get3A_237 : vector<1x16xf32> to vector<16xf32>
      %add3A_239 = arith.addf %get3A_234, %get3A_238 : vector<16xf32>
      %neg3A_240 = arith.constant 0.000000e+00 : f32
      %neg3A_241 = vector.broadcast %neg3A_240 : f32 to vector<16xf32>
      %neg3A_242 = arith.subf %neg3A_241, %add3A_239 : vector<16xf32>
      %exp3A_243 = math.exp %neg3A_242 : vector<16xf32>
      %add3A_244 = arith.constant 1.000000e+00 : f32
      %add3A_245 = vector.broadcast %add3A_244 : f32 to vector<16xf32>
      %add3A_246 = arith.addf %add3A_245, %exp3A_243 : vector<16xf32>
      %div3A_247 = arith.constant 1.000000e+00 : f32
      %div3A_248 = vector.broadcast %div3A_247 : f32 to vector<16xf32>
      %div3A_249 = arith.divf %div3A_248, %add3A_246 : vector<16xf32>
      %get3A_250 = arith.index_cast %scan3A_61 : i32 to index
      %get3A_251 = arith.constant 96 : index
      %get3A_252 = tpu.vector_load %arg18[%get3A_250, %get3A_251] {strides = array<i32>} : memref<48x128xf32, #tpu.memory_space<vmem>>, vector<1x16xf32>,
      %get3A_253 = vector.shape_cast %get3A_252 : vector<1x16xf32> to vector<16xf32>
      %mul3A_254 = arith.mulf %div3A_249, %get3A_253 : vector<16xf32>
      %swap3A_255 = arith.index_cast %scan3A_61 : i32 to index
      %swap3A_256 = arith.constant 96 : index
      %swap3A_257 = tpu.vector_load %arg14[%swap3A_255, %swap3A_256] {strides = array<i32>} : memref<48x128xf32, #tpu.memory_space<vmem>>, vector<1x16xf32>,
      %swap3A_258 = vector.shape_cast %swap3A_257 : vector<1x16xf32> to vector<16xf32>
      %swap3A_259 = vector.shape_cast %mul3A_254 : vector<16xf32> to vector<1x16xf32>
      tpu.vector_store %arg14[%swap3A_255, %swap3A_256], %swap3A_259 {strides = array<i32>} : memref<48x128xf32, #tpu.memory_space<vmem>>, vector<1x16xf32>,
      %get3A_260 = arith.index_cast %scan3A_61 : i32 to index
      %get3A_261 = arith.constant 112 : index
      %get3A_262 = tpu.vector_load %arg14[%get3A_260, %get3A_261] {strides = array<i32>} : memref<48x128xf32, #tpu.memory_space<vmem>>, vector<1x16xf32>,
      %get3A_263 = vector.shape_cast %get3A_262 : vector<1x16xf32> to vector<16xf32>
      %get3A_264 = arith.index_cast %scan3A_61 : i32 to index
      %get3A_265 = arith.constant 112 : index
      %get3A_266 = tpu.vector_load %arg16[%get3A_264, %get3A_265] {strides = array<i32>} : memref<48x128xf32, #tpu.memory_space<vmem>>, vector<1x16xf32>,
      %get3A_267 = vector.shape_cast %get3A_266 : vector<1x16xf32> to vector<16xf32>
      %add3A_268 = arith.addf %get3A_263, %get3A_267 : vector<16xf32>
      %neg3A_269 = arith.constant 0.000000e+00 : f32
      %neg3A_270 = vector.broadcast %neg3A_269 : f32 to vector<16xf32>
      %neg3A_271 = arith.subf %neg3A_270, %add3A_268 : vector<16xf32>
      %exp3A_272 = math.exp %neg3A_271 : vector<16xf32>
      %add3A_273 = arith.constant 1.000000e+00 : f32
      %add3A_274 = vector.broadcast %add3A_273 : f32 to vector<16xf32>
      %add3A_275 = arith.addf %add3A_274, %exp3A_272 : vector<16xf32>
      %div3A_276 = arith.constant 1.000000e+00 : f32
      %div3A_277 = vector.broadcast %div3A_276 : f32 to vector<16xf32>
      %div3A_278 = arith.divf %div3A_277, %add3A_275 : vector<16xf32>
      %get3A_279 = arith.index_cast %scan3A_61 : i32 to index
      %get3A_280 = arith.constant 112 : index
      %get3A_281 = tpu.vector_load %arg18[%get3A_279, %get3A_280] {strides = array<i32>} : memref<48x128xf32, #tpu.memory_space<vmem>>, vector<1x16xf32>,
      %get3A_282 = vector.shape_cast %get3A_281 : vector<1x16xf32> to vector<16xf32>
      %mul3A_283 = arith.mulf %div3A_278, %get3A_282 : vector<16xf32>
      %swap3A_284 = arith.index_cast %scan3A_61 : i32 to index
      %swap3A_285 = arith.constant 112 : index
      %swap3A_286 = tpu.vector_load %arg14[%swap3A_284, %swap3A_285] {strides = array<i32>} : memref<48x128xf32, #tpu.memory_space<vmem>>, vector<1x16xf32>,
      %swap3A_287 = vector.shape_cast %swap3A_286 : vector<1x16xf32> to vector<16xf32>
      %swap3A_288 = vector.shape_cast %mul3A_283 : vector<16xf32> to vector<1x16xf32>
      tpu.vector_store %arg14[%swap3A_284, %swap3A_285], %swap3A_288 {strides = array<i32>} : memref<48x128xf32, #tpu.memory_space<vmem>>, vector<1x16xf32>,
    }
    %scan3A_59 = arith.constant 48 : i32
    "tpu.region"() ({
      %run_scoped3A = tpu.sem_alloc : memref<!tpu.dma_semaphore, #tpu.memory_space<semaphore_mem>>
      %dma_start3A_61 = arith.constant 0 : i32
      %dma_start3A_62 = arith.constant 0 : i32
      %dma_start3A_63 = tpu.memref_slice %arg19[%dma_start3A_61, %dma_start3A_62] : memref<10240x128xf32, #tpu.memory_space<vmem_shared>> -> memref<10240x128xf32, #tpu.memory_space<vmem_shared>>
      tpu.enqueue_indirect_dma source(%arg14 : memref<48x128xf32, #tpu.memory_space<vmem>>) target(%dma_start3A_63 : memref<10240x128xf32, #tpu.memory_space<vmem_shared>>) offsets(%arg12 : memref<48xi32, #tpu.memory_space<vmem>>) semaphore(%run_scoped3A : memref<!tpu.dma_semaphore, #tpu.memory_space<semaphore_mem>>) {add = true}
      %dma_wait3A_64 = arith.constant 0 : i32
      %dma_wait3A_65 = arith.constant 0 : i32
      %dma_wait3A_66 = tpu.memref_slice %arg19[%dma_wait3A_64, %dma_wait3A_65] : memref<10240x128xf32, #tpu.memory_space<vmem_shared>> -> memref<10240x128xf32, #tpu.memory_space<vmem_shared>>
      tpu.wait_indirect_dma semaphore(%run_scoped3A : memref<!tpu.dma_semaphore, #tpu.memory_space<semaphore_mem>>) src(%arg14 : memref<48x128xf32, #tpu.memory_space<vmem>>) dst(%dma_wait3A_66 : memref<10240x128xf32, #tpu.memory_space<vmem_shared>>)
      tpu.yield
    }) : () -> ()
    %barrier3A_60 = arith.constant 0 : index
    tpu.barrier barrier_id(%barrier3A_60)
    "tpu.region"() ({
      %run_scoped3A = tpu.sem_alloc : memref<!tpu.dma_semaphore, #tpu.memory_space<semaphore_mem>>
      %dma_start3A_61 = arith.constant 0 : i32
      %dma_start3A_62 = tpu.memref_slice %arg8[%arg0, %multiple_of3A, %dma_start3A_61] : memref<2x10240x128xf32, #tpu.memory_space<hbm>> -> memref<1x640x128xf32, #tpu.memory_space<hbm>>
      %dma_start3A_63 = tpu.memref_squeeze %dma_start3A_62 : memref<1x640x128xf32, #tpu.memory_space<hbm>> -> memref<640x128xf32, #tpu.memory_space<hbm>>
      %dma_start3A_64 = arith.constant 0 : i32
      %dma_start3A_65 = tpu.memref_slice %arg19[%multiple_of3A, %dma_start3A_64] : memref<10240x128xf32, #tpu.memory_space<vmem_shared>> -> memref<640x128xf32, #tpu.memory_space<vmem_shared>>
      tpu.enqueue_dma source(%dma_start3A_65 : memref<640x128xf32, #tpu.memory_space<vmem_shared>>) target(%dma_start3A_63 : memref<640x128xf32, #tpu.memory_space<hbm>>) target_semaphore(%run_scoped3A : memref<!tpu.dma_semaphore, #tpu.memory_space<semaphore_mem>>)
      %dma_wait3A_66 = arith.constant 0 : i32
      %dma_wait3A_67 = tpu.memref_slice %arg8[%arg0, %multiple_of3A, %dma_wait3A_66] : memref<2x10240x128xf32, #tpu.memory_space<hbm>> -> memref<1x640x128xf32, #tpu.memory_space<hbm>>
      %dma_wait3A_68 = tpu.memref_squeeze %dma_wait3A_67 : memref<1x640x128xf32, #tpu.memory_space<hbm>> -> memref<640x128xf32, #tpu.memory_space<hbm>>
      %dma_wait3A_69 = arith.constant 0 : i32
      %dma_wait3A_70 = tpu.memref_slice %arg19[%multiple_of3A, %dma_wait3A_69] : memref<10240x128xf32, #tpu.memory_space<vmem_shared>> -> memref<640x128xf32, #tpu.memory_space<vmem_shared>>
      tpu.wait_dma2 semaphore(%run_scoped3A : memref<!tpu.dma_semaphore, #tpu.memory_space<semaphore_mem>>) src(%dma_wait3A_70 : memref<640x128xf32, #tpu.memory_space<vmem_shared>>) dst(%dma_wait3A_68 : memref<640x128xf32, #tpu.memory_space<hbm>>)
      tpu.yield
    }) : () -> ()
    return
  }
}

module attributes {stable_mosaic.version = 14 : i64} {
  func.func @_proj0_body(%arg0: i32, %arg1: memref<1680x128xf32, #tpu.memory_space<vmem>>, %arg2: memref<128x128xf32, #tpu.memory_space<vmem>>, %arg3: memref<128x128xf32, #tpu.memory_space<vmem>>, %arg4: memref<128x128xf32, #tpu.memory_space<vmem>>, %arg5: memref<128x128xf32, #tpu.memory_space<vmem>>, %arg6: memref<1x128xf32, #tpu.memory_space<vmem>>, %arg7: memref<1680x128xf32, #tpu.memory_space<vmem>>, %arg8: memref<1680x128xf32, #tpu.memory_space<vmem>>, %arg9: memref<1680x128xf32, #tpu.memory_space<vmem>>, %arg10: memref<1680x128xf32, #tpu.memory_space<vmem>>) attributes {dimension_semantics = [#tpu.dimension_semantics<arbitrary>], iteration_bounds = array<i64: 6>, scalar_prefetch = 0 : i64, scratch_operands = 0 : i64, tpu.core_type = #tpu.core_type<tc>, window_params = [{transform_indices = @transform_0, window_bounds = array<i64: 1680, 128>}, {pipeline_mode = #tpu.pipeline_mode<synchronous>, transform_indices = @transform_1, window_bounds = array<i64: 128, 128>}, {pipeline_mode = #tpu.pipeline_mode<synchronous>, transform_indices = @transform_2, window_bounds = array<i64: 128, 128>}, {pipeline_mode = #tpu.pipeline_mode<synchronous>, transform_indices = @transform_3, window_bounds = array<i64: 128, 128>}, {pipeline_mode = #tpu.pipeline_mode<synchronous>, transform_indices = @transform_4, window_bounds = array<i64: 128, 128>}, {pipeline_mode = #tpu.pipeline_mode<synchronous>, transform_indices = @transform_5, window_bounds = array<i64: 1, 128>}, {transform_indices = @transform_6, window_bounds = array<i64: 1680, 128>}, {transform_indices = @transform_7, window_bounds = array<i64: 1680, 128>}, {transform_indices = @transform_8, window_bounds = array<i64: 1680, 128>}, {transform_indices = @transform_9, window_bounds = array<i64: 1680, 128>}]} {
    %get3A = arith.constant 0 : index
    %get3A_0 = arith.constant 0 : index
    %get3A_1 = vector.load %arg1[%get3A, %get3A_0] : memref<1680x128xf32, #tpu.memory_space<vmem>>, vector<1680x128xf32>
    %get3A_2 = arith.constant 0 : index
    %get3A_3 = arith.constant 0 : index
    %get3A_4 = vector.load %arg2[%get3A_2, %get3A_3] : memref<128x128xf32, #tpu.memory_space<vmem>>, vector<128x128xf32>
    %dot_general3A = arith.constant dense<0.000000e+00> : vector<1680x128xf32>
    %dot_general3A_5 = tpu.matmul %get3A_1, %get3A_4, %dot_general3A {dimension_numbers = #tpu.dot_dimension_numbers<[1], [0], [0], [1], [0, 0, 1, 1], [], []>, precision = #tpu.contract_precision<fp32>, transpose_lhs_hint = false} : vector<1680x128xf32>, vector<128x128xf32>, vector<1680x128xf32> -> vector<1680x128xf32>
    %swap3A = arith.constant 0 : index
    %swap3A_6 = arith.constant 0 : index
    %swap3A_7 = vector.load %arg7[%swap3A, %swap3A_6] : memref<1680x128xf32, #tpu.memory_space<vmem>>, vector<1680x128xf32>
    tpu.vector_store %arg7[%swap3A, %swap3A_6], %dot_general3A_5 {strides = array<i32>} : memref<1680x128xf32, #tpu.memory_space<vmem>>, vector<1680x128xf32>,
    %get3A_8 = arith.constant 0 : index
    %get3A_9 = arith.constant 0 : index
    %get3A_10 = vector.load %arg3[%get3A_8, %get3A_9] : memref<128x128xf32, #tpu.memory_space<vmem>>, vector<128x128xf32>
    %dot_general3A_11 = arith.constant dense<0.000000e+00> : vector<1680x128xf32>
    %dot_general3A_12 = tpu.matmul %get3A_1, %get3A_10, %dot_general3A_11 {dimension_numbers = #tpu.dot_dimension_numbers<[1], [0], [0], [1], [0, 0, 1, 1], [], []>, precision = #tpu.contract_precision<fp32>, transpose_lhs_hint = false} : vector<1680x128xf32>, vector<128x128xf32>, vector<1680x128xf32> -> vector<1680x128xf32>
    %swap3A_13 = arith.constant 0 : index
    %swap3A_14 = arith.constant 0 : index
    %swap3A_15 = vector.load %arg8[%swap3A_13, %swap3A_14] : memref<1680x128xf32, #tpu.memory_space<vmem>>, vector<1680x128xf32>
    tpu.vector_store %arg8[%swap3A_13, %swap3A_14], %dot_general3A_12 {strides = array<i32>} : memref<1680x128xf32, #tpu.memory_space<vmem>>, vector<1680x128xf32>,
    %get3A_16 = arith.constant 0 : index
    %get3A_17 = arith.constant 0 : index
    %get3A_18 = vector.load %arg4[%get3A_16, %get3A_17] : memref<128x128xf32, #tpu.memory_space<vmem>>, vector<128x128xf32>
    %dot_general3A_19 = arith.constant dense<0.000000e+00> : vector<1680x128xf32>
    %dot_general3A_20 = tpu.matmul %get3A_1, %get3A_18, %dot_general3A_19 {dimension_numbers = #tpu.dot_dimension_numbers<[1], [0], [0], [1], [0, 0, 1, 1], [], []>, precision = #tpu.contract_precision<fp32>, transpose_lhs_hint = false} : vector<1680x128xf32>, vector<128x128xf32>, vector<1680x128xf32> -> vector<1680x128xf32>
    %swap3A_21 = arith.constant 0 : index
    %swap3A_22 = arith.constant 0 : index
    %swap3A_23 = vector.load %arg9[%swap3A_21, %swap3A_22] : memref<1680x128xf32, #tpu.memory_space<vmem>>, vector<1680x128xf32>
    tpu.vector_store %arg9[%swap3A_21, %swap3A_22], %dot_general3A_20 {strides = array<i32>} : memref<1680x128xf32, #tpu.memory_space<vmem>>, vector<1680x128xf32>,
    %get3A_24 = arith.constant 0 : index
    %get3A_25 = arith.constant 0 : index
    %get3A_26 = vector.load %arg5[%get3A_24, %get3A_25] : memref<128x128xf32, #tpu.memory_space<vmem>>, vector<128x128xf32>
    %dot_general3A_27 = arith.constant dense<0.000000e+00> : vector<1680x128xf32>
    %dot_general3A_28 = tpu.matmul %get3A_1, %get3A_26, %dot_general3A_27 {dimension_numbers = #tpu.dot_dimension_numbers<[1], [0], [0], [1], [0, 0, 1, 1], [], []>, precision = #tpu.contract_precision<fp32>, transpose_lhs_hint = false} : vector<1680x128xf32>, vector<128x128xf32>, vector<1680x128xf32> -> vector<1680x128xf32>
    %get3A_29 = arith.constant 0 : index
    %get3A_30 = arith.constant 0 : index
    %get3A_31 = vector.load %arg6[%get3A_29, %get3A_30] : memref<1x128xf32, #tpu.memory_space<vmem>>, vector<1x128xf32>
    %add3A = vector.broadcast %get3A_31 : vector<1x128xf32> to vector<1680x128xf32>
    %add3A_32 = arith.addf %dot_general3A_28, %add3A : vector<1680x128xf32>
    %swap3A_33 = arith.constant 0 : index
    %swap3A_34 = arith.constant 0 : index
    %swap3A_35 = vector.load %arg10[%swap3A_33, %swap3A_34] : memref<1680x128xf32, #tpu.memory_space<vmem>>, vector<1680x128xf32>
    tpu.vector_store %arg10[%swap3A_33, %swap3A_34], %add3A_32 {strides = array<i32>} : memref<1680x128xf32, #tpu.memory_space<vmem>>, vector<1680x128xf32>,
    return
  }
  func.func @transform_0(%arg0: i32) -> (i32, i32) {
    %c0_i32 = arith.constant 0 : i32
    %c0_i32_0 = arith.constant 0 : i32
    return %arg0, %c0_i32 : i32, i32
  }
  func.func @transform_1(%arg0: i32) -> (i32, i32) {
    %c0_i32 = arith.constant 0 : i32
    %c0_i32_0 = arith.constant 0 : i32
    %c0_i32_1 = arith.constant 0 : i32
    return %c0_i32, %c0_i32_0 : i32, i32
  }
  func.func @transform_2(%arg0: i32) -> (i32, i32) {
    %c0_i32 = arith.constant 0 : i32
    %c0_i32_0 = arith.constant 0 : i32
    %c0_i32_1 = arith.constant 0 : i32
    return %c0_i32, %c0_i32_0 : i32, i32
  }
  func.func @transform_3(%arg0: i32) -> (i32, i32) {
    %c0_i32 = arith.constant 0 : i32
    %c0_i32_0 = arith.constant 0 : i32
    %c0_i32_1 = arith.constant 0 : i32
    return %c0_i32, %c0_i32_0 : i32, i32
  }
  func.func @transform_4(%arg0: i32) -> (i32, i32) {
    %c0_i32 = arith.constant 0 : i32
    %c0_i32_0 = arith.constant 0 : i32
    %c0_i32_1 = arith.constant 0 : i32
    return %c0_i32, %c0_i32_0 : i32, i32
  }
  func.func @transform_5(%arg0: i32) -> (i32, i32) {
    %c0_i32 = arith.constant 0 : i32
    %c0_i32_0 = arith.constant 0 : i32
    %c0_i32_1 = arith.constant 0 : i32
    return %c0_i32, %c0_i32_0 : i32, i32
  }
  func.func @transform_6(%arg0: i32) -> (i32, i32) {
    %c0_i32 = arith.constant 0 : i32
    %c0_i32_0 = arith.constant 0 : i32
    return %arg0, %c0_i32 : i32, i32
  }
  func.func @transform_7(%arg0: i32) -> (i32, i32) {
    %c0_i32 = arith.constant 0 : i32
    %c0_i32_0 = arith.constant 0 : i32
    return %arg0, %c0_i32 : i32, i32
  }
  func.func @transform_8(%arg0: i32) -> (i32, i32) {
    %c0_i32 = arith.constant 0 : i32
    %c0_i32_0 = arith.constant 0 : i32
    return %arg0, %c0_i32 : i32, i32
  }
  func.func @transform_9(%arg0: i32) -> (i32, i32) {
    %c0_i32 = arith.constant 0 : i32
    %c0_i32_0 = arith.constant 0 : i32
    return %arg0, %c0_i32 : i32, i32
  }
}

module attributes {stable_mosaic.version = 14 : i64} {
  func.func @_proj_mid_body(%arg0: i32, %arg1: memref<2x1680x128xf32, #tpu.memory_space<vmem>>, %arg2: memref<1680x128xf32, #tpu.memory_space<vmem>>, %arg3: memref<128x128xf32, #tpu.memory_space<vmem>>, %arg4: memref<128x128xf32, #tpu.memory_space<vmem>>, %arg5: memref<128x128xf32, #tpu.memory_space<vmem>>, %arg6: memref<128x128xf32, #tpu.memory_space<vmem>>, %arg7: memref<1x128xf32, #tpu.memory_space<vmem>>, %arg8: memref<1680x128xf32, #tpu.memory_space<vmem>>, %arg9: memref<1680x128xf32, #tpu.memory_space<vmem>>, %arg10: memref<1680x128xf32, #tpu.memory_space<vmem>>, %arg11: memref<1680x128xf32, #tpu.memory_space<vmem>>) attributes {dimension_semantics = [#tpu.dimension_semantics<arbitrary>], iteration_bounds = array<i64: 6>, scalar_prefetch = 0 : i64, scratch_operands = 0 : i64, tpu.core_type = #tpu.core_type<tc>, window_params = [{transform_indices = @transform_0, window_bounds = array<i64: 2, 1680, 128>}, {transform_indices = @transform_1, window_bounds = array<i64: 1680, 128>}, {pipeline_mode = #tpu.pipeline_mode<synchronous>, transform_indices = @transform_2, window_bounds = array<i64: 128, 128>}, {pipeline_mode = #tpu.pipeline_mode<synchronous>, transform_indices = @transform_3, window_bounds = array<i64: 128, 128>}, {pipeline_mode = #tpu.pipeline_mode<synchronous>, transform_indices = @transform_4, window_bounds = array<i64: 128, 128>}, {pipeline_mode = #tpu.pipeline_mode<synchronous>, transform_indices = @transform_5, window_bounds = array<i64: 128, 128>}, {pipeline_mode = #tpu.pipeline_mode<synchronous>, transform_indices = @transform_6, window_bounds = array<i64: 1, 128>}, {transform_indices = @transform_7, window_bounds = array<i64: 1680, 128>}, {transform_indices = @transform_8, window_bounds = array<i64: 1680, 128>}, {transform_indices = @transform_9, window_bounds = array<i64: 1680, 128>}, {transform_indices = @transform_10, window_bounds = array<i64: 1680, 128>}]} {
    %get3A = arith.constant 0 : index
    %get3A_0 = arith.constant 0 : index
    %get3A_1 = arith.constant 0 : index
    %get3A_2 = vector.load %arg1[%get3A, %get3A_0, %get3A_1] : memref<2x1680x128xf32, #tpu.memory_space<vmem>>, vector<1x1680x128xf32>
    %get3A_3 = vector.shape_cast %get3A_2 : vector<1x1680x128xf32> to vector<1680x128xf32>
    %get3A_4 = arith.constant 1 : index
    %get3A_5 = arith.constant 0 : index
    %get3A_6 = arith.constant 0 : index
    %get3A_7 = vector.load %arg1[%get3A_4, %get3A_5, %get3A_6] : memref<2x1680x128xf32, #tpu.memory_space<vmem>>, vector<1x1680x128xf32>
    %get3A_8 = vector.shape_cast %get3A_7 : vector<1x1680x128xf32> to vector<1680x128xf32>
    %add3A = arith.addf %get3A_3, %get3A_8 : vector<1680x128xf32>
    %get3A_9 = arith.constant 0 : index
    %get3A_10 = arith.constant 0 : index
    %get3A_11 = vector.load %arg2[%get3A_9, %get3A_10] : memref<1680x128xf32, #tpu.memory_space<vmem>>, vector<1680x128xf32>
    %add3A_12 = arith.addf %add3A, %get3A_11 : vector<1680x128xf32>
    %max3A = arith.constant 0.000000e+00 : f32
    %max3A_13 = vector.broadcast %max3A : f32 to vector<1680x128xf32>
    %max3A_14 = arith.maximumf %add3A_12, %max3A_13 : vector<1680x128xf32>
    %get3A_15 = arith.constant 0 : index
    %get3A_16 = arith.constant 0 : index
    %get3A_17 = vector.load %arg3[%get3A_15, %get3A_16] : memref<128x128xf32, #tpu.memory_space<vmem>>, vector<128x128xf32>
    %dot_general3A = arith.constant dense<0.000000e+00> : vector<1680x128xf32>
    %dot_general3A_18 = tpu.matmul %max3A_14, %get3A_17, %dot_general3A {dimension_numbers = #tpu.dot_dimension_numbers<[1], [0], [0], [1], [0, 0, 1, 1], [], []>, precision = #tpu.contract_precision<fp32>, transpose_lhs_hint = false} : vector<1680x128xf32>, vector<128x128xf32>, vector<1680x128xf32> -> vector<1680x128xf32>
    %swap3A = arith.constant 0 : index
    %swap3A_19 = arith.constant 0 : index
    %swap3A_20 = vector.load %arg8[%swap3A, %swap3A_19] : memref<1680x128xf32, #tpu.memory_space<vmem>>, vector<1680x128xf32>
    tpu.vector_store %arg8[%swap3A, %swap3A_19], %dot_general3A_18 {strides = array<i32>} : memref<1680x128xf32, #tpu.memory_space<vmem>>, vector<1680x128xf32>,
    %get3A_21 = arith.constant 0 : index
    %get3A_22 = arith.constant 0 : index
    %get3A_23 = vector.load %arg4[%get3A_21, %get3A_22] : memref<128x128xf32, #tpu.memory_space<vmem>>, vector<128x128xf32>
    %dot_general3A_24 = arith.constant dense<0.000000e+00> : vector<1680x128xf32>
    %dot_general3A_25 = tpu.matmul %max3A_14, %get3A_23, %dot_general3A_24 {dimension_numbers = #tpu.dot_dimension_numbers<[1], [0], [0], [1], [0, 0, 1, 1], [], []>, precision = #tpu.contract_precision<fp32>, transpose_lhs_hint = false} : vector<1680x128xf32>, vector<128x128xf32>, vector<1680x128xf32> -> vector<1680x128xf32>
    %swap3A_26 = arith.constant 0 : index
    %swap3A_27 = arith.constant 0 : index
    %swap3A_28 = vector.load %arg9[%swap3A_26, %swap3A_27] : memref<1680x128xf32, #tpu.memory_space<vmem>>, vector<1680x128xf32>
    tpu.vector_store %arg9[%swap3A_26, %swap3A_27], %dot_general3A_25 {strides = array<i32>} : memref<1680x128xf32, #tpu.memory_space<vmem>>, vector<1680x128xf32>,
    %get3A_29 = arith.constant 0 : index
    %get3A_30 = arith.constant 0 : index
    %get3A_31 = vector.load %arg5[%get3A_29, %get3A_30] : memref<128x128xf32, #tpu.memory_space<vmem>>, vector<128x128xf32>
    %dot_general3A_32 = arith.constant dense<0.000000e+00> : vector<1680x128xf32>
    %dot_general3A_33 = tpu.matmul %max3A_14, %get3A_31, %dot_general3A_32 {dimension_numbers = #tpu.dot_dimension_numbers<[1], [0], [0], [1], [0, 0, 1, 1], [], []>, precision = #tpu.contract_precision<fp32>, transpose_lhs_hint = false} : vector<1680x128xf32>, vector<128x128xf32>, vector<1680x128xf32> -> vector<1680x128xf32>
    %swap3A_34 = arith.constant 0 : index
    %swap3A_35 = arith.constant 0 : index
    %swap3A_36 = vector.load %arg10[%swap3A_34, %swap3A_35] : memref<1680x128xf32, #tpu.memory_space<vmem>>, vector<1680x128xf32>
    tpu.vector_store %arg10[%swap3A_34, %swap3A_35], %dot_general3A_33 {strides = array<i32>} : memref<1680x128xf32, #tpu.memory_space<vmem>>, vector<1680x128xf32>,
    %get3A_37 = arith.constant 0 : index
    %get3A_38 = arith.constant 0 : index
    %get3A_39 = vector.load %arg6[%get3A_37, %get3A_38] : memref<128x128xf32, #tpu.memory_space<vmem>>, vector<128x128xf32>
    %dot_general3A_40 = arith.constant dense<0.000000e+00> : vector<1680x128xf32>
    %dot_general3A_41 = tpu.matmul %max3A_14, %get3A_39, %dot_general3A_40 {dimension_numbers = #tpu.dot_dimension_numbers<[1], [0], [0], [1], [0, 0, 1, 1], [], []>, precision = #tpu.contract_precision<fp32>, transpose_lhs_hint = false} : vector<1680x128xf32>, vector<128x128xf32>, vector<1680x128xf32> -> vector<1680x128xf32>
    %get3A_42 = arith.constant 0 : index
    %get3A_43 = arith.constant 0 : index
    %get3A_44 = vector.load %arg7[%get3A_42, %get3A_43] : memref<1x128xf32, #tpu.memory_space<vmem>>, vector<1x128xf32>
    %add3A_45 = vector.broadcast %get3A_44 : vector<1x128xf32> to vector<1680x128xf32>
    %add3A_46 = arith.addf %dot_general3A_41, %add3A_45 : vector<1680x128xf32>
    %swap3A_47 = arith.constant 0 : index
    %swap3A_48 = arith.constant 0 : index
    %swap3A_49 = vector.load %arg11[%swap3A_47, %swap3A_48] : memref<1680x128xf32, #tpu.memory_space<vmem>>, vector<1680x128xf32>
    tpu.vector_store %arg11[%swap3A_47, %swap3A_48], %add3A_46 {strides = array<i32>} : memref<1680x128xf32, #tpu.memory_space<vmem>>, vector<1680x128xf32>,
    return
  }
  func.func @transform_0(%arg0: i32) -> (i32, i32, i32) {
    %c0_i32 = arith.constant 0 : i32
    %c0_i32_0 = arith.constant 0 : i32
    %c0_i32_1 = arith.constant 0 : i32
    return %c0_i32, %arg0, %c0_i32_0 : i32, i32, i32
  }
  func.func @transform_1(%arg0: i32) -> (i32, i32) {
    %c0_i32 = arith.constant 0 : i32
    %c0_i32_0 = arith.constant 0 : i32
    return %arg0, %c0_i32 : i32, i32
  }
  func.func @transform_2(%arg0: i32) -> (i32, i32) {
    %c0_i32 = arith.constant 0 : i32
    %c0_i32_0 = arith.constant 0 : i32
    %c0_i32_1 = arith.constant 0 : i32
    return %c0_i32, %c0_i32_0 : i32, i32
  }
  func.func @transform_3(%arg0: i32) -> (i32, i32) {
    %c0_i32 = arith.constant 0 : i32
    %c0_i32_0 = arith.constant 0 : i32
    %c0_i32_1 = arith.constant 0 : i32
    return %c0_i32, %c0_i32_0 : i32, i32
  }
  func.func @transform_4(%arg0: i32) -> (i32, i32) {
    %c0_i32 = arith.constant 0 : i32
    %c0_i32_0 = arith.constant 0 : i32
    %c0_i32_1 = arith.constant 0 : i32
    return %c0_i32, %c0_i32_0 : i32, i32
  }
  func.func @transform_5(%arg0: i32) -> (i32, i32) {
    %c0_i32 = arith.constant 0 : i32
    %c0_i32_0 = arith.constant 0 : i32
    %c0_i32_1 = arith.constant 0 : i32
    return %c0_i32, %c0_i32_0 : i32, i32
  }
  func.func @transform_6(%arg0: i32) -> (i32, i32) {
    %c0_i32 = arith.constant 0 : i32
    %c0_i32_0 = arith.constant 0 : i32
    %c0_i32_1 = arith.constant 0 : i32
    return %c0_i32, %c0_i32_0 : i32, i32
  }
  func.func @transform_7(%arg0: i32) -> (i32, i32) {
    %c0_i32 = arith.constant 0 : i32
    %c0_i32_0 = arith.constant 0 : i32
    return %arg0, %c0_i32 : i32, i32
  }
  func.func @transform_8(%arg0: i32) -> (i32, i32) {
    %c0_i32 = arith.constant 0 : i32
    %c0_i32_0 = arith.constant 0 : i32
    return %arg0, %c0_i32 : i32, i32
  }
  func.func @transform_9(%arg0: i32) -> (i32, i32) {
    %c0_i32 = arith.constant 0 : i32
    %c0_i32_0 = arith.constant 0 : i32
    return %arg0, %c0_i32 : i32, i32
  }
  func.func @transform_10(%arg0: i32) -> (i32, i32) {
    %c0_i32 = arith.constant 0 : i32
    %c0_i32_0 = arith.constant 0 : i32
    return %arg0, %c0_i32 : i32, i32
  }
}

module attributes {stable_mosaic.version = 14 : i64} {
  func.func @_proj_last_body(%arg0: i32, %arg1: memref<2x1680x128xf32, #tpu.memory_space<vmem>>, %arg2: memref<1680x128xf32, #tpu.memory_space<vmem>>, %arg3: memref<1x128xf32, #tpu.memory_space<vmem>>, %arg4: memref<1x128xf32, #tpu.memory_space<vmem>>, %arg5: memref<1x128xf32, #tpu.memory_space<vmem>>, %arg6: memref<1x128xf32, #tpu.memory_space<vmem>>, %arg7: memref<1680x1xf32, #tpu.memory_space<vmem>>, %arg8: memref<1680x1xf32, #tpu.memory_space<vmem>>, %arg9: memref<1680x1xf32, #tpu.memory_space<vmem>>, %arg10: memref<1680x1xf32, #tpu.memory_space<vmem>>) attributes {dimension_semantics = [#tpu.dimension_semantics<arbitrary>], iteration_bounds = array<i64: 6>, scalar_prefetch = 0 : i64, scratch_operands = 0 : i64, tpu.core_type = #tpu.core_type<tc>, window_params = [{transform_indices = @transform_0, window_bounds = array<i64: 2, 1680, 128>}, {transform_indices = @transform_1, window_bounds = array<i64: 1680, 128>}, {pipeline_mode = #tpu.pipeline_mode<synchronous>, transform_indices = @transform_2, window_bounds = array<i64: 1, 128>}, {pipeline_mode = #tpu.pipeline_mode<synchronous>, transform_indices = @transform_3, window_bounds = array<i64: 1, 128>}, {pipeline_mode = #tpu.pipeline_mode<synchronous>, transform_indices = @transform_4, window_bounds = array<i64: 1, 128>}, {pipeline_mode = #tpu.pipeline_mode<synchronous>, transform_indices = @transform_5, window_bounds = array<i64: 1, 128>}, {transform_indices = @transform_6, window_bounds = array<i64: 1680, 1>}, {transform_indices = @transform_7, window_bounds = array<i64: 1680, 1>}, {transform_indices = @transform_8, window_bounds = array<i64: 1680, 1>}, {transform_indices = @transform_9, window_bounds = array<i64: 1680, 1>}]} {
    %get3A = arith.constant 0 : index
    %get3A_0 = arith.constant 0 : index
    %get3A_1 = arith.constant 0 : index
    %get3A_2 = vector.load %arg1[%get3A, %get3A_0, %get3A_1] : memref<2x1680x128xf32, #tpu.memory_space<vmem>>, vector<1x1680x128xf32>
    %get3A_3 = vector.shape_cast %get3A_2 : vector<1x1680x128xf32> to vector<1680x128xf32>
    %get3A_4 = arith.constant 1 : index
    %get3A_5 = arith.constant 0 : index
    %get3A_6 = arith.constant 0 : index
    %get3A_7 = vector.load %arg1[%get3A_4, %get3A_5, %get3A_6] : memref<2x1680x128xf32, #tpu.memory_space<vmem>>, vector<1x1680x128xf32>
    %get3A_8 = vector.shape_cast %get3A_7 : vector<1x1680x128xf32> to vector<1680x128xf32>
    %add3A = arith.addf %get3A_3, %get3A_8 : vector<1680x128xf32>
    %get3A_9 = arith.constant 0 : index
    %get3A_10 = arith.constant 0 : index
    %get3A_11 = vector.load %arg2[%get3A_9, %get3A_10] : memref<1680x128xf32, #tpu.memory_space<vmem>>, vector<1680x128xf32>
    %add3A_12 = arith.addf %add3A, %get3A_11 : vector<1680x128xf32>
    %max3A = arith.constant 0.000000e+00 : f32
    %max3A_13 = vector.broadcast %max3A : f32 to vector<1680x128xf32>
    %max3A_14 = arith.maximumf %add3A_12, %max3A_13 : vector<1680x128xf32>
    %get3A_15 = arith.constant 0 : index
    %get3A_16 = arith.constant 0 : index
    %get3A_17 = vector.load %arg3[%get3A_15, %get3A_16] : memref<1x128xf32, #tpu.memory_space<vmem>>, vector<1x128xf32>
    %mul3A = vector.broadcast %get3A_17 : vector<1x128xf32> to vector<1680x128xf32>
    %mul3A_18 = arith.mulf %max3A_14, %mul3A : vector<1680x128xf32>
    %reduce_sum3A = arith.constant dense<0.000000e+00> : vector<1680xf32>
    %reduce_sum3A_19 = vector.multi_reduction <add>, %mul3A_18, %reduce_sum3A [1] : vector<1680x128xf32> to vector<1680xf32>
    %broadcast_in_dim3A = vector.shape_cast %reduce_sum3A_19 : vector<1680xf32> to vector<1680x1xf32>
    %swap3A = arith.constant 0 : index
    %swap3A_20 = arith.constant 0 : index
    %swap3A_21 = vector.load %arg7[%swap3A, %swap3A_20] : memref<1680x1xf32, #tpu.memory_space<vmem>>, vector<1680x1xf32>
    tpu.vector_store %arg7[%swap3A, %swap3A_20], %broadcast_in_dim3A {strides = array<i32>} : memref<1680x1xf32, #tpu.memory_space<vmem>>, vector<1680x1xf32>,
    %get3A_22 = arith.constant 0 : index
    %get3A_23 = arith.constant 0 : index
    %get3A_24 = vector.load %arg4[%get3A_22, %get3A_23] : memref<1x128xf32, #tpu.memory_space<vmem>>, vector<1x128xf32>
    %mul3A_25 = vector.broadcast %get3A_24 : vector<1x128xf32> to vector<1680x128xf32>
    %mul3A_26 = arith.mulf %max3A_14, %mul3A_25 : vector<1680x128xf32>
    %reduce_sum3A_27 = arith.constant dense<0.000000e+00> : vector<1680xf32>
    %reduce_sum3A_28 = vector.multi_reduction <add>, %mul3A_26, %reduce_sum3A_27 [1] : vector<1680x128xf32> to vector<1680xf32>
    %broadcast_in_dim3A_29 = vector.shape_cast %reduce_sum3A_28 : vector<1680xf32> to vector<1680x1xf32>
    %swap3A_30 = arith.constant 0 : index
    %swap3A_31 = arith.constant 0 : index
    %swap3A_32 = vector.load %arg8[%swap3A_30, %swap3A_31] : memref<1680x1xf32, #tpu.memory_space<vmem>>, vector<1680x1xf32>
    tpu.vector_store %arg8[%swap3A_30, %swap3A_31], %broadcast_in_dim3A_29 {strides = array<i32>} : memref<1680x1xf32, #tpu.memory_space<vmem>>, vector<1680x1xf32>,
    %get3A_33 = arith.constant 0 : index
    %get3A_34 = arith.constant 0 : index
    %get3A_35 = vector.load %arg5[%get3A_33, %get3A_34] : memref<1x128xf32, #tpu.memory_space<vmem>>, vector<1x128xf32>
    %mul3A_36 = vector.broadcast %get3A_35 : vector<1x128xf32> to vector<1680x128xf32>
    %mul3A_37 = arith.mulf %max3A_14, %mul3A_36 : vector<1680x128xf32>
    %reduce_sum3A_38 = arith.constant dense<0.000000e+00> : vector<1680xf32>
    %reduce_sum3A_39 = vector.multi_reduction <add>, %mul3A_37, %reduce_sum3A_38 [1] : vector<1680x128xf32> to vector<1680xf32>
    %broadcast_in_dim3A_40 = vector.shape_cast %reduce_sum3A_39 : vector<1680xf32> to vector<1680x1xf32>
    %swap3A_41 = arith.constant 0 : index
    %swap3A_42 = arith.constant 0 : index
    %swap3A_43 = vector.load %arg9[%swap3A_41, %swap3A_42] : memref<1680x1xf32, #tpu.memory_space<vmem>>, vector<1680x1xf32>
    tpu.vector_store %arg9[%swap3A_41, %swap3A_42], %broadcast_in_dim3A_40 {strides = array<i32>} : memref<1680x1xf32, #tpu.memory_space<vmem>>, vector<1680x1xf32>,
    %get3A_44 = arith.constant 0 : index
    %get3A_45 = arith.constant 0 : index
    %get3A_46 = vector.load %arg6[%get3A_44, %get3A_45] : memref<1x128xf32, #tpu.memory_space<vmem>>, vector<1x128xf32>
    %mul3A_47 = vector.broadcast %get3A_46 : vector<1x128xf32> to vector<1680x128xf32>
    %mul3A_48 = arith.mulf %max3A_14, %mul3A_47 : vector<1680x128xf32>
    %reduce_sum3A_49 = arith.constant dense<0.000000e+00> : vector<1680xf32>
    %reduce_sum3A_50 = vector.multi_reduction <add>, %mul3A_48, %reduce_sum3A_49 [1] : vector<1680x128xf32> to vector<1680xf32>
    %broadcast_in_dim3A_51 = vector.shape_cast %reduce_sum3A_50 : vector<1680xf32> to vector<1680x1xf32>
    %swap3A_52 = arith.constant 0 : index
    %swap3A_53 = arith.constant 0 : index
    %swap3A_54 = vector.load %arg10[%swap3A_52, %swap3A_53] : memref<1680x1xf32, #tpu.memory_space<vmem>>, vector<1680x1xf32>
    tpu.vector_store %arg10[%swap3A_52, %swap3A_53], %broadcast_in_dim3A_51 {strides = array<i32>} : memref<1680x1xf32, #tpu.memory_space<vmem>>, vector<1680x1xf32>,
    return
  }
  func.func @transform_0(%arg0: i32) -> (i32, i32, i32) {
    %c0_i32 = arith.constant 0 : i32
    %c0_i32_0 = arith.constant 0 : i32
    %c0_i32_1 = arith.constant 0 : i32
    return %c0_i32, %arg0, %c0_i32_0 : i32, i32, i32
  }
  func.func @transform_1(%arg0: i32) -> (i32, i32) {
    %c0_i32 = arith.constant 0 : i32
    %c0_i32_0 = arith.constant 0 : i32
    return %arg0, %c0_i32 : i32, i32
  }
  func.func @transform_2(%arg0: i32) -> (i32, i32) {
    %c0_i32 = arith.constant 0 : i32
    %c0_i32_0 = arith.constant 0 : i32
    %c0_i32_1 = arith.constant 0 : i32
    return %c0_i32, %c0_i32_0 : i32, i32
  }
  func.func @transform_3(%arg0: i32) -> (i32, i32) {
    %c0_i32 = arith.constant 0 : i32
    %c0_i32_0 = arith.constant 0 : i32
    %c0_i32_1 = arith.constant 0 : i32
    return %c0_i32, %c0_i32_0 : i32, i32
  }
  func.func @transform_4(%arg0: i32) -> (i32, i32) {
    %c0_i32 = arith.constant 0 : i32
    %c0_i32_0 = arith.constant 0 : i32
    %c0_i32_1 = arith.constant 0 : i32
    return %c0_i32, %c0_i32_0 : i32, i32
  }
  func.func @transform_5(%arg0: i32) -> (i32, i32) {
    %c0_i32 = arith.constant 0 : i32
    %c0_i32_0 = arith.constant 0 : i32
    %c0_i32_1 = arith.constant 0 : i32
    return %c0_i32, %c0_i32_0 : i32, i32
  }
  func.func @transform_6(%arg0: i32) -> (i32, i32) {
    %c0_i32 = arith.constant 0 : i32
    %c0_i32_0 = arith.constant 0 : i32
    return %arg0, %c0_i32 : i32, i32
  }
  func.func @transform_7(%arg0: i32) -> (i32, i32) {
    %c0_i32 = arith.constant 0 : i32
    %c0_i32_0 = arith.constant 0 : i32
    return %arg0, %c0_i32 : i32, i32
  }
  func.func @transform_8(%arg0: i32) -> (i32, i32) {
    %c0_i32 = arith.constant 0 : i32
    %c0_i32_0 = arith.constant 0 : i32
    return %arg0, %c0_i32 : i32, i32
  }
  func.func @transform_9(%arg0: i32) -> (i32, i32) {
    %c0_i32 = arith.constant 0 : i32
    %c0_i32_0 = arith.constant 0 : i32
    return %arg0, %c0_i32 : i32, i32
  }
}

</mosaic_0001>

<sc_bundles>
// kernel: kernel.11.cloned.1.call-start
scs
__scs_entry_jumppad:
0x0: {  	(pc) =	sbr.rel $0x88, $3  }
0x1: {  	(tag) =	ssettag $0x0;
	lr =	simm.s32 $0x1  }
0x2: {  	[smem:$0x3F90] =	sst lr;
	_ =	strace $0xD0000000  }
0x3: {  	_ = 	snop  }
0x4: {  	_ = 	snop  }
0x5: {  	_ = 	snop  }
0x6: {  	_ = 	snop  }
0x7: {  	_ = 	snop  }
__scs_overlays_trampoline_lowered:
0x8: {  	[smem:$0x3F9F] =	sst s0  }
0x9: {  	[smem:$0x3FA0] =	sst s1  }
0xa: {  	[smem:$0x3FA1] =	sst s2  }
0xb: {  	[smem:$0x3FA2] =	sst s3  }
0xc: {  	[smem:$0x3FA3] =	sst s4  }
0xd: {  	[smem:$0x3FA4] =	sst s5  }
0xe: {  	[smem:$0x3FA5] =	sst s6  }
0xf: {  	[smem:$0x3FA6] =	sst s7  }
0x10: {  	[smem:$0x3FA7] =	sst s8  }
0x11: {  	[smem:$0x3FA8] =	sst s9;
	s0 =	simm.s32 @!p0 $0x0  }
0x12: {  	s1 =	sld [smem:$0x3F8E];
	s0 =	simm.s32 @p0 $0x1  }
0x13: {  	[smem:$0x3FA9] =	sst s0;
	s0 =	simm.s32 @!p1 $0x0  }
0x14: {  	s2 =	sld [smem:$0x3F8D];
	s0 =	simm.s32 @p1 $0x1  }
0x15: {  	[smem:$0x3FAA] =	sst s0;
	s0 =	simm.s32 @!p2 $0x0  }
0x16: {  	s3 =	sld [smem:$0x3FDB];
	s0 =	simm.s32 @p2 $0x1  }
0x17: {  	s4 =	simm.s32 $0x1BF5;
	[smem:$0x3FAC] =	sst s0  }
0x18: {  	s0 =	sld [smem:$0x3F8F];
	_ =	swait.ge [sflag:s4], $0x0  }
0x19: {  	s7 =	sld [smem:$0x3F90]  }
0x1a: {  	s8 =	sadd.s32 $0xFFFFE003, lr  }
0x1b: {  	s9 =	sadd.s32 $0xFFFFFEF7, lr;
	s5 =	simm.s32 $0xFFFFFFFF;
	p2 =	slt.u32 s8, $0xFFFFF086  }
0x1c: {  	p1 =	slt.u32 s9, $0xF7A;
	s5 =	simm.s32 @!p2 $0x0  }
0x1d: {  	s5 =	simm.s32 @p1 $0x1;
	p0 =	seq.s32 s7, s2  }
0x1e: {  	s7 =	smul.u32 @!p0 $0xF7A, s2;
	p2 =	seq.s32 @!p0 s5, $0x0  }
0x1f: {  	s9 =	smul.u32 $0xF7A, s1;
	s8 =	simm.s32 @!p0 $0x1BF5;
	p2 =	por !p2, p0  }
0x20: {  	[sflag:s8] =	ssyncset.s32 @!p0 $0xFFFFF086;
	s6 =	sadd.s32 @!p0 s3, s7;
	s7 =	simm.s32 @!p0 $0x108  }
0x21: {  	s3 =	sadd.s32 s3, s9;
	s6 =	sadd.s32 @!p0 $0x88, s6;
	s7 =	simm.s32 @p2 $0x1082  }
0x22: {  	[simem:s7], [sflag:s8] =	dma.local @!p0 [hbm:s6], $0xF7A  }
0x23: {  	s9 =	sor.u32 $0xD0000000, s2;
	s6 =	simm.s32 $0x108;
	_ =	swait.ge @!p0 [sflag:s8], $0x0  }
0x24: {  	s3 =	sadd.s32 $0x88, s3;
	s6 =	simm.s32 @!p1 $0x1082;
	[sflag:s4] =	ssyncset.s32 $0xFFFFF086  }
0x25: {  	[simem:s6], [sflag:s4] =	dma.local [hbm:s3], $0xF7A  }
0x26: {  	[smem:$0x3F90] =	sst s1;
	(tag) =	ssettag s2;
	_ =	strace s9  }
0x27: {  	s1 =	sld [smem:$0x3FA0]  }
0x28: {  	s2 =	sld [smem:$0x3FA1]  }
0x29: {  	s4 =	sld [smem:$0x3FA3]  }
0x2a: {  	p0 =	seq.s32 s5, $0x0;
	s5 =	sld [smem:$0x3FA4]  }
0x2b: {  	s6 =	sld [smem:$0x3FA5]  }
0x2c: {  	s7 =	sld [smem:$0x3FA6]  }
0x2d: {  	s3 =	simm.s32 $0x108;
	s8 =	sld [smem:$0x3FA7]  }
0x2e: {  	s3 =	simm.s32 @!p0 $0x1082;
	s9 =	sld [smem:$0x3FA8]  }
0x2f: {  	lr =	sadd.s32 s0, s3;
	s0 =	sld [smem:$0x3F9F]  }
0x30: {  	s3 =	sld [smem:$0x3FA2]  }
0x31: {  	[smem:$0x3FAB] =	sst s10  }
0x32: {  	s10 =	sld [smem:$0x3FA9];
	_ =	sdelay $0x3  }
0x33: {  	p0 =	seq.s32 s10, $0x1;
	s10 =	sld [smem:$0x3FAB];
	_ =	sdelay $0x3  }
0x34: {  	[smem:$0x3FAB] =	sst s10  }
0x35: {  	s10 =	sld [smem:$0x3FAA];
	_ =	sdelay $0x3  }
0x36: {  	p1 =	seq.s32 s10, $0x1;
	s10 =	sld [smem:$0x3FAB];
	_ =	sdelay $0x3  }
0x37: {  	[smem:$0x3FAB] =	sst s10  }
0x38: {  	s10 =	sld [smem:$0x3FAC]  }
0x39: {  	_ = 	snop;
	(pc) =	sbr.ind lr, $3  }
0x3a: {  	_ = 	snop  }
0x3b: {  	_ = 	snop  }
0x3c: {  	p2 =	seq.s32 s10, $0x1;
	s10 =	sld [smem:$0x3FAB]  }
0x3d: {  	_ =	shalt  }
0x3e: {  	_ =	shalt  }
0x3f: {  	_ =	shalt  }
0x40: {  	_ =	shalt  }
0x41: {  	_ =	shalt  }
0x42: {  	_ =	shalt  }
0x43: {  	_ =	shalt  }
0x44: {  	_ =	shalt  }
0x45: {  	_ =	shalt  }
0x46: {  	_ =	shalt  }
0x47: {  	_ =	shalt  }
0x48: {  	_ =	shalt  }
0x49: {  	_ =	shalt  }
0x4a: {  	_ =	shalt  }
0x4b: {  	_ =	shalt  }
0x4c: {  	_ =	shalt  }
0x4d: {  	_ =	shalt  }
0x4e: {  	_ =	shalt  }
0x4f: {  	_ =	shalt  }
0x50: {  	_ =	shalt  }
0x51: {  	_ =	shalt  }
0x52: {  	_ =	shalt  }
0x53: {  	_ =	shalt  }
0x54: {  	_ =	shalt  }
0x55: {  	_ =	shalt  }
0x56: {  	_ =	shalt  }
0x57: {  	_ =	shalt  }
0x58: {  	_ =	shalt  }
0x59: {  	_ =	shalt  }
0x5a: {  	_ =	shalt  }
0x5b: {  	_ =	shalt  }
0x5c: {  	_ =	shalt  }
0x5d: {  	_ =	shalt  }
0x5e: {  	_ =	shalt  }
0x5f: {  	_ =	shalt  }
0x60: {  	_ =	shalt  }
0x61: {  	_ =	shalt  }
0x62: {  	_ =	shalt  }
0x63: {  	_ =	shalt  }
0x64: {  	_ =	shalt  }
0x65: {  	_ =	shalt  }
0x66: {  	_ =	shalt  }
0x67: {  	_ =	shalt  }
0x68: {  	_ =	shalt  }
0x69: {  	_ =	shalt  }
0x6a: {  	_ =	shalt  }
0x6b: {  	_ =	shalt  }
0x6c: {  	_ =	shalt  }
0x6d: {  	_ =	shalt  }
0x6e: {  	_ =	shalt  }
0x6f: {  	_ =	shalt  }
0x70: {  	_ =	shalt  }
0x71: {  	_ =	shalt  }
0x72: {  	_ =	shalt  }
0x73: {  	_ =	shalt  }
0x74: {  	_ =	shalt  }
0x75: {  	_ =	shalt  }
0x76: {  	_ =	shalt  }
0x77: {  	_ =	shalt  }
0x78: {  	_ =	shalt  }
0x79: {  	_ =	shalt  }
0x7a: {  	_ =	shalt  }
0x7b: {  	_ =	shalt  }
0x7c: {  	_ =	shalt  }
0x7d: {  	_ =	shalt  }
0x7e: {  	_ =	shalt  }
0x7f: {  	_ =	shalt  }
0x80: {  	_ =	shalt  }
0x81: {  	_ =	shalt  }
0x82: {  	_ =	shalt  }
0x83: {  	_ =	shalt  }
0x84: {  	_ =	shalt  }
0x85: {  	_ =	shalt  }
0x86: {  	_ =	shalt  }
0x87: {  	_ =	shalt  }
.Lfunc_end0:
.L_simem_size_0:
called_computation.1_lowered:
.L_overlay_start_0:
0x88: {  	s2 =	sld [smem:$0x3FD9]  }
0x89: {  	s3 =	sld [smem:$0x3FFE];
	_ =	sdelay $0x1  }
0x8a: {  	s1 =	srdreg.scid  }
0x8b: {  	s0 =	sand.u32 $0x1, s1  }
0x8c: {  	s16 =	sshll.u32 s0, $0xA;
	s2 =	sadd.s32 s3, s2  }
0x8d: {  	s2 =	sadd.s32 s2, s16  }
0x8e: {  	[smem:$0x3FB7] =	sst s2  }
0x8f: {  	_ = 	snop  }
0x90: {  	(tm) =	ssettm $0x1  }
0x91: {  	s17 =	sld [smem:$0x3FFB];
	_ =	sdelay $0x3  }
0x92: {  	_ =	strace s17  }
0x93: {  	s2 =	sld [smem:$0x3FFC];
	_ =	sdelay $0x3  }
0x94: {  	_ =	strace s2  }
0x95: {  	s2 =	sld [smem:$0x3FFD];
	_ =	sdelay $0x3  }
0x96: {  	_ =	strace s2  }
0x97: {  	_ =	strace $0x8FFFFFFF  }
0x98: {  	s18 =	sld [smem:$0x3FDB];
	_ =	sdelay $0x1  }
0x99: {  	s19 =	simm.s32 $_scs_section_size  }
0x9a: {  	s4 =	simm.s32 $_size__tile_overlayer_lowered;
	s5 =	simm.s32 $_tile_overlayer_lowered  }
0x9b: {  	s22 =	simm.s32 $0x1BFF;
	s21 =	sshll.u32 s5, $0x1;
	s2 =	sadd.s32 s19, s18  }
0x9c: {  	s6 =	simm.s32 $0x0;
	s20 =	sshll.u32 s4, $0x1;
	s4 =	sadd.s32 s21, s2  }
0x9d: {  	[timem:s6], [sflag:s22] =	dma.local [hbm:s4], s20  }
0x9e: {  	_ =	swait.ge [sflag:s22], s20  }
0x9f: {  	s3 =	ssub.s32 $0x0, s20;
	[sflag:s22] =	ssyncset.done $0x0  }
0xa0: {  	[sflag:s22] =	ssyncadd.s32 s3;
	_ =	sdelay $0x1  }
0xa1: {  	s23 =	simm.s32 $0x1B8B  }
0xa2: {  	_ =	swait.ge [sflag:s23], $0x1  }
0xa3: {  	[sflag:s23] =	ssyncset.done $0x0  }
0xa4: {  	s25 =	simm.s32 $0x1B8E;
	s24 =	sld [smem:$0x3FFE];
	[sflag:s23] =	ssyncadd.s32 $0xFFFFFFFF  }
0xa5: {  	s26 =	simm.s32 $execute0_lowered;
	[smem:$0x3FD2] =	sst s25  }
0xa6: {  	s4 =	sshll.u32 s26, $0x1;
	_ =	strace $0x80000049;
	[dreg:$0x1] =	wrdreg $0xFFFFFFFF  }
0xa7: {  	s28 =	simm.s32 $_size_execute0_lowered;
	s2 =	sadd.s32 s2, s4;
	[dreg:$0x0] =	wrdreg $0x0  }
0xa8: {  	s4 =	sshll.u32 s28, $0x1;
	[dreg:$0x2] =	wrdreg s2  }
0xa9: {  	[dreg:$0x3] =	wrdreg s4  }
0xaa: {  	[dreg:$0x4] =	wrdreg $0xC0  }
0xab: {  	_ =	task [dreg:s6], $0x5FFFF  }
0xac: {  	[dreg:$0x1] =	wrdreg $0xFFFFFFFF  }
0xad: {  	[dreg:$0x0] =	wrdreg $0x60  }
0xae: {  	[dreg:$0x2] =	wrdreg s24  }
0xaf: {  	[dreg:$0x3] =	wrdreg $0x92000  }
0xb0: {  	[dreg:$0x4] =	wrdreg $0x9  }
0xb1: {  	_ =	task.clear_ibuf [dreg:s6], $0x5FFFF;
	_ =	strace $0x90000049  }
0xb2: {  	s29 =	simm.s32 $0x9;
	_ =	strace $0x8000004B  }
0xb3: {  	_ =	swait.ge [sflag:s29], $0x1  }
0xb4: {  	[sflag:s29] =	ssyncadd.s32 $0xFFFFFFFF  }
0xb5: {  	_ =	strace $0x9000004B  }
0xb6: {  	_ =	sfence  }
0xb7: {  	s30 =	sld [smem:$0x0];
	_ =	sdelay $0x2  }
0xb8: {  	s31 =	sshll.u32 s1, $0xD;
	s1 =	sshrl.u32 s1, $0x2  }
0xb9: {  	s3 =	sand.u32 $0x4000, s31;
	s1 =	sadd.s32 s1, s30  }
0xba: {  	s0 =	sor.u32 s3, s0;
	s1 =	sshll.u32 s1, $0x11  }
0xbb: {  	s0 =	sor.u32 s1, s0  }
0xbc: {  	s0 =	sadd.s32 $0x8F2B, s0  }
0xbd: {  	[sflag:s0] =	ssyncadd.remote.s32 $0x1  }
0xbe: {  	_ =	sfence.sel $0xFFFF  }
0xbf: {  	[dreg:$0x0] =	wrdreg $0xFFFFFFFF;
	(pc) =	sbr.abs _section_cstart, $3  }
0xc0: {  	[dreg:$0x1] =	wrdreg $0xFFFFFFFF  }
0xc1: {  	_ =	task.clear_ibuf [dreg:s6], $0x2FFFF;
	_ =	strace $0x9FFFFFFF  }
0xc2: {  	(tm) =	ssettm $0x7FFFFFFF  }
0xc3: {  	_ =	shalt  }
tec
execute0_lowered:
.L_overlay_start_1:
0x0: {  	(tag) =	ssettag $0x1  }
0x1: {  	s0 =	rddreg [dreg:$0x0]  }
0x2: {  	s1 =	rddreg [dreg:$0x1];
	s2 =	simm.s32 $0x0;
	s13 =	stileid.u32  }
0x3: {  	s14 =	srdreg.scid;
	s28 =	simm.s32 $0x180;
	s29 =	simm.s32 $0x1A00  }
0x4: {  	s30 =	simm.s32 $0x4A00;
	s31 =	simm.s32 $0x7A00;
	[smem:$0x7FF] =	sst s2  }
0x5: {  	s4 =	sadd.s32 $0x16200, s0;
	s3 =	smul.u32 $0x14000, s13;
	s2 =	sand.u32 $0x1, s14  }
0x6: {  	s5 =	sadd.s32 $0x3D800, s0;
	s6 =	sadd.s32 $0x64E00, s0;
	s7 =	sadd.s32 $0x2600, s0  }
0x7: {  	s8 =	sadd.s32 $0xC400, s0;
	s15 =	sshll.u32 s13, $0x1;
	s12 =	smul.u32 $0x50000, s13  }
0x8: {  	s19 =	sshll.u32 s13, $0x6;
	_ =	strace $0x8000004A;
	s9 =	smul.u32 $0x140000, s2  }
0x9: {  	s11 =	ssub.s32 $0x2, s2;
	s2 =	sor.u32 s2, s15;
	s15 =	simm.s32 $0x6  }
0xa: {  	s10 =	sshrl.u32 s3, $0x3;
	s16 =	sshrl.u32 s11, $0x1;
	s2 =	smul.u32 $0x2760, s2  }
0xb: {  	s18 =	sshrl.u32 s12, $0x2;
	s12 =	simm.s32 $0x5;
	s10 =	sadd.s32 s10, s0  }
0xc: {  	s3 =	sadd.s32 s3, s9;
	s17 =	ssub.s32 s11, s16;
	s9 =	sadd.s32 s18, s1  }
0xd: {  	s16 =	sor.u32 $0x1C07, s19;
	s11 =	simm.s32 $0x4;
	s3 =	sshrl.u32 s3, $0x3  }
0xe: {  	s20 =	sshrl.u32 s2, $0x3;
	s10 =	sadd.s32 $0xB3A00, s10;
	s13 =	sadd.s32 $0x30, s2  }
0xf: {  	s14 =	sadd.s32 $0x60, s2;
	s26 =	smax.u32 s17, $0x1;
	[dreg:$0x4] =	wrdreg s16  }
0x10: {  	s2 =	simm.s32 $0x2;
	s17 =	simm.s32 $0x0;
	[dreg:$0x3] =	wrdreg s10  }
0x11: {  	s0 =	sadd.s32 s3, s0;
	s21 =	sadd.s32 s7, s20;
	[dreg:$0xa] =	wrdreg s26  }
0x12: {  	s22 =	sadd.s32 s8, s20;
	s23 =	sadd.s32 $0x4E6, s20;
	[dreg:$0x5] =	wrdreg s21  }
0x13: {  	s10 =	sshrl.u32 s9, $0x3;
	s20 =	simm.s32 $0x7;
	[dreg:$0x6] =	wrdreg s22  }
0x14: {  	s26 =	simm.s32 $0x80;
	s24 =	sadd.s32 s7, s23;
	[dreg:$0xb] =	wrdreg s10  }
0x15: {  	s9 =	simm.s32 $0x3;
	s25 =	sadd.s32 s8, s23;
	[dreg:$0x7] =	wrdreg s24  }
0x16: {  	s0 =	sadd.s32 $0xDBA00, s0;
	s21 =	simm.s32 $0x100;
	[dreg:$0x8] =	wrdreg s25  }
0x17: {  	s22 =	simm.s32 $0x30;
	s23 =	simm.s32 $0x200;
	[dreg:$0x9] =	wrdreg s0  }
0x18: {  	s24 =	simm.s32 $0x3200;
	s25 =	simm.s32 $0x6200;
	s0 =	simm.s32 $0x1  }
.LBB2_1:
0x19: {  	[dreg:$0xc] =	wrdreg s17  }
0x1a: {  	s3 =	rddreg [dreg:$0x3]  }
0x1b: {  	[spmem:s10], [sflag:s16] =	dma.local [hbm:s3], $0x2800  }
0x1c: {  	_ =	swait.ge [sflag:s20], $0x2800  }
0x1d: {  	[sflag:s20] =	ssyncset.done $0x0  }
0x1e: {  	[sflag:s20] =	ssyncadd.s32 $0xFFFFD800  }
0x1f: {  	[bflag:$0x0] =	sbarrier.arrive $0xFFFF  }
0x20: {  	s17 =	simm.s32 $0x0;
	s18 =	rddreg [dreg:$0x5]  }
0x21: {  	[tilespmem:s17], [sflag:$0x7] =	stream.linear.gather [hbm4b:s18+s17], $0x30, $0x38;
	[tilespmem:$0x1D200] =	vst v63  }
0x22: {  	_ =	swait.ge [sflag:s20], $0x30  }
0x23: {  	[sflag:s20] =	ssyncset.done $0x0  }
0x24: {  	s19 =	rddreg [dreg:$0x6];
	[sflag:s20] =	ssyncadd.s32 $0xFFFFFFD0  }
0x25: {  	[tilespmem:s21], [sflag:$0x7] =	stream.linear.gather [hbm4b:s19+s17], $0x30, $0x38;
	[tilespmem:$0x1D200] =	vst v63  }
0x26: {  	_ =	swait.ge [sflag:s20], $0x30  }
0x27: {  	[sflag:s20] =	ssyncset.done $0x0  }
0x28: {  	[sflag:s20] =	ssyncadd.s32 $0xFFFFFFD0  }
0x29: {  	[tilespmem:s23], [sflag:$0x1] =	stream.indirect.gather [hbm4b:s4+s22], $0x80, s21, s22, $0xb8;
	[tilespmem:$0x1D200] =	vst v63  }
0x2a: {  	_ = 	snop  }
0x2b: {  	[tilespmem:s24], [sflag:$0x2] =	stream.indirect.gather [hbm4b:s5+s22], $0x80, s17, s22, $0xb8;
	[tilespmem:$0x1D200] =	vst v63  }
0x2c: {  	_ = 	snop  }
0x2d: {  	[tilespmem:s25], [sflag:$0x3] =	stream.indirect.gather [hbm4b:s6+s22], $0x80, s17, s22, $0xb8;
	[tilespmem:$0x1D200] =	vst v63  }
0x2e: {  	s17 =	simm.s32 $0x0  }
.LBB2_2:
0x2f: {  	s18 =	smul.u32 $0x60, s17;
	_ =	sdelay $0x1  }
0x30: {  	s3 =	sadd.s32 s18, s13  }
0x31: {  	s3 =	sshrl.u32 s3, $0x3  }
0x32: {  	s16 =	simm.s32 $0x0;
	s10 =	sadd.s32 s7, s3  }
0x33: {  	[tilespmem:s26], [sflag:$0x7] =	stream.linear.gather [hbm4b:s10+s16], $0x30, $0x38;
	[tilespmem:$0x1D200] =	vst v63  }
0x34: {  	_ =	swait.ge [sflag:s20], $0x30  }
0x35: {  	[sflag:s20] =	ssyncset.done $0x0  }
0x36: {  	s3 =	sadd.s32 s8, s3;
	[sflag:s20] =	ssyncadd.s32 $0xFFFFFFD0  }
0x37: {  	[tilespmem:s28], [sflag:$0x7] =	stream.linear.gather [hbm4b:s3+s16], $0x30, $0x38;
	[tilespmem:$0x1D200] =	vst v63  }
0x38: {  	_ =	swait.ge [sflag:s20], $0x30  }
0x39: {  	[sflag:s20] =	ssyncset.done $0x0  }
0x3a: {  	[sflag:s20] =	ssyncadd.s32 $0xFFFFFFD0  }
0x3b: {  	[tilespmem:s29], [sflag:$0x4] =	stream.indirect.gather [hbm4b:s4+s22], $0x80, s28, s22, $0xb8;
	[tilespmem:$0x1D200] =	vst v63  }
0x3c: {  	_ = 	snop  }
0x3d: {  	[tilespmem:s30], [sflag:$0x5] =	stream.indirect.gather [hbm4b:s5+s22], $0x80, s26, s22, $0xb8;
	[tilespmem:$0x1D200] =	vst v63  }
0x3e: {  	_ = 	snop  }
0x3f: {  	[tilespmem:s31], [sflag:$0x6] =	stream.indirect.gather [hbm4b:s6+s22], $0x80, s26, s22, $0xb8;
	[tilespmem:$0x1D200] =	vst v63  }
0x40: {  	_ =	swait.ge [sflag:s0], $0x1800  }
0x41: {  	[sflag:s0] =	ssyncset.done $0x0  }
0x42: {  	[sflag:s0] =	ssyncadd.s32 $0xFFFFE800  }
0x43: {  	_ =	swait.ge [sflag:s2], $0x1800  }
0x44: {  	[sflag:s2] =	ssyncset.done $0x0  }
0x45: {  	[sflag:s2] =	ssyncadd.s32 $0xFFFFE800  }
0x46: {  	_ =	swait.ge [sflag:s9], $0x1800  }
0x47: {  	[sflag:s9] =	ssyncset.done $0x0  }
0x48: {  	s3 =	simm.s32 $0x0;
	[sflag:s9] =	ssyncadd.s32 $0xFFFFE800  }
0x49: {  	v0 =	vld [tilespmem:s3+$0x3250]  }
0x4a: {  	v1 =	vld [tilespmem:s3+$0x250]  }
0x4b: {  	v2 =	vld [tilespmem:s3+$0x3240]  }
0x4c: {  	v3 =	vld [tilespmem:s3+$0x3230]  }
0x4d: {  	v5 =	vld [tilespmem:s3+$0x3210]  }
0x4e: {  	v6 =	vld [tilespmem:s3+$0x230]  }
0x4f: {  	v7 =	vld [tilespmem:s3+$0x210];
	v0 =	vadd.f32 v0, v1  }
0x50: {  	v1 =	vld [tilespmem:s3+$0x240]  }
0x51: {  	v8 =	vld [tilespmem:s3+$0x3270];
	v0 =	vsub.f32 $0.0e+00, v0  }
0x52: {  	v9 =	vld [tilespmem:s3+$0x270]  }
0x53: {  	v4 =	vld [tilespmem:s3+$0x3200];
	v0 =	vmul.f32 $1.442695020e+00, v0  }
0x54: {  	v10 =	vld [tilespmem:s3+$0x200]  }
0x55: {  	(erf) = vpow2.f32 v0;
	v0 =	vadd.f32 v2, v1  }
0x56: {  	v1 =	vadd.f32 v3, v6;
	v3 =	vadd.f32 v5, v7  }
0x57: {  	v2 =	vld [tilespmem:s3+$0x3260];
	v6 =	vadd.f32 v8, v9;
	v0 =	vsub.f32 $0.0e+00, v0  }
0x58: {  	v5 =	vld [tilespmem:s3+$0x260];
	v1 =	vsub.f32 $0.0e+00, v1;
	v3 =	vsub.f32 $0.0e+00, v3  }
0x59: {  	v4 =	vadd.f32 v4, v10;
	v7 =	vld [tilespmem:s3+$0x3220];
	v0 =	vmul.f32 $1.442695020e+00, v0  }
0x5a: {  	v8 =	vld [tilespmem:s3+$0x220];
	v6 =	vsub.f32 $0.0e+00, v6;
	v1 =	vmul.f32 $1.442695020e+00, v1;
	v3 =	vmul.f32 $1.442695020e+00, v3  }
0x5b: {  	(erf) = vpow2.f32 v0;
	v0 =	vsub.f32 $0.0e+00, v4  }
0x5c: {  	(erf) = vpow2.f32 v1;
	v1 =	vmul.f32 $1.442695020e+00, v6  }
0x5d: {  	v2 =	vadd.f32 v2, v5;
	(erf) = vpow2.f32 v3;
	v0 =	vmul.f32 $1.442695020e+00, v0  }
0x5e: {  	v3 =	vpop (erf);
	(erf) = vpow2.f32 v1  }
0x5f: {  	v2 =	vsub.f32 $0.0e+00, v2;
	(erf) = vpow2.f32 v0;
	v0 =	vadd.f32 v7, v8  }
0x60: {  	v3 =	vadd.f32 $1.000000000e+00, v3  }
0x61: {  	v1 =	vmul.f32 $1.442695020e+00, v2;
	v0 =	vsub.f32 $0.0e+00, v0  }
0x62: {  	(erf) = vrcp.f32 v3  }
0x63: {  	(erf) = vpow2.f32 v1;
	v0 =	vmul.f32 $1.442695020e+00, v0  }
0x64: {  	v2 =	vpop (erf)  }
0x65: {  	v3 =	vpop (erf);
	(erf) = vpow2.f32 v0  }
0x66: {  	v4 =	vld [tilespmem:s3+$0x6250]  }
0x67: {  	v1 =	vld [tilespmem:s3+$0x6240];
	v2 =	vadd.f32 $1.000000000e+00, v2  }
0x68: {  	v0 =	vld [tilespmem:s3+$0x6220];
	v3 =	vadd.f32 $1.000000000e+00, v3;
	v5 =	vpop (erf)  }
0x69: {  	v5 =	vadd.f32 $1.000000000e+00, v5;
	(erf) = vrcp.f32 v2;
	v2 =	vld [tilespmem:s3+$0x6260];
	v6 =	vpop (erf)  }
0x6a: {  	(erf) = vrcp.f32 v3;
	v3 =	vld [tilespmem:s3+$0x6200];
	v9 =	vadd.f32 $1.000000000e+00, v6;
	v6 =	vpop (erf)  }
0x6b: {  	(erf) = vrcp.f32 v5;
	v5 =	vld [tilespmem:s3+$0x6210];
	v7 =	vpop (erf)  }
0x6c: {  	s19 =	simm.s32 $0x200;
	s10 =	simm.s32 $0x400;
	v6 =	vadd.f32 $1.000000000e+00, v6;
	(erf) = vrcp.f32 v9;
	v7 =	vmul.f32 v7, v4;
	v4 =	vld [tilespmem:s3+$0x6270];
	v8 =	vpop (erf)  }
.LBB2_3:
0x6d: {  	p0 =	sne.s32 s10, $0x5E00  }
0x6e: {  	s16 =	sshra.s32 s19, $0x2;
	v9 =	vld [tilespmem:s3+$0x6230];
	v8 =	vadd.f32 $1.000000000e+00, v8;
	(erf) = vrcp.f32 v6;
	v6 =	vpop (erf);
	s19 =	smov.u32 s10;
	s10 =	sadd.s32 $0x200, s10  }
0x6f: {  	v10 =	vld [tilespmem:s16+$0x3250];
	v6 =	vadd.f32 $1.000000000e+00, v6;
	[tilespmem:s3+$0x250] =	vst v7  }
0x70: {  	v7 =	vld [tilespmem:s16+$0x250];
	(erf) = vrcp.f32 v8  }
0x71: {  	v8 =	vld [tilespmem:s16+$0x3240];
	(erf) = vrcp.f32 v6  }
0x72: {  	v6 =	vld [tilespmem:s16+$0x3220];
	v11 =	vpop (erf)  }
0x73: {  	v12 =	vld [tilespmem:s16+$0x3230];
	v1 =	vmul.f32 v11, v1;
	v11 =	vpop (erf)  }
0x74: {  	v13 =	vld [tilespmem:s16+$0x3200];
	v15 =	vmul.f32 v11, v9;
	v11 =	vpop (erf)  }
0x75: {  	v14 =	vld [tilespmem:s16+$0x3210];
	v7 =	vadd.f32 v10, v7;
	v11 =	vmul.f32 v11, v5;
	[tilespmem:s3+$0x240] =	vst v1  }
0x76: {  	v1 =	vld [tilespmem:s16+$0x240];
	[tilespmem:s3+$0x230] =	vst v15;
	v9 =	vpop (erf)  }
0x77: {  	v10 =	vld [tilespmem:s16+$0x230];
	v7 =	vsub.f32 $0.0e+00, v7;
	[tilespmem:s3+$0x210] =	vst v11;
	v11 =	vmul.f32 v9, v4;
	v5 =	vpop (erf)  }
0x78: {  	v9 =	vld [tilespmem:s16+$0x210];
	v15 =	vmul.f32 v5, v3  }
0x79: {  	v5 =	vmul.f32 $1.442695020e+00, v7;
	v7 =	vld [tilespmem:s16+$0x3270];
	[tilespmem:s3+$0x270] =	vst v11;
	v4 =	vpop (erf)  }
0x7a: {  	v11 =	vld [tilespmem:s16+$0x270];
	[tilespmem:s3+$0x200] =	vst v15;
	v2 =	vmul.f32 v4, v2;
	v3 =	vpop (erf)  }
0x7b: {  	v4 =	vld [tilespmem:s16+$0x200];
	v1 =	vadd.f32 v8, v1;
	(erf) = vpow2.f32 v5;
	v0 =	vmul.f32 v3, v0  }
0x7c: {  	v3 =	vadd.f32 v12, v10;
	v5 =	vld [tilespmem:s16+$0x3260];
	[tilespmem:s3+$0x260] =	vst v2  }
0x7d: {  	v2 =	vadd.f32 v14, v9;
	v1 =	vsub.f32 $0.0e+00, v1;
	v8 =	vld [tilespmem:s16+$0x260];
	[tilespmem:s3+$0x220] =	vst v0;
	s3 =	smov.u32 s16  }
0x7e: {  	v0 =	vld [tilespmem:s3+$0x220];
	v3 =	vsub.f32 $0.0e+00, v3  }
0x7f: {  	v2 =	vsub.f32 $0.0e+00, v2;
	v9 =	vmul.f32 $1.442695020e+00, v1;
	v1 =	vld [tilespmem:s3+$0x6240];
	v7 =	vadd.f32 v7, v11  }
0x80: {  	v4 =	vadd.f32 v13, v4;
	v3 =	vmul.f32 $1.442695020e+00, v3  }
0x81: {  	v2 =	vmul.f32 $1.442695020e+00, v2;
	v7 =	vsub.f32 $0.0e+00, v7;
	(erf) = vpow2.f32 v9  }
0x82: {  	v4 =	vsub.f32 $0.0e+00, v4;
	v8 =	vadd.f32 v5, v8;
	(erf) = vpow2.f32 v3  }
0x83: {  	v0 =	vadd.f32 v6, v0;
	v3 =	vmul.f32 $1.442695020e+00, v7;
	(erf) = vpow2.f32 v2  }
0x84: {  	v2 =	vmul.f32 $1.442695020e+00, v4;
	v4 =	vsub.f32 $0.0e+00, v8;
	v5 =	vpop (erf)  }
0x85: {  	v0 =	vsub.f32 $0.0e+00, v0;
	v5 =	vadd.f32 $1.000000000e+00, v5;
	(erf) = vpow2.f32 v3  }
0x86: {  	v3 =	vmul.f32 $1.442695020e+00, v4;
	(erf) = vpow2.f32 v2  }
0x87: {  	v2 =	vmul.f32 $1.442695020e+00, v0;
	(erf) = vrcp.f32 v5  }
0x88: {  	(erf) = vpow2.f32 v3  }
0x89: {  	(erf) = vpow2.f32 v2  }
0x8a: {  	v0 =	vpop (erf)  }
0x8b: {  	v2 =	vadd.f32 $1.000000000e+00, v0;
	v4 =	vld [tilespmem:s3+$0x6250];
	v0 =	vpop (erf)  }
0x8c: {  	v3 =	vadd.f32 $1.000000000e+00, v0;
	v0 =	vpop (erf)  }
.Ltmp0:
0x8d: {  	v5 =	vadd.f32 $1.000000000e+00, v0;
	v0 =	vld [tilespmem:s3+$0x6220];
	(erf) = vrcp.f32 v2;
	(pc) =	sbr.rel @p0 .LBB2_3-.Ltmp0, $4  }
0x8e: {  	v2 =	vld [tilespmem:s3+$0x6260];
	(erf) = vrcp.f32 v3;
	v6 =	vpop (erf)  }
0x8f: {  	v3 =	vld [tilespmem:s3+$0x6200];
	v9 =	vadd.f32 $1.000000000e+00, v6;
	v6 =	vpop (erf);
	(erf) = vrcp.f32 v5  }
0x90: {  	v6 =	vadd.f32 $1.000000000e+00, v6;
	v5 =	vld [tilespmem:s3+$0x6210];
	v7 =	vpop (erf)  }
0x91: {  	v7 =	vmul.f32 v7, v4;
	v4 =	vld [tilespmem:s3+$0x6270];
	v8 =	vpop (erf);
	(erf) = vrcp.f32 v9  }
0x92: {  	_ =	sdelay $0x1  }
0x93: {  	s10 =	sshra.s32 s19, $0x2;
	v9 =	vld [tilespmem:s3+$0x6230]  }
0x94: {  	v12 =	vpop (erf);
	v8 =	vadd.f32 $1.000000000e+00, v8;
	v10 =	vld [tilespmem:s10+$0x3250];
	[tilespmem:s3+$0x250] =	vst v7  }
0x95: {  	(erf) = vrcp.f32 v6;
	v7 =	vld [tilespmem:s10+$0x250];
	v6 =	vpop (erf)  }
0x96: {  	v11 =	vld [tilespmem:s10+$0x3240];
	(erf) = vrcp.f32 v8;
	v8 =	vadd.f32 $1.000000000e+00, v12;
	v1 =	vmul.f32 v6, v1  }
0x97: {  	v13 =	vld [tilespmem:s10+$0x3220]  }
0x98: {  	v14 =	vld [tilespmem:s10+$0x3230];
	(erf) = vrcp.f32 v8  }
0x99: {  	v16 =	vld [tilespmem:s10+$0x3210];
	v15 =	vpop (erf)  }
0x9a: {  	v6 =	vld [tilespmem:s10+$0x3200];
	v9 =	vmul.f32 v15, v9;
	[tilespmem:s3+$0x240] =	vst v1;
	v1 =	vpop (erf)  }
0x9b: {  	v1 =	vmul.f32 v1, v5  }
0x9c: {  	v63 =	vld [tilespmem:s10+$0x240];
	[tilespmem:s3+$0x230] =	vst v9;
	v8 =	vpop (erf)  }
0x9d: {  	v7 =	vadd.f32 v10, v7;
	v5 =	vld [tilespmem:s10+$0x230];
	[tilespmem:s3+$0x210] =	vst v1;
	v1 =	vmul.f32 v8, v4  }
0x9e: {  	v8 =	vpop (erf);
	v4 =	vld [tilespmem:s10+$0x210]  }
0x9f: {  	v9 =	vld [tilespmem:s10+$0x3270];
	v3 =	vmul.f32 v8, v3;
	[tilespmem:s3+$0x270] =	vst v1;
	v1 =	vsub.f32 $0.0e+00, v7  }
0xa0: {  	v8 =	vpop (erf)  }
0xa1: {  	v2 =	vmul.f32 v8, v2;
	v8 =	vpop (erf);
	v7 =	vld [tilespmem:s10+$0x270];
	[tilespmem:s3+$0x200] =	vst v3;
	v1 =	vmul.f32 $1.442695020e+00, v1  }
0xa2: {  	v0 =	vmul.f32 v8, v0;
	v3 =	vld [tilespmem:s10+$0x200]  }
0xa3: {  	v10 =	vld [tilespmem:s10+$0x3260];
	[tilespmem:s3+$0x260] =	vst v2;
	v2 =	vadd.f32 v14, v5;
	(erf) = vpow2.f32 v1;
	v1 =	vadd.f32 v11, v63  }
0xa4: {  	v5 =	vld [tilespmem:s10+$0x260];
	[tilespmem:s3+$0x220] =	vst v0;
	v4 =	vadd.f32 v16, v4  }
0xa5: {  	v2 =	vsub.f32 $0.0e+00, v2;
	v0 =	vsub.f32 $0.0e+00, v1;
	v1 =	vld [tilespmem:s10+$0x220]  }
0xa6: {  	v4 =	vsub.f32 $0.0e+00, v4;
	v7 =	vadd.f32 v9, v7  }
0xa7: {  	v3 =	vadd.f32 v6, v3;
	v0 =	vmul.f32 $1.442695020e+00, v0  }
0xa8: {  	v2 =	vmul.f32 $1.442695020e+00, v2;
	v4 =	vmul.f32 $1.442695020e+00, v4;
	v6 =	vsub.f32 $0.0e+00, v7  }
0xa9: {  	(erf) = vpow2.f32 v0;
	v0 =	vsub.f32 $0.0e+00, v3;
	v3 =	vadd.f32 v10, v5  }
0xaa: {  	(erf) = vpow2.f32 v2;
	v1 =	vadd.f32 v13, v1  }
0xab: {  	v2 =	vmul.f32 $1.442695020e+00, v6;
	(erf) = vpow2.f32 v4;
	v3 =	vsub.f32 $0.0e+00, v3  }
0xac: {  	v0 =	vmul.f32 $1.442695020e+00, v0;
	v4 =	vpop (erf);
	v1 =	vsub.f32 $0.0e+00, v1  }
0xad: {  	(erf) = vpow2.f32 v2;
	v4 =	vadd.f32 $1.000000000e+00, v4;
	v2 =	vmul.f32 $1.442695020e+00, v3  }
0xae: {  	(erf) = vpow2.f32 v0;
	v0 =	vmul.f32 $1.442695020e+00, v1  }
0xaf: {  	(erf) = vrcp.f32 v4  }
0xb0: {  	(erf) = vpow2.f32 v2  }
0xb1: {  	(erf) = vpow2.f32 v0  }
0xb2: {  	v0 =	vpop (erf)  }
0xb3: {  	v1 =	vpop (erf);
	v0 =	vadd.f32 $1.000000000e+00, v0  }
0xb4: {  	v2 =	vpop (erf)  }
0xb5: {  	v2 =	vadd.f32 $1.000000000e+00, v2  }
0xb6: {  	v1 =	vadd.f32 $1.000000000e+00, v1;
	v3 =	vpop (erf);
	(erf) = vrcp.f32 v0  }
0xb7: {  	v0 =	vpop (erf)  }
0xb8: {  	(erf) = vrcp.f32 v1;
	v1 =	vadd.f32 $1.000000000e+00, v3;
	v3 =	vpop (erf)  }
0xb9: {  	(erf) = vrcp.f32 v2;
	v0 =	vadd.f32 $1.000000000e+00, v0;
	v2 =	vpop (erf)  }
0xba: {  	v4 =	vld [tilespmem:s10+$0x6250];
	(erf) = vrcp.f32 v1;
	v1 =	vadd.f32 $1.000000000e+00, v2;
	v2 =	vpop (erf)  }
0xbb: {  	(erf) = vrcp.f32 v0;
	v0 =	vadd.f32 $1.000000000e+00, v2;
	v2 =	vld [tilespmem:s10+$0x6240];
	_ =	sdelay $0x1  }
0xbc: {  	(erf) = vrcp.f32 v1  }
0xbd: {  	v1 =	vld [tilespmem:s10+$0x6230];
	(erf) = vrcp.f32 v0  }
0xbe: {  	v3 =	vmul.f32 v3, v4;
	v0 =	vld [tilespmem:s10+$0x6210];
	v4 =	vpop (erf)  }
0xbf: {  	v5 =	vld [tilespmem:s10+$0x6270];
	v2 =	vmul.f32 v4, v2  }
0xc0: {  	v6 =	vld [tilespmem:s10+$0x6200]  }
0xc1: {  	v7 =	vld [tilespmem:s10+$0x6260];
	v4 =	vpop (erf)  }
0xc2: {  	v8 =	vld [tilespmem:s10+$0x6220];
	[tilespmem:s10+$0x250] =	vst v3;
	v1 =	vmul.f32 v4, v1;
	v3 =	vpop (erf)  }
0xc3: {  	v0 =	vmul.f32 v3, v0;
	[tilespmem:s10+$0x240] =	vst v2;
	v2 =	vpop (erf)  }
0xc4: {  	[tilespmem:s10+$0x230] =	vst v1;
	v1 =	vmul.f32 v2, v5;
	v2 =	vpop (erf)  }
0xc5: {  	[tilespmem:s10+$0x210] =	vst v0;
	v0 =	vmul.f32 v2, v6;
	v2 =	vpop (erf)  }
0xc6: {  	[tilespmem:s10+$0x270] =	vst v1;
	v1 =	vmul.f32 v2, v7;
	v2 =	vpop (erf)  }
0xc7: {  	[tilespmem:s10+$0x200] =	vst v0;
	v0 =	vmul.f32 v2, v8  }
0xc8: {  	[tilespmem:s10+$0x260] =	vst v1  }
0xc9: {  	[tilespmem:s10+$0x220] =	vst v0  }
0xca: {  	[spmem:s1] =	stream.indirect.scatter.add.f32 [tilespmem:s23], [sflag:$0x7], $0x80, s21, s22, $0xb8;
	[tilespmem:$0x1D200] =	vst v63  }
0xcb: {  	s18 =	sadd.s32 s18, s14;
	_ =	swait.ge [sflag:s20], $0x1800  }
0xcc: {  	s3 =	sshrl.u32 s18, $0x3;
	[sflag:s20] =	ssyncset.done $0x0  }
0xcd: {  	s16 =	simm.s32 $0x0;
	s19 =	sadd.s32 s7, s3;
	[sflag:s20] =	ssyncadd.s32 $0xFFFFE800  }
0xce: {  	[tilespmem:s16], [sflag:$0x7] =	stream.linear.gather [hbm4b:s19+s16], $0x30, $0x38;
	[tilespmem:$0x1D200] =	vst v63  }
0xcf: {  	_ =	swait.ge [sflag:s20], $0x30  }
0xd0: {  	[sflag:s20] =	ssyncset.done $0x0  }
0xd1: {  	s3 =	sadd.s32 s8, s3;
	[sflag:s20] =	ssyncadd.s32 $0xFFFFFFD0  }
0xd2: {  	[tilespmem:s21], [sflag:$0x7] =	stream.linear.gather [hbm4b:s3+s16], $0x30, $0x38;
	[tilespmem:$0x1D200] =	vst v63  }
0xd3: {  	_ =	swait.ge [sflag:s20], $0x30  }
0xd4: {  	[sflag:s20] =	ssyncset.done $0x0  }
0xd5: {  	[sflag:s20] =	ssyncadd.s32 $0xFFFFFFD0  }
0xd6: {  	[tilespmem:s23], [sflag:$0x1] =	stream.indirect.gather [hbm4b:s4+s22], $0x80, s21, s22, $0xb8;
	[tilespmem:$0x1D200] =	vst v63  }
0xd7: {  	_ = 	snop  }
0xd8: {  	[tilespmem:s24], [sflag:$0x2] =	stream.indirect.gather [hbm4b:s5+s22], $0x80, s16, s22, $0xb8;
	[tilespmem:$0x1D200] =	vst v63  }
0xd9: {  	_ = 	snop  }
0xda: {  	[tilespmem:s25], [sflag:$0x3] =	stream.indirect.gather [hbm4b:s6+s22], $0x80, s16, s22, $0xb8;
	[tilespmem:$0x1D200] =	vst v63  }
0xdb: {  	_ =	swait.ge [sflag:s11], $0x1800  }
0xdc: {  	[sflag:s11] =	ssyncset.done $0x0  }
0xdd: {  	[sflag:s11] =	ssyncadd.s32 $0xFFFFE800  }
0xde: {  	_ =	swait.ge [sflag:s12], $0x1800  }
0xdf: {  	[sflag:s12] =	ssyncset.done $0x0  }
0xe0: {  	[sflag:s12] =	ssyncadd.s32 $0xFFFFE800  }
0xe1: {  	_ =	swait.ge [sflag:s15], $0x1800  }
0xe2: {  	[sflag:s15] =	ssyncset.done $0x0  }
0xe3: {  	s3 =	simm.s32 $0x0;
	[sflag:s15] =	ssyncadd.s32 $0xFFFFE800  }
0xe4: {  	v0 =	vld [tilespmem:s3+$0x4A50]  }
0xe5: {  	v1 =	vld [tilespmem:s3+$0x1A50]  }
0xe6: {  	v2 =	vld [tilespmem:s3+$0x4A40]  }
0xe7: {  	v3 =	vld [tilespmem:s3+$0x4A30]  }
0xe8: {  	v4 =	vld [tilespmem:s3+$0x4A00]  }
0xe9: {  	v5 =	vld [tilespmem:s3+$0x4A10]  }
0xea: {  	v6 =	vld [tilespmem:s3+$0x1A30];
	v0 =	vadd.f32 v0, v1  }
0xeb: {  	v1 =	vld [tilespmem:s3+$0x1A40]  }
0xec: {  	v7 =	vld [tilespmem:s3+$0x1A10];
	v0 =	vsub.f32 $0.0e+00, v0  }
0xed: {  	v8 =	vld [tilespmem:s3+$0x4A70]  }
0xee: {  	v9 =	vld [tilespmem:s3+$0x1A70];
	v0 =	vmul.f32 $1.442695020e+00, v0  }
0xef: {  	v10 =	vld [tilespmem:s3+$0x1A00]  }
0xf0: {  	(erf) = vpow2.f32 v0;
	v0 =	vadd.f32 v2, v1  }
0xf1: {  	v1 =	vadd.f32 v3, v6  }
0xf2: {  	v2 =	vld [tilespmem:s3+$0x4A60];
	v3 =	vadd.f32 v5, v7;
	v0 =	vsub.f32 $0.0e+00, v0  }
0xf3: {  	v5 =	vld [tilespmem:s3+$0x1A60];
	v6 =	vadd.f32 v8, v9;
	v1 =	vsub.f32 $0.0e+00, v1  }
0xf4: {  	v4 =	vadd.f32 v4, v10;
	v7 =	vld [tilespmem:s3+$0x4A20];
	v3 =	vsub.f32 $0.0e+00, v3;
	v0 =	vmul.f32 $1.442695020e+00, v0  }
0xf5: {  	v8 =	vld [tilespmem:s3+$0x1A20];
	v6 =	vsub.f32 $0.0e+00, v6;
	v1 =	vmul.f32 $1.442695020e+00, v1  }
0xf6: {  	v3 =	vmul.f32 $1.442695020e+00, v3;
	(erf) = vpow2.f32 v0;
	v0 =	vsub.f32 $0.0e+00, v4  }
0xf7: {  	(erf) = vpow2.f32 v1;
	v1 =	vmul.f32 $1.442695020e+00, v6  }
0xf8: {  	v2 =	vadd.f32 v2, v5;
	(erf) = vpow2.f32 v3;
	v0 =	vmul.f32 $1.442695020e+00, v0  }
0xf9: {  	(erf) = vpow2.f32 v1  }
0xfa: {  	v2 =	vsub.f32 $0.0e+00, v2;
	v3 =	vpop (erf);
	(erf) = vpow2.f32 v0;
	v0 =	vadd.f32 v7, v8  }
0xfb: {  	v3 =	vadd.f32 $1.000000000e+00, v3  }
0xfc: {  	v1 =	vmul.f32 $1.442695020e+00, v2;
	v0 =	vsub.f32 $0.0e+00, v0  }
0xfd: {  	(erf) = vrcp.f32 v3  }
0xfe: {  	(erf) = vpow2.f32 v1;
	v0 =	vmul.f32 $1.442695020e+00, v0  }
0xff: {  	v2 =	vpop (erf)  }
0x100: {  	v3 =	vpop (erf);
	(erf) = vpow2.f32 v0  }
0x101: {  	v4 =	vld [tilespmem:s3+$0x7A50]  }
0x102: {  	v1 =	vld [tilespmem:s3+$0x7A40];
	v2 =	vadd.f32 $1.000000000e+00, v2  }
0x103: {  	v0 =	vld [tilespmem:s3+$0x7A20];
	v3 =	vadd.f32 $1.000000000e+00, v3;
	v5 =	vpop (erf)  }
0x104: {  	v5 =	vadd.f32 $1.000000000e+00, v5;
	(erf) = vrcp.f32 v2;
	v2 =	vld [tilespmem:s3+$0x7A60];
	v6 =	vpop (erf)  }
0x105: {  	(erf) = vrcp.f32 v3;
	v3 =	vld [tilespmem:s3+$0x7A00];
	v9 =	vadd.f32 $1.000000000e+00, v6;
	v6 =	vpop (erf)  }
0x106: {  	(erf) = vrcp.f32 v5;
	v5 =	vld [tilespmem:s3+$0x7A10];
	v7 =	vpop (erf)  }
0x107: {  	s18 =	simm.s32 $0x200;
	s10 =	simm.s32 $0x400;
	v6 =	vadd.f32 $1.000000000e+00, v6;
	(erf) = vrcp.f32 v9;
	v7 =	vmul.f32 v7, v4;
	v4 =	vld [tilespmem:s3+$0x7A70];
	v8 =	vpop (erf)  }
.LBB2_5:
0x108: {  	p0 =	sne.s32 s10, $0x5E00  }
0x109: {  	s16 =	sshra.s32 s18, $0x2;
	v9 =	vld [tilespmem:s3+$0x7A30];
	v8 =	vadd.f32 $1.000000000e+00, v8;
	(erf) = vrcp.f32 v6;
	v6 =	vpop (erf);
	s18 =	smov.u32 s10;
	s10 =	sadd.s32 $0x200, s10  }
0x10a: {  	v10 =	vld [tilespmem:s16+$0x4A50];
	v6 =	vadd.f32 $1.000000000e+00, v6;
	[tilespmem:s3+$0x1A50] =	vst v7  }
0x10b: {  	v7 =	vld [tilespmem:s16+$0x1A50];
	(erf) = vrcp.f32 v8  }
0x10c: {  	v8 =	vld [tilespmem:s16+$0x4A40];
	(erf) = vrcp.f32 v6  }
0x10d: {  	v6 =	vld [tilespmem:s16+$0x4A20];
	v11 =	vpop (erf)  }
0x10e: {  	v12 =	vld [tilespmem:s16+$0x4A30];
	v1 =	vmul.f32 v11, v1;
	v11 =	vpop (erf)  }
0x10f: {  	v13 =	vld [tilespmem:s16+$0x4A00];
	v15 =	vmul.f32 v11, v9;
	v11 =	vpop (erf)  }
0x110: {  	v14 =	vld [tilespmem:s16+$0x4A10];
	v7 =	vadd.f32 v10, v7;
	v11 =	vmul.f32 v11, v5;
	[tilespmem:s3+$0x1A40] =	vst v1  }
0x111: {  	v1 =	vld [tilespmem:s16+$0x1A40];
	[tilespmem:s3+$0x1A30] =	vst v15;
	v9 =	vpop (erf)  }
0x112: {  	v10 =	vld [tilespmem:s16+$0x1A30];
	v7 =	vsub.f32 $0.0e+00, v7;
	[tilespmem:s3+$0x1A10] =	vst v11;
	v11 =	vmul.f32 v9, v4;
	v5 =	vpop (erf)  }
0x113: {  	v9 =	vld [tilespmem:s16+$0x1A10];
	v15 =	vmul.f32 v5, v3  }
0x114: {  	v5 =	vmul.f32 $1.442695020e+00, v7;
	v7 =	vld [tilespmem:s16+$0x4A70];
	[tilespmem:s3+$0x1A70] =	vst v11;
	v4 =	vpop (erf)  }
0x115: {  	v11 =	vld [tilespmem:s16+$0x1A70];
	[tilespmem:s3+$0x1A00] =	vst v15;
	v2 =	vmul.f32 v4, v2;
	v3 =	vpop (erf)  }
0x116: {  	v4 =	vld [tilespmem:s16+$0x1A00];
	v1 =	vadd.f32 v8, v1;
	(erf) = vpow2.f32 v5;
	v0 =	vmul.f32 v3, v0  }
0x117: {  	v3 =	vadd.f32 v12, v10;
	v5 =	vld [tilespmem:s16+$0x4A60];
	[tilespmem:s3+$0x1A60] =	vst v2  }
0x118: {  	v2 =	vadd.f32 v14, v9;
	v1 =	vsub.f32 $0.0e+00, v1;
	v8 =	vld [tilespmem:s16+$0x1A60];
	[tilespmem:s3+$0x1A20] =	vst v0;
	s3 =	smov.u32 s16  }
0x119: {  	v0 =	vld [tilespmem:s3+$0x1A20];
	v3 =	vsub.f32 $0.0e+00, v3  }
0x11a: {  	v2 =	vsub.f32 $0.0e+00, v2;
	v9 =	vmul.f32 $1.442695020e+00, v1;
	v1 =	vld [tilespmem:s3+$0x7A40];
	v7 =	vadd.f32 v7, v11  }
0x11b: {  	v4 =	vadd.f32 v13, v4;
	v3 =	vmul.f32 $1.442695020e+00, v3  }
0x11c: {  	v2 =	vmul.f32 $1.442695020e+00, v2;
	v7 =	vsub.f32 $0.0e+00, v7;
	(erf) = vpow2.f32 v9  }
0x11d: {  	v4 =	vsub.f32 $0.0e+00, v4;
	v8 =	vadd.f32 v5, v8;
	(erf) = vpow2.f32 v3  }
0x11e: {  	v0 =	vadd.f32 v6, v0;
	v3 =	vmul.f32 $1.442695020e+00, v7;
	(erf) = vpow2.f32 v2  }
0x11f: {  	v2 =	vmul.f32 $1.442695020e+00, v4;
	v4 =	vsub.f32 $0.0e+00, v8;
	v5 =	vpop (erf)  }
0x120: {  	v0 =	vsub.f32 $0.0e+00, v0;
	v5 =	vadd.f32 $1.000000000e+00, v5;
	(erf) = vpow2.f32 v3  }
0x121: {  	v3 =	vmul.f32 $1.442695020e+00, v4;
	(erf) = vpow2.f32 v2  }
0x122: {  	v2 =	vmul.f32 $1.442695020e+00, v0;
	(erf) = vrcp.f32 v5  }
0x123: {  	(erf) = vpow2.f32 v3  }
0x124: {  	(erf) = vpow2.f32 v2  }
0x125: {  	v0 =	vpop (erf)  }
0x126: {  	v2 =	vadd.f32 $1.000000000e+00, v0;
	v4 =	vld [tilespmem:s3+$0x7A50];
	v0 =	vpop (erf)  }
0x127: {  	v3 =	vadd.f32 $1.000000000e+00, v0;
	v0 =	vpop (erf)  }
.Ltmp1:
0x128: {  	v5 =	vadd.f32 $1.000000000e+00, v0;
	v0 =	vld [tilespmem:s3+$0x7A20];
	(erf) = vrcp.f32 v2;
	(pc) =	sbr.rel @p0 .LBB2_5-.Ltmp1, $4  }
0x129: {  	v2 =	vld [tilespmem:s3+$0x7A60];
	(erf) = vrcp.f32 v3;
	v6 =	vpop (erf)  }
0x12a: {  	v3 =	vld [tilespmem:s3+$0x7A00];
	v9 =	vadd.f32 $1.000000000e+00, v6;
	v6 =	vpop (erf);
	(erf) = vrcp.f32 v5  }
0x12b: {  	v6 =	vadd.f32 $1.000000000e+00, v6;
	v5 =	vld [tilespmem:s3+$0x7A10];
	v7 =	vpop (erf)  }
0x12c: {  	v7 =	vmul.f32 v7, v4;
	v4 =	vld [tilespmem:s3+$0x7A70];
	v8 =	vpop (erf);
	(erf) = vrcp.f32 v9  }
0x12d: {  	s10 =	sshra.s32 s18, $0x2;
	v9 =	vld [tilespmem:s3+$0x7A30];
	v12 =	vpop (erf);
	(erf) = vrcp.f32 v6;
	v8 =	vadd.f32 $1.000000000e+00, v8  }
0x12e: {  	v10 =	vld [tilespmem:s10+$0x4A50];
	[tilespmem:s3+$0x1A50] =	vst v7;
	v57 =	vadd.f32 $1.000000000e+00, v12  }
0x12f: {  	v7 =	vld [tilespmem:s10+$0x1A50];
	(erf) = vrcp.f32 v8  }
0x130: {  	v11 =	vld [tilespmem:s10+$0x4A40];
	(erf) = vrcp.f32 v57  }
0x131: {  	v13 =	vld [tilespmem:s10+$0x4A20];
	v55 =	vpop (erf)  }
0x132: {  	v14 =	vld [tilespmem:s10+$0x4A30];
	v1 =	vmul.f32 v55, v1;
	v15 =	vpop (erf)  }
0x133: {  	v56 =	vld [tilespmem:s10+$0x4A00];
	v9 =	vmul.f32 v15, v9;
	v58 =	vpop (erf)  }
0x134: {  	v16 =	vld [tilespmem:s10+$0x4A10];
	[tilespmem:s3+$0x1A40] =	vst v1;
	v1 =	vmul.f32 v58, v5;
	v7 =	vadd.f32 v10, v7  }
0x135: {  	v59 =	vld [tilespmem:s10+$0x1A40];
	[tilespmem:s3+$0x1A30] =	vst v9;
	v61 =	vpop (erf)  }
0x136: {  	v60 =	vld [tilespmem:s10+$0x1A30];
	[tilespmem:s3+$0x1A10] =	vst v1;
	v62 =	vmul.f32 v61, v4;
	v15 =	vpop (erf);
	v17 =	vsub.f32 $0.0e+00, v7  }
0x137: {  	v63 =	vld [tilespmem:s10+$0x1A10];
	v3 =	vmul.f32 v15, v3  }
0x138: {  	v9 =	vld [tilespmem:s10+$0x4A70];
	[tilespmem:s3+$0x1A70] =	vst v62;
	v19 =	vpop (erf);
	v1 =	vmul.f32 $1.442695020e+00, v17  }
0x139: {  	v18 =	vld [tilespmem:s10+$0x1A70];
	[tilespmem:s3+$0x1A00] =	vst v3;
	v2 =	vmul.f32 v19, v2;
	v20 =	vpop (erf)  }
0x13a: {  	v3 =	vld [tilespmem:s10+$0x1A00];
	(erf) = vpow2.f32 v1;
	v0 =	vmul.f32 v20, v0  }
0x13b: {  	v21 =	vld [tilespmem:s10+$0x4A60];
	v22 =	vadd.f32 v11, v59;
	[tilespmem:s3+$0x1A60] =	vst v2;
	v23 =	vadd.f32 v14, v60  }
0x13c: {  	v24 =	vld [tilespmem:s10+$0x1A60];
	v4 =	vadd.f32 v16, v63;
	[tilespmem:s3+$0x1A20] =	vst v0  }
0x13d: {  	v25 =	vsub.f32 $0.0e+00, v22;
	v26 =	vld [tilespmem:s10+$0x1A20];
	v2 =	vsub.f32 $0.0e+00, v23  }
0x13e: {  	v4 =	vsub.f32 $0.0e+00, v4;
	v7 =	vadd.f32 v9, v18  }
0x13f: {  	v0 =	vmul.f32 $1.442695020e+00, v25;
	v3 =	vadd.f32 v56, v3  }
0x140: {  	v2 =	vmul.f32 $1.442695020e+00, v2;
	v4 =	vmul.f32 $1.442695020e+00, v4;
	v27 =	vsub.f32 $0.0e+00, v7  }
0x141: {  	(erf) = vpow2.f32 v0;
	v28 =	vsub.f32 $0.0e+00, v3;
	v29 =	vadd.f32 v21, v24  }
0x142: {  	(erf) = vpow2.f32 v2;
	v1 =	vadd.f32 v13, v26;
	v30 =	vmul.f32 $1.442695020e+00, v27  }
0x143: {  	(erf) = vpow2.f32 v4;
	v0 =	vmul.f32 $1.442695020e+00, v28;
	v3 =	vsub.f32 $0.0e+00, v29;
	v31 =	vpop (erf)  }
0x144: {  	v1 =	vsub.f32 $0.0e+00, v1;
	v4 =	vadd.f32 $1.000000000e+00, v31;
	(erf) = vpow2.f32 v30  }
0x145: {  	v32 =	vmul.f32 $1.442695020e+00, v3;
	(erf) = vpow2.f32 v0  }
0x146: {  	v33 =	vmul.f32 $1.442695020e+00, v1;
	(erf) = vrcp.f32 v4  }
0x147: {  	(erf) = vpow2.f32 v32  }
0x148: {  	(erf) = vpow2.f32 v33;
	_ =	sdelay $0x1  }
0x149: {  	v34 =	vpop (erf)  }
0x14a: {  	v35 =	vpop (erf)  }
0x14b: {  	v0 =	vadd.f32 $1.000000000e+00, v34;
	v36 =	vpop (erf)  }
0x14c: {  	v1 =	vadd.f32 $1.000000000e+00, v35;
	v37 =	vpop (erf)  }
0x14d: {  	v2 =	vadd.f32 $1.000000000e+00, v36;
	(erf) = vrcp.f32 v0;
	v38 =	vpop (erf)  }
0x14e: {  	(erf) = vrcp.f32 v1;
	v39 =	vadd.f32 $1.000000000e+00, v37;
	v40 =	vpop (erf)  }
0x14f: {  	(erf) = vrcp.f32 v2;
	v0 =	vadd.f32 $1.000000000e+00, v38;
	v41 =	vpop (erf)  }
0x150: {  	(erf) = vrcp.f32 v39;
	v42 =	vadd.f32 $1.000000000e+00, v41;
	v43 =	vpop (erf)  }
0x151: {  	v44 =	vld [tilespmem:s10+$0x7A50];
	(erf) = vrcp.f32 v0;
	v45 =	vadd.f32 $1.000000000e+00, v43  }
0x152: {  	v46 =	vld [tilespmem:s10+$0x7A40];
	(erf) = vrcp.f32 v42  }
0x153: {  	v47 =	vld [tilespmem:s10+$0x7A30];
	(erf) = vrcp.f32 v45  }
0x154: {  	v48 =	vld [tilespmem:s10+$0x7A10]  }
0x155: {  	v49 =	vld [tilespmem:s10+$0x7A70]  }
0x156: {  	v50 =	vld [tilespmem:s10+$0x7A00];
	v3 =	vmul.f32 v40, v44;
	v51 =	vpop (erf)  }
0x157: {  	v52 =	vld [tilespmem:s10+$0x7A60];
	v2 =	vmul.f32 v51, v46;
	v53 =	vpop (erf)  }
0x158: {  	v54 =	vld [tilespmem:s10+$0x7A20];
	[tilespmem:s10+$0x1A50] =	vst v3;
	v1 =	vmul.f32 v53, v47;
	v55 =	vpop (erf)  }
0x159: {  	v0 =	vmul.f32 v55, v48;
	[tilespmem:s10+$0x1A40] =	vst v2;
	v56 =	vpop (erf)  }
0x15a: {  	[tilespmem:s10+$0x1A30] =	vst v1;
	v57 =	vmul.f32 v56, v49;
	v58 =	vpop (erf)  }
0x15b: {  	[tilespmem:s10+$0x1A10] =	vst v0;
	v59 =	vmul.f32 v58, v50;
	v60 =	vpop (erf)  }
0x15c: {  	[tilespmem:s10+$0x1A70] =	vst v57;
	v61 =	vmul.f32 v60, v52;
	v62 =	vpop (erf)  }
0x15d: {  	s17 =	sadd.s32 $0x1, s17;
	[tilespmem:s10+$0x1A00] =	vst v59;
	v63 =	vmul.f32 v62, v54  }
0x15e: {  	p0 =	sne.s32 s17, $0x68;
	[tilespmem:s10+$0x1A60] =	vst v61  }
.Ltmp2:
0x15f: {  	[tilespmem:s10+$0x1A20] =	vst v63;
	(pc) =	sbr.rel @p0 .LBB2_2-.Ltmp2, $4  }
0x160: {  	[spmem:s1] =	stream.indirect.scatter.add.f32 [tilespmem:s29], [sflag:$0x7], $0x80, s28, s22, $0xb8;
	[tilespmem:$0x1D200] =	vst v63  }
0x161: {  	_ =	swait.ge [sflag:s20], $0x1800  }
0x162: {  	[sflag:s20] =	ssyncset.done $0x0  }
0x163: {  	[sflag:s20] =	ssyncadd.s32 $0xFFFFE800  }
0x164: {  	s3 =	simm.s32 $0x0;
	s10 =	rddreg [dreg:$0x7]  }
0x165: {  	[tilespmem:s26], [sflag:$0x7] =	stream.linear.gather [hbm4b:s10+s3], $0x30, $0x38;
	[tilespmem:$0x1D200] =	vst v63  }
0x166: {  	_ =	swait.ge [sflag:s20], $0x30  }
0x167: {  	[sflag:s20] =	ssyncset.done $0x0  }
0x168: {  	s19 =	rddreg [dreg:$0x8];
	[sflag:s20] =	ssyncadd.s32 $0xFFFFFFD0  }
0x169: {  	[tilespmem:s28], [sflag:$0x7] =	stream.linear.gather [hbm4b:s19+s3], $0x30, $0x38;
	[tilespmem:$0x1D200] =	vst v63  }
0x16a: {  	_ =	swait.ge [sflag:s20], $0x30  }
0x16b: {  	[sflag:s20] =	ssyncset.done $0x0  }
0x16c: {  	[sflag:s20] =	ssyncadd.s32 $0xFFFFFFD0  }
0x16d: {  	[tilespmem:s29], [sflag:$0x4] =	stream.indirect.gather [hbm4b:s4+s22], $0x80, s28, s22, $0xb8;
	[tilespmem:$0x1D200] =	vst v63  }
0x16e: {  	_ = 	snop  }
0x16f: {  	[tilespmem:s30], [sflag:$0x5] =	stream.indirect.gather [hbm4b:s5+s22], $0x80, s26, s22, $0xb8;
	[tilespmem:$0x1D200] =	vst v63  }
0x170: {  	_ = 	snop  }
0x171: {  	[tilespmem:s31], [sflag:$0x6] =	stream.indirect.gather [hbm4b:s6+s22], $0x80, s26, s22, $0xb8;
	[tilespmem:$0x1D200] =	vst v63  }
0x172: {  	_ =	swait.ge [sflag:s0], $0x1800  }
0x173: {  	[sflag:s0] =	ssyncset.done $0x0  }
0x174: {  	[sflag:s0] =	ssyncadd.s32 $0xFFFFE800  }
0x175: {  	_ =	swait.ge [sflag:s2], $0x1800  }
0x176: {  	[sflag:s2] =	ssyncset.done $0x0  }
0x177: {  	[sflag:s2] =	ssyncadd.s32 $0xFFFFE800  }
0x178: {  	_ =	swait.ge [sflag:s9], $0x1800  }
0x179: {  	[sflag:s9] =	ssyncset.done $0x0  }
0x17a: {  	s3 =	simm.s32 $0x0;
	[sflag:s9] =	ssyncadd.s32 $0xFFFFE800  }
0x17b: {  	v0 =	vld [tilespmem:s3+$0x3250]  }
0x17c: {  	v1 =	vld [tilespmem:s3+$0x250]  }
0x17d: {  	v2 =	vld [tilespmem:s3+$0x3240]  }
0x17e: {  	v3 =	vld [tilespmem:s3+$0x3230]  }
0x17f: {  	v5 =	vld [tilespmem:s3+$0x3210]  }
0x180: {  	v6 =	vld [tilespmem:s3+$0x230]  }
0x181: {  	v7 =	vld [tilespmem:s3+$0x210];
	v0 =	vadd.f32 v0, v1  }
0x182: {  	v1 =	vld [tilespmem:s3+$0x240]  }
0x183: {  	v8 =	vld [tilespmem:s3+$0x3270];
	v0 =	vsub.f32 $0.0e+00, v0  }
0x184: {  	v9 =	vld [tilespmem:s3+$0x270]  }
0x185: {  	v4 =	vld [tilespmem:s3+$0x3200];
	v0 =	vmul.f32 $1.442695020e+00, v0  }
0x186: {  	v10 =	vld [tilespmem:s3+$0x200]  }
0x187: {  	(erf) = vpow2.f32 v0;
	v0 =	vadd.f32 v2, v1  }
0x188: {  	v1 =	vadd.f32 v3, v6;
	v3 =	vadd.f32 v5, v7  }
0x189: {  	v2 =	vld [tilespmem:s3+$0x3260];
	v6 =	vadd.f32 v8, v9;
	v0 =	vsub.f32 $0.0e+00, v0  }
0x18a: {  	v5 =	vld [tilespmem:s3+$0x260];
	v1 =	vsub.f32 $0.0e+00, v1;
	v3 =	vsub.f32 $0.0e+00, v3  }
0x18b: {  	v4 =	vadd.f32 v4, v10;
	v7 =	vld [tilespmem:s3+$0x3220];
	v0 =	vmul.f32 $1.442695020e+00, v0  }
0x18c: {  	v8 =	vld [tilespmem:s3+$0x220];
	v6 =	vsub.f32 $0.0e+00, v6;
	v1 =	vmul.f32 $1.442695020e+00, v1;
	v3 =	vmul.f32 $1.442695020e+00, v3  }
0x18d: {  	(erf) = vpow2.f32 v0;
	v0 =	vsub.f32 $0.0e+00, v4  }
0x18e: {  	(erf) = vpow2.f32 v1;
	v1 =	vmul.f32 $1.442695020e+00, v6  }
0x18f: {  	v2 =	vadd.f32 v2, v5;
	(erf) = vpow2.f32 v3;
	v0 =	vmul.f32 $1.442695020e+00, v0  }
0x190: {  	v3 =	vpop (erf);
	(erf) = vpow2.f32 v1  }
0x191: {  	v2 =	vsub.f32 $0.0e+00, v2;
	(erf) = vpow2.f32 v0;
	v0 =	vadd.f32 v7, v8  }
0x192: {  	v3 =	vadd.f32 $1.000000000e+00, v3  }
0x193: {  	v1 =	vmul.f32 $1.442695020e+00, v2;
	v0 =	vsub.f32 $0.0e+00, v0  }
0x194: {  	(erf) = vrcp.f32 v3  }
0x195: {  	(erf) = vpow2.f32 v1;
	v0 =	vmul.f32 $1.442695020e+00, v0  }
0x196: {  	v2 =	vpop (erf)  }
0x197: {  	v3 =	vpop (erf);
	(erf) = vpow2.f32 v0  }
0x198: {  	v4 =	vld [tilespmem:s3+$0x6250]  }
0x199: {  	v1 =	vld [tilespmem:s3+$0x6240];
	v2 =	vadd.f32 $1.000000000e+00, v2  }
0x19a: {  	v0 =	vld [tilespmem:s3+$0x6220];
	v3 =	vadd.f32 $1.000000000e+00, v3;
	v5 =	vpop (erf)  }
0x19b: {  	v5 =	vadd.f32 $1.000000000e+00, v5;
	(erf) = vrcp.f32 v2;
	v2 =	vld [tilespmem:s3+$0x6260];
	v6 =	vpop (erf)  }
0x19c: {  	(erf) = vrcp.f32 v3;
	v3 =	vld [tilespmem:s3+$0x6200];
	v9 =	vadd.f32 $1.000000000e+00, v6;
	v6 =	vpop (erf)  }
0x19d: {  	(erf) = vrcp.f32 v5;
	v5 =	vld [tilespmem:s3+$0x6210];
	v7 =	vpop (erf)  }
0x19e: {  	s17 =	simm.s32 $0x200;
	s10 =	simm.s32 $0x400;
	v6 =	vadd.f32 $1.000000000e+00, v6;
	(erf) = vrcp.f32 v9;
	v7 =	vmul.f32 v7, v4;
	v4 =	vld [tilespmem:s3+$0x6270];
	v8 =	vpop (erf)  }
.LBB2_8:
0x19f: {  	p0 =	sne.s32 s10, $0x5E00  }
0x1a0: {  	s16 =	sshra.s32 s17, $0x2;
	v9 =	vld [tilespmem:s3+$0x6230];
	v8 =	vadd.f32 $1.000000000e+00, v8;
	(erf) = vrcp.f32 v6;
	v6 =	vpop (erf);
	s17 =	smov.u32 s10;
	s10 =	sadd.s32 $0x200, s10  }
0x1a1: {  	v10 =	vld [tilespmem:s16+$0x3250];
	v6 =	vadd.f32 $1.000000000e+00, v6;
	[tilespmem:s3+$0x250] =	vst v7  }
0x1a2: {  	v7 =	vld [tilespmem:s16+$0x250];
	(erf) = vrcp.f32 v8  }
0x1a3: {  	v8 =	vld [tilespmem:s16+$0x3240];
	(erf) = vrcp.f32 v6  }
0x1a4: {  	v6 =	vld [tilespmem:s16+$0x3220];
	v11 =	vpop (erf)  }
0x1a5: {  	v12 =	vld [tilespmem:s16+$0x3230];
	v1 =	vmul.f32 v11, v1;
	v11 =	vpop (erf)  }
0x1a6: {  	v13 =	vld [tilespmem:s16+$0x3200];
	v15 =	vmul.f32 v11, v9;
	v11 =	vpop (erf)  }
0x1a7: {  	v14 =	vld [tilespmem:s16+$0x3210];
	v7 =	vadd.f32 v10, v7;
	v11 =	vmul.f32 v11, v5;
	[tilespmem:s3+$0x240] =	vst v1  }
0x1a8: {  	v1 =	vld [tilespmem:s16+$0x240];
	[tilespmem:s3+$0x230] =	vst v15;
	v9 =	vpop (erf)  }
0x1a9: {  	v10 =	vld [tilespmem:s16+$0x230];
	v7 =	vsub.f32 $0.0e+00, v7;
	[tilespmem:s3+$0x210] =	vst v11;
	v11 =	vmul.f32 v9, v4;
	v5 =	vpop (erf)  }
0x1aa: {  	v9 =	vld [tilespmem:s16+$0x210];
	v15 =	vmul.f32 v5, v3  }
0x1ab: {  	v5 =	vmul.f32 $1.442695020e+00, v7;
	v7 =	vld [tilespmem:s16+$0x3270];
	[tilespmem:s3+$0x270] =	vst v11;
	v4 =	vpop (erf)  }
0x1ac: {  	v11 =	vld [tilespmem:s16+$0x270];
	[tilespmem:s3+$0x200] =	vst v15;
	v2 =	vmul.f32 v4, v2;
	v3 =	vpop (erf)  }
0x1ad: {  	v4 =	vld [tilespmem:s16+$0x200];
	v1 =	vadd.f32 v8, v1;
	(erf) = vpow2.f32 v5;
	v0 =	vmul.f32 v3, v0  }
0x1ae: {  	v3 =	vadd.f32 v12, v10;
	v5 =	vld [tilespmem:s16+$0x3260];
	[tilespmem:s3+$0x260] =	vst v2  }
0x1af: {  	v2 =	vadd.f32 v14, v9;
	v1 =	vsub.f32 $0.0e+00, v1;
	v8 =	vld [tilespmem:s16+$0x260];
	[tilespmem:s3+$0x220] =	vst v0;
	s3 =	smov.u32 s16  }
0x1b0: {  	v0 =	vld [tilespmem:s3+$0x220];
	v3 =	vsub.f32 $0.0e+00, v3  }
0x1b1: {  	v2 =	vsub.f32 $0.0e+00, v2;
	v9 =	vmul.f32 $1.442695020e+00, v1;
	v1 =	vld [tilespmem:s3+$0x6240];
	v7 =	vadd.f32 v7, v11  }
0x1b2: {  	v4 =	vadd.f32 v13, v4;
	v3 =	vmul.f32 $1.442695020e+00, v3  }
0x1b3: {  	v2 =	vmul.f32 $1.442695020e+00, v2;
	v7 =	vsub.f32 $0.0e+00, v7;
	(erf) = vpow2.f32 v9  }
0x1b4: {  	v4 =	vsub.f32 $0.0e+00, v4;
	v8 =	vadd.f32 v5, v8;
	(erf) = vpow2.f32 v3  }
0x1b5: {  	v0 =	vadd.f32 v6, v0;
	v3 =	vmul.f32 $1.442695020e+00, v7;
	(erf) = vpow2.f32 v2  }
0x1b6: {  	v2 =	vmul.f32 $1.442695020e+00, v4;
	v4 =	vsub.f32 $0.0e+00, v8;
	v5 =	vpop (erf)  }
0x1b7: {  	v0 =	vsub.f32 $0.0e+00, v0;
	v5 =	vadd.f32 $1.000000000e+00, v5;
	(erf) = vpow2.f32 v3  }
0x1b8: {  	v3 =	vmul.f32 $1.442695020e+00, v4;
	(erf) = vpow2.f32 v2  }
0x1b9: {  	v2 =	vmul.f32 $1.442695020e+00, v0;
	(erf) = vrcp.f32 v5  }
0x1ba: {  	(erf) = vpow2.f32 v3  }
0x1bb: {  	(erf) = vpow2.f32 v2  }
0x1bc: {  	v0 =	vpop (erf)  }
0x1bd: {  	v2 =	vadd.f32 $1.000000000e+00, v0;
	v4 =	vld [tilespmem:s3+$0x6250];
	v0 =	vpop (erf)  }
0x1be: {  	v3 =	vadd.f32 $1.000000000e+00, v0;
	v0 =	vpop (erf)  }
.Ltmp3:
0x1bf: {  	v5 =	vadd.f32 $1.000000000e+00, v0;
	v0 =	vld [tilespmem:s3+$0x6220];
	(erf) = vrcp.f32 v2;
	(pc) =	sbr.rel @p0 .LBB2_8-.Ltmp3, $4  }
0x1c0: {  	v2 =	vld [tilespmem:s3+$0x6260];
	(erf) = vrcp.f32 v3;
	v6 =	vpop (erf)  }
0x1c1: {  	v3 =	vld [tilespmem:s3+$0x6200];
	v9 =	vadd.f32 $1.000000000e+00, v6;
	v6 =	vpop (erf);
	(erf) = vrcp.f32 v5  }
0x1c2: {  	v6 =	vadd.f32 $1.000000000e+00, v6;
	v5 =	vld [tilespmem:s3+$0x6210];
	v7 =	vpop (erf)  }
0x1c3: {  	v7 =	vmul.f32 v7, v4;
	v4 =	vld [tilespmem:s3+$0x6270];
	v8 =	vpop (erf);
	(erf) = vrcp.f32 v9  }
0x1c4: {  	_ =	sdelay $0x1  }
0x1c5: {  	s10 =	sshra.s32 s17, $0x2;
	v9 =	vld [tilespmem:s3+$0x6230]  }
0x1c6: {  	v12 =	vpop (erf);
	v8 =	vadd.f32 $1.000000000e+00, v8;
	v10 =	vld [tilespmem:s10+$0x3250];
	[tilespmem:s3+$0x250] =	vst v7  }
0x1c7: {  	(erf) = vrcp.f32 v6;
	v7 =	vld [tilespmem:s10+$0x250];
	v6 =	vpop (erf)  }
0x1c8: {  	v11 =	vld [tilespmem:s10+$0x3240];
	(erf) = vrcp.f32 v8;
	v8 =	vadd.f32 $1.000000000e+00, v12;
	v1 =	vmul.f32 v6, v1  }
0x1c9: {  	v13 =	vld [tilespmem:s10+$0x3220]  }
0x1ca: {  	v14 =	vld [tilespmem:s10+$0x3230];
	(erf) = vrcp.f32 v8  }
0x1cb: {  	v16 =	vld [tilespmem:s10+$0x3210];
	v15 =	vpop (erf)  }
0x1cc: {  	v6 =	vld [tilespmem:s10+$0x3200];
	v9 =	vmul.f32 v15, v9;
	[tilespmem:s3+$0x240] =	vst v1;
	v1 =	vpop (erf)  }
0x1cd: {  	v1 =	vmul.f32 v1, v5  }
0x1ce: {  	v63 =	vld [tilespmem:s10+$0x240];
	[tilespmem:s3+$0x230] =	vst v9;
	v8 =	vpop (erf)  }
0x1cf: {  	v7 =	vadd.f32 v10, v7;
	v5 =	vld [tilespmem:s10+$0x230];
	[tilespmem:s3+$0x210] =	vst v1;
	v1 =	vmul.f32 v8, v4  }
0x1d0: {  	v8 =	vpop (erf);
	v4 =	vld [tilespmem:s10+$0x210]  }
0x1d1: {  	v9 =	vld [tilespmem:s10+$0x3270];
	v3 =	vmul.f32 v8, v3;
	[tilespmem:s3+$0x270] =	vst v1;
	v1 =	vsub.f32 $0.0e+00, v7  }
0x1d2: {  	v8 =	vpop (erf)  }
0x1d3: {  	v2 =	vmul.f32 v8, v2;
	v8 =	vpop (erf);
	v7 =	vld [tilespmem:s10+$0x270];
	[tilespmem:s3+$0x200] =	vst v3;
	v1 =	vmul.f32 $1.442695020e+00, v1  }
0x1d4: {  	v0 =	vmul.f32 v8, v0;
	v3 =	vld [tilespmem:s10+$0x200]  }
0x1d5: {  	v10 =	vld [tilespmem:s10+$0x3260];
	[tilespmem:s3+$0x260] =	vst v2;
	v2 =	vadd.f32 v14, v5;
	(erf) = vpow2.f32 v1;
	v1 =	vadd.f32 v11, v63  }
0x1d6: {  	v5 =	vld [tilespmem:s10+$0x260];
	[tilespmem:s3+$0x220] =	vst v0;
	v4 =	vadd.f32 v16, v4  }
0x1d7: {  	v2 =	vsub.f32 $0.0e+00, v2;
	v0 =	vsub.f32 $0.0e+00, v1;
	v1 =	vld [tilespmem:s10+$0x220]  }
0x1d8: {  	v4 =	vsub.f32 $0.0e+00, v4;
	v7 =	vadd.f32 v9, v7  }
0x1d9: {  	v3 =	vadd.f32 v6, v3;
	v0 =	vmul.f32 $1.442695020e+00, v0  }
0x1da: {  	v2 =	vmul.f32 $1.442695020e+00, v2;
	v4 =	vmul.f32 $1.442695020e+00, v4;
	v6 =	vsub.f32 $0.0e+00, v7  }
0x1db: {  	(erf) = vpow2.f32 v0;
	v0 =	vsub.f32 $0.0e+00, v3;
	v3 =	vadd.f32 v10, v5  }
0x1dc: {  	(erf) = vpow2.f32 v2;
	v1 =	vadd.f32 v13, v1  }
0x1dd: {  	v2 =	vmul.f32 $1.442695020e+00, v6;
	(erf) = vpow2.f32 v4;
	v3 =	vsub.f32 $0.0e+00, v3  }
0x1de: {  	v0 =	vmul.f32 $1.442695020e+00, v0;
	v4 =	vpop (erf);
	v1 =	vsub.f32 $0.0e+00, v1  }
0x1df: {  	(erf) = vpow2.f32 v2;
	v4 =	vadd.f32 $1.000000000e+00, v4;
	v2 =	vmul.f32 $1.442695020e+00, v3  }
0x1e0: {  	(erf) = vpow2.f32 v0;
	v0 =	vmul.f32 $1.442695020e+00, v1  }
0x1e1: {  	(erf) = vrcp.f32 v4  }
0x1e2: {  	(erf) = vpow2.f32 v2  }
0x1e3: {  	(erf) = vpow2.f32 v0  }
0x1e4: {  	v0 =	vpop (erf)  }
0x1e5: {  	v1 =	vpop (erf);
	v0 =	vadd.f32 $1.000000000e+00, v0  }
0x1e6: {  	v2 =	vpop (erf)  }
0x1e7: {  	v2 =	vadd.f32 $1.000000000e+00, v2  }
0x1e8: {  	v1 =	vadd.f32 $1.000000000e+00, v1;
	v3 =	vpop (erf);
	(erf) = vrcp.f32 v0  }
0x1e9: {  	v0 =	vpop (erf)  }
0x1ea: {  	(erf) = vrcp.f32 v1;
	v1 =	vadd.f32 $1.000000000e+00, v3;
	v3 =	vpop (erf)  }
0x1eb: {  	(erf) = vrcp.f32 v2;
	v0 =	vadd.f32 $1.000000000e+00, v0;
	v2 =	vpop (erf)  }
0x1ec: {  	v4 =	vld [tilespmem:s10+$0x6250];
	(erf) = vrcp.f32 v1;
	v1 =	vadd.f32 $1.000000000e+00, v2;
	v2 =	vpop (erf)  }
0x1ed: {  	(erf) = vrcp.f32 v0;
	v0 =	vadd.f32 $1.000000000e+00, v2;
	v2 =	vld [tilespmem:s10+$0x6240];
	_ =	sdelay $0x1  }
0x1ee: {  	(erf) = vrcp.f32 v1  }
0x1ef: {  	v1 =	vld [tilespmem:s10+$0x6230];
	(erf) = vrcp.f32 v0  }
0x1f0: {  	v3 =	vmul.f32 v3, v4;
	v0 =	vld [tilespmem:s10+$0x6210];
	v4 =	vpop (erf)  }
0x1f1: {  	v5 =	vld [tilespmem:s10+$0x6270];
	v2 =	vmul.f32 v4, v2  }
0x1f2: {  	v6 =	vld [tilespmem:s10+$0x6200]  }
0x1f3: {  	v7 =	vld [tilespmem:s10+$0x6260];
	v4 =	vpop (erf)  }
0x1f4: {  	v8 =	vld [tilespmem:s10+$0x6220];
	[tilespmem:s10+$0x250] =	vst v3;
	v1 =	vmul.f32 v4, v1;
	v3 =	vpop (erf)  }
0x1f5: {  	v0 =	vmul.f32 v3, v0;
	[tilespmem:s10+$0x240] =	vst v2;
	v2 =	vpop (erf)  }
0x1f6: {  	[tilespmem:s10+$0x230] =	vst v1;
	v1 =	vmul.f32 v2, v5;
	v2 =	vpop (erf)  }
0x1f7: {  	[tilespmem:s10+$0x210] =	vst v0;
	v0 =	vmul.f32 v2, v6;
	v2 =	vpop (erf)  }
0x1f8: {  	[tilespmem:s10+$0x270] =	vst v1;
	v1 =	vmul.f32 v2, v7;
	v2 =	vpop (erf)  }
0x1f9: {  	[tilespmem:s10+$0x200] =	vst v0;
	v0 =	vmul.f32 v2, v8  }
0x1fa: {  	[tilespmem:s10+$0x260] =	vst v1  }
0x1fb: {  	[tilespmem:s10+$0x220] =	vst v0  }
0x1fc: {  	[spmem:s1] =	stream.indirect.scatter.add.f32 [tilespmem:s23], [sflag:$0x7], $0x80, s21, s22, $0xb8;
	[tilespmem:$0x1D200] =	vst v63  }
0x1fd: {  	_ =	swait.ge [sflag:s20], $0x1800  }
0x1fe: {  	[sflag:s20] =	ssyncset.done $0x0  }
0x1ff: {  	[sflag:s20] =	ssyncadd.s32 $0xFFFFE800  }
0x200: {  	_ =	swait.ge [sflag:s11], $0x1800  }
0x201: {  	[sflag:s11] =	ssyncset.done $0x0  }
0x202: {  	[sflag:s11] =	ssyncadd.s32 $0xFFFFE800  }
0x203: {  	_ =	swait.ge [sflag:s12], $0x1800  }
0x204: {  	[sflag:s12] =	ssyncset.done $0x0  }
0x205: {  	[sflag:s12] =	ssyncadd.s32 $0xFFFFE800  }
0x206: {  	_ =	swait.ge [sflag:s15], $0x1800  }
0x207: {  	[sflag:s15] =	ssyncset.done $0x0  }
0x208: {  	s3 =	simm.s32 $0x0;
	[sflag:s15] =	ssyncadd.s32 $0xFFFFE800  }
0x209: {  	v0 =	vld [tilespmem:s3+$0x4A50]  }
0x20a: {  	v1 =	vld [tilespmem:s3+$0x1A50]  }
0x20b: {  	v2 =	vld [tilespmem:s3+$0x4A40]  }
0x20c: {  	v3 =	vld [tilespmem:s3+$0x4A30]  }
0x20d: {  	v4 =	vld [tilespmem:s3+$0x4A00]  }
0x20e: {  	v5 =	vld [tilespmem:s3+$0x4A10]  }
0x20f: {  	v6 =	vld [tilespmem:s3+$0x1A30];
	v0 =	vadd.f32 v0, v1  }
0x210: {  	v1 =	vld [tilespmem:s3+$0x1A40]  }
0x211: {  	v7 =	vld [tilespmem:s3+$0x1A10];
	v0 =	vsub.f32 $0.0e+00, v0  }
0x212: {  	v8 =	vld [tilespmem:s3+$0x4A70]  }
0x213: {  	v9 =	vld [tilespmem:s3+$0x1A70];
	v0 =	vmul.f32 $1.442695020e+00, v0  }
0x214: {  	v10 =	vld [tilespmem:s3+$0x1A00]  }
0x215: {  	(erf) = vpow2.f32 v0;
	v0 =	vadd.f32 v2, v1  }
0x216: {  	v1 =	vadd.f32 v3, v6  }
0x217: {  	v2 =	vld [tilespmem:s3+$0x4A60];
	v3 =	vadd.f32 v5, v7;
	v0 =	vsub.f32 $0.0e+00, v0  }
0x218: {  	v5 =	vld [tilespmem:s3+$0x1A60];
	v6 =	vadd.f32 v8, v9;
	v1 =	vsub.f32 $0.0e+00, v1  }
0x219: {  	v4 =	vadd.f32 v4, v10;
	v7 =	vld [tilespmem:s3+$0x4A20];
	v3 =	vsub.f32 $0.0e+00, v3;
	v0 =	vmul.f32 $1.442695020e+00, v0  }
0x21a: {  	v8 =	vld [tilespmem:s3+$0x1A20];
	v6 =	vsub.f32 $0.0e+00, v6;
	v1 =	vmul.f32 $1.442695020e+00, v1  }
0x21b: {  	v3 =	vmul.f32 $1.442695020e+00, v3;
	(erf) = vpow2.f32 v0;
	v0 =	vsub.f32 $0.0e+00, v4  }
0x21c: {  	(erf) = vpow2.f32 v1;
	v1 =	vmul.f32 $1.442695020e+00, v6  }
0x21d: {  	v2 =	vadd.f32 v2, v5;
	(erf) = vpow2.f32 v3;
	v0 =	vmul.f32 $1.442695020e+00, v0  }
0x21e: {  	(erf) = vpow2.f32 v1  }
0x21f: {  	v2 =	vsub.f32 $0.0e+00, v2;
	v3 =	vpop (erf);
	(erf) = vpow2.f32 v0;
	v0 =	vadd.f32 v7, v8  }
0x220: {  	v3 =	vadd.f32 $1.000000000e+00, v3  }
0x221: {  	v1 =	vmul.f32 $1.442695020e+00, v2;
	v0 =	vsub.f32 $0.0e+00, v0  }
0x222: {  	(erf) = vrcp.f32 v3  }
0x223: {  	(erf) = vpow2.f32 v1;
	v0 =	vmul.f32 $1.442695020e+00, v0  }
0x224: {  	v2 =	vpop (erf)  }
0x225: {  	v3 =	vpop (erf);
	(erf) = vpow2.f32 v0  }
0x226: {  	v4 =	vld [tilespmem:s3+$0x7A50]  }
0x227: {  	v1 =	vld [tilespmem:s3+$0x7A40];
	v2 =	vadd.f32 $1.000000000e+00, v2  }
0x228: {  	v0 =	vld [tilespmem:s3+$0x7A20];
	v3 =	vadd.f32 $1.000000000e+00, v3;
	v5 =	vpop (erf)  }
0x229: {  	v5 =	vadd.f32 $1.000000000e+00, v5;
	(erf) = vrcp.f32 v2;
	v2 =	vld [tilespmem:s3+$0x7A60];
	v6 =	vpop (erf)  }
0x22a: {  	(erf) = vrcp.f32 v3;
	v3 =	vld [tilespmem:s3+$0x7A00];
	v9 =	vadd.f32 $1.000000000e+00, v6;
	v6 =	vpop (erf)  }
0x22b: {  	(erf) = vrcp.f32 v5;
	v5 =	vld [tilespmem:s3+$0x7A10];
	v7 =	vpop (erf)  }
0x22c: {  	s17 =	simm.s32 $0x200;
	s10 =	simm.s32 $0x400;
	v6 =	vadd.f32 $1.000000000e+00, v6;
	(erf) = vrcp.f32 v9;
	v7 =	vmul.f32 v7, v4;
	v4 =	vld [tilespmem:s3+$0x7A70];
	v8 =	vpop (erf)  }
.LBB2_10:
0x22d: {  	p0 =	sne.s32 s10, $0x5E00  }
0x22e: {  	s16 =	sshra.s32 s17, $0x2;
	v9 =	vld [tilespmem:s3+$0x7A30];
	v8 =	vadd.f32 $1.000000000e+00, v8;
	(erf) = vrcp.f32 v6;
	v6 =	vpop (erf);
	s17 =	smov.u32 s10;
	s10 =	sadd.s32 $0x200, s10  }
0x22f: {  	v10 =	vld [tilespmem:s16+$0x4A50];
	v6 =	vadd.f32 $1.000000000e+00, v6;
	[tilespmem:s3+$0x1A50] =	vst v7  }
0x230: {  	v7 =	vld [tilespmem:s16+$0x1A50];
	(erf) = vrcp.f32 v8  }
0x231: {  	v8 =	vld [tilespmem:s16+$0x4A40];
	(erf) = vrcp.f32 v6  }
0x232: {  	v6 =	vld [tilespmem:s16+$0x4A20];
	v11 =	vpop (erf)  }
0x233: {  	v12 =	vld [tilespmem:s16+$0x4A30];
	v1 =	vmul.f32 v11, v1;
	v11 =	vpop (erf)  }
0x234: {  	v13 =	vld [tilespmem:s16+$0x4A00];
	v15 =	vmul.f32 v11, v9;
	v11 =	vpop (erf)  }
0x235: {  	v14 =	vld [tilespmem:s16+$0x4A10];
	v7 =	vadd.f32 v10, v7;
	v11 =	vmul.f32 v11, v5;
	[tilespmem:s3+$0x1A40] =	vst v1  }
0x236: {  	v1 =	vld [tilespmem:s16+$0x1A40];
	[tilespmem:s3+$0x1A30] =	vst v15;
	v9 =	vpop (erf)  }
0x237: {  	v10 =	vld [tilespmem:s16+$0x1A30];
	v7 =	vsub.f32 $0.0e+00, v7;
	[tilespmem:s3+$0x1A10] =	vst v11;
	v11 =	vmul.f32 v9, v4;
	v5 =	vpop (erf)  }
0x238: {  	v9 =	vld [tilespmem:s16+$0x1A10];
	v15 =	vmul.f32 v5, v3  }
0x239: {  	v5 =	vmul.f32 $1.442695020e+00, v7;
	v7 =	vld [tilespmem:s16+$0x4A70];
	[tilespmem:s3+$0x1A70] =	vst v11;
	v4 =	vpop (erf)  }
0x23a: {  	v11 =	vld [tilespmem:s16+$0x1A70];
	[tilespmem:s3+$0x1A00] =	vst v15;
	v2 =	vmul.f32 v4, v2;
	v3 =	vpop (erf)  }
0x23b: {  	v4 =	vld [tilespmem:s16+$0x1A00];
	v1 =	vadd.f32 v8, v1;
	(erf) = vpow2.f32 v5;
	v0 =	vmul.f32 v3, v0  }
0x23c: {  	v3 =	vadd.f32 v12, v10;
	v5 =	vld [tilespmem:s16+$0x4A60];
	[tilespmem:s3+$0x1A60] =	vst v2  }
0x23d: {  	v2 =	vadd.f32 v14, v9;
	v1 =	vsub.f32 $0.0e+00, v1;
	v8 =	vld [tilespmem:s16+$0x1A60];
	[tilespmem:s3+$0x1A20] =	vst v0;
	s3 =	smov.u32 s16  }
0x23e: {  	v0 =	vld [tilespmem:s3+$0x1A20];
	v3 =	vsub.f32 $0.0e+00, v3  }
0x23f: {  	v2 =	vsub.f32 $0.0e+00, v2;
	v9 =	vmul.f32 $1.442695020e+00, v1;
	v1 =	vld [tilespmem:s3+$0x7A40];
	v7 =	vadd.f32 v7, v11  }
0x240: {  	v4 =	vadd.f32 v13, v4;
	v3 =	vmul.f32 $1.442695020e+00, v3  }
0x241: {  	v2 =	vmul.f32 $1.442695020e+00, v2;
	v7 =	vsub.f32 $0.0e+00, v7;
	(erf) = vpow2.f32 v9  }
0x242: {  	v4 =	vsub.f32 $0.0e+00, v4;
	v8 =	vadd.f32 v5, v8;
	(erf) = vpow2.f32 v3  }
0x243: {  	v0 =	vadd.f32 v6, v0;
	v3 =	vmul.f32 $1.442695020e+00, v7;
	(erf) = vpow2.f32 v2  }
0x244: {  	v2 =	vmul.f32 $1.442695020e+00, v4;
	v4 =	vsub.f32 $0.0e+00, v8;
	v5 =	vpop (erf)  }
0x245: {  	v0 =	vsub.f32 $0.0e+00, v0;
	v5 =	vadd.f32 $1.000000000e+00, v5;
	(erf) = vpow2.f32 v3  }
0x246: {  	v3 =	vmul.f32 $1.442695020e+00, v4;
	(erf) = vpow2.f32 v2  }
0x247: {  	v2 =	vmul.f32 $1.442695020e+00, v0;
	(erf) = vrcp.f32 v5  }
0x248: {  	(erf) = vpow2.f32 v3  }
0x249: {  	(erf) = vpow2.f32 v2  }
0x24a: {  	v0 =	vpop (erf)  }
0x24b: {  	v2 =	vadd.f32 $1.000000000e+00, v0;
	v4 =	vld [tilespmem:s3+$0x7A50];
	v0 =	vpop (erf)  }
0x24c: {  	v3 =	vadd.f32 $1.000000000e+00, v0;
	v0 =	vpop (erf)  }
.Ltmp4:
0x24d: {  	v5 =	vadd.f32 $1.000000000e+00, v0;
	v0 =	vld [tilespmem:s3+$0x7A20];
	(erf) = vrcp.f32 v2;
	(pc) =	sbr.rel @p0 .LBB2_10-.Ltmp4, $4  }
0x24e: {  	v2 =	vld [tilespmem:s3+$0x7A60];
	(erf) = vrcp.f32 v3;
	v6 =	vpop (erf)  }
0x24f: {  	v3 =	vld [tilespmem:s3+$0x7A00];
	v9 =	vadd.f32 $1.000000000e+00, v6;
	v6 =	vpop (erf);
	(erf) = vrcp.f32 v5  }
0x250: {  	v6 =	vadd.f32 $1.000000000e+00, v6;
	v5 =	vld [tilespmem:s3+$0x7A10];
	v7 =	vpop (erf)  }
0x251: {  	v7 =	vmul.f32 v7, v4;
	v4 =	vld [tilespmem:s3+$0x7A70];
	v8 =	vpop (erf);
	(erf) = vrcp.f32 v9  }
0x252: {  	s10 =	sshra.s32 s17, $0x2;
	v9 =	vld [tilespmem:s3+$0x7A30];
	v12 =	vpop (erf);
	(erf) = vrcp.f32 v6;
	v8 =	vadd.f32 $1.000000000e+00, v8  }
0x253: {  	v10 =	vld [tilespmem:s10+$0x4A50];
	[tilespmem:s3+$0x1A50] =	vst v7;
	v57 =	vadd.f32 $1.000000000e+00, v12  }
0x254: {  	v7 =	vld [tilespmem:s10+$0x1A50];
	(erf) = vrcp.f32 v8  }
0x255: {  	v11 =	vld [tilespmem:s10+$0x4A40];
	(erf) = vrcp.f32 v57  }
0x256: {  	v13 =	vld [tilespmem:s10+$0x4A20];
	v55 =	vpop (erf)  }
0x257: {  	v14 =	vld [tilespmem:s10+$0x4A30];
	v1 =	vmul.f32 v55, v1;
	v15 =	vpop (erf)  }
0x258: {  	v56 =	vld [tilespmem:s10+$0x4A00];
	v9 =	vmul.f32 v15, v9;
	v58 =	vpop (erf)  }
0x259: {  	v16 =	vld [tilespmem:s10+$0x4A10];
	[tilespmem:s3+$0x1A40] =	vst v1;
	v1 =	vmul.f32 v58, v5;
	v7 =	vadd.f32 v10, v7  }
0x25a: {  	v59 =	vld [tilespmem:s10+$0x1A40];
	[tilespmem:s3+$0x1A30] =	vst v9;
	v61 =	vpop (erf)  }
0x25b: {  	v60 =	vld [tilespmem:s10+$0x1A30];
	[tilespmem:s3+$0x1A10] =	vst v1;
	v62 =	vmul.f32 v61, v4;
	v15 =	vpop (erf);
	v17 =	vsub.f32 $0.0e+00, v7  }
0x25c: {  	v63 =	vld [tilespmem:s10+$0x1A10];
	v3 =	vmul.f32 v15, v3  }
0x25d: {  	v9 =	vld [tilespmem:s10+$0x4A70];
	[tilespmem:s3+$0x1A70] =	vst v62;
	v19 =	vpop (erf);
	v1 =	vmul.f32 $1.442695020e+00, v17  }
0x25e: {  	v18 =	vld [tilespmem:s10+$0x1A70];
	[tilespmem:s3+$0x1A00] =	vst v3;
	v2 =	vmul.f32 v19, v2;
	v20 =	vpop (erf)  }
0x25f: {  	v3 =	vld [tilespmem:s10+$0x1A00];
	(erf) = vpow2.f32 v1;
	v0 =	vmul.f32 v20, v0  }
0x260: {  	v21 =	vld [tilespmem:s10+$0x4A60];
	v22 =	vadd.f32 v11, v59;
	[tilespmem:s3+$0x1A60] =	vst v2;
	v23 =	vadd.f32 v14, v60  }
0x261: {  	v24 =	vld [tilespmem:s10+$0x1A60];
	v4 =	vadd.f32 v16, v63;
	[tilespmem:s3+$0x1A20] =	vst v0  }
0x262: {  	v25 =	vsub.f32 $0.0e+00, v22;
	v26 =	vld [tilespmem:s10+$0x1A20];
	v2 =	vsub.f32 $0.0e+00, v23  }
0x263: {  	v4 =	vsub.f32 $0.0e+00, v4;
	v7 =	vadd.f32 v9, v18  }
0x264: {  	v0 =	vmul.f32 $1.442695020e+00, v25;
	v3 =	vadd.f32 v56, v3  }
0x265: {  	v2 =	vmul.f32 $1.442695020e+00, v2;
	v4 =	vmul.f32 $1.442695020e+00, v4;
	v27 =	vsub.f32 $0.0e+00, v7  }
0x266: {  	(erf) = vpow2.f32 v0;
	v28 =	vsub.f32 $0.0e+00, v3;
	v29 =	vadd.f32 v21, v24  }
0x267: {  	(erf) = vpow2.f32 v2;
	v1 =	vadd.f32 v13, v26;
	v30 =	vmul.f32 $1.442695020e+00, v27  }
0x268: {  	(erf) = vpow2.f32 v4;
	v0 =	vmul.f32 $1.442695020e+00, v28;
	v3 =	vsub.f32 $0.0e+00, v29;
	v31 =	vpop (erf)  }
0x269: {  	v1 =	vsub.f32 $0.0e+00, v1;
	v4 =	vadd.f32 $1.000000000e+00, v31;
	(erf) = vpow2.f32 v30  }
0x26a: {  	v32 =	vmul.f32 $1.442695020e+00, v3;
	(erf) = vpow2.f32 v0  }
0x26b: {  	v33 =	vmul.f32 $1.442695020e+00, v1;
	(erf) = vrcp.f32 v4  }
0x26c: {  	(erf) = vpow2.f32 v32  }
0x26d: {  	(erf) = vpow2.f32 v33;
	_ =	sdelay $0x1  }
0x26e: {  	v34 =	vpop (erf)  }
0x26f: {  	v35 =	vpop (erf)  }
0x270: {  	v0 =	vadd.f32 $1.000000000e+00, v34;
	v36 =	vpop (erf)  }
0x271: {  	v1 =	vadd.f32 $1.000000000e+00, v35;
	v37 =	vpop (erf)  }
0x272: {  	v2 =	vadd.f32 $1.000000000e+00, v36;
	(erf) = vrcp.f32 v0;
	v38 =	vpop (erf)  }
0x273: {  	(erf) = vrcp.f32 v1;
	v39 =	vadd.f32 $1.000000000e+00, v37;
	v40 =	vpop (erf)  }
0x274: {  	(erf) = vrcp.f32 v2;
	v0 =	vadd.f32 $1.000000000e+00, v38;
	v41 =	vpop (erf)  }
0x275: {  	(erf) = vrcp.f32 v39;
	v42 =	vadd.f32 $1.000000000e+00, v41;
	v43 =	vpop (erf)  }
0x276: {  	v44 =	vld [tilespmem:s10+$0x7A50];
	(erf) = vrcp.f32 v0;
	v45 =	vadd.f32 $1.000000000e+00, v43  }
0x277: {  	v46 =	vld [tilespmem:s10+$0x7A40];
	(erf) = vrcp.f32 v42  }
0x278: {  	v47 =	vld [tilespmem:s10+$0x7A30];
	(erf) = vrcp.f32 v45  }
0x279: {  	v48 =	vld [tilespmem:s10+$0x7A10]  }
0x27a: {  	v49 =	vld [tilespmem:s10+$0x7A70]  }
0x27b: {  	v50 =	vld [tilespmem:s10+$0x7A00];
	v3 =	vmul.f32 v40, v44;
	v51 =	vpop (erf)  }
0x27c: {  	v52 =	vld [tilespmem:s10+$0x7A60];
	v2 =	vmul.f32 v51, v46;
	v53 =	vpop (erf)  }
0x27d: {  	v54 =	vld [tilespmem:s10+$0x7A20];
	[tilespmem:s10+$0x1A50] =	vst v3;
	v1 =	vmul.f32 v53, v47;
	v55 =	vpop (erf)  }
0x27e: {  	v0 =	vmul.f32 v55, v48;
	[tilespmem:s10+$0x1A40] =	vst v2;
	v56 =	vpop (erf)  }
0x27f: {  	[tilespmem:s10+$0x1A30] =	vst v1;
	v57 =	vmul.f32 v56, v49;
	v58 =	vpop (erf)  }
0x280: {  	[tilespmem:s10+$0x1A10] =	vst v0;
	v59 =	vmul.f32 v58, v50;
	v60 =	vpop (erf)  }
0x281: {  	[tilespmem:s10+$0x1A70] =	vst v57;
	v61 =	vmul.f32 v60, v52;
	v62 =	vpop (erf)  }
0x282: {  	[tilespmem:s10+$0x1A00] =	vst v59;
	v63 =	vmul.f32 v62, v54  }
0x283: {  	[tilespmem:s10+$0x1A60] =	vst v61  }
0x284: {  	[tilespmem:s10+$0x1A20] =	vst v63  }
0x285: {  	[spmem:s1] =	stream.indirect.scatter.add.f32 [tilespmem:s29], [sflag:$0x7], $0x80, s28, s22, $0xb8;
	[tilespmem:$0x1D200] =	vst v63  }
0x286: {  	_ =	swait.ge [sflag:s20], $0x1800  }
0x287: {  	[sflag:s20] =	ssyncset.done $0x0  }
0x288: {  	[sflag:s20] =	ssyncadd.s32 $0xFFFFE800  }
0x289: {  	[bflag:$0x0] =	sbarrier.arrive $0xFFFF  }
0x28a: {  	s16 =	rddreg [dreg:$0x4]  }
0x28b: {  	s17 =	rddreg [dreg:$0x9]  }
0x28c: {  	s10 =	rddreg [dreg:$0xb]  }
0x28d: {  	[hbm:s17], [sflag:s16] =	dma.local [spmem:s10], $0x2800  }
0x28e: {  	_ =	swait.ge [sflag:s20], $0x2800  }
0x28f: {  	s18 =	rddreg [dreg:$0xc]  }
0x290: {  	s19 =	rddreg [dreg:$0xa];
	s17 =	sadd.s32 $0x1, s18  }
0x291: {  	p0 =	sne.s32 s17, s19  }
.Ltmp5:
0x292: {  	_ = 	snop;
	(pc) =	sbr.rel @p0 .LBB2_1-.Ltmp5, $3  }
0x293: {  	_ =	sdelay $0x1  }
0x294: {  	[sflag:s20] =	ssyncset.done $0x0  }
0x295: {  	[sflag:s20] =	ssyncadd.s32 $0xFFFFD800  }
0x296: {  	_ =	sfence.sel $0x180000  }
0x297: {  	[bflag:$0x0] =	sbarrier.arrive $0xFFFF  }
0x298: {  	_ =	strace $0x9000004A  }
0x299: {  	s0 =	stileid.u32;
	[bflag:$0x2] =	sbarrier.arrive $0xFFFF  }
0x29a: {  	p0 =	sne.s32 s0, $0x0;
	s0 =	rddreg [dreg:$0x2]  }
0x29b: {  	s0 =	sadd.s32 @!p0 $0x100000, s0  }
0x29c: {  	[sflag:s0] =	ssyncadd.tile.s32 @!p0 $0x1;
	_ =	shalt  }
.Lfunc_end2:
_tile_overlayer_lowered:
.L_overlay_start_2:
0x29d: {  	(tag) =	ssettag $0x2  }
0x29e: {  	s0 =	rddreg [dreg:$0x0];
	s2 =	stileid.u32  }
0x29f: {  	s1 =	rddreg [dreg:$0x1];
	p0 =	sne.s32 s2, $0x0  }
0x2a0: {  	s3 =	rddreg [dreg:$0x2];
	[bflag:$0x3] =	sbarrier.arrive $0xFFFF;
	s2 =	simm.s32 @!p0 $0x1C07  }
0x2a1: {  	[timem:s3], [sflag:s2] =	dma.local @!p0 [hbm:s0], s1  }
0x2a2: {  	s0 =	simm.s32 @!p0 $0x7  }
0x2a3: {  	_ =	swait.ge @!p0 [sflag:s0], s1  }
0x2a4: {  	s1 =	ssub.s32 @!p0 $0x0, s1;
	[sflag:s0] =	ssyncset.done @!p0 $0x0  }
0x2a5: {  	[sflag:s0] =	ssyncadd.s32 @!p0 s1  }
0x2a6: {  	[bflag:$0x3] =	sbarrier.arrive $0xFFFF  }
0x2a7: {  	_ =	shalt  }

// kernel: kernel.14.cloned.1.call-start
scs
__scs_entry_jumppad:
0x0: {  	(pc) =	sbr.rel $0x88, $3  }
0x1: {  	(tag) =	ssettag $0x0;
	lr =	simm.s32 $0x1  }
0x2: {  	[smem:$0x3F90] =	sst lr;
	_ =	strace $0xD0000000  }
0x3: {  	_ = 	snop  }
0x4: {  	_ = 	snop  }
0x5: {  	_ = 	snop  }
0x6: {  	_ = 	snop  }
0x7: {  	_ = 	snop  }
__scs_overlays_trampoline_lowered:
0x8: {  	[smem:$0x3F9F] =	sst s0  }
0x9: {  	[smem:$0x3FA0] =	sst s1  }
0xa: {  	[smem:$0x3FA1] =	sst s2  }
0xb: {  	[smem:$0x3FA2] =	sst s3  }
0xc: {  	[smem:$0x3FA3] =	sst s4  }
0xd: {  	[smem:$0x3FA4] =	sst s5  }
0xe: {  	[smem:$0x3FA5] =	sst s6  }
0xf: {  	[smem:$0x3FA6] =	sst s7  }
0x10: {  	[smem:$0x3FA7] =	sst s8  }
0x11: {  	[smem:$0x3FA8] =	sst s9;
	s0 =	simm.s32 @!p0 $0x0  }
0x12: {  	s1 =	sld [smem:$0x3F8E];
	s0 =	simm.s32 @p0 $0x1  }
0x13: {  	[smem:$0x3FA9] =	sst s0;
	s0 =	simm.s32 @!p1 $0x0  }
0x14: {  	s2 =	sld [smem:$0x3F8D];
	s0 =	simm.s32 @p1 $0x1  }
0x15: {  	[smem:$0x3FAA] =	sst s0;
	s0 =	simm.s32 @!p2 $0x0  }
0x16: {  	s3 =	sld [smem:$0x3FDB];
	s0 =	simm.s32 @p2 $0x1  }
0x17: {  	s4 =	simm.s32 $0x1BF5;
	[smem:$0x3FAC] =	sst s0  }
0x18: {  	s0 =	sld [smem:$0x3F8F];
	_ =	swait.ge [sflag:s4], $0x0  }
0x19: {  	s7 =	sld [smem:$0x3F90]  }
0x1a: {  	s8 =	sadd.s32 $0xFFFFE003, lr  }
0x1b: {  	s9 =	sadd.s32 $0xFFFFFEF7, lr;
	s5 =	simm.s32 $0xFFFFFFFF;
	p2 =	slt.u32 s8, $0xFFFFF086  }
0x1c: {  	p1 =	slt.u32 s9, $0xF7A;
	s5 =	simm.s32 @!p2 $0x0  }
0x1d: {  	s5 =	simm.s32 @p1 $0x1;
	p0 =	seq.s32 s7, s2  }
0x1e: {  	s7 =	smul.u32 @!p0 $0xF7A, s2;
	p2 =	seq.s32 @!p0 s5, $0x0  }
0x1f: {  	s9 =	smul.u32 $0xF7A, s1;
	s8 =	simm.s32 @!p0 $0x1BF5;
	p2 =	por !p2, p0  }
0x20: {  	[sflag:s8] =	ssyncset.s32 @!p0 $0xFFFFF086;
	s6 =	sadd.s32 @!p0 s3, s7;
	s7 =	simm.s32 @!p0 $0x108  }
0x21: {  	s3 =	sadd.s32 s3, s9;
	s6 =	sadd.s32 @!p0 $0x88, s6;
	s7 =	simm.s32 @p2 $0x1082  }
0x22: {  	[simem:s7], [sflag:s8] =	dma.local @!p0 [hbm:s6], $0xF7A  }
0x23: {  	s9 =	sor.u32 $0xD0000000, s2;
	s6 =	simm.s32 $0x108;
	_ =	swait.ge @!p0 [sflag:s8], $0x0  }
0x24: {  	s3 =	sadd.s32 $0x88, s3;
	s6 =	simm.s32 @!p1 $0x1082;
	[sflag:s4] =	ssyncset.s32 $0xFFFFF086  }
0x25: {  	[simem:s6], [sflag:s4] =	dma.local [hbm:s3], $0xF7A  }
0x26: {  	[smem:$0x3F90] =	sst s1;
	(tag) =	ssettag s2;
	_ =	strace s9  }
0x27: {  	s1 =	sld [smem:$0x3FA0]  }
0x28: {  	s2 =	sld [smem:$0x3FA1]  }
0x29: {  	s4 =	sld [smem:$0x3FA3]  }
0x2a: {  	p0 =	seq.s32 s5, $0x0;
	s5 =	sld [smem:$0x3FA4]  }
0x2b: {  	s6 =	sld [smem:$0x3FA5]  }
0x2c: {  	s7 =	sld [smem:$0x3FA6]  }
0x2d: {  	s3 =	simm.s32 $0x108;
	s8 =	sld [smem:$0x3FA7]  }
0x2e: {  	s3 =	simm.s32 @!p0 $0x1082;
	s9 =	sld [smem:$0x3FA8]  }
0x2f: {  	lr =	sadd.s32 s0, s3;
	s0 =	sld [smem:$0x3F9F]  }
0x30: {  	s3 =	sld [smem:$0x3FA2]  }
0x31: {  	[smem:$0x3FAB] =	sst s10  }
0x32: {  	s10 =	sld [smem:$0x3FA9];
	_ =	sdelay $0x3  }
0x33: {  	p0 =	seq.s32 s10, $0x1;
	s10 =	sld [smem:$0x3FAB];
	_ =	sdelay $0x3  }
0x34: {  	[smem:$0x3FAB] =	sst s10  }
0x35: {  	s10 =	sld [smem:$0x3FAA];
	_ =	sdelay $0x3  }
0x36: {  	p1 =	seq.s32 s10, $0x1;
	s10 =	sld [smem:$0x3FAB];
	_ =	sdelay $0x3  }
0x37: {  	[smem:$0x3FAB] =	sst s10  }
0x38: {  	s10 =	sld [smem:$0x3FAC]  }
0x39: {  	_ = 	snop;
	(pc) =	sbr.ind lr, $3  }
0x3a: {  	_ = 	snop  }
0x3b: {  	_ = 	snop  }
0x3c: {  	p2 =	seq.s32 s10, $0x1;
	s10 =	sld [smem:$0x3FAB]  }
0x3d: {  	_ =	shalt  }
0x3e: {  	_ =	shalt  }
0x3f: {  	_ =	shalt  }
0x40: {  	_ =	shalt  }
0x41: {  	_ =	shalt  }
0x42: {  	_ =	shalt  }
0x43: {  	_ =	shalt  }
0x44: {  	_ =	shalt  }
0x45: {  	_ =	shalt  }
0x46: {  	_ =	shalt  }
0x47: {  	_ =	shalt  }
0x48: {  	_ =	shalt  }
0x49: {  	_ =	shalt  }
0x4a: {  	_ =	shalt  }
0x4b: {  	_ =	shalt  }
0x4c: {  	_ =	shalt  }
0x4d: {  	_ =	shalt  }
0x4e: {  	_ =	shalt  }
0x4f: {  	_ =	shalt  }
0x50: {  	_ =	shalt  }
0x51: {  	_ =	shalt  }
0x52: {  	_ =	shalt  }
0x53: {  	_ =	shalt  }
0x54: {  	_ =	shalt  }
0x55: {  	_ =	shalt  }
0x56: {  	_ =	shalt  }
0x57: {  	_ =	shalt  }
0x58: {  	_ =	shalt  }
0x59: {  	_ =	shalt  }
0x5a: {  	_ =	shalt  }
0x5b: {  	_ =	shalt  }
0x5c: {  	_ =	shalt  }
0x5d: {  	_ =	shalt  }
0x5e: {  	_ =	shalt  }
0x5f: {  	_ =	shalt  }
0x60: {  	_ =	shalt  }
0x61: {  	_ =	shalt  }
0x62: {  	_ =	shalt  }
0x63: {  	_ =	shalt  }
0x64: {  	_ =	shalt  }
0x65: {  	_ =	shalt  }
0x66: {  	_ =	shalt  }
0x67: {  	_ =	shalt  }
0x68: {  	_ =	shalt  }
0x69: {  	_ =	shalt  }
0x6a: {  	_ =	shalt  }
0x6b: {  	_ =	shalt  }
0x6c: {  	_ =	shalt  }
0x6d: {  	_ =	shalt  }
0x6e: {  	_ =	shalt  }
0x6f: {  	_ =	shalt  }
0x70: {  	_ =	shalt  }
0x71: {  	_ =	shalt  }
0x72: {  	_ =	shalt  }
0x73: {  	_ =	shalt  }
0x74: {  	_ =	shalt  }
0x75: {  	_ =	shalt  }
0x76: {  	_ =	shalt  }
0x77: {  	_ =	shalt  }
0x78: {  	_ =	shalt  }
0x79: {  	_ =	shalt  }
0x7a: {  	_ =	shalt  }
0x7b: {  	_ =	shalt  }
0x7c: {  	_ =	shalt  }
0x7d: {  	_ =	shalt  }
0x7e: {  	_ =	shalt  }
0x7f: {  	_ =	shalt  }
0x80: {  	_ =	shalt  }
0x81: {  	_ =	shalt  }
0x82: {  	_ =	shalt  }
0x83: {  	_ =	shalt  }
0x84: {  	_ =	shalt  }
0x85: {  	_ =	shalt  }
0x86: {  	_ =	shalt  }
0x87: {  	_ =	shalt  }
.Lfunc_end0:
.L_simem_size_0:
called_computation.2_lowered:
.L_overlay_start_0:
0x88: {  	s2 =	sld [smem:$0x3FD9]  }
0x89: {  	s3 =	sld [smem:$0x3FFE];
	_ =	sdelay $0x1  }
0x8a: {  	s1 =	srdreg.scid  }
0x8b: {  	s0 =	sand.u32 $0x1, s1  }
0x8c: {  	s16 =	sshll.u32 s0, $0xA;
	s2 =	sadd.s32 s3, s2  }
0x8d: {  	s2 =	sadd.s32 s2, s16  }
0x8e: {  	[smem:$0x3FB7] =	sst s2  }
0x8f: {  	_ = 	snop  }
0x90: {  	(tm) =	ssettm $0x1  }
0x91: {  	s17 =	sld [smem:$0x3FFB];
	_ =	sdelay $0x3  }
0x92: {  	_ =	strace s17  }
0x93: {  	s2 =	sld [smem:$0x3FFC];
	_ =	sdelay $0x3  }
0x94: {  	_ =	strace s2  }
0x95: {  	s2 =	sld [smem:$0x3FFD];
	_ =	sdelay $0x3  }
0x96: {  	_ =	strace s2  }
0x97: {  	_ =	strace $0x8FFFFFFF  }
0x98: {  	s18 =	sld [smem:$0x3FDB];
	_ =	sdelay $0x1  }
0x99: {  	s19 =	simm.s32 $_scs_section_size  }
0x9a: {  	s4 =	simm.s32 $_size__tile_overlayer_lowered;
	s5 =	simm.s32 $_tile_overlayer_lowered  }
0x9b: {  	s22 =	simm.s32 $0x1BFF;
	s21 =	sshll.u32 s5, $0x1;
	s2 =	sadd.s32 s19, s18  }
0x9c: {  	s6 =	simm.s32 $0x0;
	s20 =	sshll.u32 s4, $0x1;
	s4 =	sadd.s32 s21, s2  }
0x9d: {  	[timem:s6], [sflag:s22] =	dma.local [hbm:s4], s20  }
0x9e: {  	_ =	swait.ge [sflag:s22], s20  }
0x9f: {  	s3 =	ssub.s32 $0x0, s20;
	[sflag:s22] =	ssyncset.done $0x0  }
0xa0: {  	[sflag:s22] =	ssyncadd.s32 s3;
	_ =	sdelay $0x1  }
0xa1: {  	s23 =	simm.s32 $0x1B8B  }
0xa2: {  	_ =	swait.ge [sflag:s23], $0x1  }
0xa3: {  	[sflag:s23] =	ssyncset.done $0x0  }
0xa4: {  	s25 =	simm.s32 $0x1B8E;
	s24 =	sld [smem:$0x3FFE];
	[sflag:s23] =	ssyncadd.s32 $0xFFFFFFFF  }
0xa5: {  	s26 =	simm.s32 $execute0_lowered;
	[smem:$0x3FD2] =	sst s25  }
0xa6: {  	s4 =	sshll.u32 s26, $0x1;
	_ =	strace $0x8000004C;
	[dreg:$0x1] =	wrdreg $0xFFFFFFFF  }
0xa7: {  	s28 =	simm.s32 $_size_execute0_lowered;
	s2 =	sadd.s32 s2, s4;
	[dreg:$0x0] =	wrdreg $0x0  }
0xa8: {  	s4 =	sshll.u32 s28, $0x1;
	[dreg:$0x2] =	wrdreg s2  }
0xa9: {  	[dreg:$0x3] =	wrdreg s4  }
0xaa: {  	[dreg:$0x4] =	wrdreg $0xC0  }
0xab: {  	_ =	task [dreg:s6], $0x5FFFF  }
0xac: {  	[dreg:$0x1] =	wrdreg $0xFFFFFFFF  }
0xad: {  	[dreg:$0x0] =	wrdreg $0x60  }
0xae: {  	[dreg:$0x2] =	wrdreg s24  }
0xaf: {  	[dreg:$0x3] =	wrdreg $0x5000  }
0xb0: {  	[dreg:$0x4] =	wrdreg $0x9  }
0xb1: {  	_ =	task.clear_ibuf [dreg:s6], $0x5FFFF;
	_ =	strace $0x9000004C  }
0xb2: {  	s29 =	simm.s32 $0x9;
	_ =	strace $0x8000004E  }
0xb3: {  	_ =	swait.ge [sflag:s29], $0x1  }
0xb4: {  	[sflag:s29] =	ssyncadd.s32 $0xFFFFFFFF  }
0xb5: {  	_ =	strace $0x9000004E  }
0xb6: {  	_ =	sfence  }
0xb7: {  	s30 =	sld [smem:$0x0];
	_ =	sdelay $0x2  }
0xb8: {  	s31 =	sshll.u32 s1, $0xD;
	s1 =	sshrl.u32 s1, $0x2  }
0xb9: {  	s3 =	sand.u32 $0x4000, s31;
	s1 =	sadd.s32 s1, s30  }
0xba: {  	s0 =	sor.u32 s3, s0;
	s1 =	sshll.u32 s1, $0x11  }
0xbb: {  	s0 =	sor.u32 s1, s0  }
0xbc: {  	s0 =	sadd.s32 $0x8F2B, s0  }
0xbd: {  	[sflag:s0] =	ssyncadd.remote.s32 $0x1  }
0xbe: {  	_ =	sfence.sel $0xFFFF  }
0xbf: {  	[dreg:$0x0] =	wrdreg $0xFFFFFFFF;
	(pc) =	sbr.abs _section_cstart, $3  }
0xc0: {  	[dreg:$0x1] =	wrdreg $0xFFFFFFFF  }
0xc1: {  	_ =	task.clear_ibuf [dreg:s6], $0x2FFFF;
	_ =	strace $0x9FFFFFFF  }
0xc2: {  	(tm) =	ssettm $0x7FFFFFFF  }
0xc3: {  	_ =	shalt  }
tec
execute0_lowered:
.L_overlay_start_1:
0x0: {  	(tag) =	ssettag $0x1  }
0x1: {  	s0 =	rddreg [dreg:$0x0]  }
0x2: {  	s1 =	rddreg [dreg:$0x1];
	s2 =	simm.s32 $0x0;
	s15 =	stileid.u32  }
0x3: {  	s9 =	srdreg.scid;
	s28 =	simm.s32 $0x280;
	s29 =	simm.s32 $0x380  }
0x4: {  	s30 =	simm.s32 $0x480;
	s31 =	simm.s32 $0x1;
	[smem:$0x7FF] =	sst s2  }
0x5: {  	s4 =	sadd.s32 $0x16200, s0;
	s5 =	sadd.s32 $0x16800, s0;
	s6 =	sadd.s32 $0x16E00, s0  }
0x6: {  	s7 =	sadd.s32 $0x2600, s0;
	s8 =	sadd.s32 $0xC400, s0;
	s3 =	smul.u32 $0x280, s15  }
0x7: {  	s9 =	sand.u32 $0x1, s9;
	s10 =	smul.u32 $0x500, s15;
	s11 =	sshll.u32 s15, $0x1  }
0x8: {  	s14 =	smul.u32 $0x4EC0, s15;
	s18 =	sshll.u32 s15, $0x6;
	_ =	strace $0x8000004D  }
0x9: {  	s13 =	sshll.u32 s9, $0x7;
	s11 =	sor.u32 s9, s11;
	s26 =	ssub.s32 $0x2, s9  }
0xa: {  	s9 =	smul.u32 $0x2760, s9;
	s12 =	sshrl.u32 s3, $0x3;
	s10 =	sor.u32 s13, s10  }
0xb: {  	s11 =	smul.u32 $0x2760, s11;
	s16 =	sshrl.u32 s26, $0x1;
	s3 =	sadd.s32 s3, s1  }
0xc: {  	s12 =	sadd.s32 s12, s0;
	s10 =	sshrl.u32 s10, $0x3;
	s13 =	ssub.s32 s26, s16  }
0xd: {  	s9 =	sadd.s32 s9, s14;
	s14 =	sor.u32 $0x1C07, s18;
	s16 =	sshrl.u32 s3, $0x3  }
0xe: {  	s3 =	simm.s32 $0x3;
	s0 =	sadd.s32 s10, s0;
	s17 =	sadd.s32 $0x17400, s12  }
0xf: {  	s11 =	sshrl.u32 s11, $0x3;
	s20 =	sadd.s32 $0x30, s9;
	s26 =	smax.u32 s13, $0x1  }
0x10: {  	s9 =	sadd.s32 $0x60, s9;
	s13 =	simm.s32 $0x0;
	[dreg:$0x5] =	wrdreg s17  }
0x11: {  	s19 =	sadd.s32 s7, s11;
	s21 =	sadd.s32 s8, s11;
	[dreg:$0xb] =	wrdreg s26  }
0x12: {  	s11 =	sadd.s32 $0x4E6, s11;
	s12 =	sshrl.u32 s20, $0x3;
	[dreg:$0xc] =	wrdreg s9  }
0x13: {  	s0 =	sadd.s32 $0x17A00, s0;
	s20 =	simm.s32 $0x100;
	[dreg:$0x6] =	wrdreg s19  }
0x14: {  	s26 =	simm.s32 $0x180;
	s9 =	simm.s32 $0x4;
	[dreg:$0x7] =	wrdreg s21  }
0x15: {  	s22 =	sadd.s32 s7, s11;
	s23 =	sadd.s32 s8, s11;
	[dreg:$0xa] =	wrdreg s0  }
0x16: {  	s24 =	sadd.s32 s12, s8;
	s25 =	sadd.s32 s12, s7;
	[dreg:$0x8] =	wrdreg s22  }
0x17: {  	s19 =	simm.s32 $0x7;
	s21 =	simm.s32 $0x30;
	[dreg:$0x9] =	wrdreg s23  }
0x18: {  	s0 =	simm.s32 $0x2;
	s11 =	simm.s32 $0x5;
	[dreg:$0x3] =	wrdreg s24  }
0x19: {  	s12 =	simm.s32 $0x6;
	[dreg:$0x4] =	wrdreg s25;
	s22 =	simm.s32 $0x200  }
0x1a: {  	s23 =	simm.s32 $0x300;
	s24 =	simm.s32 $0x400;
	s25 =	simm.s32 $0x80  }
.LBB2_1:
0x1b: {  	s10 =	rddreg [dreg:$0x5]  }
0x1c: {  	[spmem:s16], [sflag:s14] =	dma.local [hbm:s10], $0x50  }
0x1d: {  	_ =	swait.ge [sflag:s19], $0x50  }
0x1e: {  	[sflag:s19] =	ssyncset.done $0x0  }
0x1f: {  	[sflag:s19] =	ssyncadd.s32 $0xFFFFFFB0  }
0x20: {  	[bflag:$0x0] =	sbarrier.arrive $0xFFFF  }
0x21: {  	s18 =	smov.u32 s14;
	s14 =	rddreg [dreg:$0x6]  }
0x22: {  	[tilespmem:s2], [sflag:$0x7] =	stream.linear.gather [hbm4b:s14+s2], $0x30, $0x38;
	[tilespmem:$0x780] =	vst v63  }
0x23: {  	_ =	swait.ge [sflag:s19], $0x30  }
0x24: {  	[sflag:s19] =	ssyncset.done $0x0  }
0x25: {  	s15 =	smov.u32 s16;
	s16 =	rddreg [dreg:$0x7];
	[sflag:s19] =	ssyncadd.s32 $0xFFFFFFD0  }
0x26: {  	[tilespmem:s20], [sflag:$0x7] =	stream.linear.gather [hbm4b:s16+s2], $0x30, $0x38;
	[tilespmem:$0x780] =	vst v63  }
0x27: {  	_ =	swait.ge [sflag:s19], $0x30  }
0x28: {  	[sflag:s19] =	ssyncset.done $0x0  }
0x29: {  	[sflag:s19] =	ssyncadd.s32 $0xFFFFFFD0  }
0x2a: {  	[tilespmem:s22], [sflag:$0x1] =	stream.indirect.gather [hbm4b:s4+s21], $0x1, s20, s21, $0xb8;
	[tilespmem:$0x780] =	vst v63  }
0x2b: {  	_ = 	snop  }
0x2c: {  	[tilespmem:s23], [sflag:$0x2] =	stream.indirect.gather [hbm4b:s5+s21], $0x1, s2, s21, $0xb8;
	[tilespmem:$0x780] =	vst v63  }
0x2d: {  	s17 =	rddreg [dreg:$0x4]  }
0x2e: {  	[tilespmem:s24], [sflag:$0x3] =	stream.indirect.gather [hbm4b:s6+s21], $0x1, s2, s21, $0xb8;
	[tilespmem:$0x780] =	vst v63  }
0x2f: {  	s14 =	sadd.s32 $0x0, s17  }
0x30: {  	[tilespmem:s25], [sflag:$0x7] =	stream.linear.gather [hbm4b:s14+s2], $0x30, $0x38;
	[tilespmem:$0x780] =	vst v63  }
0x31: {  	_ =	swait.ge [sflag:s19], $0x30  }
0x32: {  	s10 =	rddreg [dreg:$0x3];
	[sflag:s19] =	ssyncset.done $0x0  }
0x33: {  	[sflag:s19] =	ssyncadd.s32 $0xFFFFFFD0;
	s14 =	sadd.s32 $0x0, s10  }
0x34: {  	[tilespmem:s26], [sflag:$0x7] =	stream.linear.gather [hbm4b:s14+s2], $0x30, $0x38;
	[tilespmem:$0x780] =	vst v63  }
0x35: {  	_ =	swait.ge [sflag:s19], $0x30  }
0x36: {  	[sflag:s19] =	ssyncset.done $0x0  }
0x37: {  	[sflag:s19] =	ssyncadd.s32 $0xFFFFFFD0  }
0x38: {  	[tilespmem:s28], [sflag:$0x4] =	stream.indirect.gather [hbm4b:s4+s21], $0x1, s26, s21, $0xb8;
	[tilespmem:$0x780] =	vst v63  }
0x39: {  	_ = 	snop  }
0x3a: {  	[tilespmem:s29], [sflag:$0x5] =	stream.indirect.gather [hbm4b:s5+s21], $0x1, s25, s21, $0xb8;
	[tilespmem:$0x780] =	vst v63  }
0x3b: {  	_ = 	snop  }
0x3c: {  	[tilespmem:s30], [sflag:$0x6] =	stream.indirect.gather [hbm4b:s6+s21], $0x1, s25, s21, $0xb8;
	[tilespmem:$0x780] =	vst v63  }
0x3d: {  	_ =	swait.ge [sflag:s31], $0x30  }
0x3e: {  	[sflag:s31] =	ssyncset.done $0x0  }
0x3f: {  	[sflag:s31] =	ssyncadd.s32 $0xFFFFFFD0  }
0x40: {  	_ =	swait.ge [sflag:s0], $0x30  }
0x41: {  	[sflag:s0] =	ssyncset.done $0x0  }
0x42: {  	[sflag:s0] =	ssyncadd.s32 $0xFFFFFFD0  }
0x43: {  	_ =	swait.ge [sflag:s3], $0x30  }
0x44: {  	[sflag:s3] =	ssyncset.done $0x0  }
0x45: {  	[sflag:s3] =	ssyncadd.s32 $0xFFFFFFD0  }
0x46: {  	v0 =	vld [tilespmem:$0x320]  }
0x47: {  	v1 =	vld [tilespmem:$0x310]  }
0x48: {  	v2 =	vld [tilespmem:$0x200]  }
0x49: {  	v3 =	vld [tilespmem:$0x210]  }
0x4a: {  	v4 =	vld [tilespmem:$0x220]  }
0x4b: {  	v5 =	vld [tilespmem:$0x300];
	_ =	sdelay $0x2  }
0x4c: {  	v1 =	vadd.f32 v1, v3  }
0x4d: {  	v0 =	vadd.f32 v0, v4  }
0x4e: {  	v2 =	vadd.f32 v5, v2;
	v1 =	vsub.f32 $0.0e+00, v1  }
0x4f: {  	v0 =	vsub.f32 $0.0e+00, v0  }
0x50: {  	v2 =	vsub.f32 $0.0e+00, v2;
	v1 =	vmul.f32 $1.442695020e+00, v1  }
0x51: {  	v0 =	vmul.f32 $1.442695020e+00, v0  }
0x52: {  	v2 =	vmul.f32 $1.442695020e+00, v2;
	(erf) = vpow2.f32 v1  }
0x53: {  	(erf) = vpow2.f32 v0  }
0x54: {  	(erf) = vpow2.f32 v2;
	_ =	sdelay $0x6  }
0x55: {  	v0 =	vpop (erf)  }
0x56: {  	v0 =	vadd.f32 $1.000000000e+00, v0;
	v1 =	vpop (erf)  }
0x57: {  	v1 =	vadd.f32 $1.000000000e+00, v1;
	v2 =	vpop (erf)  }
0x58: {  	v2 =	vadd.f32 $1.000000000e+00, v2;
	(erf) = vrcp.f32 v0  }
0x59: {  	(erf) = vrcp.f32 v1  }
0x5a: {  	(erf) = vrcp.f32 v2;
	_ =	sdelay $0x2  }
0x5b: {  	v0 =	vld [tilespmem:$0x410]  }
0x5c: {  	v1 =	vld [tilespmem:$0x420]  }
0x5d: {  	v2 =	vld [tilespmem:$0x400];
	_ =	sdelay $0x1  }
0x5e: {  	v3 =	vpop (erf)  }
0x5f: {  	v0 =	vmul.f32 v3, v0;
	v3 =	vpop (erf)  }
0x60: {  	v1 =	vmul.f32 v3, v1;
	v3 =	vpop (erf)  }
0x61: {  	v2 =	vmul.f32 v3, v2;
	[tilespmem:$0x210] =	vst v0  }
0x62: {  	[tilespmem:$0x220] =	vst v1  }
0x63: {  	[tilespmem:$0x200] =	vst v2  }
0x64: {  	[spmem:s1] =	stream.indirect.scatter.add.f32 [tilespmem:s22], [sflag:$0x7], $0x1, s20, s21, $0xb8;
	[tilespmem:$0x780] =	vst v63  }
0x65: {  	_ =	swait.ge [sflag:s19], $0x30  }
0x66: {  	s10 =	rddreg [dreg:$0xc]  }
0x67: {  	[sflag:s19] =	ssyncset.done $0x0;
	s16 =	sshrl.u32 s10, $0x3  }
0x68: {  	[sflag:s19] =	ssyncadd.s32 $0xFFFFFFD0;
	s17 =	sadd.s32 s7, s16  }
0x69: {  	[tilespmem:s2], [sflag:$0x7] =	stream.linear.gather [hbm4b:s17+s2], $0x30, $0x38;
	[tilespmem:$0x780] =	vst v63  }
0x6a: {  	_ =	swait.ge [sflag:s19], $0x30  }
0x6b: {  	[sflag:s19] =	ssyncset.done $0x0  }
0x6c: {  	s14 =	sadd.s32 s8, s16;
	[sflag:s19] =	ssyncadd.s32 $0xFFFFFFD0  }
0x6d: {  	[tilespmem:s20], [sflag:$0x7] =	stream.linear.gather [hbm4b:s14+s2], $0x30, $0x38;
	[tilespmem:$0x780] =	vst v63  }
0x6e: {  	_ =	swait.ge [sflag:s19], $0x30  }
0x6f: {  	[sflag:s19] =	ssyncset.done $0x0  }
0x70: {  	[sflag:s19] =	ssyncadd.s32 $0xFFFFFFD0  }
0x71: {  	[tilespmem:s22], [sflag:$0x1] =	stream.indirect.gather [hbm4b:s4+s21], $0x1, s20, s21, $0xb8;
	[tilespmem:$0x780] =	vst v63  }
0x72: {  	_ = 	snop  }
0x73: {  	[tilespmem:s23], [sflag:$0x2] =	stream.indirect.gather [hbm4b:s5+s21], $0x1, s2, s21, $0xb8;
	[tilespmem:$0x780] =	vst v63  }
0x74: {  	_ = 	snop  }
0x75: {  	[tilespmem:s24], [sflag:$0x3] =	stream.indirect.gather [hbm4b:s6+s21], $0x1, s2, s21, $0xb8;
	[tilespmem:$0x780] =	vst v63  }
0x76: {  	_ =	swait.ge [sflag:s9], $0x30  }
0x77: {  	[sflag:s9] =	ssyncset.done $0x0  }
0x78: {  	[sflag:s9] =	ssyncadd.s32 $0xFFFFFFD0  }
0x79: {  	_ =	swait.ge [sflag:s11], $0x30  }
0x7a: {  	[sflag:s11] =	ssyncset.done $0x0  }
0x7b: {  	[sflag:s11] =	ssyncadd.s32 $0xFFFFFFD0  }
0x7c: {  	_ =	swait.ge [sflag:s12], $0x30  }
0x7d: {  	[sflag:s12] =	ssyncset.done $0x0  }
0x7e: {  	[sflag:s12] =	ssyncadd.s32 $0xFFFFFFD0  }
0x7f: {  	v0 =	vld [tilespmem:$0x280]  }
0x80: {  	v1 =	vld [tilespmem:$0x3A0]  }
0x81: {  	v2 =	vld [tilespmem:$0x290]  }
0x82: {  	v3 =	vld [tilespmem:$0x390]  }
0x83: {  	v62 =	vld [tilespmem:$0x2A0]  }
0x84: {  	v63 =	vld [tilespmem:$0x380];
	_ =	sdelay $0x2  }
0x85: {  	v2 =	vadd.f32 v3, v2  }
0x86: {  	v1 =	vadd.f32 v1, v62  }
0x87: {  	v0 =	vadd.f32 v63, v0;
	v2 =	vsub.f32 $0.0e+00, v2  }
0x88: {  	v1 =	vsub.f32 $0.0e+00, v1  }
0x89: {  	v0 =	vsub.f32 $0.0e+00, v0;
	v2 =	vmul.f32 $1.442695020e+00, v2  }
0x8a: {  	v1 =	vmul.f32 $1.442695020e+00, v1  }
0x8b: {  	v0 =	vmul.f32 $1.442695020e+00, v0;
	(erf) = vpow2.f32 v2  }
0x8c: {  	(erf) = vpow2.f32 v1  }
0x8d: {  	(erf) = vpow2.f32 v0;
	_ =	sdelay $0x6  }
0x8e: {  	v0 =	vpop (erf)  }
0x8f: {  	v0 =	vadd.f32 $1.000000000e+00, v0;
	v1 =	vpop (erf)  }
0x90: {  	v1 =	vadd.f32 $1.000000000e+00, v1;
	v2 =	vpop (erf)  }
0x91: {  	v3 =	vadd.f32 $1.000000000e+00, v2;
	(erf) = vrcp.f32 v0;
	v2 =	vld [tilespmem:$0x490]  }
0x92: {  	v0 =	vld [tilespmem:$0x4A0];
	(erf) = vrcp.f32 v1  }
0x93: {  	s17 =	smov.u32 s10;
	s14 =	simm.s32 $0xC;
	v1 =	vld [tilespmem:$0x480];
	(erf) = vrcp.f32 v3  }
.LBB2_2:
0x94: {  	_ =	sdelay $0x5  }
0x95: {  	v3 =	vpop (erf)  }
0x96: {  	v2 =	vmul.f32 v3, v2;
	v3 =	vpop (erf)  }
0x97: {  	v0 =	vmul.f32 v3, v0;
	v3 =	vpop (erf)  }
0x98: {  	v1 =	vmul.f32 v3, v1;
	[tilespmem:$0x290] =	vst v2  }
0x99: {  	[tilespmem:$0x2A0] =	vst v0  }
0x9a: {  	[tilespmem:$0x280] =	vst v1  }
0x9b: {  	[spmem:s1] =	stream.indirect.scatter.add.f32 [tilespmem:s28], [sflag:$0x7], $0x1, s26, s21, $0xb8;
	[tilespmem:$0x780] =	vst v63  }
0x9c: {  	_ =	swait.ge [sflag:s19], $0x30  }
0x9d: {  	s16 =	smov.u32 s14;
	s10 =	rddreg [dreg:$0x4];
	[sflag:s19] =	ssyncset.done $0x0  }
0x9e: {  	[sflag:s19] =	ssyncadd.s32 $0xFFFFFFD0;
	s10 =	sadd.s32 s16, s10  }
0x9f: {  	[tilespmem:s25], [sflag:$0x7] =	stream.linear.gather [hbm4b:s10+s2], $0x30, $0x38;
	[tilespmem:$0x780] =	vst v63  }
0xa0: {  	_ =	swait.ge [sflag:s19], $0x30  }
0xa1: {  	s10 =	rddreg [dreg:$0x3];
	[sflag:s19] =	ssyncset.done $0x0  }
0xa2: {  	[sflag:s19] =	ssyncadd.s32 $0xFFFFFFD0;
	s10 =	sadd.s32 s16, s10  }
0xa3: {  	[tilespmem:s26], [sflag:$0x7] =	stream.linear.gather [hbm4b:s10+s2], $0x30, $0x38;
	[tilespmem:$0x780] =	vst v63  }
0xa4: {  	_ =	swait.ge [sflag:s19], $0x30  }
0xa5: {  	[sflag:s19] =	ssyncset.done $0x0  }
0xa6: {  	[sflag:s19] =	ssyncadd.s32 $0xFFFFFFD0  }
0xa7: {  	[tilespmem:s28], [sflag:$0x4] =	stream.indirect.gather [hbm4b:s4+s21], $0x1, s26, s21, $0xb8;
	[tilespmem:$0x780] =	vst v63  }
0xa8: {  	_ = 	snop  }
0xa9: {  	[tilespmem:s29], [sflag:$0x5] =	stream.indirect.gather [hbm4b:s5+s21], $0x1, s25, s21, $0xb8;
	[tilespmem:$0x780] =	vst v63  }
0xaa: {  	_ = 	snop  }
0xab: {  	[tilespmem:s30], [sflag:$0x6] =	stream.indirect.gather [hbm4b:s6+s21], $0x1, s25, s21, $0xb8;
	[tilespmem:$0x780] =	vst v63  }
0xac: {  	_ =	swait.ge [sflag:s31], $0x30  }
0xad: {  	[sflag:s31] =	ssyncset.done $0x0  }
0xae: {  	[sflag:s31] =	ssyncadd.s32 $0xFFFFFFD0  }
0xaf: {  	_ =	swait.ge [sflag:s0], $0x30  }
0xb0: {  	[sflag:s0] =	ssyncset.done $0x0  }
0xb1: {  	[sflag:s0] =	ssyncadd.s32 $0xFFFFFFD0  }
0xb2: {  	_ =	swait.ge [sflag:s3], $0x30  }
0xb3: {  	[sflag:s3] =	ssyncset.done $0x0  }
0xb4: {  	[sflag:s3] =	ssyncadd.s32 $0xFFFFFFD0  }
0xb5: {  	v0 =	vld [tilespmem:$0x320]  }
0xb6: {  	v1 =	vld [tilespmem:$0x310]  }
0xb7: {  	v2 =	vld [tilespmem:$0x200]  }
0xb8: {  	v3 =	vld [tilespmem:$0x210]  }
0xb9: {  	v4 =	vld [tilespmem:$0x220]  }
0xba: {  	v5 =	vld [tilespmem:$0x300];
	_ =	sdelay $0x2  }
0xbb: {  	v1 =	vadd.f32 v1, v3  }
0xbc: {  	v0 =	vadd.f32 v0, v4  }
0xbd: {  	v2 =	vadd.f32 v5, v2;
	v1 =	vsub.f32 $0.0e+00, v1  }
0xbe: {  	v0 =	vsub.f32 $0.0e+00, v0  }
0xbf: {  	v2 =	vsub.f32 $0.0e+00, v2;
	v1 =	vmul.f32 $1.442695020e+00, v1  }
0xc0: {  	v0 =	vmul.f32 $1.442695020e+00, v0  }
0xc1: {  	v2 =	vmul.f32 $1.442695020e+00, v2;
	(erf) = vpow2.f32 v1  }
0xc2: {  	(erf) = vpow2.f32 v0  }
0xc3: {  	(erf) = vpow2.f32 v2;
	_ =	sdelay $0x6  }
0xc4: {  	v0 =	vpop (erf)  }
0xc5: {  	v0 =	vadd.f32 $1.000000000e+00, v0;
	v1 =	vpop (erf)  }
0xc6: {  	v1 =	vadd.f32 $1.000000000e+00, v1;
	v2 =	vpop (erf)  }
0xc7: {  	v2 =	vadd.f32 $1.000000000e+00, v2;
	(erf) = vrcp.f32 v0  }
0xc8: {  	(erf) = vrcp.f32 v1  }
0xc9: {  	(erf) = vrcp.f32 v2;
	_ =	sdelay $0x2  }
0xca: {  	v0 =	vld [tilespmem:$0x410]  }
0xcb: {  	v1 =	vld [tilespmem:$0x420]  }
0xcc: {  	v2 =	vld [tilespmem:$0x400];
	_ =	sdelay $0x1  }
0xcd: {  	v3 =	vpop (erf)  }
0xce: {  	v0 =	vmul.f32 v3, v0;
	v3 =	vpop (erf)  }
0xcf: {  	v1 =	vmul.f32 v3, v1;
	v3 =	vpop (erf)  }
0xd0: {  	v2 =	vmul.f32 v3, v2;
	[tilespmem:$0x210] =	vst v0  }
0xd1: {  	[tilespmem:$0x220] =	vst v1  }
0xd2: {  	[tilespmem:$0x200] =	vst v2  }
0xd3: {  	[spmem:s1] =	stream.indirect.scatter.add.f32 [tilespmem:s22], [sflag:$0x7], $0x1, s20, s21, $0xb8;
	[tilespmem:$0x780] =	vst v63  }
0xd4: {  	s17 =	sadd.s32 $0x60, s17;
	_ =	swait.ge [sflag:s19], $0x30  }
0xd5: {  	s10 =	sshrl.u32 s17, $0x3;
	[sflag:s19] =	ssyncset.done $0x0  }
0xd6: {  	s16 =	sadd.s32 s7, s10;
	[sflag:s19] =	ssyncadd.s32 $0xFFFFFFD0  }
0xd7: {  	[tilespmem:s2], [sflag:$0x7] =	stream.linear.gather [hbm4b:s16+s2], $0x30, $0x38;
	[tilespmem:$0x780] =	vst v63  }
0xd8: {  	_ =	swait.ge [sflag:s19], $0x30  }
0xd9: {  	[sflag:s19] =	ssyncset.done $0x0  }
0xda: {  	s10 =	sadd.s32 s8, s10;
	[sflag:s19] =	ssyncadd.s32 $0xFFFFFFD0  }
0xdb: {  	[tilespmem:s20], [sflag:$0x7] =	stream.linear.gather [hbm4b:s10+s2], $0x30, $0x38;
	[tilespmem:$0x780] =	vst v63  }
0xdc: {  	_ =	swait.ge [sflag:s19], $0x30  }
0xdd: {  	[sflag:s19] =	ssyncset.done $0x0  }
0xde: {  	[sflag:s19] =	ssyncadd.s32 $0xFFFFFFD0  }
0xdf: {  	[tilespmem:s22], [sflag:$0x1] =	stream.indirect.gather [hbm4b:s4+s21], $0x1, s20, s21, $0xb8;
	[tilespmem:$0x780] =	vst v63  }
0xe0: {  	_ = 	snop  }
0xe1: {  	[tilespmem:s23], [sflag:$0x2] =	stream.indirect.gather [hbm4b:s5+s21], $0x1, s2, s21, $0xb8;
	[tilespmem:$0x780] =	vst v63  }
0xe2: {  	_ = 	snop  }
0xe3: {  	[tilespmem:s24], [sflag:$0x3] =	stream.indirect.gather [hbm4b:s6+s21], $0x1, s2, s21, $0xb8;
	[tilespmem:$0x780] =	vst v63  }
0xe4: {  	_ =	swait.ge [sflag:s9], $0x30  }
0xe5: {  	[sflag:s9] =	ssyncset.done $0x0  }
0xe6: {  	[sflag:s9] =	ssyncadd.s32 $0xFFFFFFD0  }
0xe7: {  	_ =	swait.ge [sflag:s11], $0x30  }
0xe8: {  	[sflag:s11] =	ssyncset.done $0x0  }
0xe9: {  	[sflag:s11] =	ssyncadd.s32 $0xFFFFFFD0  }
0xea: {  	_ =	swait.ge [sflag:s12], $0x30  }
0xeb: {  	[sflag:s12] =	ssyncset.done $0x0  }
0xec: {  	[sflag:s12] =	ssyncadd.s32 $0xFFFFFFD0  }
0xed: {  	v0 =	vld [tilespmem:$0x280]  }
0xee: {  	v1 =	vld [tilespmem:$0x3A0]  }
0xef: {  	v2 =	vld [tilespmem:$0x290]  }
0xf0: {  	v3 =	vld [tilespmem:$0x390]  }
0xf1: {  	v62 =	vld [tilespmem:$0x2A0]  }
0xf2: {  	v63 =	vld [tilespmem:$0x380];
	_ =	sdelay $0x2  }
0xf3: {  	v2 =	vadd.f32 v3, v2  }
0xf4: {  	v1 =	vadd.f32 v1, v62  }
0xf5: {  	v0 =	vadd.f32 v63, v0;
	v2 =	vsub.f32 $0.0e+00, v2  }
0xf6: {  	v1 =	vsub.f32 $0.0e+00, v1  }
0xf7: {  	v0 =	vsub.f32 $0.0e+00, v0;
	v2 =	vmul.f32 $1.442695020e+00, v2  }
0xf8: {  	v1 =	vmul.f32 $1.442695020e+00, v1  }
0xf9: {  	v0 =	vmul.f32 $1.442695020e+00, v0;
	(erf) = vpow2.f32 v2  }
0xfa: {  	(erf) = vpow2.f32 v1  }
0xfb: {  	(erf) = vpow2.f32 v0;
	_ =	sdelay $0x6  }
0xfc: {  	p0 =	sne.s32 s14, $0x4D4;
	v0 =	vpop (erf)  }
.Ltmp0:
0xfd: {  	v0 =	vadd.f32 $1.000000000e+00, v0;
	v1 =	vpop (erf);
	(pc) =	sbr.rel @p0 .LBB2_2-.Ltmp0, $4  }
0xfe: {  	v1 =	vadd.f32 $1.000000000e+00, v1;
	v2 =	vpop (erf)  }
0xff: {  	v2 =	vadd.f32 $1.000000000e+00, v2;
	(erf) = vrcp.f32 v0;
	v0 =	vld [tilespmem:$0x4A0]  }
0x100: {  	(erf) = vrcp.f32 v1;
	v1 =	vld [tilespmem:$0x480]  }
0x101: {  	s14 =	sadd.s32 $0xC, s14;
	(erf) = vrcp.f32 v2;
	v2 =	vld [tilespmem:$0x490]  }
0x102: {  	_ =	sdelay $0x5  }
0x103: {  	v3 =	vpop (erf)  }
0x104: {  	v2 =	vmul.f32 v3, v2;
	v31 =	vpop (erf)  }
0x105: {  	v0 =	vmul.f32 v31, v0;
	v32 =	vpop (erf)  }
0x106: {  	v1 =	vmul.f32 v32, v1;
	[tilespmem:$0x290] =	vst v2  }
0x107: {  	[tilespmem:$0x2A0] =	vst v0  }
0x108: {  	[tilespmem:$0x280] =	vst v1  }
0x109: {  	[spmem:s1] =	stream.indirect.scatter.add.f32 [tilespmem:s28], [sflag:$0x7], $0x1, s26, s21, $0xb8;
	[tilespmem:$0x780] =	vst v63  }
0x10a: {  	_ =	swait.ge [sflag:s19], $0x30  }
0x10b: {  	[sflag:s19] =	ssyncset.done $0x0  }
0x10c: {  	s10 =	rddreg [dreg:$0x8];
	[sflag:s19] =	ssyncadd.s32 $0xFFFFFFD0  }
0x10d: {  	[tilespmem:s25], [sflag:$0x7] =	stream.linear.gather [hbm4b:s10+s2], $0x30, $0x38;
	[tilespmem:$0x780] =	vst v63  }
0x10e: {  	_ =	swait.ge [sflag:s19], $0x30  }
0x10f: {  	[sflag:s19] =	ssyncset.done $0x0  }
0x110: {  	s17 =	rddreg [dreg:$0x9];
	[sflag:s19] =	ssyncadd.s32 $0xFFFFFFD0  }
0x111: {  	[tilespmem:s26], [sflag:$0x7] =	stream.linear.gather [hbm4b:s17+s2], $0x30, $0x38;
	[tilespmem:$0x780] =	vst v63  }
0x112: {  	_ =	swait.ge [sflag:s19], $0x30  }
0x113: {  	[sflag:s19] =	ssyncset.done $0x0  }
0x114: {  	[sflag:s19] =	ssyncadd.s32 $0xFFFFFFD0  }
0x115: {  	[tilespmem:s28], [sflag:$0x4] =	stream.indirect.gather [hbm4b:s4+s21], $0x1, s26, s21, $0xb8;
	[tilespmem:$0x780] =	vst v63  }
0x116: {  	_ = 	snop  }
0x117: {  	[tilespmem:s29], [sflag:$0x5] =	stream.indirect.gather [hbm4b:s5+s21], $0x1, s25, s21, $0xb8;
	[tilespmem:$0x780] =	vst v63  }
0x118: {  	_ = 	snop  }
0x119: {  	[tilespmem:s30], [sflag:$0x6] =	stream.indirect.gather [hbm4b:s6+s21], $0x1, s25, s21, $0xb8;
	[tilespmem:$0x780] =	vst v63  }
0x11a: {  	_ =	swait.ge [sflag:s31], $0x30  }
0x11b: {  	[sflag:s31] =	ssyncset.done $0x0  }
0x11c: {  	[sflag:s31] =	ssyncadd.s32 $0xFFFFFFD0  }
0x11d: {  	_ =	swait.ge [sflag:s0], $0x30  }
0x11e: {  	[sflag:s0] =	ssyncset.done $0x0  }
0x11f: {  	[sflag:s0] =	ssyncadd.s32 $0xFFFFFFD0  }
0x120: {  	_ =	swait.ge [sflag:s3], $0x30  }
0x121: {  	[sflag:s3] =	ssyncset.done $0x0  }
0x122: {  	[sflag:s3] =	ssyncadd.s32 $0xFFFFFFD0  }
0x123: {  	v33 =	vld [tilespmem:$0x200]  }
0x124: {  	v34 =	vld [tilespmem:$0x300];
	_ =	sdelay $0x4  }
0x125: {  	v0 =	vadd.f32 v34, v33;
	_ =	sdelay $0x1  }
0x126: {  	v0 =	vsub.f32 $0.0e+00, v0;
	_ =	sdelay $0x1  }
0x127: {  	v0 =	vmul.f32 $1.442695020e+00, v0;
	_ =	sdelay $0x1  }
0x128: {  	(erf) = vpow2.f32 v0  }
0x129: {  	v35 =	vld [tilespmem:$0x210]  }
0x12a: {  	v36 =	vld [tilespmem:$0x310];
	_ =	sdelay $0x4  }
0x12b: {  	v0 =	vadd.f32 v36, v35;
	_ =	sdelay $0x1  }
0x12c: {  	v0 =	vsub.f32 $0.0e+00, v0;
	v37 =	vpop (erf)  }
0x12d: {  	v1 =	vadd.f32 $1.000000000e+00, v37  }
0x12e: {  	v0 =	vmul.f32 $1.442695020e+00, v0  }
0x12f: {  	(erf) = vrcp.f32 v1  }
0x130: {  	(erf) = vpow2.f32 v0  }
0x131: {  	v38 =	vld [tilespmem:$0x220]  }
0x132: {  	v39 =	vld [tilespmem:$0x320];
	_ =	sdelay $0x4  }
0x133: {  	v0 =	vadd.f32 v39, v38  }
0x134: {  	v40 =	vpop (erf)  }
0x135: {  	v0 =	vsub.f32 $0.0e+00, v0;
	v41 =	vpop (erf)  }
0x136: {  	v2 =	vadd.f32 $1.000000000e+00, v41  }
0x137: {  	v0 =	vmul.f32 $1.442695020e+00, v0  }
0x138: {  	(erf) = vrcp.f32 v2  }
0x139: {  	(erf) = vpow2.f32 v0;
	_ =	sdelay $0x7  }
0x13a: {  	v42 =	vpop (erf)  }
0x13b: {  	v43 =	vpop (erf)  }
0x13c: {  	v2 =	vadd.f32 $1.000000000e+00, v43;
	_ =	sdelay $0x1  }
0x13d: {  	(erf) = vrcp.f32 v2;
	_ =	sdelay $0x2  }
0x13e: {  	v44 =	vld [tilespmem:$0x400]  }
0x13f: {  	v45 =	vld [tilespmem:$0x410]  }
0x140: {  	v4 =	vld [tilespmem:$0x420];
	_ =	sdelay $0x2  }
0x141: {  	v1 =	vmul.f32 v40, v44  }
0x142: {  	v0 =	vmul.f32 v42, v45;
	v46 =	vpop (erf)  }
0x143: {  	[tilespmem:$0x200] =	vst v1;
	v47 =	vmul.f32 v46, v4  }
0x144: {  	[tilespmem:$0x210] =	vst v0  }
0x145: {  	[tilespmem:$0x220] =	vst v47  }
0x146: {  	[spmem:s1] =	stream.indirect.scatter.add.f32 [tilespmem:s22], [sflag:$0x7], $0x1, s20, s21, $0xb8;
	[tilespmem:$0x780] =	vst v63  }
0x147: {  	_ =	swait.ge [sflag:s19], $0x30  }
0x148: {  	[sflag:s19] =	ssyncset.done $0x0  }
0x149: {  	[sflag:s19] =	ssyncadd.s32 $0xFFFFFFD0  }
0x14a: {  	_ =	swait.ge [sflag:s9], $0x30  }
0x14b: {  	[sflag:s9] =	ssyncset.done $0x0  }
0x14c: {  	[sflag:s9] =	ssyncadd.s32 $0xFFFFFFD0  }
0x14d: {  	_ =	swait.ge [sflag:s11], $0x30  }
0x14e: {  	[sflag:s11] =	ssyncset.done $0x0  }
0x14f: {  	[sflag:s11] =	ssyncadd.s32 $0xFFFFFFD0  }
0x150: {  	_ =	swait.ge [sflag:s12], $0x30  }
0x151: {  	[sflag:s12] =	ssyncset.done $0x0  }
0x152: {  	[sflag:s12] =	ssyncadd.s32 $0xFFFFFFD0  }
0x153: {  	v48 =	vld [tilespmem:$0x280]  }
0x154: {  	v49 =	vld [tilespmem:$0x380];
	_ =	sdelay $0x4  }
0x155: {  	v0 =	vadd.f32 v49, v48;
	_ =	sdelay $0x1  }
0x156: {  	v0 =	vsub.f32 $0.0e+00, v0;
	_ =	sdelay $0x1  }
0x157: {  	v0 =	vmul.f32 $1.442695020e+00, v0;
	_ =	sdelay $0x1  }
0x158: {  	(erf) = vpow2.f32 v0  }
0x159: {  	v50 =	vld [tilespmem:$0x290]  }
0x15a: {  	v51 =	vld [tilespmem:$0x390];
	_ =	sdelay $0x4  }
0x15b: {  	v0 =	vadd.f32 v51, v50;
	_ =	sdelay $0x1  }
0x15c: {  	v0 =	vsub.f32 $0.0e+00, v0;
	v52 =	vpop (erf)  }
0x15d: {  	v1 =	vadd.f32 $1.000000000e+00, v52  }
0x15e: {  	v0 =	vmul.f32 $1.442695020e+00, v0  }
0x15f: {  	(erf) = vrcp.f32 v1  }
0x160: {  	(erf) = vpow2.f32 v0  }
0x161: {  	v53 =	vld [tilespmem:$0x2A0]  }
0x162: {  	v54 =	vld [tilespmem:$0x3A0];
	_ =	sdelay $0x4  }
0x163: {  	v0 =	vadd.f32 v54, v53  }
0x164: {  	v55 =	vpop (erf)  }
0x165: {  	v0 =	vsub.f32 $0.0e+00, v0;
	v56 =	vpop (erf)  }
0x166: {  	v2 =	vadd.f32 $1.000000000e+00, v56  }
0x167: {  	v0 =	vmul.f32 $1.442695020e+00, v0  }
0x168: {  	(erf) = vrcp.f32 v2  }
0x169: {  	(erf) = vpow2.f32 v0;
	_ =	sdelay $0x7  }
0x16a: {  	v57 =	vpop (erf)  }
0x16b: {  	v58 =	vpop (erf)  }
0x16c: {  	v2 =	vadd.f32 $1.000000000e+00, v58;
	_ =	sdelay $0x1  }
0x16d: {  	(erf) = vrcp.f32 v2;
	_ =	sdelay $0x2  }
0x16e: {  	v59 =	vld [tilespmem:$0x480]  }
0x16f: {  	v60 =	vld [tilespmem:$0x490]  }
0x170: {  	v61 =	vld [tilespmem:$0x4A0];
	_ =	sdelay $0x2  }
0x171: {  	v1 =	vmul.f32 v55, v59  }
0x172: {  	v0 =	vmul.f32 v57, v60;
	v62 =	vpop (erf)  }
0x173: {  	[tilespmem:$0x280] =	vst v1;
	v63 =	vmul.f32 v62, v61  }
0x174: {  	[tilespmem:$0x290] =	vst v0  }
0x175: {  	[tilespmem:$0x2A0] =	vst v63  }
0x176: {  	[spmem:s1] =	stream.indirect.scatter.add.f32 [tilespmem:s28], [sflag:$0x7], $0x1, s26, s21, $0xb8;
	[tilespmem:$0x780] =	vst v63  }
0x177: {  	_ =	swait.ge [sflag:s19], $0x30  }
0x178: {  	[sflag:s19] =	ssyncset.done $0x0  }
0x179: {  	[sflag:s19] =	ssyncadd.s32 $0xFFFFFFD0  }
0x17a: {  	s16 =	smov.u32 s15;
	[bflag:$0x0] =	sbarrier.arrive $0xFFFF  }
0x17b: {  	s15 =	simm.s32 $0x20;
	s17 =	simm.s32 $0x10;
	s10 =	rddreg [dreg:$0xa]  }
0x17c: {  	[hbm:s10@s15], [sflag:s18] =	dma.strided [spmem:s16@s17], $0x50, s31, $0x10   }
0x17d: {  	_ =	swait.ge [sflag:s19], $0x50  }
0x17e: {  	s14 =	smov.u32 s18;
	s13 =	sadd.s32 $0x1, s13;
	s18 =	rddreg [dreg:$0xb]  }
0x17f: {  	p0 =	sne.s32 s13, s18  }
.Ltmp1:
0x180: {  	_ = 	snop;
	(pc) =	sbr.rel @p0 .LBB2_1-.Ltmp1, $3  }
0x181: {  	_ =	sdelay $0x1  }
0x182: {  	[sflag:s19] =	ssyncset.done $0x0  }
0x183: {  	[sflag:s19] =	ssyncadd.s32 $0xFFFFFFB0  }
0x184: {  	_ =	sfence.sel $0x180000  }
0x185: {  	[bflag:$0x0] =	sbarrier.arrive $0xFFFF  }
0x186: {  	_ =	strace $0x9000004D  }
0x187: {  	s0 =	stileid.u32;
	[bflag:$0x2] =	sbarrier.arrive $0xFFFF  }
0x188: {  	p0 =	sne.s32 s0, $0x0;
	s0 =	rddreg [dreg:$0x2]  }
0x189: {  	s0 =	sadd.s32 @!p0 $0x100000, s0  }
0x18a: {  	[sflag:s0] =	ssyncadd.tile.s32 @!p0 $0x1;
	_ =	shalt  }
.Lfunc_end2:
_tile_overlayer_lowered:
.L_overlay_start_2:
0x18b: {  	(tag) =	ssettag $0x2  }
0x18c: {  	s0 =	rddreg [dreg:$0x0];
	s2 =	stileid.u32  }
0x18d: {  	s1 =	rddreg [dreg:$0x1];
	p0 =	sne.s32 s2, $0x0  }
0x18e: {  	s3 =	rddreg [dreg:$0x2];
	[bflag:$0x3] =	sbarrier.arrive $0xFFFF;
	s2 =	simm.s32 @!p0 $0x1C07  }
0x18f: {  	[timem:s3], [sflag:s2] =	dma.local @!p0 [hbm:s0], s1  }
0x190: {  	s0 =	simm.s32 @!p0 $0x7  }
0x191: {  	_ =	swait.ge @!p0 [sflag:s0], s1  }
0x192: {  	s1 =	ssub.s32 @!p0 $0x0, s1;
	[sflag:s0] =	ssyncset.done @!p0 $0x0  }
0x193: {  	[sflag:s0] =	ssyncadd.s32 @!p0 s1  }
0x194: {  	[bflag:$0x3] =	sbarrier.arrive $0xFFFF  }
0x195: {  	_ =	shalt  }

// kernel: kernel.8.cloned.1.call-start
scs
__scs_entry_jumppad:
0x0: {  	(pc) =	sbr.rel $0x88, $3  }
0x1: {  	(tag) =	ssettag $0x0;
	lr =	simm.s32 $0x1  }
0x2: {  	[smem:$0x3F90] =	sst lr;
	_ =	strace $0xD0000000  }
0x3: {  	_ = 	snop  }
0x4: {  	_ = 	snop  }
0x5: {  	_ = 	snop  }
0x6: {  	_ = 	snop  }
0x7: {  	_ = 	snop  }
__scs_overlays_trampoline_lowered:
0x8: {  	[smem:$0x3F9F] =	sst s0  }
0x9: {  	[smem:$0x3FA0] =	sst s1  }
0xa: {  	[smem:$0x3FA1] =	sst s2  }
0xb: {  	[smem:$0x3FA2] =	sst s3  }
0xc: {  	[smem:$0x3FA3] =	sst s4  }
0xd: {  	[smem:$0x3FA4] =	sst s5  }
0xe: {  	[smem:$0x3FA5] =	sst s6  }
0xf: {  	[smem:$0x3FA6] =	sst s7  }
0x10: {  	[smem:$0x3FA7] =	sst s8  }
0x11: {  	[smem:$0x3FA8] =	sst s9;
	s0 =	simm.s32 @!p0 $0x0  }
0x12: {  	s1 =	sld [smem:$0x3F8E];
	s0 =	simm.s32 @p0 $0x1  }
0x13: {  	[smem:$0x3FA9] =	sst s0;
	s0 =	simm.s32 @!p1 $0x0  }
0x14: {  	s2 =	sld [smem:$0x3F8D];
	s0 =	simm.s32 @p1 $0x1  }
0x15: {  	[smem:$0x3FAA] =	sst s0;
	s0 =	simm.s32 @!p2 $0x0  }
0x16: {  	s3 =	sld [smem:$0x3FDB];
	s0 =	simm.s32 @p2 $0x1  }
0x17: {  	s4 =	simm.s32 $0x1BF5;
	[smem:$0x3FAC] =	sst s0  }
0x18: {  	s0 =	sld [smem:$0x3F8F];
	_ =	swait.ge [sflag:s4], $0x0  }
0x19: {  	s7 =	sld [smem:$0x3F90]  }
0x1a: {  	s8 =	sadd.s32 $0xFFFFE003, lr  }
0x1b: {  	s9 =	sadd.s32 $0xFFFFFEF7, lr;
	s5 =	simm.s32 $0xFFFFFFFF;
	p2 =	slt.u32 s8, $0xFFFFF086  }
0x1c: {  	p1 =	slt.u32 s9, $0xF7A;
	s5 =	simm.s32 @!p2 $0x0  }
0x1d: {  	s5 =	simm.s32 @p1 $0x1;
	p0 =	seq.s32 s7, s2  }
0x1e: {  	s7 =	smul.u32 @!p0 $0xF7A, s2;
	p2 =	seq.s32 @!p0 s5, $0x0  }
0x1f: {  	s9 =	smul.u32 $0xF7A, s1;
	s8 =	simm.s32 @!p0 $0x1BF5;
	p2 =	por !p2, p0  }
0x20: {  	[sflag:s8] =	ssyncset.s32 @!p0 $0xFFFFF086;
	s6 =	sadd.s32 @!p0 s3, s7;
	s7 =	simm.s32 @!p0 $0x108  }
0x21: {  	s3 =	sadd.s32 s3, s9;
	s6 =	sadd.s32 @!p0 $0x88, s6;
	s7 =	simm.s32 @p2 $0x1082  }
0x22: {  	[simem:s7], [sflag:s8] =	dma.local @!p0 [hbm:s6], $0xF7A  }
0x23: {  	s9 =	sor.u32 $0xD0000000, s2;
	s6 =	simm.s32 $0x108;
	_ =	swait.ge @!p0 [sflag:s8], $0x0  }
0x24: {  	s3 =	sadd.s32 $0x88, s3;
	s6 =	simm.s32 @!p1 $0x1082;
	[sflag:s4] =	ssyncset.s32 $0xFFFFF086  }
0x25: {  	[simem:s6], [sflag:s4] =	dma.local [hbm:s3], $0xF7A  }
0x26: {  	[smem:$0x3F90] =	sst s1;
	(tag) =	ssettag s2;
	_ =	strace s9  }
0x27: {  	s1 =	sld [smem:$0x3FA0]  }
0x28: {  	s2 =	sld [smem:$0x3FA1]  }
0x29: {  	s4 =	sld [smem:$0x3FA3]  }
0x2a: {  	p0 =	seq.s32 s5, $0x0;
	s5 =	sld [smem:$0x3FA4]  }
0x2b: {  	s6 =	sld [smem:$0x3FA5]  }
0x2c: {  	s7 =	sld [smem:$0x3FA6]  }
0x2d: {  	s3 =	simm.s32 $0x108;
	s8 =	sld [smem:$0x3FA7]  }
0x2e: {  	s3 =	simm.s32 @!p0 $0x1082;
	s9 =	sld [smem:$0x3FA8]  }
0x2f: {  	lr =	sadd.s32 s0, s3;
	s0 =	sld [smem:$0x3F9F]  }
0x30: {  	s3 =	sld [smem:$0x3FA2]  }
0x31: {  	[smem:$0x3FAB] =	sst s10  }
0x32: {  	s10 =	sld [smem:$0x3FA9];
	_ =	sdelay $0x3  }
0x33: {  	p0 =	seq.s32 s10, $0x1;
	s10 =	sld [smem:$0x3FAB];
	_ =	sdelay $0x3  }
0x34: {  	[smem:$0x3FAB] =	sst s10  }
0x35: {  	s10 =	sld [smem:$0x3FAA];
	_ =	sdelay $0x3  }
0x36: {  	p1 =	seq.s32 s10, $0x1;
	s10 =	sld [smem:$0x3FAB];
	_ =	sdelay $0x3  }
0x37: {  	[smem:$0x3FAB] =	sst s10  }
0x38: {  	s10 =	sld [smem:$0x3FAC]  }
0x39: {  	_ = 	snop;
	(pc) =	sbr.ind lr, $3  }
0x3a: {  	_ = 	snop  }
0x3b: {  	_ = 	snop  }
0x3c: {  	p2 =	seq.s32 s10, $0x1;
	s10 =	sld [smem:$0x3FAB]  }
0x3d: {  	_ =	shalt  }
0x3e: {  	_ =	shalt  }
0x3f: {  	_ =	shalt  }
0x40: {  	_ =	shalt  }
0x41: {  	_ =	shalt  }
0x42: {  	_ =	shalt  }
0x43: {  	_ =	shalt  }
0x44: {  	_ =	shalt  }
0x45: {  	_ =	shalt  }
0x46: {  	_ =	shalt  }
0x47: {  	_ =	shalt  }
0x48: {  	_ =	shalt  }
0x49: {  	_ =	shalt  }
0x4a: {  	_ =	shalt  }
0x4b: {  	_ =	shalt  }
0x4c: {  	_ =	shalt  }
0x4d: {  	_ =	shalt  }
0x4e: {  	_ =	shalt  }
0x4f: {  	_ =	shalt  }
0x50: {  	_ =	shalt  }
0x51: {  	_ =	shalt  }
0x52: {  	_ =	shalt  }
0x53: {  	_ =	shalt  }
0x54: {  	_ =	shalt  }
0x55: {  	_ =	shalt  }
0x56: {  	_ =	shalt  }
0x57: {  	_ =	shalt  }
0x58: {  	_ =	shalt  }
0x59: {  	_ =	shalt  }
0x5a: {  	_ =	shalt  }
0x5b: {  	_ =	shalt  }
0x5c: {  	_ =	shalt  }
0x5d: {  	_ =	shalt  }
0x5e: {  	_ =	shalt  }
0x5f: {  	_ =	shalt  }
0x60: {  	_ =	shalt  }
0x61: {  	_ =	shalt  }
0x62: {  	_ =	shalt  }
0x63: {  	_ =	shalt  }
0x64: {  	_ =	shalt  }
0x65: {  	_ =	shalt  }
0x66: {  	_ =	shalt  }
0x67: {  	_ =	shalt  }
0x68: {  	_ =	shalt  }
0x69: {  	_ =	shalt  }
0x6a: {  	_ =	shalt  }
0x6b: {  	_ =	shalt  }
0x6c: {  	_ =	shalt  }
0x6d: {  	_ =	shalt  }
0x6e: {  	_ =	shalt  }
0x6f: {  	_ =	shalt  }
0x70: {  	_ =	shalt  }
0x71: {  	_ =	shalt  }
0x72: {  	_ =	shalt  }
0x73: {  	_ =	shalt  }
0x74: {  	_ =	shalt  }
0x75: {  	_ =	shalt  }
0x76: {  	_ =	shalt  }
0x77: {  	_ =	shalt  }
0x78: {  	_ =	shalt  }
0x79: {  	_ =	shalt  }
0x7a: {  	_ =	shalt  }
0x7b: {  	_ =	shalt  }
0x7c: {  	_ =	shalt  }
0x7d: {  	_ =	shalt  }
0x7e: {  	_ =	shalt  }
0x7f: {  	_ =	shalt  }
0x80: {  	_ =	shalt  }
0x81: {  	_ =	shalt  }
0x82: {  	_ =	shalt  }
0x83: {  	_ =	shalt  }
0x84: {  	_ =	shalt  }
0x85: {  	_ =	shalt  }
0x86: {  	_ =	shalt  }
0x87: {  	_ =	shalt  }
.Lfunc_end0:
.L_simem_size_0:
called_computation_lowered:
.L_overlay_start_0:
0x88: {  	s2 =	sld [smem:$0x3FD9]  }
0x89: {  	s3 =	sld [smem:$0x3FFE];
	_ =	sdelay $0x1  }
0x8a: {  	s1 =	srdreg.scid  }
0x8b: {  	s0 =	sand.u32 $0x1, s1  }
0x8c: {  	s16 =	sshll.u32 s0, $0xA;
	s2 =	sadd.s32 s3, s2  }
0x8d: {  	s2 =	sadd.s32 s2, s16  }
0x8e: {  	[smem:$0x3FB7] =	sst s2  }
0x8f: {  	_ = 	snop  }
0x90: {  	(tm) =	ssettm $0x1  }
0x91: {  	s17 =	sld [smem:$0x3FFB];
	_ =	sdelay $0x3  }
0x92: {  	_ =	strace s17  }
0x93: {  	s2 =	sld [smem:$0x3FFC];
	_ =	sdelay $0x3  }
0x94: {  	_ =	strace s2  }
0x95: {  	s2 =	sld [smem:$0x3FFD];
	_ =	sdelay $0x3  }
0x96: {  	_ =	strace s2  }
0x97: {  	_ =	strace $0x8FFFFFFF  }
0x98: {  	s18 =	sld [smem:$0x3FDB];
	_ =	sdelay $0x1  }
0x99: {  	s19 =	simm.s32 $_scs_section_size  }
0x9a: {  	s4 =	simm.s32 $_size__tile_overlayer_lowered;
	s5 =	simm.s32 $_tile_overlayer_lowered  }
0x9b: {  	s22 =	simm.s32 $0x1BFF;
	s21 =	sshll.u32 s5, $0x1;
	s2 =	sadd.s32 s19, s18  }
0x9c: {  	s6 =	simm.s32 $0x0;
	s20 =	sshll.u32 s4, $0x1;
	s4 =	sadd.s32 s21, s2  }
0x9d: {  	[timem:s6], [sflag:s22] =	dma.local [hbm:s4], s20  }
0x9e: {  	_ =	swait.ge [sflag:s22], s20  }
0x9f: {  	s3 =	ssub.s32 $0x0, s20;
	[sflag:s22] =	ssyncset.done $0x0  }
0xa0: {  	[sflag:s22] =	ssyncadd.s32 s3;
	_ =	sdelay $0x1  }
0xa1: {  	s23 =	simm.s32 $0x1B8B  }
0xa2: {  	_ =	swait.ge [sflag:s23], $0x1  }
0xa3: {  	[sflag:s23] =	ssyncset.done $0x0  }
0xa4: {  	s25 =	simm.s32 $0x1B8E;
	s24 =	sld [smem:$0x3FFE];
	[sflag:s23] =	ssyncadd.s32 $0xFFFFFFFF  }
0xa5: {  	s26 =	simm.s32 $execute0_lowered;
	[smem:$0x3FD2] =	sst s25  }
0xa6: {  	s4 =	sshll.u32 s26, $0x1;
	_ =	strace $0x80000046;
	[dreg:$0x1] =	wrdreg $0xFFFFFFFF  }
0xa7: {  	s28 =	simm.s32 $_size_execute0_lowered;
	s2 =	sadd.s32 s2, s4;
	[dreg:$0x0] =	wrdreg $0x0  }
0xa8: {  	s4 =	sshll.u32 s28, $0x1;
	[dreg:$0x2] =	wrdreg s2  }
0xa9: {  	[dreg:$0x3] =	wrdreg s4  }
0xaa: {  	[dreg:$0x4] =	wrdreg $0xC0  }
0xab: {  	_ =	task [dreg:s6], $0x5FFFF  }
0xac: {  	[dreg:$0x1] =	wrdreg $0xFFFFFFFF  }
0xad: {  	[dreg:$0x0] =	wrdreg $0x60  }
0xae: {  	[dreg:$0x2] =	wrdreg s24  }
0xaf: {  	[dreg:$0x3] =	wrdreg $0x92000  }
0xb0: {  	[dreg:$0x4] =	wrdreg $0x9  }
0xb1: {  	_ =	task.clear_ibuf [dreg:s6], $0x5FFFF;
	_ =	strace $0x90000046  }
0xb2: {  	s29 =	simm.s32 $0x9;
	_ =	strace $0x80000048  }
0xb3: {  	_ =	swait.ge [sflag:s29], $0x1  }
0xb4: {  	[sflag:s29] =	ssyncadd.s32 $0xFFFFFFFF  }
0xb5: {  	_ =	strace $0x90000048  }
0xb6: {  	_ =	sfence  }
0xb7: {  	s30 =	sld [smem:$0x0];
	_ =	sdelay $0x2  }
0xb8: {  	s31 =	sshll.u32 s1, $0xD;
	s1 =	sshrl.u32 s1, $0x2  }
0xb9: {  	s3 =	sand.u32 $0x4000, s31;
	s1 =	sadd.s32 s1, s30  }
0xba: {  	s0 =	sor.u32 s3, s0;
	s1 =	sshll.u32 s1, $0x11  }
0xbb: {  	s0 =	sor.u32 s1, s0  }
0xbc: {  	s0 =	sadd.s32 $0x8F2B, s0  }
0xbd: {  	[sflag:s0] =	ssyncadd.remote.s32 $0x1  }
0xbe: {  	_ =	sfence.sel $0xFFFF  }
0xbf: {  	[dreg:$0x0] =	wrdreg $0xFFFFFFFF;
	(pc) =	sbr.abs _section_cstart, $3  }
0xc0: {  	[dreg:$0x1] =	wrdreg $0xFFFFFFFF  }
0xc1: {  	_ =	task.clear_ibuf [dreg:s6], $0x2FFFF;
	_ =	strace $0x9FFFFFFF  }
0xc2: {  	(tm) =	ssettm $0x7FFFFFFF  }
0xc3: {  	_ =	shalt  }
tec
execute0_lowered:
.L_overlay_start_1:
0x0: {  	(tag) =	ssettag $0x1  }
0x1: {  	s0 =	rddreg [dreg:$0x0]  }
0x2: {  	s1 =	rddreg [dreg:$0x1];
	s2 =	simm.s32 $0x0;
	s13 =	stileid.u32  }
0x3: {  	s14 =	srdreg.scid;
	s28 =	simm.s32 $0x180;
	s29 =	simm.s32 $0x1A00  }
0x4: {  	s30 =	simm.s32 $0x4A00;
	s31 =	simm.s32 $0x7A00;
	[smem:$0x7FF] =	sst s2  }
0x5: {  	s4 =	sadd.s32 $0x64E00, s0;
	s3 =	smul.u32 $0x14000, s13;
	s2 =	sand.u32 $0x1, s14  }
0x6: {  	s5 =	sadd.s32 $0x16200, s0;
	s6 =	sadd.s32 $0x3D800, s0;
	s7 =	sadd.s32 $0x2600, s0  }
0x7: {  	s8 =	sadd.s32 $0xC400, s0;
	s15 =	sshll.u32 s13, $0x1;
	s12 =	smul.u32 $0x50000, s13  }
0x8: {  	s19 =	sshll.u32 s13, $0x6;
	_ =	strace $0x80000047;
	s9 =	smul.u32 $0x140000, s2  }
0x9: {  	s11 =	ssub.s32 $0x2, s2;
	s2 =	sor.u32 s2, s15;
	s15 =	simm.s32 $0x6  }
0xa: {  	s10 =	sshrl.u32 s3, $0x3;
	s16 =	sshrl.u32 s11, $0x1;
	s2 =	smul.u32 $0x2760, s2  }
0xb: {  	s18 =	sshrl.u32 s12, $0x2;
	s12 =	simm.s32 $0x5;
	s10 =	sadd.s32 s10, s0  }
0xc: {  	s3 =	sadd.s32 s3, s9;
	s17 =	ssub.s32 s11, s16;
	s9 =	sadd.s32 s18, s1  }
0xd: {  	s16 =	sor.u32 $0x1C07, s19;
	s11 =	simm.s32 $0x4;
	s3 =	sshrl.u32 s3, $0x3  }
0xe: {  	s20 =	sshrl.u32 s2, $0x3;
	s10 =	sadd.s32 $0xB3A00, s10;
	s13 =	sadd.s32 $0x30, s2  }
0xf: {  	s14 =	sadd.s32 $0x60, s2;
	s26 =	smax.u32 s17, $0x1;
	[dreg:$0x4] =	wrdreg s16  }
0x10: {  	s2 =	simm.s32 $0x2;
	s17 =	simm.s32 $0x0;
	[dreg:$0x3] =	wrdreg s10  }
0x11: {  	s0 =	sadd.s32 s3, s0;
	s21 =	sadd.s32 s7, s20;
	[dreg:$0xa] =	wrdreg s26  }
0x12: {  	s22 =	sadd.s32 s8, s20;
	s23 =	sadd.s32 $0x4E6, s20;
	[dreg:$0x5] =	wrdreg s21  }
0x13: {  	s10 =	sshrl.u32 s9, $0x3;
	s20 =	simm.s32 $0x7;
	[dreg:$0x6] =	wrdreg s22  }
0x14: {  	s26 =	simm.s32 $0x80;
	s24 =	sadd.s32 s7, s23;
	[dreg:$0xb] =	wrdreg s10  }
0x15: {  	s9 =	simm.s32 $0x3;
	s25 =	sadd.s32 s8, s23;
	[dreg:$0x7] =	wrdreg s24  }
0x16: {  	s0 =	sadd.s32 $0xDBA00, s0;
	s21 =	simm.s32 $0x100;
	[dreg:$0x8] =	wrdreg s25  }
0x17: {  	s22 =	simm.s32 $0x30;
	s23 =	simm.s32 $0x200;
	[dreg:$0x9] =	wrdreg s0  }
0x18: {  	s24 =	simm.s32 $0x3200;
	s25 =	simm.s32 $0x6200;
	s0 =	simm.s32 $0x1  }
.LBB2_1:
0x19: {  	[dreg:$0xc] =	wrdreg s17  }
0x1a: {  	s3 =	rddreg [dreg:$0x3]  }
0x1b: {  	[spmem:s10], [sflag:s16] =	dma.local [hbm:s3], $0x2800  }
0x1c: {  	_ =	swait.ge [sflag:s20], $0x2800  }
0x1d: {  	[sflag:s20] =	ssyncset.done $0x0  }
0x1e: {  	[sflag:s20] =	ssyncadd.s32 $0xFFFFD800  }
0x1f: {  	[bflag:$0x0] =	sbarrier.arrive $0xFFFF  }
0x20: {  	s17 =	simm.s32 $0x0;
	s18 =	rddreg [dreg:$0x5]  }
0x21: {  	[tilespmem:s17], [sflag:$0x7] =	stream.linear.gather [hbm4b:s18+s17], $0x30, $0x38;
	[tilespmem:$0x1D200] =	vst v63  }
0x22: {  	_ =	swait.ge [sflag:s20], $0x30  }
0x23: {  	[sflag:s20] =	ssyncset.done $0x0  }
0x24: {  	s19 =	rddreg [dreg:$0x6];
	[sflag:s20] =	ssyncadd.s32 $0xFFFFFFD0  }
0x25: {  	[tilespmem:s21], [sflag:$0x7] =	stream.linear.gather [hbm4b:s19+s17], $0x30, $0x38;
	[tilespmem:$0x1D200] =	vst v63  }
0x26: {  	_ =	swait.ge [sflag:s20], $0x30  }
0x27: {  	[sflag:s20] =	ssyncset.done $0x0  }
0x28: {  	[sflag:s20] =	ssyncadd.s32 $0xFFFFFFD0  }
0x29: {  	[tilespmem:s23], [sflag:$0x1] =	stream.indirect.gather [hbm4b:s4+s22], $0x80, s21, s22, $0xb8;
	[tilespmem:$0x1D200] =	vst v63  }
0x2a: {  	_ = 	snop  }
0x2b: {  	[tilespmem:s24], [sflag:$0x2] =	stream.indirect.gather [hbm4b:s5+s22], $0x80, s17, s22, $0xb8;
	[tilespmem:$0x1D200] =	vst v63  }
0x2c: {  	_ = 	snop  }
0x2d: {  	[tilespmem:s25], [sflag:$0x3] =	stream.indirect.gather [hbm4b:s6+s22], $0x80, s17, s22, $0xb8;
	[tilespmem:$0x1D200] =	vst v63  }
0x2e: {  	s17 =	simm.s32 $0x0  }
.LBB2_2:
0x2f: {  	s18 =	smul.u32 $0x60, s17;
	_ =	sdelay $0x1  }
0x30: {  	s3 =	sadd.s32 s18, s13  }
0x31: {  	s3 =	sshrl.u32 s3, $0x3  }
0x32: {  	s16 =	simm.s32 $0x0;
	s10 =	sadd.s32 s7, s3  }
0x33: {  	[tilespmem:s26], [sflag:$0x7] =	stream.linear.gather [hbm4b:s10+s16], $0x30, $0x38;
	[tilespmem:$0x1D200] =	vst v63  }
0x34: {  	_ =	swait.ge [sflag:s20], $0x30  }
0x35: {  	[sflag:s20] =	ssyncset.done $0x0  }
0x36: {  	s3 =	sadd.s32 s8, s3;
	[sflag:s20] =	ssyncadd.s32 $0xFFFFFFD0  }
0x37: {  	[tilespmem:s28], [sflag:$0x7] =	stream.linear.gather [hbm4b:s3+s16], $0x30, $0x38;
	[tilespmem:$0x1D200] =	vst v63  }
0x38: {  	_ =	swait.ge [sflag:s20], $0x30  }
0x39: {  	[sflag:s20] =	ssyncset.done $0x0  }
0x3a: {  	[sflag:s20] =	ssyncadd.s32 $0xFFFFFFD0  }
0x3b: {  	[tilespmem:s29], [sflag:$0x4] =	stream.indirect.gather [hbm4b:s4+s22], $0x80, s28, s22, $0xb8;
	[tilespmem:$0x1D200] =	vst v63  }
0x3c: {  	_ = 	snop  }
0x3d: {  	[tilespmem:s30], [sflag:$0x5] =	stream.indirect.gather [hbm4b:s5+s22], $0x80, s26, s22, $0xb8;
	[tilespmem:$0x1D200] =	vst v63  }
0x3e: {  	_ = 	snop  }
0x3f: {  	[tilespmem:s31], [sflag:$0x6] =	stream.indirect.gather [hbm4b:s6+s22], $0x80, s26, s22, $0xb8;
	[tilespmem:$0x1D200] =	vst v63  }
0x40: {  	_ =	swait.ge [sflag:s0], $0x1800  }
0x41: {  	[sflag:s0] =	ssyncset.done $0x0  }
0x42: {  	[sflag:s0] =	ssyncadd.s32 $0xFFFFE800  }
0x43: {  	_ =	swait.ge [sflag:s2], $0x1800  }
0x44: {  	[sflag:s2] =	ssyncset.done $0x0  }
0x45: {  	[sflag:s2] =	ssyncadd.s32 $0xFFFFE800  }
0x46: {  	_ =	swait.ge [sflag:s9], $0x1800  }
0x47: {  	[sflag:s9] =	ssyncset.done $0x0  }
0x48: {  	s3 =	simm.s32 $0x0;
	[sflag:s9] =	ssyncadd.s32 $0xFFFFE800  }
0x49: {  	v0 =	vld [tilespmem:s3+$0x3250]  }
0x4a: {  	v1 =	vld [tilespmem:s3+$0x250]  }
0x4b: {  	v2 =	vld [tilespmem:s3+$0x3240]  }
0x4c: {  	v3 =	vld [tilespmem:s3+$0x3230]  }
0x4d: {  	v5 =	vld [tilespmem:s3+$0x3210]  }
0x4e: {  	v6 =	vld [tilespmem:s3+$0x230]  }
0x4f: {  	v7 =	vld [tilespmem:s3+$0x210];
	v0 =	vadd.f32 v0, v1  }
0x50: {  	v1 =	vld [tilespmem:s3+$0x240]  }
0x51: {  	v8 =	vld [tilespmem:s3+$0x3270];
	v0 =	vsub.f32 $0.0e+00, v0  }
0x52: {  	v9 =	vld [tilespmem:s3+$0x270]  }
0x53: {  	v4 =	vld [tilespmem:s3+$0x3200];
	v0 =	vmul.f32 $1.442695020e+00, v0  }
0x54: {  	v10 =	vld [tilespmem:s3+$0x200]  }
0x55: {  	(erf) = vpow2.f32 v0;
	v0 =	vadd.f32 v2, v1  }
0x56: {  	v1 =	vadd.f32 v3, v6;
	v3 =	vadd.f32 v5, v7  }
0x57: {  	v2 =	vld [tilespmem:s3+$0x3260];
	v6 =	vadd.f32 v8, v9;
	v0 =	vsub.f32 $0.0e+00, v0  }
0x58: {  	v5 =	vld [tilespmem:s3+$0x260];
	v1 =	vsub.f32 $0.0e+00, v1;
	v3 =	vsub.f32 $0.0e+00, v3  }
0x59: {  	v4 =	vadd.f32 v4, v10;
	v7 =	vld [tilespmem:s3+$0x3220];
	v0 =	vmul.f32 $1.442695020e+00, v0  }
0x5a: {  	v8 =	vld [tilespmem:s3+$0x220];
	v6 =	vsub.f32 $0.0e+00, v6;
	v1 =	vmul.f32 $1.442695020e+00, v1;
	v3 =	vmul.f32 $1.442695020e+00, v3  }
0x5b: {  	(erf) = vpow2.f32 v0;
	v0 =	vsub.f32 $0.0e+00, v4  }
0x5c: {  	(erf) = vpow2.f32 v1;
	v1 =	vmul.f32 $1.442695020e+00, v6  }
0x5d: {  	v2 =	vadd.f32 v2, v5;
	(erf) = vpow2.f32 v3;
	v0 =	vmul.f32 $1.442695020e+00, v0  }
0x5e: {  	v3 =	vpop (erf);
	(erf) = vpow2.f32 v1  }
0x5f: {  	v2 =	vsub.f32 $0.0e+00, v2;
	(erf) = vpow2.f32 v0;
	v0 =	vadd.f32 v7, v8  }
0x60: {  	v3 =	vadd.f32 $1.000000000e+00, v3  }
0x61: {  	v1 =	vmul.f32 $1.442695020e+00, v2;
	v0 =	vsub.f32 $0.0e+00, v0  }
0x62: {  	(erf) = vrcp.f32 v3  }
0x63: {  	(erf) = vpow2.f32 v1;
	v0 =	vmul.f32 $1.442695020e+00, v0  }
0x64: {  	v2 =	vpop (erf)  }
0x65: {  	v3 =	vpop (erf);
	(erf) = vpow2.f32 v0  }
0x66: {  	v4 =	vld [tilespmem:s3+$0x6250]  }
0x67: {  	v1 =	vld [tilespmem:s3+$0x6240];
	v2 =	vadd.f32 $1.000000000e+00, v2  }
0x68: {  	v0 =	vld [tilespmem:s3+$0x6220];
	v3 =	vadd.f32 $1.000000000e+00, v3;
	v5 =	vpop (erf)  }
0x69: {  	v5 =	vadd.f32 $1.000000000e+00, v5;
	(erf) = vrcp.f32 v2;
	v2 =	vld [tilespmem:s3+$0x6260];
	v6 =	vpop (erf)  }
0x6a: {  	(erf) = vrcp.f32 v3;
	v3 =	vld [tilespmem:s3+$0x6200];
	v9 =	vadd.f32 $1.000000000e+00, v6;
	v6 =	vpop (erf)  }
0x6b: {  	(erf) = vrcp.f32 v5;
	v5 =	vld [tilespmem:s3+$0x6210];
	v7 =	vpop (erf)  }
0x6c: {  	s19 =	simm.s32 $0x200;
	s10 =	simm.s32 $0x400;
	v6 =	vadd.f32 $1.000000000e+00, v6;
	(erf) = vrcp.f32 v9;
	v7 =	vmul.f32 v7, v4;
	v4 =	vld [tilespmem:s3+$0x6270];
	v8 =	vpop (erf)  }
.LBB2_3:
0x6d: {  	p0 =	sne.s32 s10, $0x5E00  }
0x6e: {  	s16 =	sshra.s32 s19, $0x2;
	v9 =	vld [tilespmem:s3+$0x6230];
	v8 =	vadd.f32 $1.000000000e+00, v8;
	(erf) = vrcp.f32 v6;
	v6 =	vpop (erf);
	s19 =	smov.u32 s10;
	s10 =	sadd.s32 $0x200, s10  }
0x6f: {  	v10 =	vld [tilespmem:s16+$0x3250];
	v6 =	vadd.f32 $1.000000000e+00, v6;
	[tilespmem:s3+$0x250] =	vst v7  }
0x70: {  	v7 =	vld [tilespmem:s16+$0x250];
	(erf) = vrcp.f32 v8  }
0x71: {  	v8 =	vld [tilespmem:s16+$0x3240];
	(erf) = vrcp.f32 v6  }
0x72: {  	v6 =	vld [tilespmem:s16+$0x3220];
	v11 =	vpop (erf)  }
0x73: {  	v12 =	vld [tilespmem:s16+$0x3230];
	v1 =	vmul.f32 v11, v1;
	v11 =	vpop (erf)  }
0x74: {  	v13 =	vld [tilespmem:s16+$0x3200];
	v15 =	vmul.f32 v11, v9;
	v11 =	vpop (erf)  }
0x75: {  	v14 =	vld [tilespmem:s16+$0x3210];
	v7 =	vadd.f32 v10, v7;
	v11 =	vmul.f32 v11, v5;
	[tilespmem:s3+$0x240] =	vst v1  }
0x76: {  	v1 =	vld [tilespmem:s16+$0x240];
	[tilespmem:s3+$0x230] =	vst v15;
	v9 =	vpop (erf)  }
0x77: {  	v10 =	vld [tilespmem:s16+$0x230];
	v7 =	vsub.f32 $0.0e+00, v7;
	[tilespmem:s3+$0x210] =	vst v11;
	v11 =	vmul.f32 v9, v4;
	v5 =	vpop (erf)  }
0x78: {  	v9 =	vld [tilespmem:s16+$0x210];
	v15 =	vmul.f32 v5, v3  }
0x79: {  	v5 =	vmul.f32 $1.442695020e+00, v7;
	v7 =	vld [tilespmem:s16+$0x3270];
	[tilespmem:s3+$0x270] =	vst v11;
	v4 =	vpop (erf)  }
0x7a: {  	v11 =	vld [tilespmem:s16+$0x270];
	[tilespmem:s3+$0x200] =	vst v15;
	v2 =	vmul.f32 v4, v2;
	v3 =	vpop (erf)  }
0x7b: {  	v4 =	vld [tilespmem:s16+$0x200];
	v1 =	vadd.f32 v8, v1;
	(erf) = vpow2.f32 v5;
	v0 =	vmul.f32 v3, v0  }
0x7c: {  	v3 =	vadd.f32 v12, v10;
	v5 =	vld [tilespmem:s16+$0x3260];
	[tilespmem:s3+$0x260] =	vst v2  }
0x7d: {  	v2 =	vadd.f32 v14, v9;
	v1 =	vsub.f32 $0.0e+00, v1;
	v8 =	vld [tilespmem:s16+$0x260];
	[tilespmem:s3+$0x220] =	vst v0;
	s3 =	smov.u32 s16  }
0x7e: {  	v0 =	vld [tilespmem:s3+$0x220];
	v3 =	vsub.f32 $0.0e+00, v3  }
0x7f: {  	v2 =	vsub.f32 $0.0e+00, v2;
	v9 =	vmul.f32 $1.442695020e+00, v1;
	v1 =	vld [tilespmem:s3+$0x6240];
	v7 =	vadd.f32 v7, v11  }
0x80: {  	v4 =	vadd.f32 v13, v4;
	v3 =	vmul.f32 $1.442695020e+00, v3  }
0x81: {  	v2 =	vmul.f32 $1.442695020e+00, v2;
	v7 =	vsub.f32 $0.0e+00, v7;
	(erf) = vpow2.f32 v9  }
0x82: {  	v4 =	vsub.f32 $0.0e+00, v4;
	v8 =	vadd.f32 v5, v8;
	(erf) = vpow2.f32 v3  }
0x83: {  	v0 =	vadd.f32 v6, v0;
	v3 =	vmul.f32 $1.442695020e+00, v7;
	(erf) = vpow2.f32 v2  }
0x84: {  	v2 =	vmul.f32 $1.442695020e+00, v4;
	v4 =	vsub.f32 $0.0e+00, v8;
	v5 =	vpop (erf)  }
0x85: {  	v0 =	vsub.f32 $0.0e+00, v0;
	v5 =	vadd.f32 $1.000000000e+00, v5;
	(erf) = vpow2.f32 v3  }
0x86: {  	v3 =	vmul.f32 $1.442695020e+00, v4;
	(erf) = vpow2.f32 v2  }
0x87: {  	v2 =	vmul.f32 $1.442695020e+00, v0;
	(erf) = vrcp.f32 v5  }
0x88: {  	(erf) = vpow2.f32 v3  }
0x89: {  	(erf) = vpow2.f32 v2  }
0x8a: {  	v0 =	vpop (erf)  }
0x8b: {  	v2 =	vadd.f32 $1.000000000e+00, v0;
	v4 =	vld [tilespmem:s3+$0x6250];
	v0 =	vpop (erf)  }
0x8c: {  	v3 =	vadd.f32 $1.000000000e+00, v0;
	v0 =	vpop (erf)  }
.Ltmp0:
0x8d: {  	v5 =	vadd.f32 $1.000000000e+00, v0;
	v0 =	vld [tilespmem:s3+$0x6220];
	(erf) = vrcp.f32 v2;
	(pc) =	sbr.rel @p0 .LBB2_3-.Ltmp0, $4  }
0x8e: {  	v2 =	vld [tilespmem:s3+$0x6260];
	(erf) = vrcp.f32 v3;
	v6 =	vpop (erf)  }
0x8f: {  	v3 =	vld [tilespmem:s3+$0x6200];
	v9 =	vadd.f32 $1.000000000e+00, v6;
	v6 =	vpop (erf);
	(erf) = vrcp.f32 v5  }
0x90: {  	v6 =	vadd.f32 $1.000000000e+00, v6;
	v5 =	vld [tilespmem:s3+$0x6210];
	v7 =	vpop (erf)  }
0x91: {  	v7 =	vmul.f32 v7, v4;
	v4 =	vld [tilespmem:s3+$0x6270];
	v8 =	vpop (erf);
	(erf) = vrcp.f32 v9  }
0x92: {  	_ =	sdelay $0x1  }
0x93: {  	s10 =	sshra.s32 s19, $0x2;
	v9 =	vld [tilespmem:s3+$0x6230]  }
0x94: {  	v12 =	vpop (erf);
	v8 =	vadd.f32 $1.000000000e+00, v8;
	v10 =	vld [tilespmem:s10+$0x3250];
	[tilespmem:s3+$0x250] =	vst v7  }
0x95: {  	(erf) = vrcp.f32 v6;
	v7 =	vld [tilespmem:s10+$0x250];
	v6 =	vpop (erf)  }
0x96: {  	v11 =	vld [tilespmem:s10+$0x3240];
	(erf) = vrcp.f32 v8;
	v8 =	vadd.f32 $1.000000000e+00, v12;
	v1 =	vmul.f32 v6, v1  }
0x97: {  	v13 =	vld [tilespmem:s10+$0x3220]  }
0x98: {  	v14 =	vld [tilespmem:s10+$0x3230];
	(erf) = vrcp.f32 v8  }
0x99: {  	v16 =	vld [tilespmem:s10+$0x3210];
	v15 =	vpop (erf)  }
0x9a: {  	v6 =	vld [tilespmem:s10+$0x3200];
	v9 =	vmul.f32 v15, v9;
	[tilespmem:s3+$0x240] =	vst v1;
	v1 =	vpop (erf)  }
0x9b: {  	v1 =	vmul.f32 v1, v5  }
0x9c: {  	v63 =	vld [tilespmem:s10+$0x240];
	[tilespmem:s3+$0x230] =	vst v9;
	v8 =	vpop (erf)  }
0x9d: {  	v7 =	vadd.f32 v10, v7;
	v5 =	vld [tilespmem:s10+$0x230];
	[tilespmem:s3+$0x210] =	vst v1;
	v1 =	vmul.f32 v8, v4  }
0x9e: {  	v8 =	vpop (erf);
	v4 =	vld [tilespmem:s10+$0x210]  }
0x9f: {  	v9 =	vld [tilespmem:s10+$0x3270];
	v3 =	vmul.f32 v8, v3;
	[tilespmem:s3+$0x270] =	vst v1;
	v1 =	vsub.f32 $0.0e+00, v7  }
0xa0: {  	v8 =	vpop (erf)  }
0xa1: {  	v2 =	vmul.f32 v8, v2;
	v8 =	vpop (erf);
	v7 =	vld [tilespmem:s10+$0x270];
	[tilespmem:s3+$0x200] =	vst v3;
	v1 =	vmul.f32 $1.442695020e+00, v1  }
0xa2: {  	v0 =	vmul.f32 v8, v0;
	v3 =	vld [tilespmem:s10+$0x200]  }
0xa3: {  	v10 =	vld [tilespmem:s10+$0x3260];
	[tilespmem:s3+$0x260] =	vst v2;
	v2 =	vadd.f32 v14, v5;
	(erf) = vpow2.f32 v1;
	v1 =	vadd.f32 v11, v63  }
0xa4: {  	v5 =	vld [tilespmem:s10+$0x260];
	[tilespmem:s3+$0x220] =	vst v0;
	v4 =	vadd.f32 v16, v4  }
0xa5: {  	v2 =	vsub.f32 $0.0e+00, v2;
	v0 =	vsub.f32 $0.0e+00, v1;
	v1 =	vld [tilespmem:s10+$0x220]  }
0xa6: {  	v4 =	vsub.f32 $0.0e+00, v4;
	v7 =	vadd.f32 v9, v7  }
0xa7: {  	v3 =	vadd.f32 v6, v3;
	v0 =	vmul.f32 $1.442695020e+00, v0  }
0xa8: {  	v2 =	vmul.f32 $1.442695020e+00, v2;
	v4 =	vmul.f32 $1.442695020e+00, v4;
	v6 =	vsub.f32 $0.0e+00, v7  }
0xa9: {  	(erf) = vpow2.f32 v0;
	v0 =	vsub.f32 $0.0e+00, v3;
	v3 =	vadd.f32 v10, v5  }
0xaa: {  	(erf) = vpow2.f32 v2;
	v1 =	vadd.f32 v13, v1  }
0xab: {  	v2 =	vmul.f32 $1.442695020e+00, v6;
	(erf) = vpow2.f32 v4;
	v3 =	vsub.f32 $0.0e+00, v3  }
0xac: {  	v0 =	vmul.f32 $1.442695020e+00, v0;
	v4 =	vpop (erf);
	v1 =	vsub.f32 $0.0e+00, v1  }
0xad: {  	(erf) = vpow2.f32 v2;
	v4 =	vadd.f32 $1.000000000e+00, v4;
	v2 =	vmul.f32 $1.442695020e+00, v3  }
0xae: {  	(erf) = vpow2.f32 v0;
	v0 =	vmul.f32 $1.442695020e+00, v1  }
0xaf: {  	(erf) = vrcp.f32 v4  }
0xb0: {  	(erf) = vpow2.f32 v2  }
0xb1: {  	(erf) = vpow2.f32 v0  }
0xb2: {  	v0 =	vpop (erf)  }
0xb3: {  	v1 =	vpop (erf);
	v0 =	vadd.f32 $1.000000000e+00, v0  }
0xb4: {  	v2 =	vpop (erf)  }
0xb5: {  	v2 =	vadd.f32 $1.000000000e+00, v2  }
0xb6: {  	v1 =	vadd.f32 $1.000000000e+00, v1;
	v3 =	vpop (erf);
	(erf) = vrcp.f32 v0  }
0xb7: {  	v0 =	vpop (erf)  }
0xb8: {  	(erf) = vrcp.f32 v1;
	v1 =	vadd.f32 $1.000000000e+00, v3;
	v3 =	vpop (erf)  }
0xb9: {  	(erf) = vrcp.f32 v2;
	v0 =	vadd.f32 $1.000000000e+00, v0;
	v2 =	vpop (erf)  }
0xba: {  	v4 =	vld [tilespmem:s10+$0x6250];
	(erf) = vrcp.f32 v1;
	v1 =	vadd.f32 $1.000000000e+00, v2;
	v2 =	vpop (erf)  }
0xbb: {  	(erf) = vrcp.f32 v0;
	v0 =	vadd.f32 $1.000000000e+00, v2;
	v2 =	vld [tilespmem:s10+$0x6240];
	_ =	sdelay $0x1  }
0xbc: {  	(erf) = vrcp.f32 v1  }
0xbd: {  	v1 =	vld [tilespmem:s10+$0x6230];
	(erf) = vrcp.f32 v0  }
0xbe: {  	v3 =	vmul.f32 v3, v4;
	v0 =	vld [tilespmem:s10+$0x6210];
	v4 =	vpop (erf)  }
0xbf: {  	v5 =	vld [tilespmem:s10+$0x6270];
	v2 =	vmul.f32 v4, v2  }
0xc0: {  	v6 =	vld [tilespmem:s10+$0x6200]  }
0xc1: {  	v7 =	vld [tilespmem:s10+$0x6260];
	v4 =	vpop (erf)  }
0xc2: {  	v8 =	vld [tilespmem:s10+$0x6220];
	[tilespmem:s10+$0x250] =	vst v3;
	v1 =	vmul.f32 v4, v1;
	v3 =	vpop (erf)  }
0xc3: {  	v0 =	vmul.f32 v3, v0;
	[tilespmem:s10+$0x240] =	vst v2;
	v2 =	vpop (erf)  }
0xc4: {  	[tilespmem:s10+$0x230] =	vst v1;
	v1 =	vmul.f32 v2, v5;
	v2 =	vpop (erf)  }
0xc5: {  	[tilespmem:s10+$0x210] =	vst v0;
	v0 =	vmul.f32 v2, v6;
	v2 =	vpop (erf)  }
0xc6: {  	[tilespmem:s10+$0x270] =	vst v1;
	v1 =	vmul.f32 v2, v7;
	v2 =	vpop (erf)  }
0xc7: {  	[tilespmem:s10+$0x200] =	vst v0;
	v0 =	vmul.f32 v2, v8  }
0xc8: {  	[tilespmem:s10+$0x260] =	vst v1  }
0xc9: {  	[tilespmem:s10+$0x220] =	vst v0  }
0xca: {  	[spmem:s1] =	stream.indirect.scatter.add.f32 [tilespmem:s23], [sflag:$0x7], $0x80, s21, s22, $0xb8;
	[tilespmem:$0x1D200] =	vst v63  }
0xcb: {  	s18 =	sadd.s32 s18, s14;
	_ =	swait.ge [sflag:s20], $0x1800  }
0xcc: {  	s3 =	sshrl.u32 s18, $0x3;
	[sflag:s20] =	ssyncset.done $0x0  }
0xcd: {  	s16 =	simm.s32 $0x0;
	s19 =	sadd.s32 s7, s3;
	[sflag:s20] =	ssyncadd.s32 $0xFFFFE800  }
0xce: {  	[tilespmem:s16], [sflag:$0x7] =	stream.linear.gather [hbm4b:s19+s16], $0x30, $0x38;
	[tilespmem:$0x1D200] =	vst v63  }
0xcf: {  	_ =	swait.ge [sflag:s20], $0x30  }
0xd0: {  	[sflag:s20] =	ssyncset.done $0x0  }
0xd1: {  	s3 =	sadd.s32 s8, s3;
	[sflag:s20] =	ssyncadd.s32 $0xFFFFFFD0  }
0xd2: {  	[tilespmem:s21], [sflag:$0x7] =	stream.linear.gather [hbm4b:s3+s16], $0x30, $0x38;
	[tilespmem:$0x1D200] =	vst v63  }
0xd3: {  	_ =	swait.ge [sflag:s20], $0x30  }
0xd4: {  	[sflag:s20] =	ssyncset.done $0x0  }
0xd5: {  	[sflag:s20] =	ssyncadd.s32 $0xFFFFFFD0  }
0xd6: {  	[tilespmem:s23], [sflag:$0x1] =	stream.indirect.gather [hbm4b:s4+s22], $0x80, s21, s22, $0xb8;
	[tilespmem:$0x1D200] =	vst v63  }
0xd7: {  	_ = 	snop  }
0xd8: {  	[tilespmem:s24], [sflag:$0x2] =	stream.indirect.gather [hbm4b:s5+s22], $0x80, s16, s22, $0xb8;
	[tilespmem:$0x1D200] =	vst v63  }
0xd9: {  	_ = 	snop  }
0xda: {  	[tilespmem:s25], [sflag:$0x3] =	stream.indirect.gather [hbm4b:s6+s22], $0x80, s16, s22, $0xb8;
	[tilespmem:$0x1D200] =	vst v63  }
0xdb: {  	_ =	swait.ge [sflag:s11], $0x1800  }
0xdc: {  	[sflag:s11] =	ssyncset.done $0x0  }
0xdd: {  	[sflag:s11] =	ssyncadd.s32 $0xFFFFE800  }
0xde: {  	_ =	swait.ge [sflag:s12], $0x1800  }
0xdf: {  	[sflag:s12] =	ssyncset.done $0x0  }
0xe0: {  	[sflag:s12] =	ssyncadd.s32 $0xFFFFE800  }
0xe1: {  	_ =	swait.ge [sflag:s15], $0x1800  }
0xe2: {  	[sflag:s15] =	ssyncset.done $0x0  }
0xe3: {  	s3 =	simm.s32 $0x0;
	[sflag:s15] =	ssyncadd.s32 $0xFFFFE800  }
0xe4: {  	v0 =	vld [tilespmem:s3+$0x4A50]  }
0xe5: {  	v1 =	vld [tilespmem:s3+$0x1A50]  }
0xe6: {  	v2 =	vld [tilespmem:s3+$0x4A40]  }
0xe7: {  	v3 =	vld [tilespmem:s3+$0x4A30]  }
0xe8: {  	v4 =	vld [tilespmem:s3+$0x4A00]  }
0xe9: {  	v5 =	vld [tilespmem:s3+$0x4A10]  }
0xea: {  	v6 =	vld [tilespmem:s3+$0x1A30];
	v0 =	vadd.f32 v0, v1  }
0xeb: {  	v1 =	vld [tilespmem:s3+$0x1A40]  }
0xec: {  	v7 =	vld [tilespmem:s3+$0x1A10];
	v0 =	vsub.f32 $0.0e+00, v0  }
0xed: {  	v8 =	vld [tilespmem:s3+$0x4A70]  }
0xee: {  	v9 =	vld [tilespmem:s3+$0x1A70];
	v0 =	vmul.f32 $1.442695020e+00, v0  }
0xef: {  	v10 =	vld [tilespmem:s3+$0x1A00]  }
0xf0: {  	(erf) = vpow2.f32 v0;
	v0 =	vadd.f32 v2, v1  }
0xf1: {  	v1 =	vadd.f32 v3, v6  }
0xf2: {  	v2 =	vld [tilespmem:s3+$0x4A60];
	v3 =	vadd.f32 v5, v7;
	v0 =	vsub.f32 $0.0e+00, v0  }
0xf3: {  	v5 =	vld [tilespmem:s3+$0x1A60];
	v6 =	vadd.f32 v8, v9;
	v1 =	vsub.f32 $0.0e+00, v1  }
0xf4: {  	v4 =	vadd.f32 v4, v10;
	v7 =	vld [tilespmem:s3+$0x4A20];
	v3 =	vsub.f32 $0.0e+00, v3;
	v0 =	vmul.f32 $1.442695020e+00, v0  }
0xf5: {  	v8 =	vld [tilespmem:s3+$0x1A20];
	v6 =	vsub.f32 $0.0e+00, v6;
	v1 =	vmul.f32 $1.442695020e+00, v1  }
0xf6: {  	v3 =	vmul.f32 $1.442695020e+00, v3;
	(erf) = vpow2.f32 v0;
	v0 =	vsub.f32 $0.0e+00, v4  }
0xf7: {  	(erf) = vpow2.f32 v1;
	v1 =	vmul.f32 $1.442695020e+00, v6  }
0xf8: {  	v2 =	vadd.f32 v2, v5;
	(erf) = vpow2.f32 v3;
	v0 =	vmul.f32 $1.442695020e+00, v0  }
0xf9: {  	(erf) = vpow2.f32 v1  }
0xfa: {  	v2 =	vsub.f32 $0.0e+00, v2;
	v3 =	vpop (erf);
	(erf) = vpow2.f32 v0;
	v0 =	vadd.f32 v7, v8  }
0xfb: {  	v3 =	vadd.f32 $1.000000000e+00, v3  }
0xfc: {  	v1 =	vmul.f32 $1.442695020e+00, v2;
	v0 =	vsub.f32 $0.0e+00, v0  }
0xfd: {  	(erf) = vrcp.f32 v3  }
0xfe: {  	(erf) = vpow2.f32 v1;
	v0 =	vmul.f32 $1.442695020e+00, v0  }
0xff: {  	v2 =	vpop (erf)  }
0x100: {  	v3 =	vpop (erf);
	(erf) = vpow2.f32 v0  }
0x101: {  	v4 =	vld [tilespmem:s3+$0x7A50]  }
0x102: {  	v1 =	vld [tilespmem:s3+$0x7A40];
	v2 =	vadd.f32 $1.000000000e+00, v2  }
0x103: {  	v0 =	vld [tilespmem:s3+$0x7A20];
	v3 =	vadd.f32 $1.000000000e+00, v3;
	v5 =	vpop (erf)  }
0x104: {  	v5 =	vadd.f32 $1.000000000e+00, v5;
	(erf) = vrcp.f32 v2;
	v2 =	vld [tilespmem:s3+$0x7A60];
	v6 =	vpop (erf)  }
0x105: {  	(erf) = vrcp.f32 v3;
	v3 =	vld [tilespmem:s3+$0x7A00];
	v9 =	vadd.f32 $1.000000000e+00, v6;
	v6 =	vpop (erf)  }
0x106: {  	(erf) = vrcp.f32 v5;
	v5 =	vld [tilespmem:s3+$0x7A10];
	v7 =	vpop (erf)  }
0x107: {  	s18 =	simm.s32 $0x200;
	s10 =	simm.s32 $0x400;
	v6 =	vadd.f32 $1.000000000e+00, v6;
	(erf) = vrcp.f32 v9;
	v7 =	vmul.f32 v7, v4;
	v4 =	vld [tilespmem:s3+$0x7A70];
	v8 =	vpop (erf)  }
.LBB2_5:
0x108: {  	p0 =	sne.s32 s10, $0x5E00  }
0x109: {  	s16 =	sshra.s32 s18, $0x2;
	v9 =	vld [tilespmem:s3+$0x7A30];
	v8 =	vadd.f32 $1.000000000e+00, v8;
	(erf) = vrcp.f32 v6;
	v6 =	vpop (erf);
	s18 =	smov.u32 s10;
	s10 =	sadd.s32 $0x200, s10  }
0x10a: {  	v10 =	vld [tilespmem:s16+$0x4A50];
	v6 =	vadd.f32 $1.000000000e+00, v6;
	[tilespmem:s3+$0x1A50] =	vst v7  }
0x10b: {  	v7 =	vld [tilespmem:s16+$0x1A50];
	(erf) = vrcp.f32 v8  }
0x10c: {  	v8 =	vld [tilespmem:s16+$0x4A40];
	(erf) = vrcp.f32 v6  }
0x10d: {  	v6 =	vld [tilespmem:s16+$0x4A20];
	v11 =	vpop (erf)  }
0x10e: {  	v12 =	vld [tilespmem:s16+$0x4A30];
	v1 =	vmul.f32 v11, v1;
	v11 =	vpop (erf)  }
0x10f: {  	v13 =	vld [tilespmem:s16+$0x4A00];
	v15 =	vmul.f32 v11, v9;
	v11 =	vpop (erf)  }
0x110: {  	v14 =	vld [tilespmem:s16+$0x4A10];
	v7 =	vadd.f32 v10, v7;
	v11 =	vmul.f32 v11, v5;
	[tilespmem:s3+$0x1A40] =	vst v1  }
0x111: {  	v1 =	vld [tilespmem:s16+$0x1A40];
	[tilespmem:s3+$0x1A30] =	vst v15;
	v9 =	vpop (erf)  }
0x112: {  	v10 =	vld [tilespmem:s16+$0x1A30];
	v7 =	vsub.f32 $0.0e+00, v7;
	[tilespmem:s3+$0x1A10] =	vst v11;
	v11 =	vmul.f32 v9, v4;
	v5 =	vpop (erf)  }
0x113: {  	v9 =	vld [tilespmem:s16+$0x1A10];
	v15 =	vmul.f32 v5, v3  }
0x114: {  	v5 =	vmul.f32 $1.442695020e+00, v7;
	v7 =	vld [tilespmem:s16+$0x4A70];
	[tilespmem:s3+$0x1A70] =	vst v11;
	v4 =	vpop (erf)  }
0x115: {  	v11 =	vld [tilespmem:s16+$0x1A70];
	[tilespmem:s3+$0x1A00] =	vst v15;
	v2 =	vmul.f32 v4, v2;
	v3 =	vpop (erf)  }
0x116: {  	v4 =	vld [tilespmem:s16+$0x1A00];
	v1 =	vadd.f32 v8, v1;
	(erf) = vpow2.f32 v5;
	v0 =	vmul.f32 v3, v0  }
0x117: {  	v3 =	vadd.f32 v12, v10;
	v5 =	vld [tilespmem:s16+$0x4A60];
	[tilespmem:s3+$0x1A60] =	vst v2  }
0x118: {  	v2 =	vadd.f32 v14, v9;
	v1 =	vsub.f32 $0.0e+00, v1;
	v8 =	vld [tilespmem:s16+$0x1A60];
	[tilespmem:s3+$0x1A20] =	vst v0;
	s3 =	smov.u32 s16  }
0x119: {  	v0 =	vld [tilespmem:s3+$0x1A20];
	v3 =	vsub.f32 $0.0e+00, v3  }
0x11a: {  	v2 =	vsub.f32 $0.0e+00, v2;
	v9 =	vmul.f32 $1.442695020e+00, v1;
	v1 =	vld [tilespmem:s3+$0x7A40];
	v7 =	vadd.f32 v7, v11  }
0x11b: {  	v4 =	vadd.f32 v13, v4;
	v3 =	vmul.f32 $1.442695020e+00, v3  }
0x11c: {  	v2 =	vmul.f32 $1.442695020e+00, v2;
	v7 =	vsub.f32 $0.0e+00, v7;
	(erf) = vpow2.f32 v9  }
0x11d: {  	v4 =	vsub.f32 $0.0e+00, v4;
	v8 =	vadd.f32 v5, v8;
	(erf) = vpow2.f32 v3  }
0x11e: {  	v0 =	vadd.f32 v6, v0;
	v3 =	vmul.f32 $1.442695020e+00, v7;
	(erf) = vpow2.f32 v2  }
0x11f: {  	v2 =	vmul.f32 $1.442695020e+00, v4;
	v4 =	vsub.f32 $0.0e+00, v8;
	v5 =	vpop (erf)  }
0x120: {  	v0 =	vsub.f32 $0.0e+00, v0;
	v5 =	vadd.f32 $1.000000000e+00, v5;
	(erf) = vpow2.f32 v3  }
0x121: {  	v3 =	vmul.f32 $1.442695020e+00, v4;
	(erf) = vpow2.f32 v2  }
0x122: {  	v2 =	vmul.f32 $1.442695020e+00, v0;
	(erf) = vrcp.f32 v5  }
0x123: {  	(erf) = vpow2.f32 v3  }
0x124: {  	(erf) = vpow2.f32 v2  }
0x125: {  	v0 =	vpop (erf)  }
0x126: {  	v2 =	vadd.f32 $1.000000000e+00, v0;
	v4 =	vld [tilespmem:s3+$0x7A50];
	v0 =	vpop (erf)  }
0x127: {  	v3 =	vadd.f32 $1.000000000e+00, v0;
	v0 =	vpop (erf)  }
.Ltmp1:
0x128: {  	v5 =	vadd.f32 $1.000000000e+00, v0;
	v0 =	vld [tilespmem:s3+$0x7A20];
	(erf) = vrcp.f32 v2;
	(pc) =	sbr.rel @p0 .LBB2_5-.Ltmp1, $4  }
0x129: {  	v2 =	vld [tilespmem:s3+$0x7A60];
	(erf) = vrcp.f32 v3;
	v6 =	vpop (erf)  }
0x12a: {  	v3 =	vld [tilespmem:s3+$0x7A00];
	v9 =	vadd.f32 $1.000000000e+00, v6;
	v6 =	vpop (erf);
	(erf) = vrcp.f32 v5  }
0x12b: {  	v6 =	vadd.f32 $1.000000000e+00, v6;
	v5 =	vld [tilespmem:s3+$0x7A10];
	v7 =	vpop (erf)  }
0x12c: {  	v7 =	vmul.f32 v7, v4;
	v4 =	vld [tilespmem:s3+$0x7A70];
	v8 =	vpop (erf);
	(erf) = vrcp.f32 v9  }
0x12d: {  	s10 =	sshra.s32 s18, $0x2;
	v9 =	vld [tilespmem:s3+$0x7A30];
	v12 =	vpop (erf);
	(erf) = vrcp.f32 v6;
	v8 =	vadd.f32 $1.000000000e+00, v8  }
0x12e: {  	v10 =	vld [tilespmem:s10+$0x4A50];
	[tilespmem:s3+$0x1A50] =	vst v7;
	v57 =	vadd.f32 $1.000000000e+00, v12  }
0x12f: {  	v7 =	vld [tilespmem:s10+$0x1A50];
	(erf) = vrcp.f32 v8  }
0x130: {  	v11 =	vld [tilespmem:s10+$0x4A40];
	(erf) = vrcp.f32 v57  }
0x131: {  	v13 =	vld [tilespmem:s10+$0x4A20];
	v55 =	vpop (erf)  }
0x132: {  	v14 =	vld [tilespmem:s10+$0x4A30];
	v1 =	vmul.f32 v55, v1;
	v15 =	vpop (erf)  }
0x133: {  	v56 =	vld [tilespmem:s10+$0x4A00];
	v9 =	vmul.f32 v15, v9;
	v58 =	vpop (erf)  }
0x134: {  	v16 =	vld [tilespmem:s10+$0x4A10];
	[tilespmem:s3+$0x1A40] =	vst v1;
	v1 =	vmul.f32 v58, v5;
	v7 =	vadd.f32 v10, v7  }
0x135: {  	v59 =	vld [tilespmem:s10+$0x1A40];
	[tilespmem:s3+$0x1A30] =	vst v9;
	v61 =	vpop (erf)  }
0x136: {  	v60 =	vld [tilespmem:s10+$0x1A30];
	[tilespmem:s3+$0x1A10] =	vst v1;
	v62 =	vmul.f32 v61, v4;
	v15 =	vpop (erf);
	v17 =	vsub.f32 $0.0e+00, v7  }
0x137: {  	v63 =	vld [tilespmem:s10+$0x1A10];
	v3 =	vmul.f32 v15, v3  }
0x138: {  	v9 =	vld [tilespmem:s10+$0x4A70];
	[tilespmem:s3+$0x1A70] =	vst v62;
	v19 =	vpop (erf);
	v1 =	vmul.f32 $1.442695020e+00, v17  }
0x139: {  	v18 =	vld [tilespmem:s10+$0x1A70];
	[tilespmem:s3+$0x1A00] =	vst v3;
	v2 =	vmul.f32 v19, v2;
	v20 =	vpop (erf)  }
0x13a: {  	v3 =	vld [tilespmem:s10+$0x1A00];
	(erf) = vpow2.f32 v1;
	v0 =	vmul.f32 v20, v0  }
0x13b: {  	v21 =	vld [tilespmem:s10+$0x4A60];
	v22 =	vadd.f32 v11, v59;
	[tilespmem:s3+$0x1A60] =	vst v2;
	v23 =	vadd.f32 v14, v60  }
0x13c: {  	v24 =	vld [tilespmem:s10+$0x1A60];
	v4 =	vadd.f32 v16, v63;
	[tilespmem:s3+$0x1A20] =	vst v0  }
0x13d: {  	v25 =	vsub.f32 $0.0e+00, v22;
	v26 =	vld [tilespmem:s10+$0x1A20];
	v2 =	vsub.f32 $0.0e+00, v23  }
0x13e: {  	v4 =	vsub.f32 $0.0e+00, v4;
	v7 =	vadd.f32 v9, v18  }
0x13f: {  	v0 =	vmul.f32 $1.442695020e+00, v25;
	v3 =	vadd.f32 v56, v3  }
0x140: {  	v2 =	vmul.f32 $1.442695020e+00, v2;
	v4 =	vmul.f32 $1.442695020e+00, v4;
	v27 =	vsub.f32 $0.0e+00, v7  }
0x141: {  	(erf) = vpow2.f32 v0;
	v28 =	vsub.f32 $0.0e+00, v3;
	v29 =	vadd.f32 v21, v24  }
0x142: {  	(erf) = vpow2.f32 v2;
	v1 =	vadd.f32 v13, v26;
	v30 =	vmul.f32 $1.442695020e+00, v27  }
0x143: {  	(erf) = vpow2.f32 v4;
	v0 =	vmul.f32 $1.442695020e+00, v28;
	v3 =	vsub.f32 $0.0e+00, v29;
	v31 =	vpop (erf)  }
0x144: {  	v1 =	vsub.f32 $0.0e+00, v1;
	v4 =	vadd.f32 $1.000000000e+00, v31;
	(erf) = vpow2.f32 v30  }
0x145: {  	v32 =	vmul.f32 $1.442695020e+00, v3;
	(erf) = vpow2.f32 v0  }
0x146: {  	v33 =	vmul.f32 $1.442695020e+00, v1;
	(erf) = vrcp.f32 v4  }
0x147: {  	(erf) = vpow2.f32 v32  }
0x148: {  	(erf) = vpow2.f32 v33;
	_ =	sdelay $0x1  }
0x149: {  	v34 =	vpop (erf)  }
0x14a: {  	v35 =	vpop (erf)  }
0x14b: {  	v0 =	vadd.f32 $1.000000000e+00, v34;
	v36 =	vpop (erf)  }
0x14c: {  	v1 =	vadd.f32 $1.000000000e+00, v35;
	v37 =	vpop (erf)  }
0x14d: {  	v2 =	vadd.f32 $1.000000000e+00, v36;
	(erf) = vrcp.f32 v0;
	v38 =	vpop (erf)  }
0x14e: {  	(erf) = vrcp.f32 v1;
	v39 =	vadd.f32 $1.000000000e+00, v37;
	v40 =	vpop (erf)  }
0x14f: {  	(erf) = vrcp.f32 v2;
	v0 =	vadd.f32 $1.000000000e+00, v38;
	v41 =	vpop (erf)  }
0x150: {  	(erf) = vrcp.f32 v39;
	v42 =	vadd.f32 $1.000000000e+00, v41;
	v43 =	vpop (erf)  }
0x151: {  	v44 =	vld [tilespmem:s10+$0x7A50];
	(erf) = vrcp.f32 v0;
	v45 =	vadd.f32 $1.000000000e+00, v43  }
0x152: {  	v46 =	vld [tilespmem:s10+$0x7A40];
	(erf) = vrcp.f32 v42  }
0x153: {  	v47 =	vld [tilespmem:s10+$0x7A30];
	(erf) = vrcp.f32 v45  }
0x154: {  	v48 =	vld [tilespmem:s10+$0x7A10]  }
0x155: {  	v49 =	vld [tilespmem:s10+$0x7A70]  }
0x156: {  	v50 =	vld [tilespmem:s10+$0x7A00];
	v3 =	vmul.f32 v40, v44;
	v51 =	vpop (erf)  }
0x157: {  	v52 =	vld [tilespmem:s10+$0x7A60];
	v2 =	vmul.f32 v51, v46;
	v53 =	vpop (erf)  }
0x158: {  	v54 =	vld [tilespmem:s10+$0x7A20];
	[tilespmem:s10+$0x1A50] =	vst v3;
	v1 =	vmul.f32 v53, v47;
	v55 =	vpop (erf)  }
0x159: {  	v0 =	vmul.f32 v55, v48;
	[tilespmem:s10+$0x1A40] =	vst v2;
	v56 =	vpop (erf)  }
0x15a: {  	[tilespmem:s10+$0x1A30] =	vst v1;
	v57 =	vmul.f32 v56, v49;
	v58 =	vpop (erf)  }
0x15b: {  	[tilespmem:s10+$0x1A10] =	vst v0;
	v59 =	vmul.f32 v58, v50;
	v60 =	vpop (erf)  }
0x15c: {  	[tilespmem:s10+$0x1A70] =	vst v57;
	v61 =	vmul.f32 v60, v52;
	v62 =	vpop (erf)  }
0x15d: {  	s17 =	sadd.s32 $0x1, s17;
	[tilespmem:s10+$0x1A00] =	vst v59;
	v63 =	vmul.f32 v62, v54  }
0x15e: {  	p0 =	sne.s32 s17, $0x68;
	[tilespmem:s10+$0x1A60] =	vst v61  }
.Ltmp2:
0x15f: {  	[tilespmem:s10+$0x1A20] =	vst v63;
	(pc) =	sbr.rel @p0 .LBB2_2-.Ltmp2, $4  }
0x160: {  	[spmem:s1] =	stream.indirect.scatter.add.f32 [tilespmem:s29], [sflag:$0x7], $0x80, s28, s22, $0xb8;
	[tilespmem:$0x1D200] =	vst v63  }
0x161: {  	_ =	swait.ge [sflag:s20], $0x1800  }
0x162: {  	[sflag:s20] =	ssyncset.done $0x0  }
0x163: {  	[sflag:s20] =	ssyncadd.s32 $0xFFFFE800  }
0x164: {  	s3 =	simm.s32 $0x0;
	s10 =	rddreg [dreg:$0x7]  }
0x165: {  	[tilespmem:s26], [sflag:$0x7] =	stream.linear.gather [hbm4b:s10+s3], $0x30, $0x38;
	[tilespmem:$0x1D200] =	vst v63  }
0x166: {  	_ =	swait.ge [sflag:s20], $0x30  }
0x167: {  	[sflag:s20] =	ssyncset.done $0x0  }
0x168: {  	s19 =	rddreg [dreg:$0x8];
	[sflag:s20] =	ssyncadd.s32 $0xFFFFFFD0  }
0x169: {  	[tilespmem:s28], [sflag:$0x7] =	stream.linear.gather [hbm4b:s19+s3], $0x30, $0x38;
	[tilespmem:$0x1D200] =	vst v63  }
0x16a: {  	_ =	swait.ge [sflag:s20], $0x30  }
0x16b: {  	[sflag:s20] =	ssyncset.done $0x0  }
0x16c: {  	[sflag:s20] =	ssyncadd.s32 $0xFFFFFFD0  }
0x16d: {  	[tilespmem:s29], [sflag:$0x4] =	stream.indirect.gather [hbm4b:s4+s22], $0x80, s28, s22, $0xb8;
	[tilespmem:$0x1D200] =	vst v63  }
0x16e: {  	_ = 	snop  }
0x16f: {  	[tilespmem:s30], [sflag:$0x5] =	stream.indirect.gather [hbm4b:s5+s22], $0x80, s26, s22, $0xb8;
	[tilespmem:$0x1D200] =	vst v63  }
0x170: {  	_ = 	snop  }
0x171: {  	[tilespmem:s31], [sflag:$0x6] =	stream.indirect.gather [hbm4b:s6+s22], $0x80, s26, s22, $0xb8;
	[tilespmem:$0x1D200] =	vst v63  }
0x172: {  	_ =	swait.ge [sflag:s0], $0x1800  }
0x173: {  	[sflag:s0] =	ssyncset.done $0x0  }
0x174: {  	[sflag:s0] =	ssyncadd.s32 $0xFFFFE800  }
0x175: {  	_ =	swait.ge [sflag:s2], $0x1800  }
0x176: {  	[sflag:s2] =	ssyncset.done $0x0  }
0x177: {  	[sflag:s2] =	ssyncadd.s32 $0xFFFFE800  }
0x178: {  	_ =	swait.ge [sflag:s9], $0x1800  }
0x179: {  	[sflag:s9] =	ssyncset.done $0x0  }
0x17a: {  	s3 =	simm.s32 $0x0;
	[sflag:s9] =	ssyncadd.s32 $0xFFFFE800  }
0x17b: {  	v0 =	vld [tilespmem:s3+$0x3250]  }
0x17c: {  	v1 =	vld [tilespmem:s3+$0x250]  }
0x17d: {  	v2 =	vld [tilespmem:s3+$0x3240]  }
0x17e: {  	v3 =	vld [tilespmem:s3+$0x3230]  }
0x17f: {  	v5 =	vld [tilespmem:s3+$0x3210]  }
0x180: {  	v6 =	vld [tilespmem:s3+$0x230]  }
0x181: {  	v7 =	vld [tilespmem:s3+$0x210];
	v0 =	vadd.f32 v0, v1  }
0x182: {  	v1 =	vld [tilespmem:s3+$0x240]  }
0x183: {  	v8 =	vld [tilespmem:s3+$0x3270];
	v0 =	vsub.f32 $0.0e+00, v0  }
0x184: {  	v9 =	vld [tilespmem:s3+$0x270]  }
0x185: {  	v4 =	vld [tilespmem:s3+$0x3200];
	v0 =	vmul.f32 $1.442695020e+00, v0  }
0x186: {  	v10 =	vld [tilespmem:s3+$0x200]  }
0x187: {  	(erf) = vpow2.f32 v0;
	v0 =	vadd.f32 v2, v1  }
0x188: {  	v1 =	vadd.f32 v3, v6;
	v3 =	vadd.f32 v5, v7  }
0x189: {  	v2 =	vld [tilespmem:s3+$0x3260];
	v6 =	vadd.f32 v8, v9;
	v0 =	vsub.f32 $0.0e+00, v0  }
0x18a: {  	v5 =	vld [tilespmem:s3+$0x260];
	v1 =	vsub.f32 $0.0e+00, v1;
	v3 =	vsub.f32 $0.0e+00, v3  }
0x18b: {  	v4 =	vadd.f32 v4, v10;
	v7 =	vld [tilespmem:s3+$0x3220];
	v0 =	vmul.f32 $1.442695020e+00, v0  }
0x18c: {  	v8 =	vld [tilespmem:s3+$0x220];
	v6 =	vsub.f32 $0.0e+00, v6;
	v1 =	vmul.f32 $1.442695020e+00, v1;
	v3 =	vmul.f32 $1.442695020e+00, v3  }
0x18d: {  	(erf) = vpow2.f32 v0;
	v0 =	vsub.f32 $0.0e+00, v4  }
0x18e: {  	(erf) = vpow2.f32 v1;
	v1 =	vmul.f32 $1.442695020e+00, v6  }
0x18f: {  	v2 =	vadd.f32 v2, v5;
	(erf) = vpow2.f32 v3;
	v0 =	vmul.f32 $1.442695020e+00, v0  }
0x190: {  	v3 =	vpop (erf);
	(erf) = vpow2.f32 v1  }
0x191: {  	v2 =	vsub.f32 $0.0e+00, v2;
	(erf) = vpow2.f32 v0;
	v0 =	vadd.f32 v7, v8  }
0x192: {  	v3 =	vadd.f32 $1.000000000e+00, v3  }
0x193: {  	v1 =	vmul.f32 $1.442695020e+00, v2;
	v0 =	vsub.f32 $0.0e+00, v0  }
0x194: {  	(erf) = vrcp.f32 v3  }
0x195: {  	(erf) = vpow2.f32 v1;
	v0 =	vmul.f32 $1.442695020e+00, v0  }
0x196: {  	v2 =	vpop (erf)  }
0x197: {  	v3 =	vpop (erf);
	(erf) = vpow2.f32 v0  }
0x198: {  	v4 =	vld [tilespmem:s3+$0x6250]  }
0x199: {  	v1 =	vld [tilespmem:s3+$0x6240];
	v2 =	vadd.f32 $1.000000000e+00, v2  }
0x19a: {  	v0 =	vld [tilespmem:s3+$0x6220];
	v3 =	vadd.f32 $1.000000000e+00, v3;
	v5 =	vpop (erf)  }
0x19b: {  	v5 =	vadd.f32 $1.000000000e+00, v5;
	(erf) = vrcp.f32 v2;
	v2 =	vld [tilespmem:s3+$0x6260];
	v6 =	vpop (erf)  }
0x19c: {  	(erf) = vrcp.f32 v3;
	v3 =	vld [tilespmem:s3+$0x6200];
	v9 =	vadd.f32 $1.000000000e+00, v6;
	v6 =	vpop (erf)  }
0x19d: {  	(erf) = vrcp.f32 v5;
	v5 =	vld [tilespmem:s3+$0x6210];
	v7 =	vpop (erf)  }
0x19e: {  	s17 =	simm.s32 $0x200;
	s10 =	simm.s32 $0x400;
	v6 =	vadd.f32 $1.000000000e+00, v6;
	(erf) = vrcp.f32 v9;
	v7 =	vmul.f32 v7, v4;
	v4 =	vld [tilespmem:s3+$0x6270];
	v8 =	vpop (erf)  }
.LBB2_8:
0x19f: {  	p0 =	sne.s32 s10, $0x5E00  }
0x1a0: {  	s16 =	sshra.s32 s17, $0x2;
	v9 =	vld [tilespmem:s3+$0x6230];
	v8 =	vadd.f32 $1.000000000e+00, v8;
	(erf) = vrcp.f32 v6;
	v6 =	vpop (erf);
	s17 =	smov.u32 s10;
	s10 =	sadd.s32 $0x200, s10  }
0x1a1: {  	v10 =	vld [tilespmem:s16+$0x3250];
	v6 =	vadd.f32 $1.000000000e+00, v6;
	[tilespmem:s3+$0x250] =	vst v7  }
0x1a2: {  	v7 =	vld [tilespmem:s16+$0x250];
	(erf) = vrcp.f32 v8  }
0x1a3: {  	v8 =	vld [tilespmem:s16+$0x3240];
	(erf) = vrcp.f32 v6  }
0x1a4: {  	v6 =	vld [tilespmem:s16+$0x3220];
	v11 =	vpop (erf)  }
0x1a5: {  	v12 =	vld [tilespmem:s16+$0x3230];
	v1 =	vmul.f32 v11, v1;
	v11 =	vpop (erf)  }
0x1a6: {  	v13 =	vld [tilespmem:s16+$0x3200];
	v15 =	vmul.f32 v11, v9;
	v11 =	vpop (erf)  }
0x1a7: {  	v14 =	vld [tilespmem:s16+$0x3210];
	v7 =	vadd.f32 v10, v7;
	v11 =	vmul.f32 v11, v5;
	[tilespmem:s3+$0x240] =	vst v1  }
0x1a8: {  	v1 =	vld [tilespmem:s16+$0x240];
	[tilespmem:s3+$0x230] =	vst v15;
	v9 =	vpop (erf)  }
0x1a9: {  	v10 =	vld [tilespmem:s16+$0x230];
	v7 =	vsub.f32 $0.0e+00, v7;
	[tilespmem:s3+$0x210] =	vst v11;
	v11 =	vmul.f32 v9, v4;
	v5 =	vpop (erf)  }
0x1aa: {  	v9 =	vld [tilespmem:s16+$0x210];
	v15 =	vmul.f32 v5, v3  }
0x1ab: {  	v5 =	vmul.f32 $1.442695020e+00, v7;
	v7 =	vld [tilespmem:s16+$0x3270];
	[tilespmem:s3+$0x270] =	vst v11;
	v4 =	vpop (erf)  }
0x1ac: {  	v11 =	vld [tilespmem:s16+$0x270];
	[tilespmem:s3+$0x200] =	vst v15;
	v2 =	vmul.f32 v4, v2;
	v3 =	vpop (erf)  }
0x1ad: {  	v4 =	vld [tilespmem:s16+$0x200];
	v1 =	vadd.f32 v8, v1;
	(erf) = vpow2.f32 v5;
	v0 =	vmul.f32 v3, v0  }
0x1ae: {  	v3 =	vadd.f32 v12, v10;
	v5 =	vld [tilespmem:s16+$0x3260];
	[tilespmem:s3+$0x260] =	vst v2  }
0x1af: {  	v2 =	vadd.f32 v14, v9;
	v1 =	vsub.f32 $0.0e+00, v1;
	v8 =	vld [tilespmem:s16+$0x260];
	[tilespmem:s3+$0x220] =	vst v0;
	s3 =	smov.u32 s16  }
0x1b0: {  	v0 =	vld [tilespmem:s3+$0x220];
	v3 =	vsub.f32 $0.0e+00, v3  }
0x1b1: {  	v2 =	vsub.f32 $0.0e+00, v2;
	v9 =	vmul.f32 $1.442695020e+00, v1;
	v1 =	vld [tilespmem:s3+$0x6240];
	v7 =	vadd.f32 v7, v11  }
0x1b2: {  	v4 =	vadd.f32 v13, v4;
	v3 =	vmul.f32 $1.442695020e+00, v3  }
0x1b3: {  	v2 =	vmul.f32 $1.442695020e+00, v2;
	v7 =	vsub.f32 $0.0e+00, v7;
	(erf) = vpow2.f32 v9  }
0x1b4: {  	v4 =	vsub.f32 $0.0e+00, v4;
	v8 =	vadd.f32 v5, v8;
	(erf) = vpow2.f32 v3  }
0x1b5: {  	v0 =	vadd.f32 v6, v0;
	v3 =	vmul.f32 $1.442695020e+00, v7;
	(erf) = vpow2.f32 v2  }
0x1b6: {  	v2 =	vmul.f32 $1.442695020e+00, v4;
	v4 =	vsub.f32 $0.0e+00, v8;
	v5 =	vpop (erf)  }
0x1b7: {  	v0 =	vsub.f32 $0.0e+00, v0;
	v5 =	vadd.f32 $1.000000000e+00, v5;
	(erf) = vpow2.f32 v3  }
0x1b8: {  	v3 =	vmul.f32 $1.442695020e+00, v4;
	(erf) = vpow2.f32 v2  }
0x1b9: {  	v2 =	vmul.f32 $1.442695020e+00, v0;
	(erf) = vrcp.f32 v5  }
0x1ba: {  	(erf) = vpow2.f32 v3  }
0x1bb: {  	(erf) = vpow2.f32 v2  }
0x1bc: {  	v0 =	vpop (erf)  }
0x1bd: {  	v2 =	vadd.f32 $1.000000000e+00, v0;
	v4 =	vld [tilespmem:s3+$0x6250];
	v0 =	vpop (erf)  }
0x1be: {  	v3 =	vadd.f32 $1.000000000e+00, v0;
	v0 =	vpop (erf)  }
.Ltmp3:
0x1bf: {  	v5 =	vadd.f32 $1.000000000e+00, v0;
	v0 =	vld [tilespmem:s3+$0x6220];
	(erf) = vrcp.f32 v2;
	(pc) =	sbr.rel @p0 .LBB2_8-.Ltmp3, $4  }
0x1c0: {  	v2 =	vld [tilespmem:s3+$0x6260];
	(erf) = vrcp.f32 v3;
	v6 =	vpop (erf)  }
0x1c1: {  	v3 =	vld [tilespmem:s3+$0x6200];
	v9 =	vadd.f32 $1.000000000e+00, v6;
	v6 =	vpop (erf);
	(erf) = vrcp.f32 v5  }
0x1c2: {  	v6 =	vadd.f32 $1.000000000e+00, v6;
	v5 =	vld [tilespmem:s3+$0x6210];
	v7 =	vpop (erf)  }
0x1c3: {  	v7 =	vmul.f32 v7, v4;
	v4 =	vld [tilespmem:s3+$0x6270];
	v8 =	vpop (erf);
	(erf) = vrcp.f32 v9  }
0x1c4: {  	_ =	sdelay $0x1  }
0x1c5: {  	s10 =	sshra.s32 s17, $0x2;
	v9 =	vld [tilespmem:s3+$0x6230]  }
0x1c6: {  	v12 =	vpop (erf);
	v8 =	vadd.f32 $1.000000000e+00, v8;
	v10 =	vld [tilespmem:s10+$0x3250];
	[tilespmem:s3+$0x250] =	vst v7  }
0x1c7: {  	(erf) = vrcp.f32 v6;
	v7 =	vld [tilespmem:s10+$0x250];
	v6 =	vpop (erf)  }
0x1c8: {  	v11 =	vld [tilespmem:s10+$0x3240];
	(erf) = vrcp.f32 v8;
	v8 =	vadd.f32 $1.000000000e+00, v12;
	v1 =	vmul.f32 v6, v1  }
0x1c9: {  	v13 =	vld [tilespmem:s10+$0x3220]  }
0x1ca: {  	v14 =	vld [tilespmem:s10+$0x3230];
	(erf) = vrcp.f32 v8  }
0x1cb: {  	v16 =	vld [tilespmem:s10+$0x3210];
	v15 =	vpop (erf)  }
0x1cc: {  	v6 =	vld [tilespmem:s10+$0x3200];
	v9 =	vmul.f32 v15, v9;
	[tilespmem:s3+$0x240] =	vst v1;
	v1 =	vpop (erf)  }
0x1cd: {  	v1 =	vmul.f32 v1, v5  }
0x1ce: {  	v63 =	vld [tilespmem:s10+$0x240];
	[tilespmem:s3+$0x230] =	vst v9;
	v8 =	vpop (erf)  }
0x1cf: {  	v7 =	vadd.f32 v10, v7;
	v5 =	vld [tilespmem:s10+$0x230];
	[tilespmem:s3+$0x210] =	vst v1;
	v1 =	vmul.f32 v8, v4  }
0x1d0: {  	v8 =	vpop (erf);
	v4 =	vld [tilespmem:s10+$0x210]  }
0x1d1: {  	v9 =	vld [tilespmem:s10+$0x3270];
	v3 =	vmul.f32 v8, v3;
	[tilespmem:s3+$0x270] =	vst v1;
	v1 =	vsub.f32 $0.0e+00, v7  }
0x1d2: {  	v8 =	vpop (erf)  }
0x1d3: {  	v2 =	vmul.f32 v8, v2;
	v8 =	vpop (erf);
	v7 =	vld [tilespmem:s10+$0x270];
	[tilespmem:s3+$0x200] =	vst v3;
	v1 =	vmul.f32 $1.442695020e+00, v1  }
0x1d4: {  	v0 =	vmul.f32 v8, v0;
	v3 =	vld [tilespmem:s10+$0x200]  }
0x1d5: {  	v10 =	vld [tilespmem:s10+$0x3260];
	[tilespmem:s3+$0x260] =	vst v2;
	v2 =	vadd.f32 v14, v5;
	(erf) = vpow2.f32 v1;
	v1 =	vadd.f32 v11, v63  }
0x1d6: {  	v5 =	vld [tilespmem:s10+$0x260];
	[tilespmem:s3+$0x220] =	vst v0;
	v4 =	vadd.f32 v16, v4  }
0x1d7: {  	v2 =	vsub.f32 $0.0e+00, v2;
	v0 =	vsub.f32 $0.0e+00, v1;
	v1 =	vld [tilespmem:s10+$0x220]  }
0x1d8: {  	v4 =	vsub.f32 $0.0e+00, v4;
	v7 =	vadd.f32 v9, v7  }
0x1d9: {  	v3 =	vadd.f32 v6, v3;
	v0 =	vmul.f32 $1.442695020e+00, v0  }
0x1da: {  	v2 =	vmul.f32 $1.442695020e+00, v2;
	v4 =	vmul.f32 $1.442695020e+00, v4;
	v6 =	vsub.f32 $0.0e+00, v7  }
0x1db: {  	(erf) = vpow2.f32 v0;
	v0 =	vsub.f32 $0.0e+00, v3;
	v3 =	vadd.f32 v10, v5  }
0x1dc: {  	(erf) = vpow2.f32 v2;
	v1 =	vadd.f32 v13, v1  }
0x1dd: {  	v2 =	vmul.f32 $1.442695020e+00, v6;
	(erf) = vpow2.f32 v4;
	v3 =	vsub.f32 $0.0e+00, v3  }
0x1de: {  	v0 =	vmul.f32 $1.442695020e+00, v0;
	v4 =	vpop (erf);
	v1 =	vsub.f32 $0.0e+00, v1  }
0x1df: {  	(erf) = vpow2.f32 v2;
	v4 =	vadd.f32 $1.000000000e+00, v4;
	v2 =	vmul.f32 $1.442695020e+00, v3  }
0x1e0: {  	(erf) = vpow2.f32 v0;
	v0 =	vmul.f32 $1.442695020e+00, v1  }
0x1e1: {  	(erf) = vrcp.f32 v4  }
0x1e2: {  	(erf) = vpow2.f32 v2  }
0x1e3: {  	(erf) = vpow2.f32 v0  }
0x1e4: {  	v0 =	vpop (erf)  }
0x1e5: {  	v1 =	vpop (erf);
	v0 =	vadd.f32 $1.000000000e+00, v0  }
0x1e6: {  	v2 =	vpop (erf)  }
0x1e7: {  	v2 =	vadd.f32 $1.000000000e+00, v2  }
0x1e8: {  	v1 =	vadd.f32 $1.000000000e+00, v1;
	v3 =	vpop (erf);
	(erf) = vrcp.f32 v0  }
0x1e9: {  	v0 =	vpop (erf)  }
0x1ea: {  	(erf) = vrcp.f32 v1;
	v1 =	vadd.f32 $1.000000000e+00, v3;
	v3 =	vpop (erf)  }
0x1eb: {  	(erf) = vrcp.f32 v2;
	v0 =	vadd.f32 $1.000000000e+00, v0;
	v2 =	vpop (erf)  }
0x1ec: {  	v4 =	vld [tilespmem:s10+$0x6250];
	(erf) = vrcp.f32 v1;
	v1 =	vadd.f32 $1.000000000e+00, v2;
	v2 =	vpop (erf)  }
0x1ed: {  	(erf) = vrcp.f32 v0;
	v0 =	vadd.f32 $1.000000000e+00, v2;
	v2 =	vld [tilespmem:s10+$0x6240];
	_ =	sdelay $0x1  }
0x1ee: {  	(erf) = vrcp.f32 v1  }
0x1ef: {  	v1 =	vld [tilespmem:s10+$0x6230];
	(erf) = vrcp.f32 v0  }
0x1f0: {  	v3 =	vmul.f32 v3, v4;
	v0 =	vld [tilespmem:s10+$0x6210];
	v4 =	vpop (erf)  }
0x1f1: {  	v5 =	vld [tilespmem:s10+$0x6270];
	v2 =	vmul.f32 v4, v2  }
0x1f2: {  	v6 =	vld [tilespmem:s10+$0x6200]  }
0x1f3: {  	v7 =	vld [tilespmem:s10+$0x6260];
	v4 =	vpop (erf)  }
0x1f4: {  	v8 =	vld [tilespmem:s10+$0x6220];
	[tilespmem:s10+$0x250] =	vst v3;
	v1 =	vmul.f32 v4, v1;
	v3 =	vpop (erf)  }
0x1f5: {  	v0 =	vmul.f32 v3, v0;
	[tilespmem:s10+$0x240] =	vst v2;
	v2 =	vpop (erf)  }
0x1f6: {  	[tilespmem:s10+$0x230] =	vst v1;
	v1 =	vmul.f32 v2, v5;
	v2 =	vpop (erf)  }
0x1f7: {  	[tilespmem:s10+$0x210] =	vst v0;
	v0 =	vmul.f32 v2, v6;
	v2 =	vpop (erf)  }
0x1f8: {  	[tilespmem:s10+$0x270] =	vst v1;
	v1 =	vmul.f32 v2, v7;
	v2 =	vpop (erf)  }
0x1f9: {  	[tilespmem:s10+$0x200] =	vst v0;
	v0 =	vmul.f32 v2, v8  }
0x1fa: {  	[tilespmem:s10+$0x260] =	vst v1  }
0x1fb: {  	[tilespmem:s10+$0x220] =	vst v0  }
0x1fc: {  	[spmem:s1] =	stream.indirect.scatter.add.f32 [tilespmem:s23], [sflag:$0x7], $0x80, s21, s22, $0xb8;
	[tilespmem:$0x1D200] =	vst v63  }
0x1fd: {  	_ =	swait.ge [sflag:s20], $0x1800  }
0x1fe: {  	[sflag:s20] =	ssyncset.done $0x0  }
0x1ff: {  	[sflag:s20] =	ssyncadd.s32 $0xFFFFE800  }
0x200: {  	_ =	swait.ge [sflag:s11], $0x1800  }
0x201: {  	[sflag:s11] =	ssyncset.done $0x0  }
0x202: {  	[sflag:s11] =	ssyncadd.s32 $0xFFFFE800  }
0x203: {  	_ =	swait.ge [sflag:s12], $0x1800  }
0x204: {  	[sflag:s12] =	ssyncset.done $0x0  }
0x205: {  	[sflag:s12] =	ssyncadd.s32 $0xFFFFE800  }
0x206: {  	_ =	swait.ge [sflag:s15], $0x1800  }
0x207: {  	[sflag:s15] =	ssyncset.done $0x0  }
0x208: {  	s3 =	simm.s32 $0x0;
	[sflag:s15] =	ssyncadd.s32 $0xFFFFE800  }
0x209: {  	v0 =	vld [tilespmem:s3+$0x4A50]  }
0x20a: {  	v1 =	vld [tilespmem:s3+$0x1A50]  }
0x20b: {  	v2 =	vld [tilespmem:s3+$0x4A40]  }
0x20c: {  	v3 =	vld [tilespmem:s3+$0x4A30]  }
0x20d: {  	v4 =	vld [tilespmem:s3+$0x4A00]  }
0x20e: {  	v5 =	vld [tilespmem:s3+$0x4A10]  }
0x20f: {  	v6 =	vld [tilespmem:s3+$0x1A30];
	v0 =	vadd.f32 v0, v1  }
0x210: {  	v1 =	vld [tilespmem:s3+$0x1A40]  }
0x211: {  	v7 =	vld [tilespmem:s3+$0x1A10];
	v0 =	vsub.f32 $0.0e+00, v0  }
0x212: {  	v8 =	vld [tilespmem:s3+$0x4A70]  }
0x213: {  	v9 =	vld [tilespmem:s3+$0x1A70];
	v0 =	vmul.f32 $1.442695020e+00, v0  }
0x214: {  	v10 =	vld [tilespmem:s3+$0x1A00]  }
0x215: {  	(erf) = vpow2.f32 v0;
	v0 =	vadd.f32 v2, v1  }
0x216: {  	v1 =	vadd.f32 v3, v6  }
0x217: {  	v2 =	vld [tilespmem:s3+$0x4A60];
	v3 =	vadd.f32 v5, v7;
	v0 =	vsub.f32 $0.0e+00, v0  }
0x218: {  	v5 =	vld [tilespmem:s3+$0x1A60];
	v6 =	vadd.f32 v8, v9;
	v1 =	vsub.f32 $0.0e+00, v1  }
0x219: {  	v4 =	vadd.f32 v4, v10;
	v7 =	vld [tilespmem:s3+$0x4A20];
	v3 =	vsub.f32 $0.0e+00, v3;
	v0 =	vmul.f32 $1.442695020e+00, v0  }
0x21a: {  	v8 =	vld [tilespmem:s3+$0x1A20];
	v6 =	vsub.f32 $0.0e+00, v6;
	v1 =	vmul.f32 $1.442695020e+00, v1  }
0x21b: {  	v3 =	vmul.f32 $1.442695020e+00, v3;
	(erf) = vpow2.f32 v0;
	v0 =	vsub.f32 $0.0e+00, v4  }
0x21c: {  	(erf) = vpow2.f32 v1;
	v1 =	vmul.f32 $1.442695020e+00, v6  }
0x21d: {  	v2 =	vadd.f32 v2, v5;
	(erf) = vpow2.f32 v3;
	v0 =	vmul.f32 $1.442695020e+00, v0  }
0x21e: {  	(erf) = vpow2.f32 v1  }
0x21f: {  	v2 =	vsub.f32 $0.0e+00, v2;
	v3 =	vpop (erf);
	(erf) = vpow2.f32 v0;
	v0 =	vadd.f32 v7, v8  }
0x220: {  	v3 =	vadd.f32 $1.000000000e+00, v3  }
0x221: {  	v1 =	vmul.f32 $1.442695020e+00, v2;
	v0 =	vsub.f32 $0.0e+00, v0  }
0x222: {  	(erf) = vrcp.f32 v3  }
0x223: {  	(erf) = vpow2.f32 v1;
	v0 =	vmul.f32 $1.442695020e+00, v0  }
0x224: {  	v2 =	vpop (erf)  }
0x225: {  	v3 =	vpop (erf);
	(erf) = vpow2.f32 v0  }
0x226: {  	v4 =	vld [tilespmem:s3+$0x7A50]  }
0x227: {  	v1 =	vld [tilespmem:s3+$0x7A40];
	v2 =	vadd.f32 $1.000000000e+00, v2  }
0x228: {  	v0 =	vld [tilespmem:s3+$0x7A20];
	v3 =	vadd.f32 $1.000000000e+00, v3;
	v5 =	vpop (erf)  }
0x229: {  	v5 =	vadd.f32 $1.000000000e+00, v5;
	(erf) = vrcp.f32 v2;
	v2 =	vld [tilespmem:s3+$0x7A60];
	v6 =	vpop (erf)  }
0x22a: {  	(erf) = vrcp.f32 v3;
	v3 =	vld [tilespmem:s3+$0x7A00];
	v9 =	vadd.f32 $1.000000000e+00, v6;
	v6 =	vpop (erf)  }
0x22b: {  	(erf) = vrcp.f32 v5;
	v5 =	vld [tilespmem:s3+$0x7A10];
	v7 =	vpop (erf)  }
0x22c: {  	s17 =	simm.s32 $0x200;
	s10 =	simm.s32 $0x400;
	v6 =	vadd.f32 $1.000000000e+00, v6;
	(erf) = vrcp.f32 v9;
	v7 =	vmul.f32 v7, v4;
	v4 =	vld [tilespmem:s3+$0x7A70];
	v8 =	vpop (erf)  }
.LBB2_10:
0x22d: {  	p0 =	sne.s32 s10, $0x5E00  }
0x22e: {  	s16 =	sshra.s32 s17, $0x2;
	v9 =	vld [tilespmem:s3+$0x7A30];
	v8 =	vadd.f32 $1.000000000e+00, v8;
	(erf) = vrcp.f32 v6;
	v6 =	vpop (erf);
	s17 =	smov.u32 s10;
	s10 =	sadd.s32 $0x200, s10  }
0x22f: {  	v10 =	vld [tilespmem:s16+$0x4A50];
	v6 =	vadd.f32 $1.000000000e+00, v6;
	[tilespmem:s3+$0x1A50] =	vst v7  }
0x230: {  	v7 =	vld [tilespmem:s16+$0x1A50];
	(erf) = vrcp.f32 v8  }
0x231: {  	v8 =	vld [tilespmem:s16+$0x4A40];
	(erf) = vrcp.f32 v6  }
0x232: {  	v6 =	vld [tilespmem:s16+$0x4A20];
	v11 =	vpop (erf)  }
0x233: {  	v12 =	vld [tilespmem:s16+$0x4A30];
	v1 =	vmul.f32 v11, v1;
	v11 =	vpop (erf)  }
0x234: {  	v13 =	vld [tilespmem:s16+$0x4A00];
	v15 =	vmul.f32 v11, v9;
	v11 =	vpop (erf)  }
0x235: {  	v14 =	vld [tilespmem:s16+$0x4A10];
	v7 =	vadd.f32 v10, v7;
	v11 =	vmul.f32 v11, v5;
	[tilespmem:s3+$0x1A40] =	vst v1  }
0x236: {  	v1 =	vld [tilespmem:s16+$0x1A40];
	[tilespmem:s3+$0x1A30] =	vst v15;
	v9 =	vpop (erf)  }
0x237: {  	v10 =	vld [tilespmem:s16+$0x1A30];
	v7 =	vsub.f32 $0.0e+00, v7;
	[tilespmem:s3+$0x1A10] =	vst v11;
	v11 =	vmul.f32 v9, v4;
	v5 =	vpop (erf)  }
0x238: {  	v9 =	vld [tilespmem:s16+$0x1A10];
	v15 =	vmul.f32 v5, v3  }
0x239: {  	v5 =	vmul.f32 $1.442695020e+00, v7;
	v7 =	vld [tilespmem:s16+$0x4A70];
	[tilespmem:s3+$0x1A70] =	vst v11;
	v4 =	vpop (erf)  }
0x23a: {  	v11 =	vld [tilespmem:s16+$0x1A70];
	[tilespmem:s3+$0x1A00] =	vst v15;
	v2 =	vmul.f32 v4, v2;
	v3 =	vpop (erf)  }
0x23b: {  	v4 =	vld [tilespmem:s16+$0x1A00];
	v1 =	vadd.f32 v8, v1;
	(erf) = vpow2.f32 v5;
	v0 =	vmul.f32 v3, v0  }
0x23c: {  	v3 =	vadd.f32 v12, v10;
	v5 =	vld [tilespmem:s16+$0x4A60];
	[tilespmem:s3+$0x1A60] =	vst v2  }
0x23d: {  	v2 =	vadd.f32 v14, v9;
	v1 =	vsub.f32 $0.0e+00, v1;
	v8 =	vld [tilespmem:s16+$0x1A60];
	[tilespmem:s3+$0x1A20] =	vst v0;
	s3 =	smov.u32 s16  }
0x23e: {  	v0 =	vld [tilespmem:s3+$0x1A20];
	v3 =	vsub.f32 $0.0e+00, v3  }
0x23f: {  	v2 =	vsub.f32 $0.0e+00, v2;
	v9 =	vmul.f32 $1.442695020e+00, v1;
	v1 =	vld [tilespmem:s3+$0x7A40];
	v7 =	vadd.f32 v7, v11  }
0x240: {  	v4 =	vadd.f32 v13, v4;
	v3 =	vmul.f32 $1.442695020e+00, v3  }
0x241: {  	v2 =	vmul.f32 $1.442695020e+00, v2;
	v7 =	vsub.f32 $0.0e+00, v7;
	(erf) = vpow2.f32 v9  }
0x242: {  	v4 =	vsub.f32 $0.0e+00, v4;
	v8 =	vadd.f32 v5, v8;
	(erf) = vpow2.f32 v3  }
0x243: {  	v0 =	vadd.f32 v6, v0;
	v3 =	vmul.f32 $1.442695020e+00, v7;
	(erf) = vpow2.f32 v2  }
0x244: {  	v2 =	vmul.f32 $1.442695020e+00, v4;
	v4 =	vsub.f32 $0.0e+00, v8;
	v5 =	vpop (erf)  }
0x245: {  	v0 =	vsub.f32 $0.0e+00, v0;
	v5 =	vadd.f32 $1.000000000e+00, v5;
	(erf) = vpow2.f32 v3  }
0x246: {  	v3 =	vmul.f32 $1.442695020e+00, v4;
	(erf) = vpow2.f32 v2  }
0x247: {  	v2 =	vmul.f32 $1.442695020e+00, v0;
	(erf) = vrcp.f32 v5  }
0x248: {  	(erf) = vpow2.f32 v3  }
0x249: {  	(erf) = vpow2.f32 v2  }
0x24a: {  	v0 =	vpop (erf)  }
0x24b: {  	v2 =	vadd.f32 $1.000000000e+00, v0;
	v4 =	vld [tilespmem:s3+$0x7A50];
	v0 =	vpop (erf)  }
0x24c: {  	v3 =	vadd.f32 $1.000000000e+00, v0;
	v0 =	vpop (erf)  }
.Ltmp4:
0x24d: {  	v5 =	vadd.f32 $1.000000000e+00, v0;
	v0 =	vld [tilespmem:s3+$0x7A20];
	(erf) = vrcp.f32 v2;
	(pc) =	sbr.rel @p0 .LBB2_10-.Ltmp4, $4  }
0x24e: {  	v2 =	vld [tilespmem:s3+$0x7A60];
	(erf) = vrcp.f32 v3;
	v6 =	vpop (erf)  }
0x24f: {  	v3 =	vld [tilespmem:s3+$0x7A00];
	v9 =	vadd.f32 $1.000000000e+00, v6;
	v6 =	vpop (erf);
	(erf) = vrcp.f32 v5  }
0x250: {  	v6 =	vadd.f32 $1.000000000e+00, v6;
	v5 =	vld [tilespmem:s3+$0x7A10];
	v7 =	vpop (erf)  }
0x251: {  	v7 =	vmul.f32 v7, v4;
	v4 =	vld [tilespmem:s3+$0x7A70];
	v8 =	vpop (erf);
	(erf) = vrcp.f32 v9  }
0x252: {  	s10 =	sshra.s32 s17, $0x2;
	v9 =	vld [tilespmem:s3+$0x7A30];
	v12 =	vpop (erf);
	(erf) = vrcp.f32 v6;
	v8 =	vadd.f32 $1.000000000e+00, v8  }
0x253: {  	v10 =	vld [tilespmem:s10+$0x4A50];
	[tilespmem:s3+$0x1A50] =	vst v7;
	v57 =	vadd.f32 $1.000000000e+00, v12  }
0x254: {  	v7 =	vld [tilespmem:s10+$0x1A50];
	(erf) = vrcp.f32 v8  }
0x255: {  	v11 =	vld [tilespmem:s10+$0x4A40];
	(erf) = vrcp.f32 v57  }
0x256: {  	v13 =	vld [tilespmem:s10+$0x4A20];
	v55 =	vpop (erf)  }
0x257: {  	v14 =	vld [tilespmem:s10+$0x4A30];
	v1 =	vmul.f32 v55, v1;
	v15 =	vpop (erf)  }
0x258: {  	v56 =	vld [tilespmem:s10+$0x4A00];
	v9 =	vmul.f32 v15, v9;
	v58 =	vpop (erf)  }
0x259: {  	v16 =	vld [tilespmem:s10+$0x4A10];
	[tilespmem:s3+$0x1A40] =	vst v1;
	v1 =	vmul.f32 v58, v5;
	v7 =	vadd.f32 v10, v7  }
0x25a: {  	v59 =	vld [tilespmem:s10+$0x1A40];
	[tilespmem:s3+$0x1A30] =	vst v9;
	v61 =	vpop (erf)  }
0x25b: {  	v60 =	vld [tilespmem:s10+$0x1A30];
	[tilespmem:s3+$0x1A10] =	vst v1;
	v62 =	vmul.f32 v61, v4;
	v15 =	vpop (erf);
	v17 =	vsub.f32 $0.0e+00, v7  }
0x25c: {  	v63 =	vld [tilespmem:s10+$0x1A10];
	v3 =	vmul.f32 v15, v3  }
0x25d: {  	v9 =	vld [tilespmem:s10+$0x4A70];
	[tilespmem:s3+$0x1A70] =	vst v62;
	v19 =	vpop (erf);
	v1 =	vmul.f32 $1.442695020e+00, v17  }
0x25e: {  	v18 =	vld [tilespmem:s10+$0x1A70];
	[tilespmem:s3+$0x1A00] =	vst v3;
	v2 =	vmul.f32 v19, v2;
	v20 =	vpop (erf)  }
0x25f: {  	v3 =	vld [tilespmem:s10+$0x1A00];
	(erf) = vpow2.f32 v1;
	v0 =	vmul.f32 v20, v0  }
0x260: {  	v21 =	vld [tilespmem:s10+$0x4A60];
	v22 =	vadd.f32 v11, v59;
	[tilespmem:s3+$0x1A60] =	vst v2;
	v23 =	vadd.f32 v14, v60  }
0x261: {  	v24 =	vld [tilespmem:s10+$0x1A60];
	v4 =	vadd.f32 v16, v63;
	[tilespmem:s3+$0x1A20] =	vst v0  }
0x262: {  	v25 =	vsub.f32 $0.0e+00, v22;
	v26 =	vld [tilespmem:s10+$0x1A20];
	v2 =	vsub.f32 $0.0e+00, v23  }
0x263: {  	v4 =	vsub.f32 $0.0e+00, v4;
	v7 =	vadd.f32 v9, v18  }
0x264: {  	v0 =	vmul.f32 $1.442695020e+00, v25;
	v3 =	vadd.f32 v56, v3  }
0x265: {  	v2 =	vmul.f32 $1.442695020e+00, v2;
	v4 =	vmul.f32 $1.442695020e+00, v4;
	v27 =	vsub.f32 $0.0e+00, v7  }
0x266: {  	(erf) = vpow2.f32 v0;
	v28 =	vsub.f32 $0.0e+00, v3;
	v29 =	vadd.f32 v21, v24  }
0x267: {  	(erf) = vpow2.f32 v2;
	v1 =	vadd.f32 v13, v26;
	v30 =	vmul.f32 $1.442695020e+00, v27  }
0x268: {  	(erf) = vpow2.f32 v4;
	v0 =	vmul.f32 $1.442695020e+00, v28;
	v3 =	vsub.f32 $0.0e+00, v29;
	v31 =	vpop (erf)  }
0x269: {  	v1 =	vsub.f32 $0.0e+00, v1;
	v4 =	vadd.f32 $1.000000000e+00, v31;
	(erf) = vpow2.f32 v30  }
0x26a: {  	v32 =	vmul.f32 $1.442695020e+00, v3;
	(erf) = vpow2.f32 v0  }
0x26b: {  	v33 =	vmul.f32 $1.442695020e+00, v1;
	(erf) = vrcp.f32 v4  }
0x26c: {  	(erf) = vpow2.f32 v32  }
0x26d: {  	(erf) = vpow2.f32 v33;
	_ =	sdelay $0x1  }
0x26e: {  	v34 =	vpop (erf)  }
0x26f: {  	v35 =	vpop (erf)  }
0x270: {  	v0 =	vadd.f32 $1.000000000e+00, v34;
	v36 =	vpop (erf)  }
0x271: {  	v1 =	vadd.f32 $1.000000000e+00, v35;
	v37 =	vpop (erf)  }
0x272: {  	v2 =	vadd.f32 $1.000000000e+00, v36;
	(erf) = vrcp.f32 v0;
	v38 =	vpop (erf)  }
0x273: {  	(erf) = vrcp.f32 v1;
	v39 =	vadd.f32 $1.000000000e+00, v37;
	v40 =	vpop (erf)  }
0x274: {  	(erf) = vrcp.f32 v2;
	v0 =	vadd.f32 $1.000000000e+00, v38;
	v41 =	vpop (erf)  }
0x275: {  	(erf) = vrcp.f32 v39;
	v42 =	vadd.f32 $1.000000000e+00, v41;
	v43 =	vpop (erf)  }
0x276: {  	v44 =	vld [tilespmem:s10+$0x7A50];
	(erf) = vrcp.f32 v0;
	v45 =	vadd.f32 $1.000000000e+00, v43  }
0x277: {  	v46 =	vld [tilespmem:s10+$0x7A40];
	(erf) = vrcp.f32 v42  }
0x278: {  	v47 =	vld [tilespmem:s10+$0x7A30];
	(erf) = vrcp.f32 v45  }
0x279: {  	v48 =	vld [tilespmem:s10+$0x7A10]  }
0x27a: {  	v49 =	vld [tilespmem:s10+$0x7A70]  }
0x27b: {  	v50 =	vld [tilespmem:s10+$0x7A00];
	v3 =	vmul.f32 v40, v44;
	v51 =	vpop (erf)  }
0x27c: {  	v52 =	vld [tilespmem:s10+$0x7A60];
	v2 =	vmul.f32 v51, v46;
	v53 =	vpop (erf)  }
0x27d: {  	v54 =	vld [tilespmem:s10+$0x7A20];
	[tilespmem:s10+$0x1A50] =	vst v3;
	v1 =	vmul.f32 v53, v47;
	v55 =	vpop (erf)  }
0x27e: {  	v0 =	vmul.f32 v55, v48;
	[tilespmem:s10+$0x1A40] =	vst v2;
	v56 =	vpop (erf)  }
0x27f: {  	[tilespmem:s10+$0x1A30] =	vst v1;
	v57 =	vmul.f32 v56, v49;
	v58 =	vpop (erf)  }
0x280: {  	[tilespmem:s10+$0x1A10] =	vst v0;
	v59 =	vmul.f32 v58, v50;
	v60 =	vpop (erf)  }
0x281: {  	[tilespmem:s10+$0x1A70] =	vst v57;
	v61 =	vmul.f32 v60, v52;
	v62 =	vpop (erf)  }
0x282: {  	[tilespmem:s10+$0x1A00] =	vst v59;
	v63 =	vmul.f32 v62, v54  }
0x283: {  	[tilespmem:s10+$0x1A60] =	vst v61  }
0x284: {  	[tilespmem:s10+$0x1A20] =	vst v63  }
0x285: {  	[spmem:s1] =	stream.indirect.scatter.add.f32 [tilespmem:s29], [sflag:$0x7], $0x80, s28, s22, $0xb8;
	[tilespmem:$0x1D200] =	vst v63  }
0x286: {  	_ =	swait.ge [sflag:s20], $0x1800  }
0x287: {  	[sflag:s20] =	ssyncset.done $0x0  }
0x288: {  	[sflag:s20] =	ssyncadd.s32 $0xFFFFE800  }
0x289: {  	[bflag:$0x0] =	sbarrier.arrive $0xFFFF  }
0x28a: {  	s16 =	rddreg [dreg:$0x4]  }
0x28b: {  	s17 =	rddreg [dreg:$0x9]  }
0x28c: {  	s10 =	rddreg [dreg:$0xb]  }
0x28d: {  	[hbm:s17], [sflag:s16] =	dma.local [spmem:s10], $0x2800  }
0x28e: {  	_ =	swait.ge [sflag:s20], $0x2800  }
0x28f: {  	s18 =	rddreg [dreg:$0xc]  }
0x290: {  	s19 =	rddreg [dreg:$0xa];
	s17 =	sadd.s32 $0x1, s18  }
0x291: {  	p0 =	sne.s32 s17, s19  }
.Ltmp5:
0x292: {  	_ = 	snop;
	(pc) =	sbr.rel @p0 .LBB2_1-.Ltmp5, $3  }
0x293: {  	_ =	sdelay $0x1  }
0x294: {  	[sflag:s20] =	ssyncset.done $0x0  }
0x295: {  	[sflag:s20] =	ssyncadd.s32 $0xFFFFD800  }
0x296: {  	_ =	sfence.sel $0x180000  }
0x297: {  	[bflag:$0x0] =	sbarrier.arrive $0xFFFF  }
0x298: {  	_ =	strace $0x90000047  }
0x299: {  	s0 =	stileid.u32;
	[bflag:$0x2] =	sbarrier.arrive $0xFFFF  }
0x29a: {  	p0 =	sne.s32 s0, $0x0;
	s0 =	rddreg [dreg:$0x2]  }
0x29b: {  	s0 =	sadd.s32 @!p0 $0x100000, s0  }
0x29c: {  	[sflag:s0] =	ssyncadd.tile.s32 @!p0 $0x1;
	_ =	shalt  }
.Lfunc_end2:
_tile_overlayer_lowered:
.L_overlay_start_2:
0x29d: {  	(tag) =	ssettag $0x2  }
0x29e: {  	s0 =	rddreg [dreg:$0x0];
	s2 =	stileid.u32  }
0x29f: {  	s1 =	rddreg [dreg:$0x1];
	p0 =	sne.s32 s2, $0x0  }
0x2a0: {  	s3 =	rddreg [dreg:$0x2];
	[bflag:$0x3] =	sbarrier.arrive $0xFFFF;
	s2 =	simm.s32 @!p0 $0x1C07  }
0x2a1: {  	[timem:s3], [sflag:s2] =	dma.local @!p0 [hbm:s0], s1  }
0x2a2: {  	s0 =	simm.s32 @!p0 $0x7  }
0x2a3: {  	_ =	swait.ge @!p0 [sflag:s0], s1  }
0x2a4: {  	s1 =	ssub.s32 @!p0 $0x0, s1;
	[sflag:s0] =	ssyncset.done @!p0 $0x0  }
0x2a5: {  	[sflag:s0] =	ssyncadd.s32 @!p0 s1  }
0x2a6: {  	[bflag:$0x3] =	sbarrier.arrive $0xFFFF  }
0x2a7: {  	_ =	shalt  }

</sc_bundles>
